<compile_context>
chip_gen: v7x
topology: tpu7x:2x2x1
jax: 0.10.2.dev20260603
libtpu: 0.0.44.dev20260713+nightly
codegen_flags: <defaults>
</compile_context>

<pallas_src>
import jax
import jax.numpy as jnp
from jax import lax
from jax.experimental import pallas as pl
from jax.experimental.pallas import tpu as pltpu
from jax.experimental.pallas import tpu_sc as plsc

VOCAB = 100000
D = 128
B = 4096
NS = 5
NSC = 6
NIDX = 7
NC = 2
NSUB = 16
NW = NC * NSUB
BPW = B // NW
L = 16
KCH = D // L
NG = BPW // L
PPITCH = BPW + 1


def _sg_body(idx_hbm, emb_hbm, ctx_hbm, out_hbm,
             idx_v, crows, prows, nrows, part, sall,
             sem_i, sem_w0, sem_w1, sem_w2):
    wid = lax.axis_index("s") * NC + lax.axis_index("c")

    pltpu.async_copy(idx_hbm.at[wid], idx_v, sem_i).wait()

    def gather(tab, slot, dst, sem):
        return pltpu.async_copy(tab.at[idx_v.at[slot]], dst, sem)

    w0 = [gather(emb_hbm, 0, crows, sem_w0),
          gather(ctx_hbm, 1, prows, sem_w0)]
    w1 = [gather(ctx_hbm, 2, nrows.at[0], sem_w1),
          gather(ctx_hbm, 3, nrows.at[1], sem_w1),
          gather(ctx_hbm, 4, nrows.at[2], sem_w1)]
    w2 = [gather(ctx_hbm, 5, nrows.at[3], sem_w2),
          gather(ctx_hbm, 6, nrows.at[4], sem_w2)]

    lane = lax.iota(jnp.int32, L)

    def scatter_part(i, b, acc):
        idx = lane * PPITCH + (b + (i * L * PPITCH))
        plsc.store_scatter(part, [idx], acc)

    def run_group(srcs_refs, s0):
        @plsc.parallel_loop(0, BPW, step=1, unroll=2)
        def _(b):
            c = [crows[b, pl.ds(k * L, L)] for k in range(KCH)]
            for i, r in enumerate(srcs_refs):
                acc = c[0] * r[b, pl.ds(0, L)]
                for k in range(1, KCH):
                    acc = acc + c[k] * r[b, pl.ds(k * L, L)]
                scatter_part(i, b, acc)
        for i in range(len(srcs_refs)):
            for g in range(NG):
                acc = part[pl.ds(i * L * PPITCH + g * L, L)]
                for t in range(1, L):
                    acc = acc + part[pl.ds((i * L + t) * PPITCH + g * L, L)]
                sall[s0 + i, pl.ds(g * L, L)] = acc

    for cp in w0:
        cp.wait()
    run_group([prows], 0)
    for cp in w1:
        cp.wait()
    run_group([nrows.at[0], nrows.at[1], nrows.at[2]], 1)
    for cp in w2:
        cp.wait()
    run_group([nrows.at[3], nrows.at[4]], 4)

    pltpu.sync_copy(sall, out_hbm.at[wid])


@jax.jit
def _skipgram(idx_all, embeddings, context_embeddings):
    mesh = plsc.VectorSubcoreMesh(
        core_axis_name="c", subcore_axis_name="s",
        num_cores=NC, num_subcores=NSUB)
    return pl.kernel(
        _sg_body,
        out_type=jax.ShapeDtypeStruct((NW, NSC, BPW), jnp.float32),
        mesh=mesh,
        compiler_params=pltpu.CompilerParams(needs_layout_passes=False),
        scratch_types=[
            pltpu.VMEM((NIDX, BPW), jnp.int32),
            pltpu.VMEM((BPW, D), jnp.float32),
            pltpu.VMEM((BPW, D), jnp.float32),
            pltpu.VMEM((NS, BPW, D), jnp.float32),
            pltpu.VMEM((3 * L * PPITCH,), jnp.float32),
            pltpu.VMEM((NSC, BPW), jnp.float32),
            pltpu.SemaphoreType.DMA,
            pltpu.SemaphoreType.DMA,
            pltpu.SemaphoreType.DMA,
            pltpu.SemaphoreType.DMA,
        ],
    )(idx_all, embeddings, context_embeddings)


def kernel(center_word, context_word, negative_samples, embeddings, context_embeddings):
    idx_all = jnp.concatenate(
        [center_word[None, :], context_word[None, :], negative_samples.T],
        axis=0)
    idx_all = idx_all.reshape(NIDX, NW, BPW).transpose(1, 0, 2)
    out = _skipgram(idx_all, embeddings, context_embeddings)
    pos_score = out[:, 0, :].reshape(B)
    neg_score = out[:, 1:, :].transpose(0, 2, 1).reshape(B, NS)
    return (pos_score, neg_score)

# --- scband reference (transcript-rebuilt; emitter-appended) ---
"""Pipeline reference for scband-skip-gram-model-747324310140 (READ-ONLY COPY).

The authoritative reference and input builder live on the scoring server;
editing this copy changes nothing except your own understanding.
"""

import jax, jax.numpy as jnp
import numpy as np

VOCAB = 100000
EMBED_DIM = 128
BATCH = 4096
NS = 5

def setup_inputs(seed: int = 0) -> dict:
    key = jax.random.key(seed)
    k1, k2, k3, k4, k5 = jax.random.split(key, 5)
    center_word = jax.random.randint(k1, (BATCH,), 0, VOCAB, dtype=jnp.int64 if jax.config.jax_enable_x64 else jnp.int32).astype(jnp.int32)
    context_word = jax.random.randint(k2, (BATCH,), 0, VOCAB).astype(jnp.int32)
    negative_samples = jax.random.randint(k3, (BATCH, NS), 0, VOCAB).astype(jnp.int32)
    # learned parameters (torch.nn.Embedding default init: N(0,1))
    embeddings = jax.random.normal(k4, (VOCAB, EMBED_DIM), dtype=jnp.float32)
    context_embeddings = jax.random.normal(k5, (VOCAB, EMBED_DIM), dtype=jnp.float32)
    return {
        "center_word": center_word,
        "context_word": context_word,
        "negative_samples": negative_samples,
        "embeddings": embeddings,
        "context_embeddings": context_embeddings,
    }

def reference(center_word, context_word, negative_samples, embeddings, context_embeddings):
    # center_embedding = self.embeddings(center_word)  -> [B, D]
    center_embedding = jnp.take(embeddings, center_word, axis=0)
    # pos_embedding = self.context_embeddings(context_word) -> [B, D]
    pos_embedding = jnp.take(context_embeddings, context_word, axis=0)
    # pos_score = sum(center * pos, dim=1) -> [B]
    pos_score = jnp.sum(center_embedding * pos_embedding, axis=1)
    # neg_embedding = self.context_embeddings(negative_samples) -> [B, NS, D]
    neg_embedding = jnp.take(context_embeddings, negative_samples, axis=0)
    # neg_score = bmm(neg_embedding, center_embedding.unsqueeze(2)).squeeze(2) -> [B, NS]
    neg_score = jnp.einsum('bnd,bd->bn', neg_embedding, center_embedding)
    return (pos_score, neg_score)

if __name__ == "__main__":
    import jax
    _d = setup_inputs()
    print(jax.jit(kernel)(*tuple(_d.values())))

</pallas_src>

<mosaic_0001>
#map = affine_map<(d0, d1) -> (0, 0, 0)>
#map1 = affine_map<(d0, d1) -> (0, 0)>
module attributes {stable_mosaic.version = 14 : i64} {
  func.func @_sg_body(%arg0: i32, %arg1: i32, %arg2: memref<32x7x128xi32, #tpu.memory_space<hbm>>, %arg3: memref<100000x128xf32, #tpu.memory_space<hbm>>, %arg4: memref<100000x128xf32, #tpu.memory_space<hbm>>, %arg5: memref<32x6x128xf32, #tpu.memory_space<hbm>>, %arg6: memref<7x128xi32, #tpu.memory_space<vmem>>, %arg7: memref<128x128xf32, #tpu.memory_space<vmem>>, %arg8: memref<128x128xf32, #tpu.memory_space<vmem>>, %arg9: memref<5x128x128xf32, #tpu.memory_space<vmem>>, %arg10: memref<6192xf32, #tpu.memory_space<vmem>>, %arg11: memref<6x128xf32, #tpu.memory_space<vmem>>, %arg12: memref<!tpu.dma_semaphore, #tpu.memory_space<semaphore_mem>>, %arg13: memref<!tpu.dma_semaphore, #tpu.memory_space<semaphore_mem>>, %arg14: memref<!tpu.dma_semaphore, #tpu.memory_space<semaphore_mem>>, %arg15: memref<!tpu.dma_semaphore, #tpu.memory_space<semaphore_mem>>) attributes {dimension_semantics = [#tpu.dimension_semantics<core_parallel>, #tpu.dimension_semantics<subcore_parallel>], iteration_bounds = array<i64: 2, 16>, scalar_prefetch = 0 : i64, scratch_operands = 10 : i64, tpu.core_type = #tpu.core_type<sc_vector_subcore>, window_params = [{transform_indices = #map}, {transform_indices = #map1}, {transform_indices = #map1}, {transform_indices = #map}]} {
    %mul3A = arith.constant 2 : i32
    %mul3A_0 = arith.muli %arg1, %mul3A : i32
    %add3A = arith.addi %mul3A_0, %arg0 : i32
    %dma_start3A = arith.constant 0 : i32
    %dma_start3A_1 = arith.constant 0 : i32
    %dma_start3A_2 = tpu.memref_slice %arg2[%add3A, %dma_start3A, %dma_start3A_1] : memref<32x7x128xi32, #tpu.memory_space<hbm>> -> memref<1x7x128xi32, #tpu.memory_space<hbm>>
    %dma_start3A_3 = tpu.memref_squeeze %dma_start3A_2 : memref<1x7x128xi32, #tpu.memory_space<hbm>> -> memref<7x128xi32, #tpu.memory_space<hbm>>
    %dma_start3A_4 = arith.constant 0 : i32
    %dma_start3A_5 = arith.constant 0 : i32
    %dma_start3A_6 = tpu.memref_slice %arg2[%add3A, %dma_start3A_4, %dma_start3A_5] : memref<32x7x128xi32, #tpu.memory_space<hbm>> -> memref<1x7x128xi32, #tpu.memory_space<hbm>>
    %dma_start3A_7 = tpu.memref_squeeze %dma_start3A_6 : memref<1x7x128xi32, #tpu.memory_space<hbm>> -> memref<7x128xi32, #tpu.memory_space<hbm>>
    tpu.enqueue_dma source(%dma_start3A_7 : memref<7x128xi32, #tpu.memory_space<hbm>>) target(%arg6 : memref<7x128xi32, #tpu.memory_space<vmem>>) target_semaphore(%arg12 : memref<!tpu.dma_semaphore, #tpu.memory_space<semaphore_mem>>)
    %dma_wait3A = arith.constant 0 : i32
    %dma_wait3A_8 = arith.constant 0 : i32
    %dma_wait3A_9 = tpu.memref_slice %arg2[%add3A, %dma_wait3A, %dma_wait3A_8] : memref<32x7x128xi32, #tpu.memory_space<hbm>> -> memref<1x7x128xi32, #tpu.memory_space<hbm>>
    %dma_wait3A_10 = tpu.memref_squeeze %dma_wait3A_9 : memref<1x7x128xi32, #tpu.memory_space<hbm>> -> memref<7x128xi32, #tpu.memory_space<hbm>>
    %dma_wait3A_11 = arith.constant 0 : i32
    %dma_wait3A_12 = arith.constant 0 : i32
    %dma_wait3A_13 = tpu.memref_slice %arg2[%add3A, %dma_wait3A_11, %dma_wait3A_12] : memref<32x7x128xi32, #tpu.memory_space<hbm>> -> memref<1x7x128xi32, #tpu.memory_space<hbm>>
    %dma_wait3A_14 = tpu.memref_squeeze %dma_wait3A_13 : memref<1x7x128xi32, #tpu.memory_space<hbm>> -> memref<7x128xi32, #tpu.memory_space<hbm>>
    tpu.wait_dma2 semaphore(%arg12 : memref<!tpu.dma_semaphore, #tpu.memory_space<semaphore_mem>>) src(%dma_wait3A_14 : memref<7x128xi32, #tpu.memory_space<hbm>>) dst(%arg6 : memref<7x128xi32, #tpu.memory_space<vmem>>)
    %dma_start3A_15 = arith.constant 0 : i32
    %dma_start3A_16 = arith.constant 0 : i32
    %dma_start3A_17 = tpu.memref_slice %arg6[%dma_start3A_15, %dma_start3A_16] : memref<7x128xi32, #tpu.memory_space<vmem>> -> memref<1x128xi32, #tpu.memory_space<vmem>>
    %dma_start3A_18 = tpu.memref_squeeze %dma_start3A_17 : memref<1x128xi32, #tpu.memory_space<vmem>> -> memref<128xi32, #tpu.memory_space<vmem>>
    %dma_start3A_19 = arith.constant 0 : i32
    %dma_start3A_20 = arith.constant 0 : i32
    %dma_start3A_21 = tpu.memref_slice %arg3[%dma_start3A_19, %dma_start3A_20] : memref<100000x128xf32, #tpu.memory_space<hbm>> -> memref<100000x128xf32, #tpu.memory_space<hbm>>
    tpu.enqueue_indirect_dma source(%dma_start3A_21 : memref<100000x128xf32, #tpu.memory_space<hbm>>) target(%arg7 : memref<128x128xf32, #tpu.memory_space<vmem>>) offsets(%dma_start3A_18 : memref<128xi32, #tpu.memory_space<vmem>>) semaphore(%arg13 : memref<!tpu.dma_semaphore, #tpu.memory_space<semaphore_mem>>)
    %dma_start3A_22 = arith.constant 1 : i32
    %dma_start3A_23 = arith.constant 0 : i32
    %dma_start3A_24 = tpu.memref_slice %arg6[%dma_start3A_22, %dma_start3A_23] : memref<7x128xi32, #tpu.memory_space<vmem>> -> memref<1x128xi32, #tpu.memory_space<vmem>>
    %dma_start3A_25 = tpu.memref_squeeze %dma_start3A_24 : memref<1x128xi32, #tpu.memory_space<vmem>> -> memref<128xi32, #tpu.memory_space<vmem>>
    %dma_start3A_26 = arith.constant 0 : i32
    %dma_start3A_27 = arith.constant 0 : i32
    %dma_start3A_28 = tpu.memref_slice %arg4[%dma_start3A_26, %dma_start3A_27] : memref<100000x128xf32, #tpu.memory_space<hbm>> -> memref<100000x128xf32, #tpu.memory_space<hbm>>
    tpu.enqueue_indirect_dma source(%dma_start3A_28 : memref<100000x128xf32, #tpu.memory_space<hbm>>) target(%arg8 : memref<128x128xf32, #tpu.memory_space<vmem>>) offsets(%dma_start3A_25 : memref<128xi32, #tpu.memory_space<vmem>>) semaphore(%arg13 : memref<!tpu.dma_semaphore, #tpu.memory_space<semaphore_mem>>)
    %dma_start3A_29 = arith.constant 2 : i32
    %dma_start3A_30 = arith.constant 0 : i32
    %dma_start3A_31 = arith.constant 0 : i32
    %dma_start3A_32 = arith.constant 0 : i32
    %dma_start3A_33 = tpu.memref_slice %arg9[%dma_start3A_30, %dma_start3A_31, %dma_start3A_32] : memref<5x128x128xf32, #tpu.memory_space<vmem>> -> memref<1x128x128xf32, #tpu.memory_space<vmem>>
    %dma_start3A_34 = tpu.memref_squeeze %dma_start3A_33 : memref<1x128x128xf32, #tpu.memory_space<vmem>> -> memref<128x128xf32, #tpu.memory_space<vmem>>
    %dma_start3A_35 = arith.constant 0 : i32
    %dma_start3A_36 = tpu.memref_slice %arg6[%dma_start3A_29, %dma_start3A_35] : memref<7x128xi32, #tpu.memory_space<vmem>> -> memref<1x128xi32, #tpu.memory_space<vmem>>
    %dma_start3A_37 = tpu.memref_squeeze %dma_start3A_36 : memref<1x128xi32, #tpu.memory_space<vmem>> -> memref<128xi32, #tpu.memory_space<vmem>>
    %dma_start3A_38 = arith.constant 0 : i32
    %dma_start3A_39 = arith.constant 0 : i32
    %dma_start3A_40 = tpu.memref_slice %arg4[%dma_start3A_38, %dma_start3A_39] : memref<100000x128xf32, #tpu.memory_space<hbm>> -> memref<100000x128xf32, #tpu.memory_space<hbm>>
    tpu.enqueue_indirect_dma source(%dma_start3A_40 : memref<100000x128xf32, #tpu.memory_space<hbm>>) target(%dma_start3A_34 : memref<128x128xf32, #tpu.memory_space<vmem>>) offsets(%dma_start3A_37 : memref<128xi32, #tpu.memory_space<vmem>>) semaphore(%arg14 : memref<!tpu.dma_semaphore, #tpu.memory_space<semaphore_mem>>)
    %dma_start3A_41 = arith.constant 3 : i32
    %dma_start3A_42 = arith.constant 1 : i32
    %dma_start3A_43 = arith.constant 0 : i32
    %dma_start3A_44 = arith.constant 0 : i32
    %dma_start3A_45 = tpu.memref_slice %arg9[%dma_start3A_42, %dma_start3A_43, %dma_start3A_44] : memref<5x128x128xf32, #tpu.memory_space<vmem>> -> memref<1x128x128xf32, #tpu.memory_space<vmem>>
    %dma_start3A_46 = tpu.memref_squeeze %dma_start3A_45 : memref<1x128x128xf32, #tpu.memory_space<vmem>> -> memref<128x128xf32, #tpu.memory_space<vmem>>
    %dma_start3A_47 = arith.constant 0 : i32
    %dma_start3A_48 = tpu.memref_slice %arg6[%dma_start3A_41, %dma_start3A_47] : memref<7x128xi32, #tpu.memory_space<vmem>> -> memref<1x128xi32, #tpu.memory_space<vmem>>
    %dma_start3A_49 = tpu.memref_squeeze %dma_start3A_48 : memref<1x128xi32, #tpu.memory_space<vmem>> -> memref<128xi32, #tpu.memory_space<vmem>>
    %dma_start3A_50 = arith.constant 0 : i32
    %dma_start3A_51 = arith.constant 0 : i32
    %dma_start3A_52 = tpu.memref_slice %arg4[%dma_start3A_50, %dma_start3A_51] : memref<100000x128xf32, #tpu.memory_space<hbm>> -> memref<100000x128xf32, #tpu.memory_space<hbm>>
    tpu.enqueue_indirect_dma source(%dma_start3A_52 : memref<100000x128xf32, #tpu.memory_space<hbm>>) target(%dma_start3A_46 : memref<128x128xf32, #tpu.memory_space<vmem>>) offsets(%dma_start3A_49 : memref<128xi32, #tpu.memory_space<vmem>>) semaphore(%arg14 : memref<!tpu.dma_semaphore, #tpu.memory_space<semaphore_mem>>)
    %dma_start3A_53 = arith.constant 4 : i32
    %dma_start3A_54 = arith.constant 2 : i32
    %dma_start3A_55 = arith.constant 0 : i32
    %dma_start3A_56 = arith.constant 0 : i32
    %dma_start3A_57 = tpu.memref_slice %arg9[%dma_start3A_54, %dma_start3A_55, %dma_start3A_56] : memref<5x128x128xf32, #tpu.memory_space<vmem>> -> memref<1x128x128xf32, #tpu.memory_space<vmem>>
    %dma_start3A_58 = tpu.memref_squeeze %dma_start3A_57 : memref<1x128x128xf32, #tpu.memory_space<vmem>> -> memref<128x128xf32, #tpu.memory_space<vmem>>
    %dma_start3A_59 = arith.constant 0 : i32
    %dma_start3A_60 = tpu.memref_slice %arg6[%dma_start3A_53, %dma_start3A_59] : memref<7x128xi32, #tpu.memory_space<vmem>> -> memref<1x128xi32, #tpu.memory_space<vmem>>
    %dma_start3A_61 = tpu.memref_squeeze %dma_start3A_60 : memref<1x128xi32, #tpu.memory_space<vmem>> -> memref<128xi32, #tpu.memory_space<vmem>>
    %dma_start3A_62 = arith.constant 0 : i32
    %dma_start3A_63 = arith.constant 0 : i32
    %dma_start3A_64 = tpu.memref_slice %arg4[%dma_start3A_62, %dma_start3A_63] : memref<100000x128xf32, #tpu.memory_space<hbm>> -> memref<100000x128xf32, #tpu.memory_space<hbm>>
    tpu.enqueue_indirect_dma source(%dma_start3A_64 : memref<100000x128xf32, #tpu.memory_space<hbm>>) target(%dma_start3A_58 : memref<128x128xf32, #tpu.memory_space<vmem>>) offsets(%dma_start3A_61 : memref<128xi32, #tpu.memory_space<vmem>>) semaphore(%arg14 : memref<!tpu.dma_semaphore, #tpu.memory_space<semaphore_mem>>)
    %dma_start3A_65 = arith.constant 5 : i32
    %dma_start3A_66 = arith.constant 3 : i32
    %dma_start3A_67 = arith.constant 0 : i32
    %dma_start3A_68 = arith.constant 0 : i32
    %dma_start3A_69 = tpu.memref_slice %arg9[%dma_start3A_66, %dma_start3A_67, %dma_start3A_68] : memref<5x128x128xf32, #tpu.memory_space<vmem>> -> memref<1x128x128xf32, #tpu.memory_space<vmem>>
    %dma_start3A_70 = tpu.memref_squeeze %dma_start3A_69 : memref<1x128x128xf32, #tpu.memory_space<vmem>> -> memref<128x128xf32, #tpu.memory_space<vmem>>
    %dma_start3A_71 = arith.constant 0 : i32
    %dma_start3A_72 = tpu.memref_slice %arg6[%dma_start3A_65, %dma_start3A_71] : memref<7x128xi32, #tpu.memory_space<vmem>> -> memref<1x128xi32, #tpu.memory_space<vmem>>
    %dma_start3A_73 = tpu.memref_squeeze %dma_start3A_72 : memref<1x128xi32, #tpu.memory_space<vmem>> -> memref<128xi32, #tpu.memory_space<vmem>>
    %dma_start3A_74 = arith.constant 0 : i32
    %dma_start3A_75 = arith.constant 0 : i32
    %dma_start3A_76 = tpu.memref_slice %arg4[%dma_start3A_74, %dma_start3A_75] : memref<100000x128xf32, #tpu.memory_space<hbm>> -> memref<100000x128xf32, #tpu.memory_space<hbm>>
    tpu.enqueue_indirect_dma source(%dma_start3A_76 : memref<100000x128xf32, #tpu.memory_space<hbm>>) target(%dma_start3A_70 : memref<128x128xf32, #tpu.memory_space<vmem>>) offsets(%dma_start3A_73 : memref<128xi32, #tpu.memory_space<vmem>>) semaphore(%arg15 : memref<!tpu.dma_semaphore, #tpu.memory_space<semaphore_mem>>)
    %dma_start3A_77 = arith.constant 6 : i32
    %dma_start3A_78 = arith.constant 4 : i32
    %dma_start3A_79 = arith.constant 0 : i32
    %dma_start3A_80 = arith.constant 0 : i32
    %dma_start3A_81 = tpu.memref_slice %arg9[%dma_start3A_78, %dma_start3A_79, %dma_start3A_80] : memref<5x128x128xf32, #tpu.memory_space<vmem>> -> memref<1x128x128xf32, #tpu.memory_space<vmem>>
    %dma_start3A_82 = tpu.memref_squeeze %dma_start3A_81 : memref<1x128x128xf32, #tpu.memory_space<vmem>> -> memref<128x128xf32, #tpu.memory_space<vmem>>
    %dma_start3A_83 = arith.constant 0 : i32
    %dma_start3A_84 = tpu.memref_slice %arg6[%dma_start3A_77, %dma_start3A_83] : memref<7x128xi32, #tpu.memory_space<vmem>> -> memref<1x128xi32, #tpu.memory_space<vmem>>
    %dma_start3A_85 = tpu.memref_squeeze %dma_start3A_84 : memref<1x128xi32, #tpu.memory_space<vmem>> -> memref<128xi32, #tpu.memory_space<vmem>>
    %dma_start3A_86 = arith.constant 0 : i32
    %dma_start3A_87 = arith.constant 0 : i32
    %dma_start3A_88 = tpu.memref_slice %arg4[%dma_start3A_86, %dma_start3A_87] : memref<100000x128xf32, #tpu.memory_space<hbm>> -> memref<100000x128xf32, #tpu.memory_space<hbm>>
    tpu.enqueue_indirect_dma source(%dma_start3A_88 : memref<100000x128xf32, #tpu.memory_space<hbm>>) target(%dma_start3A_82 : memref<128x128xf32, #tpu.memory_space<vmem>>) offsets(%dma_start3A_85 : memref<128xi32, #tpu.memory_space<vmem>>) semaphore(%arg15 : memref<!tpu.dma_semaphore, #tpu.memory_space<semaphore_mem>>)
    %iota3A = tpu.iota {dimensions = array<i32: 0>} : vector<16xi32>
    %dma_wait3A_89 = arith.constant 0 : i32
    %dma_wait3A_90 = arith.constant 0 : i32
    %dma_wait3A_91 = tpu.memref_slice %arg6[%dma_wait3A_89, %dma_wait3A_90] : memref<7x128xi32, #tpu.memory_space<vmem>> -> memref<1x128xi32, #tpu.memory_space<vmem>>
    %dma_wait3A_92 = tpu.memref_squeeze %dma_wait3A_91 : memref<1x128xi32, #tpu.memory_space<vmem>> -> memref<128xi32, #tpu.memory_space<vmem>>
    %dma_wait3A_93 = arith.constant 0 : i32
    %dma_wait3A_94 = arith.constant 0 : i32
    %dma_wait3A_95 = tpu.memref_slice %arg3[%dma_wait3A_93, %dma_wait3A_94] : memref<100000x128xf32, #tpu.memory_space<hbm>> -> memref<100000x128xf32, #tpu.memory_space<hbm>>
    tpu.wait_indirect_dma semaphore(%arg13 : memref<!tpu.dma_semaphore, #tpu.memory_space<semaphore_mem>>) src(%dma_wait3A_95 : memref<100000x128xf32, #tpu.memory_space<hbm>>) dst(%arg7 : memref<128x128xf32, #tpu.memory_space<vmem>>)
    %dma_wait3A_96 = arith.constant 1 : i32
    %dma_wait3A_97 = arith.constant 0 : i32
    %dma_wait3A_98 = tpu.memref_slice %arg6[%dma_wait3A_96, %dma_wait3A_97] : memref<7x128xi32, #tpu.memory_space<vmem>> -> memref<1x128xi32, #tpu.memory_space<vmem>>
    %dma_wait3A_99 = tpu.memref_squeeze %dma_wait3A_98 : memref<1x128xi32, #tpu.memory_space<vmem>> -> memref<128xi32, #tpu.memory_space<vmem>>
    %dma_wait3A_100 = arith.constant 0 : i32
    %dma_wait3A_101 = arith.constant 0 : i32
    %dma_wait3A_102 = tpu.memref_slice %arg4[%dma_wait3A_100, %dma_wait3A_101] : memref<100000x128xf32, #tpu.memory_space<hbm>> -> memref<100000x128xf32, #tpu.memory_space<hbm>>
    tpu.wait_indirect_dma semaphore(%arg13 : memref<!tpu.dma_semaphore, #tpu.memory_space<semaphore_mem>>) src(%dma_wait3A_102 : memref<100000x128xf32, #tpu.memory_space<hbm>>) dst(%arg8 : memref<128x128xf32, #tpu.memory_space<vmem>>)
    %parallel_loop3A = arith.constant 0 : i32
    %parallel_loop3A_103 = arith.constant 128 : i32
    %parallel_loop3A_104 = arith.constant 1 : i32
    scf.for %parallel_loop3A_2622 = %parallel_loop3A to %parallel_loop3A_103 step %parallel_loop3A_104  : i32 {
      %parallel_loop3A_2623 = arith.index_cast %parallel_loop3A_2622 : i32 to index
      %parallel_loop3A_2624 = arith.constant 0 : index
      %parallel_loop3A_2625 = tpu.vector_load %arg7[%parallel_loop3A_2623, %parallel_loop3A_2624] {strides = array<i32>} : memref<128x128xf32, #tpu.memory_space<vmem>>, vector<16xf32>,
      %parallel_loop3A_2626 = arith.index_cast %parallel_loop3A_2622 : i32 to index
      %parallel_loop3A_2627 = arith.constant 16 : index
      %parallel_loop3A_2628 = tpu.vector_load %arg7[%parallel_loop3A_2626, %parallel_loop3A_2627] {strides = array<i32>} : memref<128x128xf32, #tpu.memory_space<vmem>>, vector<16xf32>,
      %parallel_loop3A_2629 = arith.index_cast %parallel_loop3A_2622 : i32 to index
      %parallel_loop3A_2630 = arith.constant 32 : index
      %parallel_loop3A_2631 = tpu.vector_load %arg7[%parallel_loop3A_2629, %parallel_loop3A_2630] {strides = array<i32>} : memref<128x128xf32, #tpu.memory_space<vmem>>, vector<16xf32>,
      %parallel_loop3A_2632 = arith.index_cast %parallel_loop3A_2622 : i32 to index
      %parallel_loop3A_2633 = arith.constant 48 : index
      %parallel_loop3A_2634 = tpu.vector_load %arg7[%parallel_loop3A_2632, %parallel_loop3A_2633] {strides = array<i32>} : memref<128x128xf32, #tpu.memory_space<vmem>>, vector<16xf32>,
      %parallel_loop3A_2635 = arith.index_cast %parallel_loop3A_2622 : i32 to index
      %parallel_loop3A_2636 = arith.constant 64 : index
      %parallel_loop3A_2637 = tpu.vector_load %arg7[%parallel_loop3A_2635, %parallel_loop3A_2636] {strides = array<i32>} : memref<128x128xf32, #tpu.memory_space<vmem>>, vector<16xf32>,
      %parallel_loop3A_2638 = arith.index_cast %parallel_loop3A_2622 : i32 to index
      %parallel_loop3A_2639 = arith.constant 80 : index
      %parallel_loop3A_2640 = tpu.vector_load %arg7[%parallel_loop3A_2638, %parallel_loop3A_2639] {strides = array<i32>} : memref<128x128xf32, #tpu.memory_space<vmem>>, vector<16xf32>,
      %parallel_loop3A_2641 = arith.index_cast %parallel_loop3A_2622 : i32 to index
      %parallel_loop3A_2642 = arith.constant 96 : index
      %parallel_loop3A_2643 = tpu.vector_load %arg7[%parallel_loop3A_2641, %parallel_loop3A_2642] {strides = array<i32>} : memref<128x128xf32, #tpu.memory_space<vmem>>, vector<16xf32>,
      %parallel_loop3A_2644 = arith.index_cast %parallel_loop3A_2622 : i32 to index
      %parallel_loop3A_2645 = arith.constant 112 : index
      %parallel_loop3A_2646 = tpu.vector_load %arg7[%parallel_loop3A_2644, %parallel_loop3A_2645] {strides = array<i32>} : memref<128x128xf32, #tpu.memory_space<vmem>>, vector<16xf32>,
      %parallel_loop3A_2647 = arith.index_cast %parallel_loop3A_2622 : i32 to index
      %parallel_loop3A_2648 = arith.constant 0 : index
      %parallel_loop3A_2649 = tpu.vector_load %arg8[%parallel_loop3A_2647, %parallel_loop3A_2648] {strides = array<i32>} : memref<128x128xf32, #tpu.memory_space<vmem>>, vector<16xf32>,
      %parallel_loop3A_2650 = arith.mulf %parallel_loop3A_2625, %parallel_loop3A_2649 : vector<16xf32>
      %parallel_loop3A_2651 = arith.index_cast %parallel_loop3A_2622 : i32 to index
      %parallel_loop3A_2652 = arith.constant 16 : index
      %parallel_loop3A_2653 = tpu.vector_load %arg8[%parallel_loop3A_2651, %parallel_loop3A_2652] {strides = array<i32>} : memref<128x128xf32, #tpu.memory_space<vmem>>, vector<16xf32>,
      %parallel_loop3A_2654 = arith.mulf %parallel_loop3A_2628, %parallel_loop3A_2653 : vector<16xf32>
      %parallel_loop3A_2655 = arith.addf %parallel_loop3A_2650, %parallel_loop3A_2654 : vector<16xf32>
      %parallel_loop3A_2656 = arith.index_cast %parallel_loop3A_2622 : i32 to index
      %parallel_loop3A_2657 = arith.constant 32 : index
      %parallel_loop3A_2658 = tpu.vector_load %arg8[%parallel_loop3A_2656, %parallel_loop3A_2657] {strides = array<i32>} : memref<128x128xf32, #tpu.memory_space<vmem>>, vector<16xf32>,
      %parallel_loop3A_2659 = arith.mulf %parallel_loop3A_2631, %parallel_loop3A_2658 : vector<16xf32>
      %parallel_loop3A_2660 = arith.addf %parallel_loop3A_2655, %parallel_loop3A_2659 : vector<16xf32>
      %parallel_loop3A_2661 = arith.index_cast %parallel_loop3A_2622 : i32 to index
      %parallel_loop3A_2662 = arith.constant 48 : index
      %parallel_loop3A_2663 = tpu.vector_load %arg8[%parallel_loop3A_2661, %parallel_loop3A_2662] {strides = array<i32>} : memref<128x128xf32, #tpu.memory_space<vmem>>, vector<16xf32>,
      %parallel_loop3A_2664 = arith.mulf %parallel_loop3A_2634, %parallel_loop3A_2663 : vector<16xf32>
      %parallel_loop3A_2665 = arith.addf %parallel_loop3A_2660, %parallel_loop3A_2664 : vector<16xf32>
      %parallel_loop3A_2666 = arith.index_cast %parallel_loop3A_2622 : i32 to index
      %parallel_loop3A_2667 = arith.constant 64 : index
      %parallel_loop3A_2668 = tpu.vector_load %arg8[%parallel_loop3A_2666, %parallel_loop3A_2667] {strides = array<i32>} : memref<128x128xf32, #tpu.memory_space<vmem>>, vector<16xf32>,
      %parallel_loop3A_2669 = arith.mulf %parallel_loop3A_2637, %parallel_loop3A_2668 : vector<16xf32>
      %parallel_loop3A_2670 = arith.addf %parallel_loop3A_2665, %parallel_loop3A_2669 : vector<16xf32>
      %parallel_loop3A_2671 = arith.index_cast %parallel_loop3A_2622 : i32 to index
      %parallel_loop3A_2672 = arith.constant 80 : index
      %parallel_loop3A_2673 = tpu.vector_load %arg8[%parallel_loop3A_2671, %parallel_loop3A_2672] {strides = array<i32>} : memref<128x128xf32, #tpu.memory_space<vmem>>, vector<16xf32>,
      %parallel_loop3A_2674 = arith.mulf %parallel_loop3A_2640, %parallel_loop3A_2673 : vector<16xf32>
      %parallel_loop3A_2675 = arith.addf %parallel_loop3A_2670, %parallel_loop3A_2674 : vector<16xf32>
      %parallel_loop3A_2676 = arith.index_cast %parallel_loop3A_2622 : i32 to index
      %parallel_loop3A_2677 = arith.constant 96 : index
      %parallel_loop3A_2678 = tpu.vector_load %arg8[%parallel_loop3A_2676, %parallel_loop3A_2677] {strides = array<i32>} : memref<128x128xf32, #tpu.memory_space<vmem>>, vector<16xf32>,
      %parallel_loop3A_2679 = arith.mulf %parallel_loop3A_2643, %parallel_loop3A_2678 : vector<16xf32>
      %parallel_loop3A_2680 = arith.addf %parallel_loop3A_2675, %parallel_loop3A_2679 : vector<16xf32>
      %parallel_loop3A_2681 = arith.index_cast %parallel_loop3A_2622 : i32 to index
      %parallel_loop3A_2682 = arith.constant 112 : index
      %parallel_loop3A_2683 = tpu.vector_load %arg8[%parallel_loop3A_2681, %parallel_loop3A_2682] {strides = array<i32>} : memref<128x128xf32, #tpu.memory_space<vmem>>, vector<16xf32>,
      %parallel_loop3A_2684 = arith.mulf %parallel_loop3A_2646, %parallel_loop3A_2683 : vector<16xf32>
      %parallel_loop3A_2685 = arith.addf %parallel_loop3A_2680, %parallel_loop3A_2684 : vector<16xf32>
      %parallel_loop3A_2686 = arith.constant 129 : i32
      %parallel_loop3A_2687 = vector.broadcast %parallel_loop3A_2686 : i32 to vector<16xi32>
      %parallel_loop3A_2688 = arith.muli %iota3A, %parallel_loop3A_2687 : vector<16xi32>
      %parallel_loop3A_2689 = arith.constant 0 : i32
      %parallel_loop3A_2690 = arith.addi %parallel_loop3A_2622, %parallel_loop3A_2689 : i32
      %parallel_loop3A_2691 = vector.broadcast %parallel_loop3A_2690 : i32 to vector<16xi32>
      %parallel_loop3A_2692 = arith.addi %parallel_loop3A_2688, %parallel_loop3A_2691 : vector<16xi32>
      tpu.vector_store_idx %arg10[%parallel_loop3A_2692], %parallel_loop3A_2685 : memref<6192xf32, #tpu.memory_space<vmem>>[vector<16xi32>], vector<16xf32>,
    } {sc.loop_unroll_factor = 2 : i64, sc.parallel_access}
    %get3A = arith.constant 0 : index
    %get3A_105 = tpu.vector_load %arg10[%get3A] {strides = array<i32>} : memref<6192xf32, #tpu.memory_space<vmem>>, vector<16xf32>,
    %get3A_106 = arith.constant 129 : index
    %get3A_107 = tpu.vector_load %arg10[%get3A_106] {strides = array<i32>} : memref<6192xf32, #tpu.memory_space<vmem>>, vector<16xf32>,
    %add3A_108 = arith.addf %get3A_105, %get3A_107 : vector<16xf32>
    %get3A_109 = arith.constant 258 : index
    %get3A_110 = tpu.vector_load %arg10[%get3A_109] {strides = array<i32>} : memref<6192xf32, #tpu.memory_space<vmem>>, vector<16xf32>,
    %add3A_111 = arith.addf %add3A_108, %get3A_110 : vector<16xf32>
    %get3A_112 = arith.constant 387 : index
    %get3A_113 = tpu.vector_load %arg10[%get3A_112] {strides = array<i32>} : memref<6192xf32, #tpu.memory_space<vmem>>, vector<16xf32>,
    %add3A_114 = arith.addf %add3A_111, %get3A_113 : vector<16xf32>
    %get3A_115 = arith.constant 516 : index
    %get3A_116 = tpu.vector_load %arg10[%get3A_115] {strides = array<i32>} : memref<6192xf32, #tpu.memory_space<vmem>>, vector<16xf32>,
    %add3A_117 = arith.addf %add3A_114, %get3A_116 : vector<16xf32>
    %get3A_118 = arith.constant 645 : index
    %get3A_119 = tpu.vector_load %arg10[%get3A_118] {strides = array<i32>} : memref<6192xf32, #tpu.memory_space<vmem>>, vector<16xf32>,
    %add3A_120 = arith.addf %add3A_117, %get3A_119 : vector<16xf32>
    %get3A_121 = arith.constant 774 : index
    %get3A_122 = tpu.vector_load %arg10[%get3A_121] {strides = array<i32>} : memref<6192xf32, #tpu.memory_space<vmem>>, vector<16xf32>,
    %add3A_123 = arith.addf %add3A_120, %get3A_122 : vector<16xf32>
    %get3A_124 = arith.constant 903 : index
    %get3A_125 = tpu.vector_load %arg10[%get3A_124] {strides = array<i32>} : memref<6192xf32, #tpu.memory_space<vmem>>, vector<16xf32>,
    %add3A_126 = arith.addf %add3A_123, %get3A_125 : vector<16xf32>
    %get3A_127 = arith.constant 1032 : index
    %get3A_128 = tpu.vector_load %arg10[%get3A_127] {strides = array<i32>} : memref<6192xf32, #tpu.memory_space<vmem>>, vector<16xf32>,
    %add3A_129 = arith.addf %add3A_126, %get3A_128 : vector<16xf32>
    %get3A_130 = arith.constant 1161 : index
    %get3A_131 = tpu.vector_load %arg10[%get3A_130] {strides = array<i32>} : memref<6192xf32, #tpu.memory_space<vmem>>, vector<16xf32>,
    %add3A_132 = arith.addf %add3A_129, %get3A_131 : vector<16xf32>
    %get3A_133 = arith.constant 1290 : index
    %get3A_134 = tpu.vector_load %arg10[%get3A_133] {strides = array<i32>} : memref<6192xf32, #tpu.memory_space<vmem>>, vector<16xf32>,
    %add3A_135 = arith.addf %add3A_132, %get3A_134 : vector<16xf32>
    %get3A_136 = arith.constant 1419 : index
    %get3A_137 = tpu.vector_load %arg10[%get3A_136] {strides = array<i32>} : memref<6192xf32, #tpu.memory_space<vmem>>, vector<16xf32>,
    %add3A_138 = arith.addf %add3A_135, %get3A_137 : vector<16xf32>
    %get3A_139 = arith.constant 1548 : index
    %get3A_140 = tpu.vector_load %arg10[%get3A_139] {strides = array<i32>} : memref<6192xf32, #tpu.memory_space<vmem>>, vector<16xf32>,
    %add3A_141 = arith.addf %add3A_138, %get3A_140 : vector<16xf32>
    %get3A_142 = arith.constant 1677 : index
    %get3A_143 = tpu.vector_load %arg10[%get3A_142] {strides = array<i32>} : memref<6192xf32, #tpu.memory_space<vmem>>, vector<16xf32>,
    %add3A_144 = arith.addf %add3A_141, %get3A_143 : vector<16xf32>
    %get3A_145 = arith.constant 1806 : index
    %get3A_146 = tpu.vector_load %arg10[%get3A_145] {strides = array<i32>} : memref<6192xf32, #tpu.memory_space<vmem>>, vector<16xf32>,
    %add3A_147 = arith.addf %add3A_144, %get3A_146 : vector<16xf32>
    %get3A_148 = arith.constant 1935 : index
    %get3A_149 = tpu.vector_load %arg10[%get3A_148] {strides = array<i32>} : memref<6192xf32, #tpu.memory_space<vmem>>, vector<16xf32>,
    %add3A_150 = arith.addf %add3A_147, %get3A_149 : vector<16xf32>
    %swap3A = arith.constant 0 : i32
    %swap3A_151 = arith.index_cast %swap3A : i32 to index
    %swap3A_152 = arith.constant 0 : index
    %swap3A_153 = tpu.vector_load %arg11[%swap3A_151, %swap3A_152] {strides = array<i32>} : memref<6x128xf32, #tpu.memory_space<vmem>>, vector<16xf32>,
    tpu.vector_store %arg11[%swap3A_151, %swap3A_152], %add3A_150 {strides = array<i32>} : memref<6x128xf32, #tpu.memory_space<vmem>>, vector<16xf32>,
    %get3A_154 = arith.constant 16 : index
    %get3A_155 = tpu.vector_load %arg10[%get3A_154] {strides = array<i32>} : memref<6192xf32, #tpu.memory_space<vmem>>, vector<16xf32>,
    %get3A_156 = arith.constant 145 : index
    %get3A_157 = tpu.vector_load %arg10[%get3A_156] {strides = array<i32>} : memref<6192xf32, #tpu.memory_space<vmem>>, vector<16xf32>,
    %add3A_158 = arith.addf %get3A_155, %get3A_157 : vector<16xf32>
    %get3A_159 = arith.constant 274 : index
    %get3A_160 = tpu.vector_load %arg10[%get3A_159] {strides = array<i32>} : memref<6192xf32, #tpu.memory_space<vmem>>, vector<16xf32>,
    %add3A_161 = arith.addf %add3A_158, %get3A_160 : vector<16xf32>
    %get3A_162 = arith.constant 403 : index
    %get3A_163 = tpu.vector_load %arg10[%get3A_162] {strides = array<i32>} : memref<6192xf32, #tpu.memory_space<vmem>>, vector<16xf32>,
    %add3A_164 = arith.addf %add3A_161, %get3A_163 : vector<16xf32>
    %get3A_165 = arith.constant 532 : index
    %get3A_166 = tpu.vector_load %arg10[%get3A_165] {strides = array<i32>} : memref<6192xf32, #tpu.memory_space<vmem>>, vector<16xf32>,
    %add3A_167 = arith.addf %add3A_164, %get3A_166 : vector<16xf32>
    %get3A_168 = arith.constant 661 : index
    %get3A_169 = tpu.vector_load %arg10[%get3A_168] {strides = array<i32>} : memref<6192xf32, #tpu.memory_space<vmem>>, vector<16xf32>,
    %add3A_170 = arith.addf %add3A_167, %get3A_169 : vector<16xf32>
    %get3A_171 = arith.constant 790 : index
    %get3A_172 = tpu.vector_load %arg10[%get3A_171] {strides = array<i32>} : memref<6192xf32, #tpu.memory_space<vmem>>, vector<16xf32>,
    %add3A_173 = arith.addf %add3A_170, %get3A_172 : vector<16xf32>
    %get3A_174 = arith.constant 919 : index
    %get3A_175 = tpu.vector_load %arg10[%get3A_174] {strides = array<i32>} : memref<6192xf32, #tpu.memory_space<vmem>>, vector<16xf32>,
    %add3A_176 = arith.addf %add3A_173, %get3A_175 : vector<16xf32>
    %get3A_177 = arith.constant 1048 : index
    %get3A_178 = tpu.vector_load %arg10[%get3A_177] {strides = array<i32>} : memref<6192xf32, #tpu.memory_space<vmem>>, vector<16xf32>,
    %add3A_179 = arith.addf %add3A_176, %get3A_178 : vector<16xf32>
    %get3A_180 = arith.constant 1177 : index
    %get3A_181 = tpu.vector_load %arg10[%get3A_180] {strides = array<i32>} : memref<6192xf32, #tpu.memory_space<vmem>>, vector<16xf32>,
    %add3A_182 = arith.addf %add3A_179, %get3A_181 : vector<16xf32>
    %get3A_183 = arith.constant 1306 : index
    %get3A_184 = tpu.vector_load %arg10[%get3A_183] {strides = array<i32>} : memref<6192xf32, #tpu.memory_space<vmem>>, vector<16xf32>,
    %add3A_185 = arith.addf %add3A_182, %get3A_184 : vector<16xf32>
    %get3A_186 = arith.constant 1435 : index
    %get3A_187 = tpu.vector_load %arg10[%get3A_186] {strides = array<i32>} : memref<6192xf32, #tpu.memory_space<vmem>>, vector<16xf32>,
    %add3A_188 = arith.addf %add3A_185, %get3A_187 : vector<16xf32>
    %get3A_189 = arith.constant 1564 : index
    %get3A_190 = tpu.vector_load %arg10[%get3A_189] {strides = array<i32>} : memref<6192xf32, #tpu.memory_space<vmem>>, vector<16xf32>,
    %add3A_191 = arith.addf %add3A_188, %get3A_190 : vector<16xf32>
    %get3A_192 = arith.constant 1693 : index
    %get3A_193 = tpu.vector_load %arg10[%get3A_192] {strides = array<i32>} : memref<6192xf32, #tpu.memory_space<vmem>>, vector<16xf32>,
    %add3A_194 = arith.addf %add3A_191, %get3A_193 : vector<16xf32>
    %get3A_195 = arith.constant 1822 : index
    %get3A_196 = tpu.vector_load %arg10[%get3A_195] {strides = array<i32>} : memref<6192xf32, #tpu.memory_space<vmem>>, vector<16xf32>,
    %add3A_197 = arith.addf %add3A_194, %get3A_196 : vector<16xf32>
    %get3A_198 = arith.constant 1951 : index
    %get3A_199 = tpu.vector_load %arg10[%get3A_198] {strides = array<i32>} : memref<6192xf32, #tpu.memory_space<vmem>>, vector<16xf32>,
    %add3A_200 = arith.addf %add3A_197, %get3A_199 : vector<16xf32>
    %swap3A_201 = arith.constant 0 : i32
    %swap3A_202 = arith.index_cast %swap3A_201 : i32 to index
    %swap3A_203 = arith.constant 16 : index
    %swap3A_204 = tpu.vector_load %arg11[%swap3A_202, %swap3A_203] {strides = array<i32>} : memref<6x128xf32, #tpu.memory_space<vmem>>, vector<16xf32>,
    tpu.vector_store %arg11[%swap3A_202, %swap3A_203], %add3A_200 {strides = array<i32>} : memref<6x128xf32, #tpu.memory_space<vmem>>, vector<16xf32>,
    %get3A_205 = arith.constant 32 : index
    %get3A_206 = tpu.vector_load %arg10[%get3A_205] {strides = array<i32>} : memref<6192xf32, #tpu.memory_space<vmem>>, vector<16xf32>,
    %get3A_207 = arith.constant 161 : index
    %get3A_208 = tpu.vector_load %arg10[%get3A_207] {strides = array<i32>} : memref<6192xf32, #tpu.memory_space<vmem>>, vector<16xf32>,
    %add3A_209 = arith.addf %get3A_206, %get3A_208 : vector<16xf32>
    %get3A_210 = arith.constant 290 : index
    %get3A_211 = tpu.vector_load %arg10[%get3A_210] {strides = array<i32>} : memref<6192xf32, #tpu.memory_space<vmem>>, vector<16xf32>,
    %add3A_212 = arith.addf %add3A_209, %get3A_211 : vector<16xf32>
    %get3A_213 = arith.constant 419 : index
    %get3A_214 = tpu.vector_load %arg10[%get3A_213] {strides = array<i32>} : memref<6192xf32, #tpu.memory_space<vmem>>, vector<16xf32>,
    %add3A_215 = arith.addf %add3A_212, %get3A_214 : vector<16xf32>
    %get3A_216 = arith.constant 548 : index
    %get3A_217 = tpu.vector_load %arg10[%get3A_216] {strides = array<i32>} : memref<6192xf32, #tpu.memory_space<vmem>>, vector<16xf32>,
    %add3A_218 = arith.addf %add3A_215, %get3A_217 : vector<16xf32>
    %get3A_219 = arith.constant 677 : index
    %get3A_220 = tpu.vector_load %arg10[%get3A_219] {strides = array<i32>} : memref<6192xf32, #tpu.memory_space<vmem>>, vector<16xf32>,
    %add3A_221 = arith.addf %add3A_218, %get3A_220 : vector<16xf32>
    %get3A_222 = arith.constant 806 : index
    %get3A_223 = tpu.vector_load %arg10[%get3A_222] {strides = array<i32>} : memref<6192xf32, #tpu.memory_space<vmem>>, vector<16xf32>,
    %add3A_224 = arith.addf %add3A_221, %get3A_223 : vector<16xf32>
    %get3A_225 = arith.constant 935 : index
    %get3A_226 = tpu.vector_load %arg10[%get3A_225] {strides = array<i32>} : memref<6192xf32, #tpu.memory_space<vmem>>, vector<16xf32>,
    %add3A_227 = arith.addf %add3A_224, %get3A_226 : vector<16xf32>
    %get3A_228 = arith.constant 1064 : index
    %get3A_229 = tpu.vector_load %arg10[%get3A_228] {strides = array<i32>} : memref<6192xf32, #tpu.memory_space<vmem>>, vector<16xf32>,
    %add3A_230 = arith.addf %add3A_227, %get3A_229 : vector<16xf32>
    %get3A_231 = arith.constant 1193 : index
    %get3A_232 = tpu.vector_load %arg10[%get3A_231] {strides = array<i32>} : memref<6192xf32, #tpu.memory_space<vmem>>, vector<16xf32>,
    %add3A_233 = arith.addf %add3A_230, %get3A_232 : vector<16xf32>
    %get3A_234 = arith.constant 1322 : index
    %get3A_235 = tpu.vector_load %arg10[%get3A_234] {strides = array<i32>} : memref<6192xf32, #tpu.memory_space<vmem>>, vector<16xf32>,
    %add3A_236 = arith.addf %add3A_233, %get3A_235 : vector<16xf32>
    %get3A_237 = arith.constant 1451 : index
    %get3A_238 = tpu.vector_load %arg10[%get3A_237] {strides = array<i32>} : memref<6192xf32, #tpu.memory_space<vmem>>, vector<16xf32>,
    %add3A_239 = arith.addf %add3A_236, %get3A_238 : vector<16xf32>
    %get3A_240 = arith.constant 1580 : index
    %get3A_241 = tpu.vector_load %arg10[%get3A_240] {strides = array<i32>} : memref<6192xf32, #tpu.memory_space<vmem>>, vector<16xf32>,
    %add3A_242 = arith.addf %add3A_239, %get3A_241 : vector<16xf32>
    %get3A_243 = arith.constant 1709 : index
    %get3A_244 = tpu.vector_load %arg10[%get3A_243] {strides = array<i32>} : memref<6192xf32, #tpu.memory_space<vmem>>, vector<16xf32>,
    %add3A_245 = arith.addf %add3A_242, %get3A_244 : vector<16xf32>
    %get3A_246 = arith.constant 1838 : index
    %get3A_247 = tpu.vector_load %arg10[%get3A_246] {strides = array<i32>} : memref<6192xf32, #tpu.memory_space<vmem>>, vector<16xf32>,
    %add3A_248 = arith.addf %add3A_245, %get3A_247 : vector<16xf32>
    %get3A_249 = arith.constant 1967 : index
    %get3A_250 = tpu.vector_load %arg10[%get3A_249] {strides = array<i32>} : memref<6192xf32, #tpu.memory_space<vmem>>, vector<16xf32>,
    %add3A_251 = arith.addf %add3A_248, %get3A_250 : vector<16xf32>
    %swap3A_252 = arith.constant 0 : i32
    %swap3A_253 = arith.index_cast %swap3A_252 : i32 to index
    %swap3A_254 = arith.constant 32 : index
    %swap3A_255 = tpu.vector_load %arg11[%swap3A_253, %swap3A_254] {strides = array<i32>} : memref<6x128xf32, #tpu.memory_space<vmem>>, vector<16xf32>,
    tpu.vector_store %arg11[%swap3A_253, %swap3A_254], %add3A_251 {strides = array<i32>} : memref<6x128xf32, #tpu.memory_space<vmem>>, vector<16xf32>,
    %get3A_256 = arith.constant 48 : index
    %get3A_257 = tpu.vector_load %arg10[%get3A_256] {strides = array<i32>} : memref<6192xf32, #tpu.memory_space<vmem>>, vector<16xf32>,
    %get3A_258 = arith.constant 177 : index
    %get3A_259 = tpu.vector_load %arg10[%get3A_258] {strides = array<i32>} : memref<6192xf32, #tpu.memory_space<vmem>>, vector<16xf32>,
    %add3A_260 = arith.addf %get3A_257, %get3A_259 : vector<16xf32>
    %get3A_261 = arith.constant 306 : index
    %get3A_262 = tpu.vector_load %arg10[%get3A_261] {strides = array<i32>} : memref<6192xf32, #tpu.memory_space<vmem>>, vector<16xf32>,
    %add3A_263 = arith.addf %add3A_260, %get3A_262 : vector<16xf32>
    %get3A_264 = arith.constant 435 : index
    %get3A_265 = tpu.vector_load %arg10[%get3A_264] {strides = array<i32>} : memref<6192xf32, #tpu.memory_space<vmem>>, vector<16xf32>,
    %add3A_266 = arith.addf %add3A_263, %get3A_265 : vector<16xf32>
    %get3A_267 = arith.constant 564 : index
    %get3A_268 = tpu.vector_load %arg10[%get3A_267] {strides = array<i32>} : memref<6192xf32, #tpu.memory_space<vmem>>, vector<16xf32>,
    %add3A_269 = arith.addf %add3A_266, %get3A_268 : vector<16xf32>
    %get3A_270 = arith.constant 693 : index
    %get3A_271 = tpu.vector_load %arg10[%get3A_270] {strides = array<i32>} : memref<6192xf32, #tpu.memory_space<vmem>>, vector<16xf32>,
    %add3A_272 = arith.addf %add3A_269, %get3A_271 : vector<16xf32>
    %get3A_273 = arith.constant 822 : index
    %get3A_274 = tpu.vector_load %arg10[%get3A_273] {strides = array<i32>} : memref<6192xf32, #tpu.memory_space<vmem>>, vector<16xf32>,
    %add3A_275 = arith.addf %add3A_272, %get3A_274 : vector<16xf32>
    %get3A_276 = arith.constant 951 : index
    %get3A_277 = tpu.vector_load %arg10[%get3A_276] {strides = array<i32>} : memref<6192xf32, #tpu.memory_space<vmem>>, vector<16xf32>,
    %add3A_278 = arith.addf %add3A_275, %get3A_277 : vector<16xf32>
    %get3A_279 = arith.constant 1080 : index
    %get3A_280 = tpu.vector_load %arg10[%get3A_279] {strides = array<i32>} : memref<6192xf32, #tpu.memory_space<vmem>>, vector<16xf32>,
    %add3A_281 = arith.addf %add3A_278, %get3A_280 : vector<16xf32>
    %get3A_282 = arith.constant 1209 : index
    %get3A_283 = tpu.vector_load %arg10[%get3A_282] {strides = array<i32>} : memref<6192xf32, #tpu.memory_space<vmem>>, vector<16xf32>,
    %add3A_284 = arith.addf %add3A_281, %get3A_283 : vector<16xf32>
    %get3A_285 = arith.constant 1338 : index
    %get3A_286 = tpu.vector_load %arg10[%get3A_285] {strides = array<i32>} : memref<6192xf32, #tpu.memory_space<vmem>>, vector<16xf32>,
    %add3A_287 = arith.addf %add3A_284, %get3A_286 : vector<16xf32>
    %get3A_288 = arith.constant 1467 : index
    %get3A_289 = tpu.vector_load %arg10[%get3A_288] {strides = array<i32>} : memref<6192xf32, #tpu.memory_space<vmem>>, vector<16xf32>,
    %add3A_290 = arith.addf %add3A_287, %get3A_289 : vector<16xf32>
    %get3A_291 = arith.constant 1596 : index
    %get3A_292 = tpu.vector_load %arg10[%get3A_291] {strides = array<i32>} : memref<6192xf32, #tpu.memory_space<vmem>>, vector<16xf32>,
    %add3A_293 = arith.addf %add3A_290, %get3A_292 : vector<16xf32>
    %get3A_294 = arith.constant 1725 : index
    %get3A_295 = tpu.vector_load %arg10[%get3A_294] {strides = array<i32>} : memref<6192xf32, #tpu.memory_space<vmem>>, vector<16xf32>,
    %add3A_296 = arith.addf %add3A_293, %get3A_295 : vector<16xf32>
    %get3A_297 = arith.constant 1854 : index
    %get3A_298 = tpu.vector_load %arg10[%get3A_297] {strides = array<i32>} : memref<6192xf32, #tpu.memory_space<vmem>>, vector<16xf32>,
    %add3A_299 = arith.addf %add3A_296, %get3A_298 : vector<16xf32>
    %get3A_300 = arith.constant 1983 : index
    %get3A_301 = tpu.vector_load %arg10[%get3A_300] {strides = array<i32>} : memref<6192xf32, #tpu.memory_space<vmem>>, vector<16xf32>,
    %add3A_302 = arith.addf %add3A_299, %get3A_301 : vector<16xf32>
    %swap3A_303 = arith.constant 0 : i32
    %swap3A_304 = arith.index_cast %swap3A_303 : i32 to index
    %swap3A_305 = arith.constant 48 : index
    %swap3A_306 = tpu.vector_load %arg11[%swap3A_304, %swap3A_305] {strides = array<i32>} : memref<6x128xf32, #tpu.memory_space<vmem>>, vector<16xf32>,
    tpu.vector_store %arg11[%swap3A_304, %swap3A_305], %add3A_302 {strides = array<i32>} : memref<6x128xf32, #tpu.memory_space<vmem>>, vector<16xf32>,
    %get3A_307 = arith.constant 64 : index
    %get3A_308 = tpu.vector_load %arg10[%get3A_307] {strides = array<i32>} : memref<6192xf32, #tpu.memory_space<vmem>>, vector<16xf32>,
    %get3A_309 = arith.constant 193 : index
    %get3A_310 = tpu.vector_load %arg10[%get3A_309] {strides = array<i32>} : memref<6192xf32, #tpu.memory_space<vmem>>, vector<16xf32>,
    %add3A_311 = arith.addf %get3A_308, %get3A_310 : vector<16xf32>
    %get3A_312 = arith.constant 322 : index
    %get3A_313 = tpu.vector_load %arg10[%get3A_312] {strides = array<i32>} : memref<6192xf32, #tpu.memory_space<vmem>>, vector<16xf32>,
    %add3A_314 = arith.addf %add3A_311, %get3A_313 : vector<16xf32>
    %get3A_315 = arith.constant 451 : index
    %get3A_316 = tpu.vector_load %arg10[%get3A_315] {strides = array<i32>} : memref<6192xf32, #tpu.memory_space<vmem>>, vector<16xf32>,
    %add3A_317 = arith.addf %add3A_314, %get3A_316 : vector<16xf32>
    %get3A_318 = arith.constant 580 : index
    %get3A_319 = tpu.vector_load %arg10[%get3A_318] {strides = array<i32>} : memref<6192xf32, #tpu.memory_space<vmem>>, vector<16xf32>,
    %add3A_320 = arith.addf %add3A_317, %get3A_319 : vector<16xf32>
    %get3A_321 = arith.constant 709 : index
    %get3A_322 = tpu.vector_load %arg10[%get3A_321] {strides = array<i32>} : memref<6192xf32, #tpu.memory_space<vmem>>, vector<16xf32>,
    %add3A_323 = arith.addf %add3A_320, %get3A_322 : vector<16xf32>
    %get3A_324 = arith.constant 838 : index
    %get3A_325 = tpu.vector_load %arg10[%get3A_324] {strides = array<i32>} : memref<6192xf32, #tpu.memory_space<vmem>>, vector<16xf32>,
    %add3A_326 = arith.addf %add3A_323, %get3A_325 : vector<16xf32>
    %get3A_327 = arith.constant 967 : index
    %get3A_328 = tpu.vector_load %arg10[%get3A_327] {strides = array<i32>} : memref<6192xf32, #tpu.memory_space<vmem>>, vector<16xf32>,
    %add3A_329 = arith.addf %add3A_326, %get3A_328 : vector<16xf32>
    %get3A_330 = arith.constant 1096 : index
    %get3A_331 = tpu.vector_load %arg10[%get3A_330] {strides = array<i32>} : memref<6192xf32, #tpu.memory_space<vmem>>, vector<16xf32>,
    %add3A_332 = arith.addf %add3A_329, %get3A_331 : vector<16xf32>
    %get3A_333 = arith.constant 1225 : index
    %get3A_334 = tpu.vector_load %arg10[%get3A_333] {strides = array<i32>} : memref<6192xf32, #tpu.memory_space<vmem>>, vector<16xf32>,
    %add3A_335 = arith.addf %add3A_332, %get3A_334 : vector<16xf32>
    %get3A_336 = arith.constant 1354 : index
    %get3A_337 = tpu.vector_load %arg10[%get3A_336] {strides = array<i32>} : memref<6192xf32, #tpu.memory_space<vmem>>, vector<16xf32>,
    %add3A_338 = arith.addf %add3A_335, %get3A_337 : vector<16xf32>
    %get3A_339 = arith.constant 1483 : index
    %get3A_340 = tpu.vector_load %arg10[%get3A_339] {strides = array<i32>} : memref<6192xf32, #tpu.memory_space<vmem>>, vector<16xf32>,
    %add3A_341 = arith.addf %add3A_338, %get3A_340 : vector<16xf32>
    %get3A_342 = arith.constant 1612 : index
    %get3A_343 = tpu.vector_load %arg10[%get3A_342] {strides = array<i32>} : memref<6192xf32, #tpu.memory_space<vmem>>, vector<16xf32>,
    %add3A_344 = arith.addf %add3A_341, %get3A_343 : vector<16xf32>
    %get3A_345 = arith.constant 1741 : index
    %get3A_346 = tpu.vector_load %arg10[%get3A_345] {strides = array<i32>} : memref<6192xf32, #tpu.memory_space<vmem>>, vector<16xf32>,
    %add3A_347 = arith.addf %add3A_344, %get3A_346 : vector<16xf32>
    %get3A_348 = arith.constant 1870 : index
    %get3A_349 = tpu.vector_load %arg10[%get3A_348] {strides = array<i32>} : memref<6192xf32, #tpu.memory_space<vmem>>, vector<16xf32>,
    %add3A_350 = arith.addf %add3A_347, %get3A_349 : vector<16xf32>
    %get3A_351 = arith.constant 1999 : index
    %get3A_352 = tpu.vector_load %arg10[%get3A_351] {strides = array<i32>} : memref<6192xf32, #tpu.memory_space<vmem>>, vector<16xf32>,
    %add3A_353 = arith.addf %add3A_350, %get3A_352 : vector<16xf32>
    %swap3A_354 = arith.constant 0 : i32
    %swap3A_355 = arith.index_cast %swap3A_354 : i32 to index
    %swap3A_356 = arith.constant 64 : index
    %swap3A_357 = tpu.vector_load %arg11[%swap3A_355, %swap3A_356] {strides = array<i32>} : memref<6x128xf32, #tpu.memory_space<vmem>>, vector<16xf32>,
    tpu.vector_store %arg11[%swap3A_355, %swap3A_356], %add3A_353 {strides = array<i32>} : memref<6x128xf32, #tpu.memory_space<vmem>>, vector<16xf32>,
    %get3A_358 = arith.constant 80 : index
    %get3A_359 = tpu.vector_load %arg10[%get3A_358] {strides = array<i32>} : memref<6192xf32, #tpu.memory_space<vmem>>, vector<16xf32>,
    %get3A_360 = arith.constant 209 : index
    %get3A_361 = tpu.vector_load %arg10[%get3A_360] {strides = array<i32>} : memref<6192xf32, #tpu.memory_space<vmem>>, vector<16xf32>,
    %add3A_362 = arith.addf %get3A_359, %get3A_361 : vector<16xf32>
    %get3A_363 = arith.constant 338 : index
    %get3A_364 = tpu.vector_load %arg10[%get3A_363] {strides = array<i32>} : memref<6192xf32, #tpu.memory_space<vmem>>, vector<16xf32>,
    %add3A_365 = arith.addf %add3A_362, %get3A_364 : vector<16xf32>
    %get3A_366 = arith.constant 467 : index
    %get3A_367 = tpu.vector_load %arg10[%get3A_366] {strides = array<i32>} : memref<6192xf32, #tpu.memory_space<vmem>>, vector<16xf32>,
    %add3A_368 = arith.addf %add3A_365, %get3A_367 : vector<16xf32>
    %get3A_369 = arith.constant 596 : index
    %get3A_370 = tpu.vector_load %arg10[%get3A_369] {strides = array<i32>} : memref<6192xf32, #tpu.memory_space<vmem>>, vector<16xf32>,
    %add3A_371 = arith.addf %add3A_368, %get3A_370 : vector<16xf32>
    %get3A_372 = arith.constant 725 : index
    %get3A_373 = tpu.vector_load %arg10[%get3A_372] {strides = array<i32>} : memref<6192xf32, #tpu.memory_space<vmem>>, vector<16xf32>,
    %add3A_374 = arith.addf %add3A_371, %get3A_373 : vector<16xf32>
    %get3A_375 = arith.constant 854 : index
    %get3A_376 = tpu.vector_load %arg10[%get3A_375] {strides = array<i32>} : memref<6192xf32, #tpu.memory_space<vmem>>, vector<16xf32>,
    %add3A_377 = arith.addf %add3A_374, %get3A_376 : vector<16xf32>
    %get3A_378 = arith.constant 983 : index
    %get3A_379 = tpu.vector_load %arg10[%get3A_378] {strides = array<i32>} : memref<6192xf32, #tpu.memory_space<vmem>>, vector<16xf32>,
    %add3A_380 = arith.addf %add3A_377, %get3A_379 : vector<16xf32>
    %get3A_381 = arith.constant 1112 : index
    %get3A_382 = tpu.vector_load %arg10[%get3A_381] {strides = array<i32>} : memref<6192xf32, #tpu.memory_space<vmem>>, vector<16xf32>,
    %add3A_383 = arith.addf %add3A_380, %get3A_382 : vector<16xf32>
    %get3A_384 = arith.constant 1241 : index
    %get3A_385 = tpu.vector_load %arg10[%get3A_384] {strides = array<i32>} : memref<6192xf32, #tpu.memory_space<vmem>>, vector<16xf32>,
    %add3A_386 = arith.addf %add3A_383, %get3A_385 : vector<16xf32>
    %get3A_387 = arith.constant 1370 : index
    %get3A_388 = tpu.vector_load %arg10[%get3A_387] {strides = array<i32>} : memref<6192xf32, #tpu.memory_space<vmem>>, vector<16xf32>,
    %add3A_389 = arith.addf %add3A_386, %get3A_388 : vector<16xf32>
    %get3A_390 = arith.constant 1499 : index
    %get3A_391 = tpu.vector_load %arg10[%get3A_390] {strides = array<i32>} : memref<6192xf32, #tpu.memory_space<vmem>>, vector<16xf32>,
    %add3A_392 = arith.addf %add3A_389, %get3A_391 : vector<16xf32>
    %get3A_393 = arith.constant 1628 : index
    %get3A_394 = tpu.vector_load %arg10[%get3A_393] {strides = array<i32>} : memref<6192xf32, #tpu.memory_space<vmem>>, vector<16xf32>,
    %add3A_395 = arith.addf %add3A_392, %get3A_394 : vector<16xf32>
    %get3A_396 = arith.constant 1757 : index
    %get3A_397 = tpu.vector_load %arg10[%get3A_396] {strides = array<i32>} : memref<6192xf32, #tpu.memory_space<vmem>>, vector<16xf32>,
    %add3A_398 = arith.addf %add3A_395, %get3A_397 : vector<16xf32>
    %get3A_399 = arith.constant 1886 : index
    %get3A_400 = tpu.vector_load %arg10[%get3A_399] {strides = array<i32>} : memref<6192xf32, #tpu.memory_space<vmem>>, vector<16xf32>,
    %add3A_401 = arith.addf %add3A_398, %get3A_400 : vector<16xf32>
    %get3A_402 = arith.constant 2015 : index
    %get3A_403 = tpu.vector_load %arg10[%get3A_402] {strides = array<i32>} : memref<6192xf32, #tpu.memory_space<vmem>>, vector<16xf32>,
    %add3A_404 = arith.addf %add3A_401, %get3A_403 : vector<16xf32>
    %swap3A_405 = arith.constant 0 : i32
    %swap3A_406 = arith.index_cast %swap3A_405 : i32 to index
    %swap3A_407 = arith.constant 80 : index
    %swap3A_408 = tpu.vector_load %arg11[%swap3A_406, %swap3A_407] {strides = array<i32>} : memref<6x128xf32, #tpu.memory_space<vmem>>, vector<16xf32>,
    tpu.vector_store %arg11[%swap3A_406, %swap3A_407], %add3A_404 {strides = array<i32>} : memref<6x128xf32, #tpu.memory_space<vmem>>, vector<16xf32>,
    %get3A_409 = arith.constant 96 : index
    %get3A_410 = tpu.vector_load %arg10[%get3A_409] {strides = array<i32>} : memref<6192xf32, #tpu.memory_space<vmem>>, vector<16xf32>,
    %get3A_411 = arith.constant 225 : index
    %get3A_412 = tpu.vector_load %arg10[%get3A_411] {strides = array<i32>} : memref<6192xf32, #tpu.memory_space<vmem>>, vector<16xf32>,
    %add3A_413 = arith.addf %get3A_410, %get3A_412 : vector<16xf32>
    %get3A_414 = arith.constant 354 : index
    %get3A_415 = tpu.vector_load %arg10[%get3A_414] {strides = array<i32>} : memref<6192xf32, #tpu.memory_space<vmem>>, vector<16xf32>,
    %add3A_416 = arith.addf %add3A_413, %get3A_415 : vector<16xf32>
    %get3A_417 = arith.constant 483 : index
    %get3A_418 = tpu.vector_load %arg10[%get3A_417] {strides = array<i32>} : memref<6192xf32, #tpu.memory_space<vmem>>, vector<16xf32>,
    %add3A_419 = arith.addf %add3A_416, %get3A_418 : vector<16xf32>
    %get3A_420 = arith.constant 612 : index
    %get3A_421 = tpu.vector_load %arg10[%get3A_420] {strides = array<i32>} : memref<6192xf32, #tpu.memory_space<vmem>>, vector<16xf32>,
    %add3A_422 = arith.addf %add3A_419, %get3A_421 : vector<16xf32>
    %get3A_423 = arith.constant 741 : index
    %get3A_424 = tpu.vector_load %arg10[%get3A_423] {strides = array<i32>} : memref<6192xf32, #tpu.memory_space<vmem>>, vector<16xf32>,
    %add3A_425 = arith.addf %add3A_422, %get3A_424 : vector<16xf32>
    %get3A_426 = arith.constant 870 : index
    %get3A_427 = tpu.vector_load %arg10[%get3A_426] {strides = array<i32>} : memref<6192xf32, #tpu.memory_space<vmem>>, vector<16xf32>,
    %add3A_428 = arith.addf %add3A_425, %get3A_427 : vector<16xf32>
    %get3A_429 = arith.constant 999 : index
    %get3A_430 = tpu.vector_load %arg10[%get3A_429] {strides = array<i32>} : memref<6192xf32, #tpu.memory_space<vmem>>, vector<16xf32>,
    %add3A_431 = arith.addf %add3A_428, %get3A_430 : vector<16xf32>
    %get3A_432 = arith.constant 1128 : index
    %get3A_433 = tpu.vector_load %arg10[%get3A_432] {strides = array<i32>} : memref<6192xf32, #tpu.memory_space<vmem>>, vector<16xf32>,
    %add3A_434 = arith.addf %add3A_431, %get3A_433 : vector<16xf32>
    %get3A_435 = arith.constant 1257 : index
    %get3A_436 = tpu.vector_load %arg10[%get3A_435] {strides = array<i32>} : memref<6192xf32, #tpu.memory_space<vmem>>, vector<16xf32>,
    %add3A_437 = arith.addf %add3A_434, %get3A_436 : vector<16xf32>
    %get3A_438 = arith.constant 1386 : index
    %get3A_439 = tpu.vector_load %arg10[%get3A_438] {strides = array<i32>} : memref<6192xf32, #tpu.memory_space<vmem>>, vector<16xf32>,
    %add3A_440 = arith.addf %add3A_437, %get3A_439 : vector<16xf32>
    %get3A_441 = arith.constant 1515 : index
    %get3A_442 = tpu.vector_load %arg10[%get3A_441] {strides = array<i32>} : memref<6192xf32, #tpu.memory_space<vmem>>, vector<16xf32>,
    %add3A_443 = arith.addf %add3A_440, %get3A_442 : vector<16xf32>
    %get3A_444 = arith.constant 1644 : index
    %get3A_445 = tpu.vector_load %arg10[%get3A_444] {strides = array<i32>} : memref<6192xf32, #tpu.memory_space<vmem>>, vector<16xf32>,
    %add3A_446 = arith.addf %add3A_443, %get3A_445 : vector<16xf32>
    %get3A_447 = arith.constant 1773 : index
    %get3A_448 = tpu.vector_load %arg10[%get3A_447] {strides = array<i32>} : memref<6192xf32, #tpu.memory_space<vmem>>, vector<16xf32>,
    %add3A_449 = arith.addf %add3A_446, %get3A_448 : vector<16xf32>
    %get3A_450 = arith.constant 1902 : index
    %get3A_451 = tpu.vector_load %arg10[%get3A_450] {strides = array<i32>} : memref<6192xf32, #tpu.memory_space<vmem>>, vector<16xf32>,
    %add3A_452 = arith.addf %add3A_449, %get3A_451 : vector<16xf32>
    %get3A_453 = arith.constant 2031 : index
    %get3A_454 = tpu.vector_load %arg10[%get3A_453] {strides = array<i32>} : memref<6192xf32, #tpu.memory_space<vmem>>, vector<16xf32>,
    %add3A_455 = arith.addf %add3A_452, %get3A_454 : vector<16xf32>
    %swap3A_456 = arith.constant 0 : i32
    %swap3A_457 = arith.index_cast %swap3A_456 : i32 to index
    %swap3A_458 = arith.constant 96 : index
    %swap3A_459 = tpu.vector_load %arg11[%swap3A_457, %swap3A_458] {strides = array<i32>} : memref<6x128xf32, #tpu.memory_space<vmem>>, vector<16xf32>,
    tpu.vector_store %arg11[%swap3A_457, %swap3A_458], %add3A_455 {strides = array<i32>} : memref<6x128xf32, #tpu.memory_space<vmem>>, vector<16xf32>,
    %get3A_460 = arith.constant 112 : index
    %get3A_461 = tpu.vector_load %arg10[%get3A_460] {strides = array<i32>} : memref<6192xf32, #tpu.memory_space<vmem>>, vector<16xf32>,
    %get3A_462 = arith.constant 241 : index
    %get3A_463 = tpu.vector_load %arg10[%get3A_462] {strides = array<i32>} : memref<6192xf32, #tpu.memory_space<vmem>>, vector<16xf32>,
    %add3A_464 = arith.addf %get3A_461, %get3A_463 : vector<16xf32>
    %get3A_465 = arith.constant 370 : index
    %get3A_466 = tpu.vector_load %arg10[%get3A_465] {strides = array<i32>} : memref<6192xf32, #tpu.memory_space<vmem>>, vector<16xf32>,
    %add3A_467 = arith.addf %add3A_464, %get3A_466 : vector<16xf32>
    %get3A_468 = arith.constant 499 : index
    %get3A_469 = tpu.vector_load %arg10[%get3A_468] {strides = array<i32>} : memref<6192xf32, #tpu.memory_space<vmem>>, vector<16xf32>,
    %add3A_470 = arith.addf %add3A_467, %get3A_469 : vector<16xf32>
    %get3A_471 = arith.constant 628 : index
    %get3A_472 = tpu.vector_load %arg10[%get3A_471] {strides = array<i32>} : memref<6192xf32, #tpu.memory_space<vmem>>, vector<16xf32>,
    %add3A_473 = arith.addf %add3A_470, %get3A_472 : vector<16xf32>
    %get3A_474 = arith.constant 757 : index
    %get3A_475 = tpu.vector_load %arg10[%get3A_474] {strides = array<i32>} : memref<6192xf32, #tpu.memory_space<vmem>>, vector<16xf32>,
    %add3A_476 = arith.addf %add3A_473, %get3A_475 : vector<16xf32>
    %get3A_477 = arith.constant 886 : index
    %get3A_478 = tpu.vector_load %arg10[%get3A_477] {strides = array<i32>} : memref<6192xf32, #tpu.memory_space<vmem>>, vector<16xf32>,
    %add3A_479 = arith.addf %add3A_476, %get3A_478 : vector<16xf32>
    %get3A_480 = arith.constant 1015 : index
    %get3A_481 = tpu.vector_load %arg10[%get3A_480] {strides = array<i32>} : memref<6192xf32, #tpu.memory_space<vmem>>, vector<16xf32>,
    %add3A_482 = arith.addf %add3A_479, %get3A_481 : vector<16xf32>
    %get3A_483 = arith.constant 1144 : index
    %get3A_484 = tpu.vector_load %arg10[%get3A_483] {strides = array<i32>} : memref<6192xf32, #tpu.memory_space<vmem>>, vector<16xf32>,
    %add3A_485 = arith.addf %add3A_482, %get3A_484 : vector<16xf32>
    %get3A_486 = arith.constant 1273 : index
    %get3A_487 = tpu.vector_load %arg10[%get3A_486] {strides = array<i32>} : memref<6192xf32, #tpu.memory_space<vmem>>, vector<16xf32>,
    %add3A_488 = arith.addf %add3A_485, %get3A_487 : vector<16xf32>
    %get3A_489 = arith.constant 1402 : index
    %get3A_490 = tpu.vector_load %arg10[%get3A_489] {strides = array<i32>} : memref<6192xf32, #tpu.memory_space<vmem>>, vector<16xf32>,
    %add3A_491 = arith.addf %add3A_488, %get3A_490 : vector<16xf32>
    %get3A_492 = arith.constant 1531 : index
    %get3A_493 = tpu.vector_load %arg10[%get3A_492] {strides = array<i32>} : memref<6192xf32, #tpu.memory_space<vmem>>, vector<16xf32>,
    %add3A_494 = arith.addf %add3A_491, %get3A_493 : vector<16xf32>
    %get3A_495 = arith.constant 1660 : index
    %get3A_496 = tpu.vector_load %arg10[%get3A_495] {strides = array<i32>} : memref<6192xf32, #tpu.memory_space<vmem>>, vector<16xf32>,
    %add3A_497 = arith.addf %add3A_494, %get3A_496 : vector<16xf32>
    %get3A_498 = arith.constant 1789 : index
    %get3A_499 = tpu.vector_load %arg10[%get3A_498] {strides = array<i32>} : memref<6192xf32, #tpu.memory_space<vmem>>, vector<16xf32>,
    %add3A_500 = arith.addf %add3A_497, %get3A_499 : vector<16xf32>
    %get3A_501 = arith.constant 1918 : index
    %get3A_502 = tpu.vector_load %arg10[%get3A_501] {strides = array<i32>} : memref<6192xf32, #tpu.memory_space<vmem>>, vector<16xf32>,
    %add3A_503 = arith.addf %add3A_500, %get3A_502 : vector<16xf32>
    %get3A_504 = arith.constant 2047 : index
    %get3A_505 = tpu.vector_load %arg10[%get3A_504] {strides = array<i32>} : memref<6192xf32, #tpu.memory_space<vmem>>, vector<16xf32>,
    %add3A_506 = arith.addf %add3A_503, %get3A_505 : vector<16xf32>
    %swap3A_507 = arith.constant 0 : i32
    %swap3A_508 = arith.index_cast %swap3A_507 : i32 to index
    %swap3A_509 = arith.constant 112 : index
    %swap3A_510 = tpu.vector_load %arg11[%swap3A_508, %swap3A_509] {strides = array<i32>} : memref<6x128xf32, #tpu.memory_space<vmem>>, vector<16xf32>,
    tpu.vector_store %arg11[%swap3A_508, %swap3A_509], %add3A_506 {strides = array<i32>} : memref<6x128xf32, #tpu.memory_space<vmem>>, vector<16xf32>,
    %dma_wait3A_511 = arith.constant 2 : i32
    %dma_wait3A_512 = arith.constant 0 : i32
    %dma_wait3A_513 = arith.constant 0 : i32
    %dma_wait3A_514 = arith.constant 0 : i32
    %dma_wait3A_515 = tpu.memref_slice %arg9[%dma_wait3A_512, %dma_wait3A_513, %dma_wait3A_514] : memref<5x128x128xf32, #tpu.memory_space<vmem>> -> memref<1x128x128xf32, #tpu.memory_space<vmem>>
    %dma_wait3A_516 = tpu.memref_squeeze %dma_wait3A_515 : memref<1x128x128xf32, #tpu.memory_space<vmem>> -> memref<128x128xf32, #tpu.memory_space<vmem>>
    %dma_wait3A_517 = arith.constant 0 : i32
    %dma_wait3A_518 = tpu.memref_slice %arg6[%dma_wait3A_511, %dma_wait3A_517] : memref<7x128xi32, #tpu.memory_space<vmem>> -> memref<1x128xi32, #tpu.memory_space<vmem>>
    %dma_wait3A_519 = tpu.memref_squeeze %dma_wait3A_518 : memref<1x128xi32, #tpu.memory_space<vmem>> -> memref<128xi32, #tpu.memory_space<vmem>>
    %dma_wait3A_520 = arith.constant 0 : i32
    %dma_wait3A_521 = arith.constant 0 : i32
    %dma_wait3A_522 = tpu.memref_slice %arg4[%dma_wait3A_520, %dma_wait3A_521] : memref<100000x128xf32, #tpu.memory_space<hbm>> -> memref<100000x128xf32, #tpu.memory_space<hbm>>
    tpu.wait_indirect_dma semaphore(%arg14 : memref<!tpu.dma_semaphore, #tpu.memory_space<semaphore_mem>>) src(%dma_wait3A_522 : memref<100000x128xf32, #tpu.memory_space<hbm>>) dst(%dma_wait3A_516 : memref<128x128xf32, #tpu.memory_space<vmem>>)
    %dma_wait3A_523 = arith.constant 3 : i32
    %dma_wait3A_524 = arith.constant 1 : i32
    %dma_wait3A_525 = arith.constant 0 : i32
    %dma_wait3A_526 = arith.constant 0 : i32
    %dma_wait3A_527 = tpu.memref_slice %arg9[%dma_wait3A_524, %dma_wait3A_525, %dma_wait3A_526] : memref<5x128x128xf32, #tpu.memory_space<vmem>> -> memref<1x128x128xf32, #tpu.memory_space<vmem>>
    %dma_wait3A_528 = tpu.memref_squeeze %dma_wait3A_527 : memref<1x128x128xf32, #tpu.memory_space<vmem>> -> memref<128x128xf32, #tpu.memory_space<vmem>>
    %dma_wait3A_529 = arith.constant 0 : i32
    %dma_wait3A_530 = tpu.memref_slice %arg6[%dma_wait3A_523, %dma_wait3A_529] : memref<7x128xi32, #tpu.memory_space<vmem>> -> memref<1x128xi32, #tpu.memory_space<vmem>>
    %dma_wait3A_531 = tpu.memref_squeeze %dma_wait3A_530 : memref<1x128xi32, #tpu.memory_space<vmem>> -> memref<128xi32, #tpu.memory_space<vmem>>
    %dma_wait3A_532 = arith.constant 0 : i32
    %dma_wait3A_533 = arith.constant 0 : i32
    %dma_wait3A_534 = tpu.memref_slice %arg4[%dma_wait3A_532, %dma_wait3A_533] : memref<100000x128xf32, #tpu.memory_space<hbm>> -> memref<100000x128xf32, #tpu.memory_space<hbm>>
    tpu.wait_indirect_dma semaphore(%arg14 : memref<!tpu.dma_semaphore, #tpu.memory_space<semaphore_mem>>) src(%dma_wait3A_534 : memref<100000x128xf32, #tpu.memory_space<hbm>>) dst(%dma_wait3A_528 : memref<128x128xf32, #tpu.memory_space<vmem>>)
    %dma_wait3A_535 = arith.constant 4 : i32
    %dma_wait3A_536 = arith.constant 2 : i32
    %dma_wait3A_537 = arith.constant 0 : i32
    %dma_wait3A_538 = arith.constant 0 : i32
    %dma_wait3A_539 = tpu.memref_slice %arg9[%dma_wait3A_536, %dma_wait3A_537, %dma_wait3A_538] : memref<5x128x128xf32, #tpu.memory_space<vmem>> -> memref<1x128x128xf32, #tpu.memory_space<vmem>>
    %dma_wait3A_540 = tpu.memref_squeeze %dma_wait3A_539 : memref<1x128x128xf32, #tpu.memory_space<vmem>> -> memref<128x128xf32, #tpu.memory_space<vmem>>
    %dma_wait3A_541 = arith.constant 0 : i32
    %dma_wait3A_542 = tpu.memref_slice %arg6[%dma_wait3A_535, %dma_wait3A_541] : memref<7x128xi32, #tpu.memory_space<vmem>> -> memref<1x128xi32, #tpu.memory_space<vmem>>
    %dma_wait3A_543 = tpu.memref_squeeze %dma_wait3A_542 : memref<1x128xi32, #tpu.memory_space<vmem>> -> memref<128xi32, #tpu.memory_space<vmem>>
    %dma_wait3A_544 = arith.constant 0 : i32
    %dma_wait3A_545 = arith.constant 0 : i32
    %dma_wait3A_546 = tpu.memref_slice %arg4[%dma_wait3A_544, %dma_wait3A_545] : memref<100000x128xf32, #tpu.memory_space<hbm>> -> memref<100000x128xf32, #tpu.memory_space<hbm>>
    tpu.wait_indirect_dma semaphore(%arg14 : memref<!tpu.dma_semaphore, #tpu.memory_space<semaphore_mem>>) src(%dma_wait3A_546 : memref<100000x128xf32, #tpu.memory_space<hbm>>) dst(%dma_wait3A_540 : memref<128x128xf32, #tpu.memory_space<vmem>>)
    %parallel_loop3A_547 = arith.constant 0 : i32
    %parallel_loop3A_548 = arith.constant 128 : i32
    %parallel_loop3A_549 = arith.constant 1 : i32
    %parallel_loop3A_550 = arith.constant 0 : i32
    %parallel_loop3A_551 = arith.constant 1 : i32
    %parallel_loop3A_552 = arith.constant 2 : i32
    scf.for %parallel_loop3A_2622 = %parallel_loop3A_547 to %parallel_loop3A_548 step %parallel_loop3A_549  : i32 {
      %parallel_loop3A_2623 = arith.index_cast %parallel_loop3A_2622 : i32 to index
      %parallel_loop3A_2624 = arith.constant 0 : index
      %parallel_loop3A_2625 = tpu.vector_load %arg7[%parallel_loop3A_2623, %parallel_loop3A_2624] {strides = array<i32>} : memref<128x128xf32, #tpu.memory_space<vmem>>, vector<16xf32>,
      %parallel_loop3A_2626 = arith.index_cast %parallel_loop3A_2622 : i32 to index
      %parallel_loop3A_2627 = arith.constant 16 : index
      %parallel_loop3A_2628 = tpu.vector_load %arg7[%parallel_loop3A_2626, %parallel_loop3A_2627] {strides = array<i32>} : memref<128x128xf32, #tpu.memory_space<vmem>>, vector<16xf32>,
      %parallel_loop3A_2629 = arith.index_cast %parallel_loop3A_2622 : i32 to index
      %parallel_loop3A_2630 = arith.constant 32 : index
      %parallel_loop3A_2631 = tpu.vector_load %arg7[%parallel_loop3A_2629, %parallel_loop3A_2630] {strides = array<i32>} : memref<128x128xf32, #tpu.memory_space<vmem>>, vector<16xf32>,
      %parallel_loop3A_2632 = arith.index_cast %parallel_loop3A_2622 : i32 to index
      %parallel_loop3A_2633 = arith.constant 48 : index
      %parallel_loop3A_2634 = tpu.vector_load %arg7[%parallel_loop3A_2632, %parallel_loop3A_2633] {strides = array<i32>} : memref<128x128xf32, #tpu.memory_space<vmem>>, vector<16xf32>,
      %parallel_loop3A_2635 = arith.index_cast %parallel_loop3A_2622 : i32 to index
      %parallel_loop3A_2636 = arith.constant 64 : index
      %parallel_loop3A_2637 = tpu.vector_load %arg7[%parallel_loop3A_2635, %parallel_loop3A_2636] {strides = array<i32>} : memref<128x128xf32, #tpu.memory_space<vmem>>, vector<16xf32>,
      %parallel_loop3A_2638 = arith.index_cast %parallel_loop3A_2622 : i32 to index
      %parallel_loop3A_2639 = arith.constant 80 : index
      %parallel_loop3A_2640 = tpu.vector_load %arg7[%parallel_loop3A_2638, %parallel_loop3A_2639] {strides = array<i32>} : memref<128x128xf32, #tpu.memory_space<vmem>>, vector<16xf32>,
      %parallel_loop3A_2641 = arith.index_cast %parallel_loop3A_2622 : i32 to index
      %parallel_loop3A_2642 = arith.constant 96 : index
      %parallel_loop3A_2643 = tpu.vector_load %arg7[%parallel_loop3A_2641, %parallel_loop3A_2642] {strides = array<i32>} : memref<128x128xf32, #tpu.memory_space<vmem>>, vector<16xf32>,
      %parallel_loop3A_2644 = arith.index_cast %parallel_loop3A_2622 : i32 to index
      %parallel_loop3A_2645 = arith.constant 112 : index
      %parallel_loop3A_2646 = tpu.vector_load %arg7[%parallel_loop3A_2644, %parallel_loop3A_2645] {strides = array<i32>} : memref<128x128xf32, #tpu.memory_space<vmem>>, vector<16xf32>,
      %parallel_loop3A_2647 = arith.constant 0 : i32
      %parallel_loop3A_2648 = arith.constant 0 : i32
      %parallel_loop3A_2649 = tpu.memref_slice %arg9[%parallel_loop3A_550, %parallel_loop3A_2647, %parallel_loop3A_2648] : memref<5x128x128xf32, #tpu.memory_space<vmem>> -> memref<1x128x128xf32, #tpu.memory_space<vmem>>
      %parallel_loop3A_2650 = tpu.memref_squeeze %parallel_loop3A_2649 : memref<1x128x128xf32, #tpu.memory_space<vmem>> -> memref<128x128xf32, #tpu.memory_space<vmem>>
      %parallel_loop3A_2651 = arith.index_cast %parallel_loop3A_2622 : i32 to index
      %parallel_loop3A_2652 = arith.constant 0 : index
      %parallel_loop3A_2653 = tpu.vector_load %parallel_loop3A_2650[%parallel_loop3A_2651, %parallel_loop3A_2652] {strides = array<i32>} : memref<128x128xf32, #tpu.memory_space<vmem>>, vector<16xf32>,
      %parallel_loop3A_2654 = arith.mulf %parallel_loop3A_2625, %parallel_loop3A_2653 : vector<16xf32>
      %parallel_loop3A_2655 = arith.constant 0 : i32
      %parallel_loop3A_2656 = arith.constant 0 : i32
      %parallel_loop3A_2657 = tpu.memref_slice %arg9[%parallel_loop3A_550, %parallel_loop3A_2655, %parallel_loop3A_2656] : memref<5x128x128xf32, #tpu.memory_space<vmem>> -> memref<1x128x128xf32, #tpu.memory_space<vmem>>
      %parallel_loop3A_2658 = tpu.memref_squeeze %parallel_loop3A_2657 : memref<1x128x128xf32, #tpu.memory_space<vmem>> -> memref<128x128xf32, #tpu.memory_space<vmem>>
      %parallel_loop3A_2659 = arith.index_cast %parallel_loop3A_2622 : i32 to index
      %parallel_loop3A_2660 = arith.constant 16 : index
      %parallel_loop3A_2661 = tpu.vector_load %parallel_loop3A_2658[%parallel_loop3A_2659, %parallel_loop3A_2660] {strides = array<i32>} : memref<128x128xf32, #tpu.memory_space<vmem>>, vector<16xf32>,
      %parallel_loop3A_2662 = arith.mulf %parallel_loop3A_2628, %parallel_loop3A_2661 : vector<16xf32>
      %parallel_loop3A_2663 = arith.addf %parallel_loop3A_2654, %parallel_loop3A_2662 : vector<16xf32>
      %parallel_loop3A_2664 = arith.constant 0 : i32
      %parallel_loop3A_2665 = arith.constant 0 : i32
      %parallel_loop3A_2666 = tpu.memref_slice %arg9[%parallel_loop3A_550, %parallel_loop3A_2664, %parallel_loop3A_2665] : memref<5x128x128xf32, #tpu.memory_space<vmem>> -> memref<1x128x128xf32, #tpu.memory_space<vmem>>
      %parallel_loop3A_2667 = tpu.memref_squeeze %parallel_loop3A_2666 : memref<1x128x128xf32, #tpu.memory_space<vmem>> -> memref<128x128xf32, #tpu.memory_space<vmem>>
      %parallel_loop3A_2668 = arith.index_cast %parallel_loop3A_2622 : i32 to index
      %parallel_loop3A_2669 = arith.constant 32 : index
      %parallel_loop3A_2670 = tpu.vector_load %parallel_loop3A_2667[%parallel_loop3A_2668, %parallel_loop3A_2669] {strides = array<i32>} : memref<128x128xf32, #tpu.memory_space<vmem>>, vector<16xf32>,
      %parallel_loop3A_2671 = arith.mulf %parallel_loop3A_2631, %parallel_loop3A_2670 : vector<16xf32>
      %parallel_loop3A_2672 = arith.addf %parallel_loop3A_2663, %parallel_loop3A_2671 : vector<16xf32>
      %parallel_loop3A_2673 = arith.constant 0 : i32
      %parallel_loop3A_2674 = arith.constant 0 : i32
      %parallel_loop3A_2675 = tpu.memref_slice %arg9[%parallel_loop3A_550, %parallel_loop3A_2673, %parallel_loop3A_2674] : memref<5x128x128xf32, #tpu.memory_space<vmem>> -> memref<1x128x128xf32, #tpu.memory_space<vmem>>
      %parallel_loop3A_2676 = tpu.memref_squeeze %parallel_loop3A_2675 : memref<1x128x128xf32, #tpu.memory_space<vmem>> -> memref<128x128xf32, #tpu.memory_space<vmem>>
      %parallel_loop3A_2677 = arith.index_cast %parallel_loop3A_2622 : i32 to index
      %parallel_loop3A_2678 = arith.constant 48 : index
      %parallel_loop3A_2679 = tpu.vector_load %parallel_loop3A_2676[%parallel_loop3A_2677, %parallel_loop3A_2678] {strides = array<i32>} : memref<128x128xf32, #tpu.memory_space<vmem>>, vector<16xf32>,
      %parallel_loop3A_2680 = arith.mulf %parallel_loop3A_2634, %parallel_loop3A_2679 : vector<16xf32>
      %parallel_loop3A_2681 = arith.addf %parallel_loop3A_2672, %parallel_loop3A_2680 : vector<16xf32>
      %parallel_loop3A_2682 = arith.constant 0 : i32
      %parallel_loop3A_2683 = arith.constant 0 : i32
      %parallel_loop3A_2684 = tpu.memref_slice %arg9[%parallel_loop3A_550, %parallel_loop3A_2682, %parallel_loop3A_2683] : memref<5x128x128xf32, #tpu.memory_space<vmem>> -> memref<1x128x128xf32, #tpu.memory_space<vmem>>
      %parallel_loop3A_2685 = tpu.memref_squeeze %parallel_loop3A_2684 : memref<1x128x128xf32, #tpu.memory_space<vmem>> -> memref<128x128xf32, #tpu.memory_space<vmem>>
      %parallel_loop3A_2686 = arith.index_cast %parallel_loop3A_2622 : i32 to index
      %parallel_loop3A_2687 = arith.constant 64 : index
      %parallel_loop3A_2688 = tpu.vector_load %parallel_loop3A_2685[%parallel_loop3A_2686, %parallel_loop3A_2687] {strides = array<i32>} : memref<128x128xf32, #tpu.memory_space<vmem>>, vector<16xf32>,
      %parallel_loop3A_2689 = arith.mulf %parallel_loop3A_2637, %parallel_loop3A_2688 : vector<16xf32>
      %parallel_loop3A_2690 = arith.addf %parallel_loop3A_2681, %parallel_loop3A_2689 : vector<16xf32>
      %parallel_loop3A_2691 = arith.constant 0 : i32
      %parallel_loop3A_2692 = arith.constant 0 : i32
      %parallel_loop3A_2693 = tpu.memref_slice %arg9[%parallel_loop3A_550, %parallel_loop3A_2691, %parallel_loop3A_2692] : memref<5x128x128xf32, #tpu.memory_space<vmem>> -> memref<1x128x128xf32, #tpu.memory_space<vmem>>
      %parallel_loop3A_2694 = tpu.memref_squeeze %parallel_loop3A_2693 : memref<1x128x128xf32, #tpu.memory_space<vmem>> -> memref<128x128xf32, #tpu.memory_space<vmem>>
      %parallel_loop3A_2695 = arith.index_cast %parallel_loop3A_2622 : i32 to index
      %parallel_loop3A_2696 = arith.constant 80 : index
      %parallel_loop3A_2697 = tpu.vector_load %parallel_loop3A_2694[%parallel_loop3A_2695, %parallel_loop3A_2696] {strides = array<i32>} : memref<128x128xf32, #tpu.memory_space<vmem>>, vector<16xf32>,
      %parallel_loop3A_2698 = arith.mulf %parallel_loop3A_2640, %parallel_loop3A_2697 : vector<16xf32>
      %parallel_loop3A_2699 = arith.addf %parallel_loop3A_2690, %parallel_loop3A_2698 : vector<16xf32>
      %parallel_loop3A_2700 = arith.constant 0 : i32
      %parallel_loop3A_2701 = arith.constant 0 : i32
      %parallel_loop3A_2702 = tpu.memref_slice %arg9[%parallel_loop3A_550, %parallel_loop3A_2700, %parallel_loop3A_2701] : memref<5x128x128xf32, #tpu.memory_space<vmem>> -> memref<1x128x128xf32, #tpu.memory_space<vmem>>
      %parallel_loop3A_2703 = tpu.memref_squeeze %parallel_loop3A_2702 : memref<1x128x128xf32, #tpu.memory_space<vmem>> -> memref<128x128xf32, #tpu.memory_space<vmem>>
      %parallel_loop3A_2704 = arith.index_cast %parallel_loop3A_2622 : i32 to index
      %parallel_loop3A_2705 = arith.constant 96 : index
      %parallel_loop3A_2706 = tpu.vector_load %parallel_loop3A_2703[%parallel_loop3A_2704, %parallel_loop3A_2705] {strides = array<i32>} : memref<128x128xf32, #tpu.memory_space<vmem>>, vector<16xf32>,
      %parallel_loop3A_2707 = arith.mulf %parallel_loop3A_2643, %parallel_loop3A_2706 : vector<16xf32>
      %parallel_loop3A_2708 = arith.addf %parallel_loop3A_2699, %parallel_loop3A_2707 : vector<16xf32>
      %parallel_loop3A_2709 = arith.constant 0 : i32
      %parallel_loop3A_2710 = arith.constant 0 : i32
      %parallel_loop3A_2711 = tpu.memref_slice %arg9[%parallel_loop3A_550, %parallel_loop3A_2709, %parallel_loop3A_2710] : memref<5x128x128xf32, #tpu.memory_space<vmem>> -> memref<1x128x128xf32, #tpu.memory_space<vmem>>
      %parallel_loop3A_2712 = tpu.memref_squeeze %parallel_loop3A_2711 : memref<1x128x128xf32, #tpu.memory_space<vmem>> -> memref<128x128xf32, #tpu.memory_space<vmem>>
      %parallel_loop3A_2713 = arith.index_cast %parallel_loop3A_2622 : i32 to index
      %parallel_loop3A_2714 = arith.constant 112 : index
      %parallel_loop3A_2715 = tpu.vector_load %parallel_loop3A_2712[%parallel_loop3A_2713, %parallel_loop3A_2714] {strides = array<i32>} : memref<128x128xf32, #tpu.memory_space<vmem>>, vector<16xf32>,
      %parallel_loop3A_2716 = arith.mulf %parallel_loop3A_2646, %parallel_loop3A_2715 : vector<16xf32>
      %parallel_loop3A_2717 = arith.addf %parallel_loop3A_2708, %parallel_loop3A_2716 : vector<16xf32>
      %parallel_loop3A_2718 = arith.constant 129 : i32
      %parallel_loop3A_2719 = vector.broadcast %parallel_loop3A_2718 : i32 to vector<16xi32>
      %parallel_loop3A_2720 = arith.muli %iota3A, %parallel_loop3A_2719 : vector<16xi32>
      %parallel_loop3A_2721 = arith.constant 0 : i32
      %parallel_loop3A_2722 = arith.addi %parallel_loop3A_2622, %parallel_loop3A_2721 : i32
      %parallel_loop3A_2723 = vector.broadcast %parallel_loop3A_2722 : i32 to vector<16xi32>
      %parallel_loop3A_2724 = arith.addi %parallel_loop3A_2720, %parallel_loop3A_2723 : vector<16xi32>
      tpu.vector_store_idx %arg10[%parallel_loop3A_2724], %parallel_loop3A_2717 : memref<6192xf32, #tpu.memory_space<vmem>>[vector<16xi32>], vector<16xf32>,
      %parallel_loop3A_2725 = arith.constant 0 : i32
      %parallel_loop3A_2726 = arith.constant 0 : i32
      %parallel_loop3A_2727 = tpu.memref_slice %arg9[%parallel_loop3A_551, %parallel_loop3A_2725, %parallel_loop3A_2726] : memref<5x128x128xf32, #tpu.memory_space<vmem>> -> memref<1x128x128xf32, #tpu.memory_space<vmem>>
      %parallel_loop3A_2728 = tpu.memref_squeeze %parallel_loop3A_2727 : memref<1x128x128xf32, #tpu.memory_space<vmem>> -> memref<128x128xf32, #tpu.memory_space<vmem>>
      %parallel_loop3A_2729 = arith.index_cast %parallel_loop3A_2622 : i32 to index
      %parallel_loop3A_2730 = arith.constant 0 : index
      %parallel_loop3A_2731 = tpu.vector_load %parallel_loop3A_2728[%parallel_loop3A_2729, %parallel_loop3A_2730] {strides = array<i32>} : memref<128x128xf32, #tpu.memory_space<vmem>>, vector<16xf32>,
      %parallel_loop3A_2732 = arith.mulf %parallel_loop3A_2625, %parallel_loop3A_2731 : vector<16xf32>
      %parallel_loop3A_2733 = arith.constant 0 : i32
      %parallel_loop3A_2734 = arith.constant 0 : i32
      %parallel_loop3A_2735 = tpu.memref_slice %arg9[%parallel_loop3A_551, %parallel_loop3A_2733, %parallel_loop3A_2734] : memref<5x128x128xf32, #tpu.memory_space<vmem>> -> memref<1x128x128xf32, #tpu.memory_space<vmem>>
      %parallel_loop3A_2736 = tpu.memref_squeeze %parallel_loop3A_2735 : memref<1x128x128xf32, #tpu.memory_space<vmem>> -> memref<128x128xf32, #tpu.memory_space<vmem>>
      %parallel_loop3A_2737 = arith.index_cast %parallel_loop3A_2622 : i32 to index
      %parallel_loop3A_2738 = arith.constant 16 : index
      %parallel_loop3A_2739 = tpu.vector_load %parallel_loop3A_2736[%parallel_loop3A_2737, %parallel_loop3A_2738] {strides = array<i32>} : memref<128x128xf32, #tpu.memory_space<vmem>>, vector<16xf32>,
      %parallel_loop3A_2740 = arith.mulf %parallel_loop3A_2628, %parallel_loop3A_2739 : vector<16xf32>
      %parallel_loop3A_2741 = arith.addf %parallel_loop3A_2732, %parallel_loop3A_2740 : vector<16xf32>
      %parallel_loop3A_2742 = arith.constant 0 : i32
      %parallel_loop3A_2743 = arith.constant 0 : i32
      %parallel_loop3A_2744 = tpu.memref_slice %arg9[%parallel_loop3A_551, %parallel_loop3A_2742, %parallel_loop3A_2743] : memref<5x128x128xf32, #tpu.memory_space<vmem>> -> memref<1x128x128xf32, #tpu.memory_space<vmem>>
      %parallel_loop3A_2745 = tpu.memref_squeeze %parallel_loop3A_2744 : memref<1x128x128xf32, #tpu.memory_space<vmem>> -> memref<128x128xf32, #tpu.memory_space<vmem>>
      %parallel_loop3A_2746 = arith.index_cast %parallel_loop3A_2622 : i32 to index
      %parallel_loop3A_2747 = arith.constant 32 : index
      %parallel_loop3A_2748 = tpu.vector_load %parallel_loop3A_2745[%parallel_loop3A_2746, %parallel_loop3A_2747] {strides = array<i32>} : memref<128x128xf32, #tpu.memory_space<vmem>>, vector<16xf32>,
      %parallel_loop3A_2749 = arith.mulf %parallel_loop3A_2631, %parallel_loop3A_2748 : vector<16xf32>
      %parallel_loop3A_2750 = arith.addf %parallel_loop3A_2741, %parallel_loop3A_2749 : vector<16xf32>
      %parallel_loop3A_2751 = arith.constant 0 : i32
      %parallel_loop3A_2752 = arith.constant 0 : i32
      %parallel_loop3A_2753 = tpu.memref_slice %arg9[%parallel_loop3A_551, %parallel_loop3A_2751, %parallel_loop3A_2752] : memref<5x128x128xf32, #tpu.memory_space<vmem>> -> memref<1x128x128xf32, #tpu.memory_space<vmem>>
      %parallel_loop3A_2754 = tpu.memref_squeeze %parallel_loop3A_2753 : memref<1x128x128xf32, #tpu.memory_space<vmem>> -> memref<128x128xf32, #tpu.memory_space<vmem>>
      %parallel_loop3A_2755 = arith.index_cast %parallel_loop3A_2622 : i32 to index
      %parallel_loop3A_2756 = arith.constant 48 : index
      %parallel_loop3A_2757 = tpu.vector_load %parallel_loop3A_2754[%parallel_loop3A_2755, %parallel_loop3A_2756] {strides = array<i32>} : memref<128x128xf32, #tpu.memory_space<vmem>>, vector<16xf32>,
      %parallel_loop3A_2758 = arith.mulf %parallel_loop3A_2634, %parallel_loop3A_2757 : vector<16xf32>
      %parallel_loop3A_2759 = arith.addf %parallel_loop3A_2750, %parallel_loop3A_2758 : vector<16xf32>
      %parallel_loop3A_2760 = arith.constant 0 : i32
      %parallel_loop3A_2761 = arith.constant 0 : i32
      %parallel_loop3A_2762 = tpu.memref_slice %arg9[%parallel_loop3A_551, %parallel_loop3A_2760, %parallel_loop3A_2761] : memref<5x128x128xf32, #tpu.memory_space<vmem>> -> memref<1x128x128xf32, #tpu.memory_space<vmem>>
      %parallel_loop3A_2763 = tpu.memref_squeeze %parallel_loop3A_2762 : memref<1x128x128xf32, #tpu.memory_space<vmem>> -> memref<128x128xf32, #tpu.memory_space<vmem>>
      %parallel_loop3A_2764 = arith.index_cast %parallel_loop3A_2622 : i32 to index
      %parallel_loop3A_2765 = arith.constant 64 : index
      %parallel_loop3A_2766 = tpu.vector_load %parallel_loop3A_2763[%parallel_loop3A_2764, %parallel_loop3A_2765] {strides = array<i32>} : memref<128x128xf32, #tpu.memory_space<vmem>>, vector<16xf32>,
      %parallel_loop3A_2767 = arith.mulf %parallel_loop3A_2637, %parallel_loop3A_2766 : vector<16xf32>
      %parallel_loop3A_2768 = arith.addf %parallel_loop3A_2759, %parallel_loop3A_2767 : vector<16xf32>
      %parallel_loop3A_2769 = arith.constant 0 : i32
      %parallel_loop3A_2770 = arith.constant 0 : i32
      %parallel_loop3A_2771 = tpu.memref_slice %arg9[%parallel_loop3A_551, %parallel_loop3A_2769, %parallel_loop3A_2770] : memref<5x128x128xf32, #tpu.memory_space<vmem>> -> memref<1x128x128xf32, #tpu.memory_space<vmem>>
      %parallel_loop3A_2772 = tpu.memref_squeeze %parallel_loop3A_2771 : memref<1x128x128xf32, #tpu.memory_space<vmem>> -> memref<128x128xf32, #tpu.memory_space<vmem>>
      %parallel_loop3A_2773 = arith.index_cast %parallel_loop3A_2622 : i32 to index
      %parallel_loop3A_2774 = arith.constant 80 : index
      %parallel_loop3A_2775 = tpu.vector_load %parallel_loop3A_2772[%parallel_loop3A_2773, %parallel_loop3A_2774] {strides = array<i32>} : memref<128x128xf32, #tpu.memory_space<vmem>>, vector<16xf32>,
      %parallel_loop3A_2776 = arith.mulf %parallel_loop3A_2640, %parallel_loop3A_2775 : vector<16xf32>
      %parallel_loop3A_2777 = arith.addf %parallel_loop3A_2768, %parallel_loop3A_2776 : vector<16xf32>
      %parallel_loop3A_2778 = arith.constant 0 : i32
      %parallel_loop3A_2779 = arith.constant 0 : i32
      %parallel_loop3A_2780 = tpu.memref_slice %arg9[%parallel_loop3A_551, %parallel_loop3A_2778, %parallel_loop3A_2779] : memref<5x128x128xf32, #tpu.memory_space<vmem>> -> memref<1x128x128xf32, #tpu.memory_space<vmem>>
      %parallel_loop3A_2781 = tpu.memref_squeeze %parallel_loop3A_2780 : memref<1x128x128xf32, #tpu.memory_space<vmem>> -> memref<128x128xf32, #tpu.memory_space<vmem>>
      %parallel_loop3A_2782 = arith.index_cast %parallel_loop3A_2622 : i32 to index
      %parallel_loop3A_2783 = arith.constant 96 : index
      %parallel_loop3A_2784 = tpu.vector_load %parallel_loop3A_2781[%parallel_loop3A_2782, %parallel_loop3A_2783] {strides = array<i32>} : memref<128x128xf32, #tpu.memory_space<vmem>>, vector<16xf32>,
      %parallel_loop3A_2785 = arith.mulf %parallel_loop3A_2643, %parallel_loop3A_2784 : vector<16xf32>
      %parallel_loop3A_2786 = arith.addf %parallel_loop3A_2777, %parallel_loop3A_2785 : vector<16xf32>
      %parallel_loop3A_2787 = arith.constant 0 : i32
      %parallel_loop3A_2788 = arith.constant 0 : i32
      %parallel_loop3A_2789 = tpu.memref_slice %arg9[%parallel_loop3A_551, %parallel_loop3A_2787, %parallel_loop3A_2788] : memref<5x128x128xf32, #tpu.memory_space<vmem>> -> memref<1x128x128xf32, #tpu.memory_space<vmem>>
      %parallel_loop3A_2790 = tpu.memref_squeeze %parallel_loop3A_2789 : memref<1x128x128xf32, #tpu.memory_space<vmem>> -> memref<128x128xf32, #tpu.memory_space<vmem>>
      %parallel_loop3A_2791 = arith.index_cast %parallel_loop3A_2622 : i32 to index
      %parallel_loop3A_2792 = arith.constant 112 : index
      %parallel_loop3A_2793 = tpu.vector_load %parallel_loop3A_2790[%parallel_loop3A_2791, %parallel_loop3A_2792] {strides = array<i32>} : memref<128x128xf32, #tpu.memory_space<vmem>>, vector<16xf32>,
      %parallel_loop3A_2794 = arith.mulf %parallel_loop3A_2646, %parallel_loop3A_2793 : vector<16xf32>
      %parallel_loop3A_2795 = arith.addf %parallel_loop3A_2786, %parallel_loop3A_2794 : vector<16xf32>
      %parallel_loop3A_2796 = arith.constant 129 : i32
      %parallel_loop3A_2797 = vector.broadcast %parallel_loop3A_2796 : i32 to vector<16xi32>
      %parallel_loop3A_2798 = arith.muli %iota3A, %parallel_loop3A_2797 : vector<16xi32>
      %parallel_loop3A_2799 = arith.constant 2064 : i32
      %parallel_loop3A_2800 = arith.addi %parallel_loop3A_2622, %parallel_loop3A_2799 : i32
      %parallel_loop3A_2801 = vector.broadcast %parallel_loop3A_2800 : i32 to vector<16xi32>
      %parallel_loop3A_2802 = arith.addi %parallel_loop3A_2798, %parallel_loop3A_2801 : vector<16xi32>
      tpu.vector_store_idx %arg10[%parallel_loop3A_2802], %parallel_loop3A_2795 : memref<6192xf32, #tpu.memory_space<vmem>>[vector<16xi32>], vector<16xf32>,
      %parallel_loop3A_2803 = arith.constant 0 : i32
      %parallel_loop3A_2804 = arith.constant 0 : i32
      %parallel_loop3A_2805 = tpu.memref_slice %arg9[%parallel_loop3A_552, %parallel_loop3A_2803, %parallel_loop3A_2804] : memref<5x128x128xf32, #tpu.memory_space<vmem>> -> memref<1x128x128xf32, #tpu.memory_space<vmem>>
      %parallel_loop3A_2806 = tpu.memref_squeeze %parallel_loop3A_2805 : memref<1x128x128xf32, #tpu.memory_space<vmem>> -> memref<128x128xf32, #tpu.memory_space<vmem>>
      %parallel_loop3A_2807 = arith.index_cast %parallel_loop3A_2622 : i32 to index
      %parallel_loop3A_2808 = arith.constant 0 : index
      %parallel_loop3A_2809 = tpu.vector_load %parallel_loop3A_2806[%parallel_loop3A_2807, %parallel_loop3A_2808] {strides = array<i32>} : memref<128x128xf32, #tpu.memory_space<vmem>>, vector<16xf32>,
      %parallel_loop3A_2810 = arith.mulf %parallel_loop3A_2625, %parallel_loop3A_2809 : vector<16xf32>
      %parallel_loop3A_2811 = arith.constant 0 : i32
      %parallel_loop3A_2812 = arith.constant 0 : i32
      %parallel_loop3A_2813 = tpu.memref_slice %arg9[%parallel_loop3A_552, %parallel_loop3A_2811, %parallel_loop3A_2812] : memref<5x128x128xf32, #tpu.memory_space<vmem>> -> memref<1x128x128xf32, #tpu.memory_space<vmem>>
      %parallel_loop3A_2814 = tpu.memref_squeeze %parallel_loop3A_2813 : memref<1x128x128xf32, #tpu.memory_space<vmem>> -> memref<128x128xf32, #tpu.memory_space<vmem>>
      %parallel_loop3A_2815 = arith.index_cast %parallel_loop3A_2622 : i32 to index
      %parallel_loop3A_2816 = arith.constant 16 : index
      %parallel_loop3A_2817 = tpu.vector_load %parallel_loop3A_2814[%parallel_loop3A_2815, %parallel_loop3A_2816] {strides = array<i32>} : memref<128x128xf32, #tpu.memory_space<vmem>>, vector<16xf32>,
      %parallel_loop3A_2818 = arith.mulf %parallel_loop3A_2628, %parallel_loop3A_2817 : vector<16xf32>
      %parallel_loop3A_2819 = arith.addf %parallel_loop3A_2810, %parallel_loop3A_2818 : vector<16xf32>
      %parallel_loop3A_2820 = arith.constant 0 : i32
      %parallel_loop3A_2821 = arith.constant 0 : i32
      %parallel_loop3A_2822 = tpu.memref_slice %arg9[%parallel_loop3A_552, %parallel_loop3A_2820, %parallel_loop3A_2821] : memref<5x128x128xf32, #tpu.memory_space<vmem>> -> memref<1x128x128xf32, #tpu.memory_space<vmem>>
      %parallel_loop3A_2823 = tpu.memref_squeeze %parallel_loop3A_2822 : memref<1x128x128xf32, #tpu.memory_space<vmem>> -> memref<128x128xf32, #tpu.memory_space<vmem>>
      %parallel_loop3A_2824 = arith.index_cast %parallel_loop3A_2622 : i32 to index
      %parallel_loop3A_2825 = arith.constant 32 : index
      %parallel_loop3A_2826 = tpu.vector_load %parallel_loop3A_2823[%parallel_loop3A_2824, %parallel_loop3A_2825] {strides = array<i32>} : memref<128x128xf32, #tpu.memory_space<vmem>>, vector<16xf32>,
      %parallel_loop3A_2827 = arith.mulf %parallel_loop3A_2631, %parallel_loop3A_2826 : vector<16xf32>
      %parallel_loop3A_2828 = arith.addf %parallel_loop3A_2819, %parallel_loop3A_2827 : vector<16xf32>
      %parallel_loop3A_2829 = arith.constant 0 : i32
      %parallel_loop3A_2830 = arith.constant 0 : i32
      %parallel_loop3A_2831 = tpu.memref_slice %arg9[%parallel_loop3A_552, %parallel_loop3A_2829, %parallel_loop3A_2830] : memref<5x128x128xf32, #tpu.memory_space<vmem>> -> memref<1x128x128xf32, #tpu.memory_space<vmem>>
      %parallel_loop3A_2832 = tpu.memref_squeeze %parallel_loop3A_2831 : memref<1x128x128xf32, #tpu.memory_space<vmem>> -> memref<128x128xf32, #tpu.memory_space<vmem>>
      %parallel_loop3A_2833 = arith.index_cast %parallel_loop3A_2622 : i32 to index
      %parallel_loop3A_2834 = arith.constant 48 : index
      %parallel_loop3A_2835 = tpu.vector_load %parallel_loop3A_2832[%parallel_loop3A_2833, %parallel_loop3A_2834] {strides = array<i32>} : memref<128x128xf32, #tpu.memory_space<vmem>>, vector<16xf32>,
      %parallel_loop3A_2836 = arith.mulf %parallel_loop3A_2634, %parallel_loop3A_2835 : vector<16xf32>
      %parallel_loop3A_2837 = arith.addf %parallel_loop3A_2828, %parallel_loop3A_2836 : vector<16xf32>
      %parallel_loop3A_2838 = arith.constant 0 : i32
      %parallel_loop3A_2839 = arith.constant 0 : i32
      %parallel_loop3A_2840 = tpu.memref_slice %arg9[%parallel_loop3A_552, %parallel_loop3A_2838, %parallel_loop3A_2839] : memref<5x128x128xf32, #tpu.memory_space<vmem>> -> memref<1x128x128xf32, #tpu.memory_space<vmem>>
      %parallel_loop3A_2841 = tpu.memref_squeeze %parallel_loop3A_2840 : memref<1x128x128xf32, #tpu.memory_space<vmem>> -> memref<128x128xf32, #tpu.memory_space<vmem>>
      %parallel_loop3A_2842 = arith.index_cast %parallel_loop3A_2622 : i32 to index
      %parallel_loop3A_2843 = arith.constant 64 : index
      %parallel_loop3A_2844 = tpu.vector_load %parallel_loop3A_2841[%parallel_loop3A_2842, %parallel_loop3A_2843] {strides = array<i32>} : memref<128x128xf32, #tpu.memory_space<vmem>>, vector<16xf32>,
      %parallel_loop3A_2845 = arith.mulf %parallel_loop3A_2637, %parallel_loop3A_2844 : vector<16xf32>
      %parallel_loop3A_2846 = arith.addf %parallel_loop3A_2837, %parallel_loop3A_2845 : vector<16xf32>
      %parallel_loop3A_2847 = arith.constant 0 : i32
      %parallel_loop3A_2848 = arith.constant 0 : i32
      %parallel_loop3A_2849 = tpu.memref_slice %arg9[%parallel_loop3A_552, %parallel_loop3A_2847, %parallel_loop3A_2848] : memref<5x128x128xf32, #tpu.memory_space<vmem>> -> memref<1x128x128xf32, #tpu.memory_space<vmem>>
      %parallel_loop3A_2850 = tpu.memref_squeeze %parallel_loop3A_2849 : memref<1x128x128xf32, #tpu.memory_space<vmem>> -> memref<128x128xf32, #tpu.memory_space<vmem>>
      %parallel_loop3A_2851 = arith.index_cast %parallel_loop3A_2622 : i32 to index
      %parallel_loop3A_2852 = arith.constant 80 : index
      %parallel_loop3A_2853 = tpu.vector_load %parallel_loop3A_2850[%parallel_loop3A_2851, %parallel_loop3A_2852] {strides = array<i32>} : memref<128x128xf32, #tpu.memory_space<vmem>>, vector<16xf32>,
      %parallel_loop3A_2854 = arith.mulf %parallel_loop3A_2640, %parallel_loop3A_2853 : vector<16xf32>
      %parallel_loop3A_2855 = arith.addf %parallel_loop3A_2846, %parallel_loop3A_2854 : vector<16xf32>
      %parallel_loop3A_2856 = arith.constant 0 : i32
      %parallel_loop3A_2857 = arith.constant 0 : i32
      %parallel_loop3A_2858 = tpu.memref_slice %arg9[%parallel_loop3A_552, %parallel_loop3A_2856, %parallel_loop3A_2857] : memref<5x128x128xf32, #tpu.memory_space<vmem>> -> memref<1x128x128xf32, #tpu.memory_space<vmem>>
      %parallel_loop3A_2859 = tpu.memref_squeeze %parallel_loop3A_2858 : memref<1x128x128xf32, #tpu.memory_space<vmem>> -> memref<128x128xf32, #tpu.memory_space<vmem>>
      %parallel_loop3A_2860 = arith.index_cast %parallel_loop3A_2622 : i32 to index
      %parallel_loop3A_2861 = arith.constant 96 : index
      %parallel_loop3A_2862 = tpu.vector_load %parallel_loop3A_2859[%parallel_loop3A_2860, %parallel_loop3A_2861] {strides = array<i32>} : memref<128x128xf32, #tpu.memory_space<vmem>>, vector<16xf32>,
      %parallel_loop3A_2863 = arith.mulf %parallel_loop3A_2643, %parallel_loop3A_2862 : vector<16xf32>
      %parallel_loop3A_2864 = arith.addf %parallel_loop3A_2855, %parallel_loop3A_2863 : vector<16xf32>
      %parallel_loop3A_2865 = arith.constant 0 : i32
      %parallel_loop3A_2866 = arith.constant 0 : i32
      %parallel_loop3A_2867 = tpu.memref_slice %arg9[%parallel_loop3A_552, %parallel_loop3A_2865, %parallel_loop3A_2866] : memref<5x128x128xf32, #tpu.memory_space<vmem>> -> memref<1x128x128xf32, #tpu.memory_space<vmem>>
      %parallel_loop3A_2868 = tpu.memref_squeeze %parallel_loop3A_2867 : memref<1x128x128xf32, #tpu.memory_space<vmem>> -> memref<128x128xf32, #tpu.memory_space<vmem>>
      %parallel_loop3A_2869 = arith.index_cast %parallel_loop3A_2622 : i32 to index
      %parallel_loop3A_2870 = arith.constant 112 : index
      %parallel_loop3A_2871 = tpu.vector_load %parallel_loop3A_2868[%parallel_loop3A_2869, %parallel_loop3A_2870] {strides = array<i32>} : memref<128x128xf32, #tpu.memory_space<vmem>>, vector<16xf32>,
      %parallel_loop3A_2872 = arith.mulf %parallel_loop3A_2646, %parallel_loop3A_2871 : vector<16xf32>
      %parallel_loop3A_2873 = arith.addf %parallel_loop3A_2864, %parallel_loop3A_2872 : vector<16xf32>
      %parallel_loop3A_2874 = arith.constant 129 : i32
      %parallel_loop3A_2875 = vector.broadcast %parallel_loop3A_2874 : i32 to vector<16xi32>
      %parallel_loop3A_2876 = arith.muli %iota3A, %parallel_loop3A_2875 : vector<16xi32>
      %parallel_loop3A_2877 = arith.constant 4128 : i32
      %parallel_loop3A_2878 = arith.addi %parallel_loop3A_2622, %parallel_loop3A_2877 : i32
      %parallel_loop3A_2879 = vector.broadcast %parallel_loop3A_2878 : i32 to vector<16xi32>
      %parallel_loop3A_2880 = arith.addi %parallel_loop3A_2876, %parallel_loop3A_2879 : vector<16xi32>
      tpu.vector_store_idx %arg10[%parallel_loop3A_2880], %parallel_loop3A_2873 : memref<6192xf32, #tpu.memory_space<vmem>>[vector<16xi32>], vector<16xf32>,
    } {sc.loop_unroll_factor = 2 : i64, sc.parallel_access}
    %get3A_553 = arith.constant 0 : index
    %get3A_554 = tpu.vector_load %arg10[%get3A_553] {strides = array<i32>} : memref<6192xf32, #tpu.memory_space<vmem>>, vector<16xf32>,
    %get3A_555 = arith.constant 129 : index
    %get3A_556 = tpu.vector_load %arg10[%get3A_555] {strides = array<i32>} : memref<6192xf32, #tpu.memory_space<vmem>>, vector<16xf32>,
    %add3A_557 = arith.addf %get3A_554, %get3A_556 : vector<16xf32>
    %get3A_558 = arith.constant 258 : index
    %get3A_559 = tpu.vector_load %arg10[%get3A_558] {strides = array<i32>} : memref<6192xf32, #tpu.memory_space<vmem>>, vector<16xf32>,
    %add3A_560 = arith.addf %add3A_557, %get3A_559 : vector<16xf32>
    %get3A_561 = arith.constant 387 : index
    %get3A_562 = tpu.vector_load %arg10[%get3A_561] {strides = array<i32>} : memref<6192xf32, #tpu.memory_space<vmem>>, vector<16xf32>,
    %add3A_563 = arith.addf %add3A_560, %get3A_562 : vector<16xf32>
    %get3A_564 = arith.constant 516 : index
    %get3A_565 = tpu.vector_load %arg10[%get3A_564] {strides = array<i32>} : memref<6192xf32, #tpu.memory_space<vmem>>, vector<16xf32>,
    %add3A_566 = arith.addf %add3A_563, %get3A_565 : vector<16xf32>
    %get3A_567 = arith.constant 645 : index
    %get3A_568 = tpu.vector_load %arg10[%get3A_567] {strides = array<i32>} : memref<6192xf32, #tpu.memory_space<vmem>>, vector<16xf32>,
    %add3A_569 = arith.addf %add3A_566, %get3A_568 : vector<16xf32>
    %get3A_570 = arith.constant 774 : index
    %get3A_571 = tpu.vector_load %arg10[%get3A_570] {strides = array<i32>} : memref<6192xf32, #tpu.memory_space<vmem>>, vector<16xf32>,
    %add3A_572 = arith.addf %add3A_569, %get3A_571 : vector<16xf32>
    %get3A_573 = arith.constant 903 : index
    %get3A_574 = tpu.vector_load %arg10[%get3A_573] {strides = array<i32>} : memref<6192xf32, #tpu.memory_space<vmem>>, vector<16xf32>,
    %add3A_575 = arith.addf %add3A_572, %get3A_574 : vector<16xf32>
    %get3A_576 = arith.constant 1032 : index
    %get3A_577 = tpu.vector_load %arg10[%get3A_576] {strides = array<i32>} : memref<6192xf32, #tpu.memory_space<vmem>>, vector<16xf32>,
    %add3A_578 = arith.addf %add3A_575, %get3A_577 : vector<16xf32>
    %get3A_579 = arith.constant 1161 : index
    %get3A_580 = tpu.vector_load %arg10[%get3A_579] {strides = array<i32>} : memref<6192xf32, #tpu.memory_space<vmem>>, vector<16xf32>,
    %add3A_581 = arith.addf %add3A_578, %get3A_580 : vector<16xf32>
    %get3A_582 = arith.constant 1290 : index
    %get3A_583 = tpu.vector_load %arg10[%get3A_582] {strides = array<i32>} : memref<6192xf32, #tpu.memory_space<vmem>>, vector<16xf32>,
    %add3A_584 = arith.addf %add3A_581, %get3A_583 : vector<16xf32>
    %get3A_585 = arith.constant 1419 : index
    %get3A_586 = tpu.vector_load %arg10[%get3A_585] {strides = array<i32>} : memref<6192xf32, #tpu.memory_space<vmem>>, vector<16xf32>,
    %add3A_587 = arith.addf %add3A_584, %get3A_586 : vector<16xf32>
    %get3A_588 = arith.constant 1548 : index
    %get3A_589 = tpu.vector_load %arg10[%get3A_588] {strides = array<i32>} : memref<6192xf32, #tpu.memory_space<vmem>>, vector<16xf32>,
    %add3A_590 = arith.addf %add3A_587, %get3A_589 : vector<16xf32>
    %get3A_591 = arith.constant 1677 : index
    %get3A_592 = tpu.vector_load %arg10[%get3A_591] {strides = array<i32>} : memref<6192xf32, #tpu.memory_space<vmem>>, vector<16xf32>,
    %add3A_593 = arith.addf %add3A_590, %get3A_592 : vector<16xf32>
    %get3A_594 = arith.constant 1806 : index
    %get3A_595 = tpu.vector_load %arg10[%get3A_594] {strides = array<i32>} : memref<6192xf32, #tpu.memory_space<vmem>>, vector<16xf32>,
    %add3A_596 = arith.addf %add3A_593, %get3A_595 : vector<16xf32>
    %get3A_597 = arith.constant 1935 : index
    %get3A_598 = tpu.vector_load %arg10[%get3A_597] {strides = array<i32>} : memref<6192xf32, #tpu.memory_space<vmem>>, vector<16xf32>,
    %add3A_599 = arith.addf %add3A_596, %get3A_598 : vector<16xf32>
    %swap3A_600 = arith.constant 1 : i32
    %swap3A_601 = arith.index_cast %swap3A_600 : i32 to index
    %swap3A_602 = arith.constant 0 : index
    %swap3A_603 = tpu.vector_load %arg11[%swap3A_601, %swap3A_602] {strides = array<i32>} : memref<6x128xf32, #tpu.memory_space<vmem>>, vector<16xf32>,
    tpu.vector_store %arg11[%swap3A_601, %swap3A_602], %add3A_599 {strides = array<i32>} : memref<6x128xf32, #tpu.memory_space<vmem>>, vector<16xf32>,
    %get3A_604 = arith.constant 16 : index
    %get3A_605 = tpu.vector_load %arg10[%get3A_604] {strides = array<i32>} : memref<6192xf32, #tpu.memory_space<vmem>>, vector<16xf32>,
    %get3A_606 = arith.constant 145 : index
    %get3A_607 = tpu.vector_load %arg10[%get3A_606] {strides = array<i32>} : memref<6192xf32, #tpu.memory_space<vmem>>, vector<16xf32>,
    %add3A_608 = arith.addf %get3A_605, %get3A_607 : vector<16xf32>
    %get3A_609 = arith.constant 274 : index
    %get3A_610 = tpu.vector_load %arg10[%get3A_609] {strides = array<i32>} : memref<6192xf32, #tpu.memory_space<vmem>>, vector<16xf32>,
    %add3A_611 = arith.addf %add3A_608, %get3A_610 : vector<16xf32>
    %get3A_612 = arith.constant 403 : index
    %get3A_613 = tpu.vector_load %arg10[%get3A_612] {strides = array<i32>} : memref<6192xf32, #tpu.memory_space<vmem>>, vector<16xf32>,
    %add3A_614 = arith.addf %add3A_611, %get3A_613 : vector<16xf32>
    %get3A_615 = arith.constant 532 : index
    %get3A_616 = tpu.vector_load %arg10[%get3A_615] {strides = array<i32>} : memref<6192xf32, #tpu.memory_space<vmem>>, vector<16xf32>,
    %add3A_617 = arith.addf %add3A_614, %get3A_616 : vector<16xf32>
    %get3A_618 = arith.constant 661 : index
    %get3A_619 = tpu.vector_load %arg10[%get3A_618] {strides = array<i32>} : memref<6192xf32, #tpu.memory_space<vmem>>, vector<16xf32>,
    %add3A_620 = arith.addf %add3A_617, %get3A_619 : vector<16xf32>
    %get3A_621 = arith.constant 790 : index
    %get3A_622 = tpu.vector_load %arg10[%get3A_621] {strides = array<i32>} : memref<6192xf32, #tpu.memory_space<vmem>>, vector<16xf32>,
    %add3A_623 = arith.addf %add3A_620, %get3A_622 : vector<16xf32>
    %get3A_624 = arith.constant 919 : index
    %get3A_625 = tpu.vector_load %arg10[%get3A_624] {strides = array<i32>} : memref<6192xf32, #tpu.memory_space<vmem>>, vector<16xf32>,
    %add3A_626 = arith.addf %add3A_623, %get3A_625 : vector<16xf32>
    %get3A_627 = arith.constant 1048 : index
    %get3A_628 = tpu.vector_load %arg10[%get3A_627] {strides = array<i32>} : memref<6192xf32, #tpu.memory_space<vmem>>, vector<16xf32>,
    %add3A_629 = arith.addf %add3A_626, %get3A_628 : vector<16xf32>
    %get3A_630 = arith.constant 1177 : index
    %get3A_631 = tpu.vector_load %arg10[%get3A_630] {strides = array<i32>} : memref<6192xf32, #tpu.memory_space<vmem>>, vector<16xf32>,
    %add3A_632 = arith.addf %add3A_629, %get3A_631 : vector<16xf32>
    %get3A_633 = arith.constant 1306 : index
    %get3A_634 = tpu.vector_load %arg10[%get3A_633] {strides = array<i32>} : memref<6192xf32, #tpu.memory_space<vmem>>, vector<16xf32>,
    %add3A_635 = arith.addf %add3A_632, %get3A_634 : vector<16xf32>
    %get3A_636 = arith.constant 1435 : index
    %get3A_637 = tpu.vector_load %arg10[%get3A_636] {strides = array<i32>} : memref<6192xf32, #tpu.memory_space<vmem>>, vector<16xf32>,
    %add3A_638 = arith.addf %add3A_635, %get3A_637 : vector<16xf32>
    %get3A_639 = arith.constant 1564 : index
    %get3A_640 = tpu.vector_load %arg10[%get3A_639] {strides = array<i32>} : memref<6192xf32, #tpu.memory_space<vmem>>, vector<16xf32>,
    %add3A_641 = arith.addf %add3A_638, %get3A_640 : vector<16xf32>
    %get3A_642 = arith.constant 1693 : index
    %get3A_643 = tpu.vector_load %arg10[%get3A_642] {strides = array<i32>} : memref<6192xf32, #tpu.memory_space<vmem>>, vector<16xf32>,
    %add3A_644 = arith.addf %add3A_641, %get3A_643 : vector<16xf32>
    %get3A_645 = arith.constant 1822 : index
    %get3A_646 = tpu.vector_load %arg10[%get3A_645] {strides = array<i32>} : memref<6192xf32, #tpu.memory_space<vmem>>, vector<16xf32>,
    %add3A_647 = arith.addf %add3A_644, %get3A_646 : vector<16xf32>
    %get3A_648 = arith.constant 1951 : index
    %get3A_649 = tpu.vector_load %arg10[%get3A_648] {strides = array<i32>} : memref<6192xf32, #tpu.memory_space<vmem>>, vector<16xf32>,
    %add3A_650 = arith.addf %add3A_647, %get3A_649 : vector<16xf32>
    %swap3A_651 = arith.constant 1 : i32
    %swap3A_652 = arith.index_cast %swap3A_651 : i32 to index
    %swap3A_653 = arith.constant 16 : index
    %swap3A_654 = tpu.vector_load %arg11[%swap3A_652, %swap3A_653] {strides = array<i32>} : memref<6x128xf32, #tpu.memory_space<vmem>>, vector<16xf32>,
    tpu.vector_store %arg11[%swap3A_652, %swap3A_653], %add3A_650 {strides = array<i32>} : memref<6x128xf32, #tpu.memory_space<vmem>>, vector<16xf32>,
    %get3A_655 = arith.constant 32 : index
    %get3A_656 = tpu.vector_load %arg10[%get3A_655] {strides = array<i32>} : memref<6192xf32, #tpu.memory_space<vmem>>, vector<16xf32>,
    %get3A_657 = arith.constant 161 : index
    %get3A_658 = tpu.vector_load %arg10[%get3A_657] {strides = array<i32>} : memref<6192xf32, #tpu.memory_space<vmem>>, vector<16xf32>,
    %add3A_659 = arith.addf %get3A_656, %get3A_658 : vector<16xf32>
    %get3A_660 = arith.constant 290 : index
    %get3A_661 = tpu.vector_load %arg10[%get3A_660] {strides = array<i32>} : memref<6192xf32, #tpu.memory_space<vmem>>, vector<16xf32>,
    %add3A_662 = arith.addf %add3A_659, %get3A_661 : vector<16xf32>
    %get3A_663 = arith.constant 419 : index
    %get3A_664 = tpu.vector_load %arg10[%get3A_663] {strides = array<i32>} : memref<6192xf32, #tpu.memory_space<vmem>>, vector<16xf32>,
    %add3A_665 = arith.addf %add3A_662, %get3A_664 : vector<16xf32>
    %get3A_666 = arith.constant 548 : index
    %get3A_667 = tpu.vector_load %arg10[%get3A_666] {strides = array<i32>} : memref<6192xf32, #tpu.memory_space<vmem>>, vector<16xf32>,
    %add3A_668 = arith.addf %add3A_665, %get3A_667 : vector<16xf32>
    %get3A_669 = arith.constant 677 : index
    %get3A_670 = tpu.vector_load %arg10[%get3A_669] {strides = array<i32>} : memref<6192xf32, #tpu.memory_space<vmem>>, vector<16xf32>,
    %add3A_671 = arith.addf %add3A_668, %get3A_670 : vector<16xf32>
    %get3A_672 = arith.constant 806 : index
    %get3A_673 = tpu.vector_load %arg10[%get3A_672] {strides = array<i32>} : memref<6192xf32, #tpu.memory_space<vmem>>, vector<16xf32>,
    %add3A_674 = arith.addf %add3A_671, %get3A_673 : vector<16xf32>
    %get3A_675 = arith.constant 935 : index
    %get3A_676 = tpu.vector_load %arg10[%get3A_675] {strides = array<i32>} : memref<6192xf32, #tpu.memory_space<vmem>>, vector<16xf32>,
    %add3A_677 = arith.addf %add3A_674, %get3A_676 : vector<16xf32>
    %get3A_678 = arith.constant 1064 : index
    %get3A_679 = tpu.vector_load %arg10[%get3A_678] {strides = array<i32>} : memref<6192xf32, #tpu.memory_space<vmem>>, vector<16xf32>,
    %add3A_680 = arith.addf %add3A_677, %get3A_679 : vector<16xf32>
    %get3A_681 = arith.constant 1193 : index
    %get3A_682 = tpu.vector_load %arg10[%get3A_681] {strides = array<i32>} : memref<6192xf32, #tpu.memory_space<vmem>>, vector<16xf32>,
    %add3A_683 = arith.addf %add3A_680, %get3A_682 : vector<16xf32>
    %get3A_684 = arith.constant 1322 : index
    %get3A_685 = tpu.vector_load %arg10[%get3A_684] {strides = array<i32>} : memref<6192xf32, #tpu.memory_space<vmem>>, vector<16xf32>,
    %add3A_686 = arith.addf %add3A_683, %get3A_685 : vector<16xf32>
    %get3A_687 = arith.constant 1451 : index
    %get3A_688 = tpu.vector_load %arg10[%get3A_687] {strides = array<i32>} : memref<6192xf32, #tpu.memory_space<vmem>>, vector<16xf32>,
    %add3A_689 = arith.addf %add3A_686, %get3A_688 : vector<16xf32>
    %get3A_690 = arith.constant 1580 : index
    %get3A_691 = tpu.vector_load %arg10[%get3A_690] {strides = array<i32>} : memref<6192xf32, #tpu.memory_space<vmem>>, vector<16xf32>,
    %add3A_692 = arith.addf %add3A_689, %get3A_691 : vector<16xf32>
    %get3A_693 = arith.constant 1709 : index
    %get3A_694 = tpu.vector_load %arg10[%get3A_693] {strides = array<i32>} : memref<6192xf32, #tpu.memory_space<vmem>>, vector<16xf32>,
    %add3A_695 = arith.addf %add3A_692, %get3A_694 : vector<16xf32>
    %get3A_696 = arith.constant 1838 : index
    %get3A_697 = tpu.vector_load %arg10[%get3A_696] {strides = array<i32>} : memref<6192xf32, #tpu.memory_space<vmem>>, vector<16xf32>,
    %add3A_698 = arith.addf %add3A_695, %get3A_697 : vector<16xf32>
    %get3A_699 = arith.constant 1967 : index
    %get3A_700 = tpu.vector_load %arg10[%get3A_699] {strides = array<i32>} : memref<6192xf32, #tpu.memory_space<vmem>>, vector<16xf32>,
    %add3A_701 = arith.addf %add3A_698, %get3A_700 : vector<16xf32>
    %swap3A_702 = arith.constant 1 : i32
    %swap3A_703 = arith.index_cast %swap3A_702 : i32 to index
    %swap3A_704 = arith.constant 32 : index
    %swap3A_705 = tpu.vector_load %arg11[%swap3A_703, %swap3A_704] {strides = array<i32>} : memref<6x128xf32, #tpu.memory_space<vmem>>, vector<16xf32>,
    tpu.vector_store %arg11[%swap3A_703, %swap3A_704], %add3A_701 {strides = array<i32>} : memref<6x128xf32, #tpu.memory_space<vmem>>, vector<16xf32>,
    %get3A_706 = arith.constant 48 : index
    %get3A_707 = tpu.vector_load %arg10[%get3A_706] {strides = array<i32>} : memref<6192xf32, #tpu.memory_space<vmem>>, vector<16xf32>,
    %get3A_708 = arith.constant 177 : index
    %get3A_709 = tpu.vector_load %arg10[%get3A_708] {strides = array<i32>} : memref<6192xf32, #tpu.memory_space<vmem>>, vector<16xf32>,
    %add3A_710 = arith.addf %get3A_707, %get3A_709 : vector<16xf32>
    %get3A_711 = arith.constant 306 : index
    %get3A_712 = tpu.vector_load %arg10[%get3A_711] {strides = array<i32>} : memref<6192xf32, #tpu.memory_space<vmem>>, vector<16xf32>,
    %add3A_713 = arith.addf %add3A_710, %get3A_712 : vector<16xf32>
    %get3A_714 = arith.constant 435 : index
    %get3A_715 = tpu.vector_load %arg10[%get3A_714] {strides = array<i32>} : memref<6192xf32, #tpu.memory_space<vmem>>, vector<16xf32>,
    %add3A_716 = arith.addf %add3A_713, %get3A_715 : vector<16xf32>
    %get3A_717 = arith.constant 564 : index
    %get3A_718 = tpu.vector_load %arg10[%get3A_717] {strides = array<i32>} : memref<6192xf32, #tpu.memory_space<vmem>>, vector<16xf32>,
    %add3A_719 = arith.addf %add3A_716, %get3A_718 : vector<16xf32>
    %get3A_720 = arith.constant 693 : index
    %get3A_721 = tpu.vector_load %arg10[%get3A_720] {strides = array<i32>} : memref<6192xf32, #tpu.memory_space<vmem>>, vector<16xf32>,
    %add3A_722 = arith.addf %add3A_719, %get3A_721 : vector<16xf32>
    %get3A_723 = arith.constant 822 : index
    %get3A_724 = tpu.vector_load %arg10[%get3A_723] {strides = array<i32>} : memref<6192xf32, #tpu.memory_space<vmem>>, vector<16xf32>,
    %add3A_725 = arith.addf %add3A_722, %get3A_724 : vector<16xf32>
    %get3A_726 = arith.constant 951 : index
    %get3A_727 = tpu.vector_load %arg10[%get3A_726] {strides = array<i32>} : memref<6192xf32, #tpu.memory_space<vmem>>, vector<16xf32>,
    %add3A_728 = arith.addf %add3A_725, %get3A_727 : vector<16xf32>
    %get3A_729 = arith.constant 1080 : index
    %get3A_730 = tpu.vector_load %arg10[%get3A_729] {strides = array<i32>} : memref<6192xf32, #tpu.memory_space<vmem>>, vector<16xf32>,
    %add3A_731 = arith.addf %add3A_728, %get3A_730 : vector<16xf32>
    %get3A_732 = arith.constant 1209 : index
    %get3A_733 = tpu.vector_load %arg10[%get3A_732] {strides = array<i32>} : memref<6192xf32, #tpu.memory_space<vmem>>, vector<16xf32>,
    %add3A_734 = arith.addf %add3A_731, %get3A_733 : vector<16xf32>
    %get3A_735 = arith.constant 1338 : index
    %get3A_736 = tpu.vector_load %arg10[%get3A_735] {strides = array<i32>} : memref<6192xf32, #tpu.memory_space<vmem>>, vector<16xf32>,
    %add3A_737 = arith.addf %add3A_734, %get3A_736 : vector<16xf32>
    %get3A_738 = arith.constant 1467 : index
    %get3A_739 = tpu.vector_load %arg10[%get3A_738] {strides = array<i32>} : memref<6192xf32, #tpu.memory_space<vmem>>, vector<16xf32>,
    %add3A_740 = arith.addf %add3A_737, %get3A_739 : vector<16xf32>
    %get3A_741 = arith.constant 1596 : index
    %get3A_742 = tpu.vector_load %arg10[%get3A_741] {strides = array<i32>} : memref<6192xf32, #tpu.memory_space<vmem>>, vector<16xf32>,
    %add3A_743 = arith.addf %add3A_740, %get3A_742 : vector<16xf32>
    %get3A_744 = arith.constant 1725 : index
    %get3A_745 = tpu.vector_load %arg10[%get3A_744] {strides = array<i32>} : memref<6192xf32, #tpu.memory_space<vmem>>, vector<16xf32>,
    %add3A_746 = arith.addf %add3A_743, %get3A_745 : vector<16xf32>
    %get3A_747 = arith.constant 1854 : index
    %get3A_748 = tpu.vector_load %arg10[%get3A_747] {strides = array<i32>} : memref<6192xf32, #tpu.memory_space<vmem>>, vector<16xf32>,
    %add3A_749 = arith.addf %add3A_746, %get3A_748 : vector<16xf32>
    %get3A_750 = arith.constant 1983 : index
    %get3A_751 = tpu.vector_load %arg10[%get3A_750] {strides = array<i32>} : memref<6192xf32, #tpu.memory_space<vmem>>, vector<16xf32>,
    %add3A_752 = arith.addf %add3A_749, %get3A_751 : vector<16xf32>
    %swap3A_753 = arith.constant 1 : i32
    %swap3A_754 = arith.index_cast %swap3A_753 : i32 to index
    %swap3A_755 = arith.constant 48 : index
    %swap3A_756 = tpu.vector_load %arg11[%swap3A_754, %swap3A_755] {strides = array<i32>} : memref<6x128xf32, #tpu.memory_space<vmem>>, vector<16xf32>,
    tpu.vector_store %arg11[%swap3A_754, %swap3A_755], %add3A_752 {strides = array<i32>} : memref<6x128xf32, #tpu.memory_space<vmem>>, vector<16xf32>,
    %get3A_757 = arith.constant 64 : index
    %get3A_758 = tpu.vector_load %arg10[%get3A_757] {strides = array<i32>} : memref<6192xf32, #tpu.memory_space<vmem>>, vector<16xf32>,
    %get3A_759 = arith.constant 193 : index
    %get3A_760 = tpu.vector_load %arg10[%get3A_759] {strides = array<i32>} : memref<6192xf32, #tpu.memory_space<vmem>>, vector<16xf32>,
    %add3A_761 = arith.addf %get3A_758, %get3A_760 : vector<16xf32>
    %get3A_762 = arith.constant 322 : index
    %get3A_763 = tpu.vector_load %arg10[%get3A_762] {strides = array<i32>} : memref<6192xf32, #tpu.memory_space<vmem>>, vector<16xf32>,
    %add3A_764 = arith.addf %add3A_761, %get3A_763 : vector<16xf32>
    %get3A_765 = arith.constant 451 : index
    %get3A_766 = tpu.vector_load %arg10[%get3A_765] {strides = array<i32>} : memref<6192xf32, #tpu.memory_space<vmem>>, vector<16xf32>,
    %add3A_767 = arith.addf %add3A_764, %get3A_766 : vector<16xf32>
    %get3A_768 = arith.constant 580 : index
    %get3A_769 = tpu.vector_load %arg10[%get3A_768] {strides = array<i32>} : memref<6192xf32, #tpu.memory_space<vmem>>, vector<16xf32>,
    %add3A_770 = arith.addf %add3A_767, %get3A_769 : vector<16xf32>
    %get3A_771 = arith.constant 709 : index
    %get3A_772 = tpu.vector_load %arg10[%get3A_771] {strides = array<i32>} : memref<6192xf32, #tpu.memory_space<vmem>>, vector<16xf32>,
    %add3A_773 = arith.addf %add3A_770, %get3A_772 : vector<16xf32>
    %get3A_774 = arith.constant 838 : index
    %get3A_775 = tpu.vector_load %arg10[%get3A_774] {strides = array<i32>} : memref<6192xf32, #tpu.memory_space<vmem>>, vector<16xf32>,
    %add3A_776 = arith.addf %add3A_773, %get3A_775 : vector<16xf32>
    %get3A_777 = arith.constant 967 : index
    %get3A_778 = tpu.vector_load %arg10[%get3A_777] {strides = array<i32>} : memref<6192xf32, #tpu.memory_space<vmem>>, vector<16xf32>,
    %add3A_779 = arith.addf %add3A_776, %get3A_778 : vector<16xf32>
    %get3A_780 = arith.constant 1096 : index
    %get3A_781 = tpu.vector_load %arg10[%get3A_780] {strides = array<i32>} : memref<6192xf32, #tpu.memory_space<vmem>>, vector<16xf32>,
    %add3A_782 = arith.addf %add3A_779, %get3A_781 : vector<16xf32>
    %get3A_783 = arith.constant 1225 : index
    %get3A_784 = tpu.vector_load %arg10[%get3A_783] {strides = array<i32>} : memref<6192xf32, #tpu.memory_space<vmem>>, vector<16xf32>,
    %add3A_785 = arith.addf %add3A_782, %get3A_784 : vector<16xf32>
    %get3A_786 = arith.constant 1354 : index
    %get3A_787 = tpu.vector_load %arg10[%get3A_786] {strides = array<i32>} : memref<6192xf32, #tpu.memory_space<vmem>>, vector<16xf32>,
    %add3A_788 = arith.addf %add3A_785, %get3A_787 : vector<16xf32>
    %get3A_789 = arith.constant 1483 : index
    %get3A_790 = tpu.vector_load %arg10[%get3A_789] {strides = array<i32>} : memref<6192xf32, #tpu.memory_space<vmem>>, vector<16xf32>,
    %add3A_791 = arith.addf %add3A_788, %get3A_790 : vector<16xf32>
    %get3A_792 = arith.constant 1612 : index
    %get3A_793 = tpu.vector_load %arg10[%get3A_792] {strides = array<i32>} : memref<6192xf32, #tpu.memory_space<vmem>>, vector<16xf32>,
    %add3A_794 = arith.addf %add3A_791, %get3A_793 : vector<16xf32>
    %get3A_795 = arith.constant 1741 : index
    %get3A_796 = tpu.vector_load %arg10[%get3A_795] {strides = array<i32>} : memref<6192xf32, #tpu.memory_space<vmem>>, vector<16xf32>,
    %add3A_797 = arith.addf %add3A_794, %get3A_796 : vector<16xf32>
    %get3A_798 = arith.constant 1870 : index
    %get3A_799 = tpu.vector_load %arg10[%get3A_798] {strides = array<i32>} : memref<6192xf32, #tpu.memory_space<vmem>>, vector<16xf32>,
    %add3A_800 = arith.addf %add3A_797, %get3A_799 : vector<16xf32>
    %get3A_801 = arith.constant 1999 : index
    %get3A_802 = tpu.vector_load %arg10[%get3A_801] {strides = array<i32>} : memref<6192xf32, #tpu.memory_space<vmem>>, vector<16xf32>,
    %add3A_803 = arith.addf %add3A_800, %get3A_802 : vector<16xf32>
    %swap3A_804 = arith.constant 1 : i32
    %swap3A_805 = arith.index_cast %swap3A_804 : i32 to index
    %swap3A_806 = arith.constant 64 : index
    %swap3A_807 = tpu.vector_load %arg11[%swap3A_805, %swap3A_806] {strides = array<i32>} : memref<6x128xf32, #tpu.memory_space<vmem>>, vector<16xf32>,
    tpu.vector_store %arg11[%swap3A_805, %swap3A_806], %add3A_803 {strides = array<i32>} : memref<6x128xf32, #tpu.memory_space<vmem>>, vector<16xf32>,
    %get3A_808 = arith.constant 80 : index
    %get3A_809 = tpu.vector_load %arg10[%get3A_808] {strides = array<i32>} : memref<6192xf32, #tpu.memory_space<vmem>>, vector<16xf32>,
    %get3A_810 = arith.constant 209 : index
    %get3A_811 = tpu.vector_load %arg10[%get3A_810] {strides = array<i32>} : memref<6192xf32, #tpu.memory_space<vmem>>, vector<16xf32>,
    %add3A_812 = arith.addf %get3A_809, %get3A_811 : vector<16xf32>
    %get3A_813 = arith.constant 338 : index
    %get3A_814 = tpu.vector_load %arg10[%get3A_813] {strides = array<i32>} : memref<6192xf32, #tpu.memory_space<vmem>>, vector<16xf32>,
    %add3A_815 = arith.addf %add3A_812, %get3A_814 : vector<16xf32>
    %get3A_816 = arith.constant 467 : index
    %get3A_817 = tpu.vector_load %arg10[%get3A_816] {strides = array<i32>} : memref<6192xf32, #tpu.memory_space<vmem>>, vector<16xf32>,
    %add3A_818 = arith.addf %add3A_815, %get3A_817 : vector<16xf32>
    %get3A_819 = arith.constant 596 : index
    %get3A_820 = tpu.vector_load %arg10[%get3A_819] {strides = array<i32>} : memref<6192xf32, #tpu.memory_space<vmem>>, vector<16xf32>,
    %add3A_821 = arith.addf %add3A_818, %get3A_820 : vector<16xf32>
    %get3A_822 = arith.constant 725 : index
    %get3A_823 = tpu.vector_load %arg10[%get3A_822] {strides = array<i32>} : memref<6192xf32, #tpu.memory_space<vmem>>, vector<16xf32>,
    %add3A_824 = arith.addf %add3A_821, %get3A_823 : vector<16xf32>
    %get3A_825 = arith.constant 854 : index
    %get3A_826 = tpu.vector_load %arg10[%get3A_825] {strides = array<i32>} : memref<6192xf32, #tpu.memory_space<vmem>>, vector<16xf32>,
    %add3A_827 = arith.addf %add3A_824, %get3A_826 : vector<16xf32>
    %get3A_828 = arith.constant 983 : index
    %get3A_829 = tpu.vector_load %arg10[%get3A_828] {strides = array<i32>} : memref<6192xf32, #tpu.memory_space<vmem>>, vector<16xf32>,
    %add3A_830 = arith.addf %add3A_827, %get3A_829 : vector<16xf32>
    %get3A_831 = arith.constant 1112 : index
    %get3A_832 = tpu.vector_load %arg10[%get3A_831] {strides = array<i32>} : memref<6192xf32, #tpu.memory_space<vmem>>, vector<16xf32>,
    %add3A_833 = arith.addf %add3A_830, %get3A_832 : vector<16xf32>
    %get3A_834 = arith.constant 1241 : index
    %get3A_835 = tpu.vector_load %arg10[%get3A_834] {strides = array<i32>} : memref<6192xf32, #tpu.memory_space<vmem>>, vector<16xf32>,
    %add3A_836 = arith.addf %add3A_833, %get3A_835 : vector<16xf32>
    %get3A_837 = arith.constant 1370 : index
    %get3A_838 = tpu.vector_load %arg10[%get3A_837] {strides = array<i32>} : memref<6192xf32, #tpu.memory_space<vmem>>, vector<16xf32>,
    %add3A_839 = arith.addf %add3A_836, %get3A_838 : vector<16xf32>
    %get3A_840 = arith.constant 1499 : index
    %get3A_841 = tpu.vector_load %arg10[%get3A_840] {strides = array<i32>} : memref<6192xf32, #tpu.memory_space<vmem>>, vector<16xf32>,
    %add3A_842 = arith.addf %add3A_839, %get3A_841 : vector<16xf32>
    %get3A_843 = arith.constant 1628 : index
    %get3A_844 = tpu.vector_load %arg10[%get3A_843] {strides = array<i32>} : memref<6192xf32, #tpu.memory_space<vmem>>, vector<16xf32>,
    %add3A_845 = arith.addf %add3A_842, %get3A_844 : vector<16xf32>
    %get3A_846 = arith.constant 1757 : index
    %get3A_847 = tpu.vector_load %arg10[%get3A_846] {strides = array<i32>} : memref<6192xf32, #tpu.memory_space<vmem>>, vector<16xf32>,
    %add3A_848 = arith.addf %add3A_845, %get3A_847 : vector<16xf32>
    %get3A_849 = arith.constant 1886 : index
    %get3A_850 = tpu.vector_load %arg10[%get3A_849] {strides = array<i32>} : memref<6192xf32, #tpu.memory_space<vmem>>, vector<16xf32>,
    %add3A_851 = arith.addf %add3A_848, %get3A_850 : vector<16xf32>
    %get3A_852 = arith.constant 2015 : index
    %get3A_853 = tpu.vector_load %arg10[%get3A_852] {strides = array<i32>} : memref<6192xf32, #tpu.memory_space<vmem>>, vector<16xf32>,
    %add3A_854 = arith.addf %add3A_851, %get3A_853 : vector<16xf32>
    %swap3A_855 = arith.constant 1 : i32
    %swap3A_856 = arith.index_cast %swap3A_855 : i32 to index
    %swap3A_857 = arith.constant 80 : index
    %swap3A_858 = tpu.vector_load %arg11[%swap3A_856, %swap3A_857] {strides = array<i32>} : memref<6x128xf32, #tpu.memory_space<vmem>>, vector<16xf32>,
    tpu.vector_store %arg11[%swap3A_856, %swap3A_857], %add3A_854 {strides = array<i32>} : memref<6x128xf32, #tpu.memory_space<vmem>>, vector<16xf32>,
    %get3A_859 = arith.constant 96 : index
    %get3A_860 = tpu.vector_load %arg10[%get3A_859] {strides = array<i32>} : memref<6192xf32, #tpu.memory_space<vmem>>, vector<16xf32>,
    %get3A_861 = arith.constant 225 : index
    %get3A_862 = tpu.vector_load %arg10[%get3A_861] {strides = array<i32>} : memref<6192xf32, #tpu.memory_space<vmem>>, vector<16xf32>,
    %add3A_863 = arith.addf %get3A_860, %get3A_862 : vector<16xf32>
    %get3A_864 = arith.constant 354 : index
    %get3A_865 = tpu.vector_load %arg10[%get3A_864] {strides = array<i32>} : memref<6192xf32, #tpu.memory_space<vmem>>, vector<16xf32>,
    %add3A_866 = arith.addf %add3A_863, %get3A_865 : vector<16xf32>
    %get3A_867 = arith.constant 483 : index
    %get3A_868 = tpu.vector_load %arg10[%get3A_867] {strides = array<i32>} : memref<6192xf32, #tpu.memory_space<vmem>>, vector<16xf32>,
    %add3A_869 = arith.addf %add3A_866, %get3A_868 : vector<16xf32>
    %get3A_870 = arith.constant 612 : index
    %get3A_871 = tpu.vector_load %arg10[%get3A_870] {strides = array<i32>} : memref<6192xf32, #tpu.memory_space<vmem>>, vector<16xf32>,
    %add3A_872 = arith.addf %add3A_869, %get3A_871 : vector<16xf32>
    %get3A_873 = arith.constant 741 : index
    %get3A_874 = tpu.vector_load %arg10[%get3A_873] {strides = array<i32>} : memref<6192xf32, #tpu.memory_space<vmem>>, vector<16xf32>,
    %add3A_875 = arith.addf %add3A_872, %get3A_874 : vector<16xf32>
    %get3A_876 = arith.constant 870 : index
    %get3A_877 = tpu.vector_load %arg10[%get3A_876] {strides = array<i32>} : memref<6192xf32, #tpu.memory_space<vmem>>, vector<16xf32>,
    %add3A_878 = arith.addf %add3A_875, %get3A_877 : vector<16xf32>
    %get3A_879 = arith.constant 999 : index
    %get3A_880 = tpu.vector_load %arg10[%get3A_879] {strides = array<i32>} : memref<6192xf32, #tpu.memory_space<vmem>>, vector<16xf32>,
    %add3A_881 = arith.addf %add3A_878, %get3A_880 : vector<16xf32>
    %get3A_882 = arith.constant 1128 : index
    %get3A_883 = tpu.vector_load %arg10[%get3A_882] {strides = array<i32>} : memref<6192xf32, #tpu.memory_space<vmem>>, vector<16xf32>,
    %add3A_884 = arith.addf %add3A_881, %get3A_883 : vector<16xf32>
    %get3A_885 = arith.constant 1257 : index
    %get3A_886 = tpu.vector_load %arg10[%get3A_885] {strides = array<i32>} : memref<6192xf32, #tpu.memory_space<vmem>>, vector<16xf32>,
    %add3A_887 = arith.addf %add3A_884, %get3A_886 : vector<16xf32>
    %get3A_888 = arith.constant 1386 : index
    %get3A_889 = tpu.vector_load %arg10[%get3A_888] {strides = array<i32>} : memref<6192xf32, #tpu.memory_space<vmem>>, vector<16xf32>,
    %add3A_890 = arith.addf %add3A_887, %get3A_889 : vector<16xf32>
    %get3A_891 = arith.constant 1515 : index
    %get3A_892 = tpu.vector_load %arg10[%get3A_891] {strides = array<i32>} : memref<6192xf32, #tpu.memory_space<vmem>>, vector<16xf32>,
    %add3A_893 = arith.addf %add3A_890, %get3A_892 : vector<16xf32>
    %get3A_894 = arith.constant 1644 : index
    %get3A_895 = tpu.vector_load %arg10[%get3A_894] {strides = array<i32>} : memref<6192xf32, #tpu.memory_space<vmem>>, vector<16xf32>,
    %add3A_896 = arith.addf %add3A_893, %get3A_895 : vector<16xf32>
    %get3A_897 = arith.constant 1773 : index
    %get3A_898 = tpu.vector_load %arg10[%get3A_897] {strides = array<i32>} : memref<6192xf32, #tpu.memory_space<vmem>>, vector<16xf32>,
    %add3A_899 = arith.addf %add3A_896, %get3A_898 : vector<16xf32>
    %get3A_900 = arith.constant 1902 : index
    %get3A_901 = tpu.vector_load %arg10[%get3A_900] {strides = array<i32>} : memref<6192xf32, #tpu.memory_space<vmem>>, vector<16xf32>,
    %add3A_902 = arith.addf %add3A_899, %get3A_901 : vector<16xf32>
    %get3A_903 = arith.constant 2031 : index
    %get3A_904 = tpu.vector_load %arg10[%get3A_903] {strides = array<i32>} : memref<6192xf32, #tpu.memory_space<vmem>>, vector<16xf32>,
    %add3A_905 = arith.addf %add3A_902, %get3A_904 : vector<16xf32>
    %swap3A_906 = arith.constant 1 : i32
    %swap3A_907 = arith.index_cast %swap3A_906 : i32 to index
    %swap3A_908 = arith.constant 96 : index
    %swap3A_909 = tpu.vector_load %arg11[%swap3A_907, %swap3A_908] {strides = array<i32>} : memref<6x128xf32, #tpu.memory_space<vmem>>, vector<16xf32>,
    tpu.vector_store %arg11[%swap3A_907, %swap3A_908], %add3A_905 {strides = array<i32>} : memref<6x128xf32, #tpu.memory_space<vmem>>, vector<16xf32>,
    %get3A_910 = arith.constant 112 : index
    %get3A_911 = tpu.vector_load %arg10[%get3A_910] {strides = array<i32>} : memref<6192xf32, #tpu.memory_space<vmem>>, vector<16xf32>,
    %get3A_912 = arith.constant 241 : index
    %get3A_913 = tpu.vector_load %arg10[%get3A_912] {strides = array<i32>} : memref<6192xf32, #tpu.memory_space<vmem>>, vector<16xf32>,
    %add3A_914 = arith.addf %get3A_911, %get3A_913 : vector<16xf32>
    %get3A_915 = arith.constant 370 : index
    %get3A_916 = tpu.vector_load %arg10[%get3A_915] {strides = array<i32>} : memref<6192xf32, #tpu.memory_space<vmem>>, vector<16xf32>,
    %add3A_917 = arith.addf %add3A_914, %get3A_916 : vector<16xf32>
    %get3A_918 = arith.constant 499 : index
    %get3A_919 = tpu.vector_load %arg10[%get3A_918] {strides = array<i32>} : memref<6192xf32, #tpu.memory_space<vmem>>, vector<16xf32>,
    %add3A_920 = arith.addf %add3A_917, %get3A_919 : vector<16xf32>
    %get3A_921 = arith.constant 628 : index
    %get3A_922 = tpu.vector_load %arg10[%get3A_921] {strides = array<i32>} : memref<6192xf32, #tpu.memory_space<vmem>>, vector<16xf32>,
    %add3A_923 = arith.addf %add3A_920, %get3A_922 : vector<16xf32>
    %get3A_924 = arith.constant 757 : index
    %get3A_925 = tpu.vector_load %arg10[%get3A_924] {strides = array<i32>} : memref<6192xf32, #tpu.memory_space<vmem>>, vector<16xf32>,
    %add3A_926 = arith.addf %add3A_923, %get3A_925 : vector<16xf32>
    %get3A_927 = arith.constant 886 : index
    %get3A_928 = tpu.vector_load %arg10[%get3A_927] {strides = array<i32>} : memref<6192xf32, #tpu.memory_space<vmem>>, vector<16xf32>,
    %add3A_929 = arith.addf %add3A_926, %get3A_928 : vector<16xf32>
    %get3A_930 = arith.constant 1015 : index
    %get3A_931 = tpu.vector_load %arg10[%get3A_930] {strides = array<i32>} : memref<6192xf32, #tpu.memory_space<vmem>>, vector<16xf32>,
    %add3A_932 = arith.addf %add3A_929, %get3A_931 : vector<16xf32>
    %get3A_933 = arith.constant 1144 : index
    %get3A_934 = tpu.vector_load %arg10[%get3A_933] {strides = array<i32>} : memref<6192xf32, #tpu.memory_space<vmem>>, vector<16xf32>,
    %add3A_935 = arith.addf %add3A_932, %get3A_934 : vector<16xf32>
    %get3A_936 = arith.constant 1273 : index
    %get3A_937 = tpu.vector_load %arg10[%get3A_936] {strides = array<i32>} : memref<6192xf32, #tpu.memory_space<vmem>>, vector<16xf32>,
    %add3A_938 = arith.addf %add3A_935, %get3A_937 : vector<16xf32>
    %get3A_939 = arith.constant 1402 : index
    %get3A_940 = tpu.vector_load %arg10[%get3A_939] {strides = array<i32>} : memref<6192xf32, #tpu.memory_space<vmem>>, vector<16xf32>,
    %add3A_941 = arith.addf %add3A_938, %get3A_940 : vector<16xf32>
    %get3A_942 = arith.constant 1531 : index
    %get3A_943 = tpu.vector_load %arg10[%get3A_942] {strides = array<i32>} : memref<6192xf32, #tpu.memory_space<vmem>>, vector<16xf32>,
    %add3A_944 = arith.addf %add3A_941, %get3A_943 : vector<16xf32>
    %get3A_945 = arith.constant 1660 : index
    %get3A_946 = tpu.vector_load %arg10[%get3A_945] {strides = array<i32>} : memref<6192xf32, #tpu.memory_space<vmem>>, vector<16xf32>,
    %add3A_947 = arith.addf %add3A_944, %get3A_946 : vector<16xf32>
    %get3A_948 = arith.constant 1789 : index
    %get3A_949 = tpu.vector_load %arg10[%get3A_948] {strides = array<i32>} : memref<6192xf32, #tpu.memory_space<vmem>>, vector<16xf32>,
    %add3A_950 = arith.addf %add3A_947, %get3A_949 : vector<16xf32>
    %get3A_951 = arith.constant 1918 : index
    %get3A_952 = tpu.vector_load %arg10[%get3A_951] {strides = array<i32>} : memref<6192xf32, #tpu.memory_space<vmem>>, vector<16xf32>,
    %add3A_953 = arith.addf %add3A_950, %get3A_952 : vector<16xf32>
    %get3A_954 = arith.constant 2047 : index
    %get3A_955 = tpu.vector_load %arg10[%get3A_954] {strides = array<i32>} : memref<6192xf32, #tpu.memory_space<vmem>>, vector<16xf32>,
    %add3A_956 = arith.addf %add3A_953, %get3A_955 : vector<16xf32>
    %swap3A_957 = arith.constant 1 : i32
    %swap3A_958 = arith.index_cast %swap3A_957 : i32 to index
    %swap3A_959 = arith.constant 112 : index
    %swap3A_960 = tpu.vector_load %arg11[%swap3A_958, %swap3A_959] {strides = array<i32>} : memref<6x128xf32, #tpu.memory_space<vmem>>, vector<16xf32>,
    tpu.vector_store %arg11[%swap3A_958, %swap3A_959], %add3A_956 {strides = array<i32>} : memref<6x128xf32, #tpu.memory_space<vmem>>, vector<16xf32>,
    %get3A_961 = arith.constant 2064 : index
    %get3A_962 = tpu.vector_load %arg10[%get3A_961] {strides = array<i32>} : memref<6192xf32, #tpu.memory_space<vmem>>, vector<16xf32>,
    %get3A_963 = arith.constant 2193 : index
    %get3A_964 = tpu.vector_load %arg10[%get3A_963] {strides = array<i32>} : memref<6192xf32, #tpu.memory_space<vmem>>, vector<16xf32>,
    %add3A_965 = arith.addf %get3A_962, %get3A_964 : vector<16xf32>
    %get3A_966 = arith.constant 2322 : index
    %get3A_967 = tpu.vector_load %arg10[%get3A_966] {strides = array<i32>} : memref<6192xf32, #tpu.memory_space<vmem>>, vector<16xf32>,
    %add3A_968 = arith.addf %add3A_965, %get3A_967 : vector<16xf32>
    %get3A_969 = arith.constant 2451 : index
    %get3A_970 = tpu.vector_load %arg10[%get3A_969] {strides = array<i32>} : memref<6192xf32, #tpu.memory_space<vmem>>, vector<16xf32>,
    %add3A_971 = arith.addf %add3A_968, %get3A_970 : vector<16xf32>
    %get3A_972 = arith.constant 2580 : index
    %get3A_973 = tpu.vector_load %arg10[%get3A_972] {strides = array<i32>} : memref<6192xf32, #tpu.memory_space<vmem>>, vector<16xf32>,
    %add3A_974 = arith.addf %add3A_971, %get3A_973 : vector<16xf32>
    %get3A_975 = arith.constant 2709 : index
    %get3A_976 = tpu.vector_load %arg10[%get3A_975] {strides = array<i32>} : memref<6192xf32, #tpu.memory_space<vmem>>, vector<16xf32>,
    %add3A_977 = arith.addf %add3A_974, %get3A_976 : vector<16xf32>
    %get3A_978 = arith.constant 2838 : index
    %get3A_979 = tpu.vector_load %arg10[%get3A_978] {strides = array<i32>} : memref<6192xf32, #tpu.memory_space<vmem>>, vector<16xf32>,
    %add3A_980 = arith.addf %add3A_977, %get3A_979 : vector<16xf32>
    %get3A_981 = arith.constant 2967 : index
    %get3A_982 = tpu.vector_load %arg10[%get3A_981] {strides = array<i32>} : memref<6192xf32, #tpu.memory_space<vmem>>, vector<16xf32>,
    %add3A_983 = arith.addf %add3A_980, %get3A_982 : vector<16xf32>
    %get3A_984 = arith.constant 3096 : index
    %get3A_985 = tpu.vector_load %arg10[%get3A_984] {strides = array<i32>} : memref<6192xf32, #tpu.memory_space<vmem>>, vector<16xf32>,
    %add3A_986 = arith.addf %add3A_983, %get3A_985 : vector<16xf32>
    %get3A_987 = arith.constant 3225 : index
    %get3A_988 = tpu.vector_load %arg10[%get3A_987] {strides = array<i32>} : memref<6192xf32, #tpu.memory_space<vmem>>, vector<16xf32>,
    %add3A_989 = arith.addf %add3A_986, %get3A_988 : vector<16xf32>
    %get3A_990 = arith.constant 3354 : index
    %get3A_991 = tpu.vector_load %arg10[%get3A_990] {strides = array<i32>} : memref<6192xf32, #tpu.memory_space<vmem>>, vector<16xf32>,
    %add3A_992 = arith.addf %add3A_989, %get3A_991 : vector<16xf32>
    %get3A_993 = arith.constant 3483 : index
    %get3A_994 = tpu.vector_load %arg10[%get3A_993] {strides = array<i32>} : memref<6192xf32, #tpu.memory_space<vmem>>, vector<16xf32>,
    %add3A_995 = arith.addf %add3A_992, %get3A_994 : vector<16xf32>
    %get3A_996 = arith.constant 3612 : index
    %get3A_997 = tpu.vector_load %arg10[%get3A_996] {strides = array<i32>} : memref<6192xf32, #tpu.memory_space<vmem>>, vector<16xf32>,
    %add3A_998 = arith.addf %add3A_995, %get3A_997 : vector<16xf32>
    %get3A_999 = arith.constant 3741 : index
    %get3A_1000 = tpu.vector_load %arg10[%get3A_999] {strides = array<i32>} : memref<6192xf32, #tpu.memory_space<vmem>>, vector<16xf32>,
    %add3A_1001 = arith.addf %add3A_998, %get3A_1000 : vector<16xf32>
    %get3A_1002 = arith.constant 3870 : index
    %get3A_1003 = tpu.vector_load %arg10[%get3A_1002] {strides = array<i32>} : memref<6192xf32, #tpu.memory_space<vmem>>, vector<16xf32>,
    %add3A_1004 = arith.addf %add3A_1001, %get3A_1003 : vector<16xf32>
    %get3A_1005 = arith.constant 3999 : index
    %get3A_1006 = tpu.vector_load %arg10[%get3A_1005] {strides = array<i32>} : memref<6192xf32, #tpu.memory_space<vmem>>, vector<16xf32>,
    %add3A_1007 = arith.addf %add3A_1004, %get3A_1006 : vector<16xf32>
    %swap3A_1008 = arith.constant 2 : i32
    %swap3A_1009 = arith.index_cast %swap3A_1008 : i32 to index
    %swap3A_1010 = arith.constant 0 : index
    %swap3A_1011 = tpu.vector_load %arg11[%swap3A_1009, %swap3A_1010] {strides = array<i32>} : memref<6x128xf32, #tpu.memory_space<vmem>>, vector<16xf32>,
    tpu.vector_store %arg11[%swap3A_1009, %swap3A_1010], %add3A_1007 {strides = array<i32>} : memref<6x128xf32, #tpu.memory_space<vmem>>, vector<16xf32>,
    %get3A_1012 = arith.constant 2080 : index
    %get3A_1013 = tpu.vector_load %arg10[%get3A_1012] {strides = array<i32>} : memref<6192xf32, #tpu.memory_space<vmem>>, vector<16xf32>,
    %get3A_1014 = arith.constant 2209 : index
    %get3A_1015 = tpu.vector_load %arg10[%get3A_1014] {strides = array<i32>} : memref<6192xf32, #tpu.memory_space<vmem>>, vector<16xf32>,
    %add3A_1016 = arith.addf %get3A_1013, %get3A_1015 : vector<16xf32>
    %get3A_1017 = arith.constant 2338 : index
    %get3A_1018 = tpu.vector_load %arg10[%get3A_1017] {strides = array<i32>} : memref<6192xf32, #tpu.memory_space<vmem>>, vector<16xf32>,
    %add3A_1019 = arith.addf %add3A_1016, %get3A_1018 : vector<16xf32>
    %get3A_1020 = arith.constant 2467 : index
    %get3A_1021 = tpu.vector_load %arg10[%get3A_1020] {strides = array<i32>} : memref<6192xf32, #tpu.memory_space<vmem>>, vector<16xf32>,
    %add3A_1022 = arith.addf %add3A_1019, %get3A_1021 : vector<16xf32>
    %get3A_1023 = arith.constant 2596 : index
    %get3A_1024 = tpu.vector_load %arg10[%get3A_1023] {strides = array<i32>} : memref<6192xf32, #tpu.memory_space<vmem>>, vector<16xf32>,
    %add3A_1025 = arith.addf %add3A_1022, %get3A_1024 : vector<16xf32>
    %get3A_1026 = arith.constant 2725 : index
    %get3A_1027 = tpu.vector_load %arg10[%get3A_1026] {strides = array<i32>} : memref<6192xf32, #tpu.memory_space<vmem>>, vector<16xf32>,
    %add3A_1028 = arith.addf %add3A_1025, %get3A_1027 : vector<16xf32>
    %get3A_1029 = arith.constant 2854 : index
    %get3A_1030 = tpu.vector_load %arg10[%get3A_1029] {strides = array<i32>} : memref<6192xf32, #tpu.memory_space<vmem>>, vector<16xf32>,
    %add3A_1031 = arith.addf %add3A_1028, %get3A_1030 : vector<16xf32>
    %get3A_1032 = arith.constant 2983 : index
    %get3A_1033 = tpu.vector_load %arg10[%get3A_1032] {strides = array<i32>} : memref<6192xf32, #tpu.memory_space<vmem>>, vector<16xf32>,
    %add3A_1034 = arith.addf %add3A_1031, %get3A_1033 : vector<16xf32>
    %get3A_1035 = arith.constant 3112 : index
    %get3A_1036 = tpu.vector_load %arg10[%get3A_1035] {strides = array<i32>} : memref<6192xf32, #tpu.memory_space<vmem>>, vector<16xf32>,
    %add3A_1037 = arith.addf %add3A_1034, %get3A_1036 : vector<16xf32>
    %get3A_1038 = arith.constant 3241 : index
    %get3A_1039 = tpu.vector_load %arg10[%get3A_1038] {strides = array<i32>} : memref<6192xf32, #tpu.memory_space<vmem>>, vector<16xf32>,
    %add3A_1040 = arith.addf %add3A_1037, %get3A_1039 : vector<16xf32>
    %get3A_1041 = arith.constant 3370 : index
    %get3A_1042 = tpu.vector_load %arg10[%get3A_1041] {strides = array<i32>} : memref<6192xf32, #tpu.memory_space<vmem>>, vector<16xf32>,
    %add3A_1043 = arith.addf %add3A_1040, %get3A_1042 : vector<16xf32>
    %get3A_1044 = arith.constant 3499 : index
    %get3A_1045 = tpu.vector_load %arg10[%get3A_1044] {strides = array<i32>} : memref<6192xf32, #tpu.memory_space<vmem>>, vector<16xf32>,
    %add3A_1046 = arith.addf %add3A_1043, %get3A_1045 : vector<16xf32>
    %get3A_1047 = arith.constant 3628 : index
    %get3A_1048 = tpu.vector_load %arg10[%get3A_1047] {strides = array<i32>} : memref<6192xf32, #tpu.memory_space<vmem>>, vector<16xf32>,
    %add3A_1049 = arith.addf %add3A_1046, %get3A_1048 : vector<16xf32>
    %get3A_1050 = arith.constant 3757 : index
    %get3A_1051 = tpu.vector_load %arg10[%get3A_1050] {strides = array<i32>} : memref<6192xf32, #tpu.memory_space<vmem>>, vector<16xf32>,
    %add3A_1052 = arith.addf %add3A_1049, %get3A_1051 : vector<16xf32>
    %get3A_1053 = arith.constant 3886 : index
    %get3A_1054 = tpu.vector_load %arg10[%get3A_1053] {strides = array<i32>} : memref<6192xf32, #tpu.memory_space<vmem>>, vector<16xf32>,
    %add3A_1055 = arith.addf %add3A_1052, %get3A_1054 : vector<16xf32>
    %get3A_1056 = arith.constant 4015 : index
    %get3A_1057 = tpu.vector_load %arg10[%get3A_1056] {strides = array<i32>} : memref<6192xf32, #tpu.memory_space<vmem>>, vector<16xf32>,
    %add3A_1058 = arith.addf %add3A_1055, %get3A_1057 : vector<16xf32>
    %swap3A_1059 = arith.constant 2 : i32
    %swap3A_1060 = arith.index_cast %swap3A_1059 : i32 to index
    %swap3A_1061 = arith.constant 16 : index
    %swap3A_1062 = tpu.vector_load %arg11[%swap3A_1060, %swap3A_1061] {strides = array<i32>} : memref<6x128xf32, #tpu.memory_space<vmem>>, vector<16xf32>,
    tpu.vector_store %arg11[%swap3A_1060, %swap3A_1061], %add3A_1058 {strides = array<i32>} : memref<6x128xf32, #tpu.memory_space<vmem>>, vector<16xf32>,
    %get3A_1063 = arith.constant 2096 : index
    %get3A_1064 = tpu.vector_load %arg10[%get3A_1063] {strides = array<i32>} : memref<6192xf32, #tpu.memory_space<vmem>>, vector<16xf32>,
    %get3A_1065 = arith.constant 2225 : index
    %get3A_1066 = tpu.vector_load %arg10[%get3A_1065] {strides = array<i32>} : memref<6192xf32, #tpu.memory_space<vmem>>, vector<16xf32>,
    %add3A_1067 = arith.addf %get3A_1064, %get3A_1066 : vector<16xf32>
    %get3A_1068 = arith.constant 2354 : index
    %get3A_1069 = tpu.vector_load %arg10[%get3A_1068] {strides = array<i32>} : memref<6192xf32, #tpu.memory_space<vmem>>, vector<16xf32>,
    %add3A_1070 = arith.addf %add3A_1067, %get3A_1069 : vector<16xf32>
    %get3A_1071 = arith.constant 2483 : index
    %get3A_1072 = tpu.vector_load %arg10[%get3A_1071] {strides = array<i32>} : memref<6192xf32, #tpu.memory_space<vmem>>, vector<16xf32>,
    %add3A_1073 = arith.addf %add3A_1070, %get3A_1072 : vector<16xf32>
    %get3A_1074 = arith.constant 2612 : index
    %get3A_1075 = tpu.vector_load %arg10[%get3A_1074] {strides = array<i32>} : memref<6192xf32, #tpu.memory_space<vmem>>, vector<16xf32>,
    %add3A_1076 = arith.addf %add3A_1073, %get3A_1075 : vector<16xf32>
    %get3A_1077 = arith.constant 2741 : index
    %get3A_1078 = tpu.vector_load %arg10[%get3A_1077] {strides = array<i32>} : memref<6192xf32, #tpu.memory_space<vmem>>, vector<16xf32>,
    %add3A_1079 = arith.addf %add3A_1076, %get3A_1078 : vector<16xf32>
    %get3A_1080 = arith.constant 2870 : index
    %get3A_1081 = tpu.vector_load %arg10[%get3A_1080] {strides = array<i32>} : memref<6192xf32, #tpu.memory_space<vmem>>, vector<16xf32>,
    %add3A_1082 = arith.addf %add3A_1079, %get3A_1081 : vector<16xf32>
    %get3A_1083 = arith.constant 2999 : index
    %get3A_1084 = tpu.vector_load %arg10[%get3A_1083] {strides = array<i32>} : memref<6192xf32, #tpu.memory_space<vmem>>, vector<16xf32>,
    %add3A_1085 = arith.addf %add3A_1082, %get3A_1084 : vector<16xf32>
    %get3A_1086 = arith.constant 3128 : index
    %get3A_1087 = tpu.vector_load %arg10[%get3A_1086] {strides = array<i32>} : memref<6192xf32, #tpu.memory_space<vmem>>, vector<16xf32>,
    %add3A_1088 = arith.addf %add3A_1085, %get3A_1087 : vector<16xf32>
    %get3A_1089 = arith.constant 3257 : index
    %get3A_1090 = tpu.vector_load %arg10[%get3A_1089] {strides = array<i32>} : memref<6192xf32, #tpu.memory_space<vmem>>, vector<16xf32>,
    %add3A_1091 = arith.addf %add3A_1088, %get3A_1090 : vector<16xf32>
    %get3A_1092 = arith.constant 3386 : index
    %get3A_1093 = tpu.vector_load %arg10[%get3A_1092] {strides = array<i32>} : memref<6192xf32, #tpu.memory_space<vmem>>, vector<16xf32>,
    %add3A_1094 = arith.addf %add3A_1091, %get3A_1093 : vector<16xf32>
    %get3A_1095 = arith.constant 3515 : index
    %get3A_1096 = tpu.vector_load %arg10[%get3A_1095] {strides = array<i32>} : memref<6192xf32, #tpu.memory_space<vmem>>, vector<16xf32>,
    %add3A_1097 = arith.addf %add3A_1094, %get3A_1096 : vector<16xf32>
    %get3A_1098 = arith.constant 3644 : index
    %get3A_1099 = tpu.vector_load %arg10[%get3A_1098] {strides = array<i32>} : memref<6192xf32, #tpu.memory_space<vmem>>, vector<16xf32>,
    %add3A_1100 = arith.addf %add3A_1097, %get3A_1099 : vector<16xf32>
    %get3A_1101 = arith.constant 3773 : index
    %get3A_1102 = tpu.vector_load %arg10[%get3A_1101] {strides = array<i32>} : memref<6192xf32, #tpu.memory_space<vmem>>, vector<16xf32>,
    %add3A_1103 = arith.addf %add3A_1100, %get3A_1102 : vector<16xf32>
    %get3A_1104 = arith.constant 3902 : index
    %get3A_1105 = tpu.vector_load %arg10[%get3A_1104] {strides = array<i32>} : memref<6192xf32, #tpu.memory_space<vmem>>, vector<16xf32>,
    %add3A_1106 = arith.addf %add3A_1103, %get3A_1105 : vector<16xf32>
    %get3A_1107 = arith.constant 4031 : index
    %get3A_1108 = tpu.vector_load %arg10[%get3A_1107] {strides = array<i32>} : memref<6192xf32, #tpu.memory_space<vmem>>, vector<16xf32>,
    %add3A_1109 = arith.addf %add3A_1106, %get3A_1108 : vector<16xf32>
    %swap3A_1110 = arith.constant 2 : i32
    %swap3A_1111 = arith.index_cast %swap3A_1110 : i32 to index
    %swap3A_1112 = arith.constant 32 : index
    %swap3A_1113 = tpu.vector_load %arg11[%swap3A_1111, %swap3A_1112] {strides = array<i32>} : memref<6x128xf32, #tpu.memory_space<vmem>>, vector<16xf32>,
    tpu.vector_store %arg11[%swap3A_1111, %swap3A_1112], %add3A_1109 {strides = array<i32>} : memref<6x128xf32, #tpu.memory_space<vmem>>, vector<16xf32>,
    %get3A_1114 = arith.constant 2112 : index
    %get3A_1115 = tpu.vector_load %arg10[%get3A_1114] {strides = array<i32>} : memref<6192xf32, #tpu.memory_space<vmem>>, vector<16xf32>,
    %get3A_1116 = arith.constant 2241 : index
    %get3A_1117 = tpu.vector_load %arg10[%get3A_1116] {strides = array<i32>} : memref<6192xf32, #tpu.memory_space<vmem>>, vector<16xf32>,
    %add3A_1118 = arith.addf %get3A_1115, %get3A_1117 : vector<16xf32>
    %get3A_1119 = arith.constant 2370 : index
    %get3A_1120 = tpu.vector_load %arg10[%get3A_1119] {strides = array<i32>} : memref<6192xf32, #tpu.memory_space<vmem>>, vector<16xf32>,
    %add3A_1121 = arith.addf %add3A_1118, %get3A_1120 : vector<16xf32>
    %get3A_1122 = arith.constant 2499 : index
    %get3A_1123 = tpu.vector_load %arg10[%get3A_1122] {strides = array<i32>} : memref<6192xf32, #tpu.memory_space<vmem>>, vector<16xf32>,
    %add3A_1124 = arith.addf %add3A_1121, %get3A_1123 : vector<16xf32>
    %get3A_1125 = arith.constant 2628 : index
    %get3A_1126 = tpu.vector_load %arg10[%get3A_1125] {strides = array<i32>} : memref<6192xf32, #tpu.memory_space<vmem>>, vector<16xf32>,
    %add3A_1127 = arith.addf %add3A_1124, %get3A_1126 : vector<16xf32>
    %get3A_1128 = arith.constant 2757 : index
    %get3A_1129 = tpu.vector_load %arg10[%get3A_1128] {strides = array<i32>} : memref<6192xf32, #tpu.memory_space<vmem>>, vector<16xf32>,
    %add3A_1130 = arith.addf %add3A_1127, %get3A_1129 : vector<16xf32>
    %get3A_1131 = arith.constant 2886 : index
    %get3A_1132 = tpu.vector_load %arg10[%get3A_1131] {strides = array<i32>} : memref<6192xf32, #tpu.memory_space<vmem>>, vector<16xf32>,
    %add3A_1133 = arith.addf %add3A_1130, %get3A_1132 : vector<16xf32>
    %get3A_1134 = arith.constant 3015 : index
    %get3A_1135 = tpu.vector_load %arg10[%get3A_1134] {strides = array<i32>} : memref<6192xf32, #tpu.memory_space<vmem>>, vector<16xf32>,
    %add3A_1136 = arith.addf %add3A_1133, %get3A_1135 : vector<16xf32>
    %get3A_1137 = arith.constant 3144 : index
    %get3A_1138 = tpu.vector_load %arg10[%get3A_1137] {strides = array<i32>} : memref<6192xf32, #tpu.memory_space<vmem>>, vector<16xf32>,
    %add3A_1139 = arith.addf %add3A_1136, %get3A_1138 : vector<16xf32>
    %get3A_1140 = arith.constant 3273 : index
    %get3A_1141 = tpu.vector_load %arg10[%get3A_1140] {strides = array<i32>} : memref<6192xf32, #tpu.memory_space<vmem>>, vector<16xf32>,
    %add3A_1142 = arith.addf %add3A_1139, %get3A_1141 : vector<16xf32>
    %get3A_1143 = arith.constant 3402 : index
    %get3A_1144 = tpu.vector_load %arg10[%get3A_1143] {strides = array<i32>} : memref<6192xf32, #tpu.memory_space<vmem>>, vector<16xf32>,
    %add3A_1145 = arith.addf %add3A_1142, %get3A_1144 : vector<16xf32>
    %get3A_1146 = arith.constant 3531 : index
    %get3A_1147 = tpu.vector_load %arg10[%get3A_1146] {strides = array<i32>} : memref<6192xf32, #tpu.memory_space<vmem>>, vector<16xf32>,
    %add3A_1148 = arith.addf %add3A_1145, %get3A_1147 : vector<16xf32>
    %get3A_1149 = arith.constant 3660 : index
    %get3A_1150 = tpu.vector_load %arg10[%get3A_1149] {strides = array<i32>} : memref<6192xf32, #tpu.memory_space<vmem>>, vector<16xf32>,
    %add3A_1151 = arith.addf %add3A_1148, %get3A_1150 : vector<16xf32>
    %get3A_1152 = arith.constant 3789 : index
    %get3A_1153 = tpu.vector_load %arg10[%get3A_1152] {strides = array<i32>} : memref<6192xf32, #tpu.memory_space<vmem>>, vector<16xf32>,
    %add3A_1154 = arith.addf %add3A_1151, %get3A_1153 : vector<16xf32>
    %get3A_1155 = arith.constant 3918 : index
    %get3A_1156 = tpu.vector_load %arg10[%get3A_1155] {strides = array<i32>} : memref<6192xf32, #tpu.memory_space<vmem>>, vector<16xf32>,
    %add3A_1157 = arith.addf %add3A_1154, %get3A_1156 : vector<16xf32>
    %get3A_1158 = arith.constant 4047 : index
    %get3A_1159 = tpu.vector_load %arg10[%get3A_1158] {strides = array<i32>} : memref<6192xf32, #tpu.memory_space<vmem>>, vector<16xf32>,
    %add3A_1160 = arith.addf %add3A_1157, %get3A_1159 : vector<16xf32>
    %swap3A_1161 = arith.constant 2 : i32
    %swap3A_1162 = arith.index_cast %swap3A_1161 : i32 to index
    %swap3A_1163 = arith.constant 48 : index
    %swap3A_1164 = tpu.vector_load %arg11[%swap3A_1162, %swap3A_1163] {strides = array<i32>} : memref<6x128xf32, #tpu.memory_space<vmem>>, vector<16xf32>,
    tpu.vector_store %arg11[%swap3A_1162, %swap3A_1163], %add3A_1160 {strides = array<i32>} : memref<6x128xf32, #tpu.memory_space<vmem>>, vector<16xf32>,
    %get3A_1165 = arith.constant 2128 : index
    %get3A_1166 = tpu.vector_load %arg10[%get3A_1165] {strides = array<i32>} : memref<6192xf32, #tpu.memory_space<vmem>>, vector<16xf32>,
    %get3A_1167 = arith.constant 2257 : index
    %get3A_1168 = tpu.vector_load %arg10[%get3A_1167] {strides = array<i32>} : memref<6192xf32, #tpu.memory_space<vmem>>, vector<16xf32>,
    %add3A_1169 = arith.addf %get3A_1166, %get3A_1168 : vector<16xf32>
    %get3A_1170 = arith.constant 2386 : index
    %get3A_1171 = tpu.vector_load %arg10[%get3A_1170] {strides = array<i32>} : memref<6192xf32, #tpu.memory_space<vmem>>, vector<16xf32>,
    %add3A_1172 = arith.addf %add3A_1169, %get3A_1171 : vector<16xf32>
    %get3A_1173 = arith.constant 2515 : index
    %get3A_1174 = tpu.vector_load %arg10[%get3A_1173] {strides = array<i32>} : memref<6192xf32, #tpu.memory_space<vmem>>, vector<16xf32>,
    %add3A_1175 = arith.addf %add3A_1172, %get3A_1174 : vector<16xf32>
    %get3A_1176 = arith.constant 2644 : index
    %get3A_1177 = tpu.vector_load %arg10[%get3A_1176] {strides = array<i32>} : memref<6192xf32, #tpu.memory_space<vmem>>, vector<16xf32>,
    %add3A_1178 = arith.addf %add3A_1175, %get3A_1177 : vector<16xf32>
    %get3A_1179 = arith.constant 2773 : index
    %get3A_1180 = tpu.vector_load %arg10[%get3A_1179] {strides = array<i32>} : memref<6192xf32, #tpu.memory_space<vmem>>, vector<16xf32>,
    %add3A_1181 = arith.addf %add3A_1178, %get3A_1180 : vector<16xf32>
    %get3A_1182 = arith.constant 2902 : index
    %get3A_1183 = tpu.vector_load %arg10[%get3A_1182] {strides = array<i32>} : memref<6192xf32, #tpu.memory_space<vmem>>, vector<16xf32>,
    %add3A_1184 = arith.addf %add3A_1181, %get3A_1183 : vector<16xf32>
    %get3A_1185 = arith.constant 3031 : index
    %get3A_1186 = tpu.vector_load %arg10[%get3A_1185] {strides = array<i32>} : memref<6192xf32, #tpu.memory_space<vmem>>, vector<16xf32>,
    %add3A_1187 = arith.addf %add3A_1184, %get3A_1186 : vector<16xf32>
    %get3A_1188 = arith.constant 3160 : index
    %get3A_1189 = tpu.vector_load %arg10[%get3A_1188] {strides = array<i32>} : memref<6192xf32, #tpu.memory_space<vmem>>, vector<16xf32>,
    %add3A_1190 = arith.addf %add3A_1187, %get3A_1189 : vector<16xf32>
    %get3A_1191 = arith.constant 3289 : index
    %get3A_1192 = tpu.vector_load %arg10[%get3A_1191] {strides = array<i32>} : memref<6192xf32, #tpu.memory_space<vmem>>, vector<16xf32>,
    %add3A_1193 = arith.addf %add3A_1190, %get3A_1192 : vector<16xf32>
    %get3A_1194 = arith.constant 3418 : index
    %get3A_1195 = tpu.vector_load %arg10[%get3A_1194] {strides = array<i32>} : memref<6192xf32, #tpu.memory_space<vmem>>, vector<16xf32>,
    %add3A_1196 = arith.addf %add3A_1193, %get3A_1195 : vector<16xf32>
    %get3A_1197 = arith.constant 3547 : index
    %get3A_1198 = tpu.vector_load %arg10[%get3A_1197] {strides = array<i32>} : memref<6192xf32, #tpu.memory_space<vmem>>, vector<16xf32>,
    %add3A_1199 = arith.addf %add3A_1196, %get3A_1198 : vector<16xf32>
    %get3A_1200 = arith.constant 3676 : index
    %get3A_1201 = tpu.vector_load %arg10[%get3A_1200] {strides = array<i32>} : memref<6192xf32, #tpu.memory_space<vmem>>, vector<16xf32>,
    %add3A_1202 = arith.addf %add3A_1199, %get3A_1201 : vector<16xf32>
    %get3A_1203 = arith.constant 3805 : index
    %get3A_1204 = tpu.vector_load %arg10[%get3A_1203] {strides = array<i32>} : memref<6192xf32, #tpu.memory_space<vmem>>, vector<16xf32>,
    %add3A_1205 = arith.addf %add3A_1202, %get3A_1204 : vector<16xf32>
    %get3A_1206 = arith.constant 3934 : index
    %get3A_1207 = tpu.vector_load %arg10[%get3A_1206] {strides = array<i32>} : memref<6192xf32, #tpu.memory_space<vmem>>, vector<16xf32>,
    %add3A_1208 = arith.addf %add3A_1205, %get3A_1207 : vector<16xf32>
    %get3A_1209 = arith.constant 4063 : index
    %get3A_1210 = tpu.vector_load %arg10[%get3A_1209] {strides = array<i32>} : memref<6192xf32, #tpu.memory_space<vmem>>, vector<16xf32>,
    %add3A_1211 = arith.addf %add3A_1208, %get3A_1210 : vector<16xf32>
    %swap3A_1212 = arith.constant 2 : i32
    %swap3A_1213 = arith.index_cast %swap3A_1212 : i32 to index
    %swap3A_1214 = arith.constant 64 : index
    %swap3A_1215 = tpu.vector_load %arg11[%swap3A_1213, %swap3A_1214] {strides = array<i32>} : memref<6x128xf32, #tpu.memory_space<vmem>>, vector<16xf32>,
    tpu.vector_store %arg11[%swap3A_1213, %swap3A_1214], %add3A_1211 {strides = array<i32>} : memref<6x128xf32, #tpu.memory_space<vmem>>, vector<16xf32>,
    %get3A_1216 = arith.constant 2144 : index
    %get3A_1217 = tpu.vector_load %arg10[%get3A_1216] {strides = array<i32>} : memref<6192xf32, #tpu.memory_space<vmem>>, vector<16xf32>,
    %get3A_1218 = arith.constant 2273 : index
    %get3A_1219 = tpu.vector_load %arg10[%get3A_1218] {strides = array<i32>} : memref<6192xf32, #tpu.memory_space<vmem>>, vector<16xf32>,
    %add3A_1220 = arith.addf %get3A_1217, %get3A_1219 : vector<16xf32>
    %get3A_1221 = arith.constant 2402 : index
    %get3A_1222 = tpu.vector_load %arg10[%get3A_1221] {strides = array<i32>} : memref<6192xf32, #tpu.memory_space<vmem>>, vector<16xf32>,
    %add3A_1223 = arith.addf %add3A_1220, %get3A_1222 : vector<16xf32>
    %get3A_1224 = arith.constant 2531 : index
    %get3A_1225 = tpu.vector_load %arg10[%get3A_1224] {strides = array<i32>} : memref<6192xf32, #tpu.memory_space<vmem>>, vector<16xf32>,
    %add3A_1226 = arith.addf %add3A_1223, %get3A_1225 : vector<16xf32>
    %get3A_1227 = arith.constant 2660 : index
    %get3A_1228 = tpu.vector_load %arg10[%get3A_1227] {strides = array<i32>} : memref<6192xf32, #tpu.memory_space<vmem>>, vector<16xf32>,
    %add3A_1229 = arith.addf %add3A_1226, %get3A_1228 : vector<16xf32>
    %get3A_1230 = arith.constant 2789 : index
    %get3A_1231 = tpu.vector_load %arg10[%get3A_1230] {strides = array<i32>} : memref<6192xf32, #tpu.memory_space<vmem>>, vector<16xf32>,
    %add3A_1232 = arith.addf %add3A_1229, %get3A_1231 : vector<16xf32>
    %get3A_1233 = arith.constant 2918 : index
    %get3A_1234 = tpu.vector_load %arg10[%get3A_1233] {strides = array<i32>} : memref<6192xf32, #tpu.memory_space<vmem>>, vector<16xf32>,
    %add3A_1235 = arith.addf %add3A_1232, %get3A_1234 : vector<16xf32>
    %get3A_1236 = arith.constant 3047 : index
    %get3A_1237 = tpu.vector_load %arg10[%get3A_1236] {strides = array<i32>} : memref<6192xf32, #tpu.memory_space<vmem>>, vector<16xf32>,
    %add3A_1238 = arith.addf %add3A_1235, %get3A_1237 : vector<16xf32>
    %get3A_1239 = arith.constant 3176 : index
    %get3A_1240 = tpu.vector_load %arg10[%get3A_1239] {strides = array<i32>} : memref<6192xf32, #tpu.memory_space<vmem>>, vector<16xf32>,
    %add3A_1241 = arith.addf %add3A_1238, %get3A_1240 : vector<16xf32>
    %get3A_1242 = arith.constant 3305 : index
    %get3A_1243 = tpu.vector_load %arg10[%get3A_1242] {strides = array<i32>} : memref<6192xf32, #tpu.memory_space<vmem>>, vector<16xf32>,
    %add3A_1244 = arith.addf %add3A_1241, %get3A_1243 : vector<16xf32>
    %get3A_1245 = arith.constant 3434 : index
    %get3A_1246 = tpu.vector_load %arg10[%get3A_1245] {strides = array<i32>} : memref<6192xf32, #tpu.memory_space<vmem>>, vector<16xf32>,
    %add3A_1247 = arith.addf %add3A_1244, %get3A_1246 : vector<16xf32>
    %get3A_1248 = arith.constant 3563 : index
    %get3A_1249 = tpu.vector_load %arg10[%get3A_1248] {strides = array<i32>} : memref<6192xf32, #tpu.memory_space<vmem>>, vector<16xf32>,
    %add3A_1250 = arith.addf %add3A_1247, %get3A_1249 : vector<16xf32>
    %get3A_1251 = arith.constant 3692 : index
    %get3A_1252 = tpu.vector_load %arg10[%get3A_1251] {strides = array<i32>} : memref<6192xf32, #tpu.memory_space<vmem>>, vector<16xf32>,
    %add3A_1253 = arith.addf %add3A_1250, %get3A_1252 : vector<16xf32>
    %get3A_1254 = arith.constant 3821 : index
    %get3A_1255 = tpu.vector_load %arg10[%get3A_1254] {strides = array<i32>} : memref<6192xf32, #tpu.memory_space<vmem>>, vector<16xf32>,
    %add3A_1256 = arith.addf %add3A_1253, %get3A_1255 : vector<16xf32>
    %get3A_1257 = arith.constant 3950 : index
    %get3A_1258 = tpu.vector_load %arg10[%get3A_1257] {strides = array<i32>} : memref<6192xf32, #tpu.memory_space<vmem>>, vector<16xf32>,
    %add3A_1259 = arith.addf %add3A_1256, %get3A_1258 : vector<16xf32>
    %get3A_1260 = arith.constant 4079 : index
    %get3A_1261 = tpu.vector_load %arg10[%get3A_1260] {strides = array<i32>} : memref<6192xf32, #tpu.memory_space<vmem>>, vector<16xf32>,
    %add3A_1262 = arith.addf %add3A_1259, %get3A_1261 : vector<16xf32>
    %swap3A_1263 = arith.constant 2 : i32
    %swap3A_1264 = arith.index_cast %swap3A_1263 : i32 to index
    %swap3A_1265 = arith.constant 80 : index
    %swap3A_1266 = tpu.vector_load %arg11[%swap3A_1264, %swap3A_1265] {strides = array<i32>} : memref<6x128xf32, #tpu.memory_space<vmem>>, vector<16xf32>,
    tpu.vector_store %arg11[%swap3A_1264, %swap3A_1265], %add3A_1262 {strides = array<i32>} : memref<6x128xf32, #tpu.memory_space<vmem>>, vector<16xf32>,
    %get3A_1267 = arith.constant 2160 : index
    %get3A_1268 = tpu.vector_load %arg10[%get3A_1267] {strides = array<i32>} : memref<6192xf32, #tpu.memory_space<vmem>>, vector<16xf32>,
    %get3A_1269 = arith.constant 2289 : index
    %get3A_1270 = tpu.vector_load %arg10[%get3A_1269] {strides = array<i32>} : memref<6192xf32, #tpu.memory_space<vmem>>, vector<16xf32>,
    %add3A_1271 = arith.addf %get3A_1268, %get3A_1270 : vector<16xf32>
    %get3A_1272 = arith.constant 2418 : index
    %get3A_1273 = tpu.vector_load %arg10[%get3A_1272] {strides = array<i32>} : memref<6192xf32, #tpu.memory_space<vmem>>, vector<16xf32>,
    %add3A_1274 = arith.addf %add3A_1271, %get3A_1273 : vector<16xf32>
    %get3A_1275 = arith.constant 2547 : index
    %get3A_1276 = tpu.vector_load %arg10[%get3A_1275] {strides = array<i32>} : memref<6192xf32, #tpu.memory_space<vmem>>, vector<16xf32>,
    %add3A_1277 = arith.addf %add3A_1274, %get3A_1276 : vector<16xf32>
    %get3A_1278 = arith.constant 2676 : index
    %get3A_1279 = tpu.vector_load %arg10[%get3A_1278] {strides = array<i32>} : memref<6192xf32, #tpu.memory_space<vmem>>, vector<16xf32>,
    %add3A_1280 = arith.addf %add3A_1277, %get3A_1279 : vector<16xf32>
    %get3A_1281 = arith.constant 2805 : index
    %get3A_1282 = tpu.vector_load %arg10[%get3A_1281] {strides = array<i32>} : memref<6192xf32, #tpu.memory_space<vmem>>, vector<16xf32>,
    %add3A_1283 = arith.addf %add3A_1280, %get3A_1282 : vector<16xf32>
    %get3A_1284 = arith.constant 2934 : index
    %get3A_1285 = tpu.vector_load %arg10[%get3A_1284] {strides = array<i32>} : memref<6192xf32, #tpu.memory_space<vmem>>, vector<16xf32>,
    %add3A_1286 = arith.addf %add3A_1283, %get3A_1285 : vector<16xf32>
    %get3A_1287 = arith.constant 3063 : index
    %get3A_1288 = tpu.vector_load %arg10[%get3A_1287] {strides = array<i32>} : memref<6192xf32, #tpu.memory_space<vmem>>, vector<16xf32>,
    %add3A_1289 = arith.addf %add3A_1286, %get3A_1288 : vector<16xf32>
    %get3A_1290 = arith.constant 3192 : index
    %get3A_1291 = tpu.vector_load %arg10[%get3A_1290] {strides = array<i32>} : memref<6192xf32, #tpu.memory_space<vmem>>, vector<16xf32>,
    %add3A_1292 = arith.addf %add3A_1289, %get3A_1291 : vector<16xf32>
    %get3A_1293 = arith.constant 3321 : index
    %get3A_1294 = tpu.vector_load %arg10[%get3A_1293] {strides = array<i32>} : memref<6192xf32, #tpu.memory_space<vmem>>, vector<16xf32>,
    %add3A_1295 = arith.addf %add3A_1292, %get3A_1294 : vector<16xf32>
    %get3A_1296 = arith.constant 3450 : index
    %get3A_1297 = tpu.vector_load %arg10[%get3A_1296] {strides = array<i32>} : memref<6192xf32, #tpu.memory_space<vmem>>, vector<16xf32>,
    %add3A_1298 = arith.addf %add3A_1295, %get3A_1297 : vector<16xf32>
    %get3A_1299 = arith.constant 3579 : index
    %get3A_1300 = tpu.vector_load %arg10[%get3A_1299] {strides = array<i32>} : memref<6192xf32, #tpu.memory_space<vmem>>, vector<16xf32>,
    %add3A_1301 = arith.addf %add3A_1298, %get3A_1300 : vector<16xf32>
    %get3A_1302 = arith.constant 3708 : index
    %get3A_1303 = tpu.vector_load %arg10[%get3A_1302] {strides = array<i32>} : memref<6192xf32, #tpu.memory_space<vmem>>, vector<16xf32>,
    %add3A_1304 = arith.addf %add3A_1301, %get3A_1303 : vector<16xf32>
    %get3A_1305 = arith.constant 3837 : index
    %get3A_1306 = tpu.vector_load %arg10[%get3A_1305] {strides = array<i32>} : memref<6192xf32, #tpu.memory_space<vmem>>, vector<16xf32>,
    %add3A_1307 = arith.addf %add3A_1304, %get3A_1306 : vector<16xf32>
    %get3A_1308 = arith.constant 3966 : index
    %get3A_1309 = tpu.vector_load %arg10[%get3A_1308] {strides = array<i32>} : memref<6192xf32, #tpu.memory_space<vmem>>, vector<16xf32>,
    %add3A_1310 = arith.addf %add3A_1307, %get3A_1309 : vector<16xf32>
    %get3A_1311 = arith.constant 4095 : index
    %get3A_1312 = tpu.vector_load %arg10[%get3A_1311] {strides = array<i32>} : memref<6192xf32, #tpu.memory_space<vmem>>, vector<16xf32>,
    %add3A_1313 = arith.addf %add3A_1310, %get3A_1312 : vector<16xf32>
    %swap3A_1314 = arith.constant 2 : i32
    %swap3A_1315 = arith.index_cast %swap3A_1314 : i32 to index
    %swap3A_1316 = arith.constant 96 : index
    %swap3A_1317 = tpu.vector_load %arg11[%swap3A_1315, %swap3A_1316] {strides = array<i32>} : memref<6x128xf32, #tpu.memory_space<vmem>>, vector<16xf32>,
    tpu.vector_store %arg11[%swap3A_1315, %swap3A_1316], %add3A_1313 {strides = array<i32>} : memref<6x128xf32, #tpu.memory_space<vmem>>, vector<16xf32>,
    %get3A_1318 = arith.constant 2176 : index
    %get3A_1319 = tpu.vector_load %arg10[%get3A_1318] {strides = array<i32>} : memref<6192xf32, #tpu.memory_space<vmem>>, vector<16xf32>,
    %get3A_1320 = arith.constant 2305 : index
    %get3A_1321 = tpu.vector_load %arg10[%get3A_1320] {strides = array<i32>} : memref<6192xf32, #tpu.memory_space<vmem>>, vector<16xf32>,
    %add3A_1322 = arith.addf %get3A_1319, %get3A_1321 : vector<16xf32>
    %get3A_1323 = arith.constant 2434 : index
    %get3A_1324 = tpu.vector_load %arg10[%get3A_1323] {strides = array<i32>} : memref<6192xf32, #tpu.memory_space<vmem>>, vector<16xf32>,
    %add3A_1325 = arith.addf %add3A_1322, %get3A_1324 : vector<16xf32>
    %get3A_1326 = arith.constant 2563 : index
    %get3A_1327 = tpu.vector_load %arg10[%get3A_1326] {strides = array<i32>} : memref<6192xf32, #tpu.memory_space<vmem>>, vector<16xf32>,
    %add3A_1328 = arith.addf %add3A_1325, %get3A_1327 : vector<16xf32>
    %get3A_1329 = arith.constant 2692 : index
    %get3A_1330 = tpu.vector_load %arg10[%get3A_1329] {strides = array<i32>} : memref<6192xf32, #tpu.memory_space<vmem>>, vector<16xf32>,
    %add3A_1331 = arith.addf %add3A_1328, %get3A_1330 : vector<16xf32>
    %get3A_1332 = arith.constant 2821 : index
    %get3A_1333 = tpu.vector_load %arg10[%get3A_1332] {strides = array<i32>} : memref<6192xf32, #tpu.memory_space<vmem>>, vector<16xf32>,
    %add3A_1334 = arith.addf %add3A_1331, %get3A_1333 : vector<16xf32>
    %get3A_1335 = arith.constant 2950 : index
    %get3A_1336 = tpu.vector_load %arg10[%get3A_1335] {strides = array<i32>} : memref<6192xf32, #tpu.memory_space<vmem>>, vector<16xf32>,
    %add3A_1337 = arith.addf %add3A_1334, %get3A_1336 : vector<16xf32>
    %get3A_1338 = arith.constant 3079 : index
    %get3A_1339 = tpu.vector_load %arg10[%get3A_1338] {strides = array<i32>} : memref<6192xf32, #tpu.memory_space<vmem>>, vector<16xf32>,
    %add3A_1340 = arith.addf %add3A_1337, %get3A_1339 : vector<16xf32>
    %get3A_1341 = arith.constant 3208 : index
    %get3A_1342 = tpu.vector_load %arg10[%get3A_1341] {strides = array<i32>} : memref<6192xf32, #tpu.memory_space<vmem>>, vector<16xf32>,
    %add3A_1343 = arith.addf %add3A_1340, %get3A_1342 : vector<16xf32>
    %get3A_1344 = arith.constant 3337 : index
    %get3A_1345 = tpu.vector_load %arg10[%get3A_1344] {strides = array<i32>} : memref<6192xf32, #tpu.memory_space<vmem>>, vector<16xf32>,
    %add3A_1346 = arith.addf %add3A_1343, %get3A_1345 : vector<16xf32>
    %get3A_1347 = arith.constant 3466 : index
    %get3A_1348 = tpu.vector_load %arg10[%get3A_1347] {strides = array<i32>} : memref<6192xf32, #tpu.memory_space<vmem>>, vector<16xf32>,
    %add3A_1349 = arith.addf %add3A_1346, %get3A_1348 : vector<16xf32>
    %get3A_1350 = arith.constant 3595 : index
    %get3A_1351 = tpu.vector_load %arg10[%get3A_1350] {strides = array<i32>} : memref<6192xf32, #tpu.memory_space<vmem>>, vector<16xf32>,
    %add3A_1352 = arith.addf %add3A_1349, %get3A_1351 : vector<16xf32>
    %get3A_1353 = arith.constant 3724 : index
    %get3A_1354 = tpu.vector_load %arg10[%get3A_1353] {strides = array<i32>} : memref<6192xf32, #tpu.memory_space<vmem>>, vector<16xf32>,
    %add3A_1355 = arith.addf %add3A_1352, %get3A_1354 : vector<16xf32>
    %get3A_1356 = arith.constant 3853 : index
    %get3A_1357 = tpu.vector_load %arg10[%get3A_1356] {strides = array<i32>} : memref<6192xf32, #tpu.memory_space<vmem>>, vector<16xf32>,
    %add3A_1358 = arith.addf %add3A_1355, %get3A_1357 : vector<16xf32>
    %get3A_1359 = arith.constant 3982 : index
    %get3A_1360 = tpu.vector_load %arg10[%get3A_1359] {strides = array<i32>} : memref<6192xf32, #tpu.memory_space<vmem>>, vector<16xf32>,
    %add3A_1361 = arith.addf %add3A_1358, %get3A_1360 : vector<16xf32>
    %get3A_1362 = arith.constant 4111 : index
    %get3A_1363 = tpu.vector_load %arg10[%get3A_1362] {strides = array<i32>} : memref<6192xf32, #tpu.memory_space<vmem>>, vector<16xf32>,
    %add3A_1364 = arith.addf %add3A_1361, %get3A_1363 : vector<16xf32>
    %swap3A_1365 = arith.constant 2 : i32
    %swap3A_1366 = arith.index_cast %swap3A_1365 : i32 to index
    %swap3A_1367 = arith.constant 112 : index
    %swap3A_1368 = tpu.vector_load %arg11[%swap3A_1366, %swap3A_1367] {strides = array<i32>} : memref<6x128xf32, #tpu.memory_space<vmem>>, vector<16xf32>,
    tpu.vector_store %arg11[%swap3A_1366, %swap3A_1367], %add3A_1364 {strides = array<i32>} : memref<6x128xf32, #tpu.memory_space<vmem>>, vector<16xf32>,
    %get3A_1369 = arith.constant 4128 : index
    %get3A_1370 = tpu.vector_load %arg10[%get3A_1369] {strides = array<i32>} : memref<6192xf32, #tpu.memory_space<vmem>>, vector<16xf32>,
    %get3A_1371 = arith.constant 4257 : index
    %get3A_1372 = tpu.vector_load %arg10[%get3A_1371] {strides = array<i32>} : memref<6192xf32, #tpu.memory_space<vmem>>, vector<16xf32>,
    %add3A_1373 = arith.addf %get3A_1370, %get3A_1372 : vector<16xf32>
    %get3A_1374 = arith.constant 4386 : index
    %get3A_1375 = tpu.vector_load %arg10[%get3A_1374] {strides = array<i32>} : memref<6192xf32, #tpu.memory_space<vmem>>, vector<16xf32>,
    %add3A_1376 = arith.addf %add3A_1373, %get3A_1375 : vector<16xf32>
    %get3A_1377 = arith.constant 4515 : index
    %get3A_1378 = tpu.vector_load %arg10[%get3A_1377] {strides = array<i32>} : memref<6192xf32, #tpu.memory_space<vmem>>, vector<16xf32>,
    %add3A_1379 = arith.addf %add3A_1376, %get3A_1378 : vector<16xf32>
    %get3A_1380 = arith.constant 4644 : index
    %get3A_1381 = tpu.vector_load %arg10[%get3A_1380] {strides = array<i32>} : memref<6192xf32, #tpu.memory_space<vmem>>, vector<16xf32>,
    %add3A_1382 = arith.addf %add3A_1379, %get3A_1381 : vector<16xf32>
    %get3A_1383 = arith.constant 4773 : index
    %get3A_1384 = tpu.vector_load %arg10[%get3A_1383] {strides = array<i32>} : memref<6192xf32, #tpu.memory_space<vmem>>, vector<16xf32>,
    %add3A_1385 = arith.addf %add3A_1382, %get3A_1384 : vector<16xf32>
    %get3A_1386 = arith.constant 4902 : index
    %get3A_1387 = tpu.vector_load %arg10[%get3A_1386] {strides = array<i32>} : memref<6192xf32, #tpu.memory_space<vmem>>, vector<16xf32>,
    %add3A_1388 = arith.addf %add3A_1385, %get3A_1387 : vector<16xf32>
    %get3A_1389 = arith.constant 5031 : index
    %get3A_1390 = tpu.vector_load %arg10[%get3A_1389] {strides = array<i32>} : memref<6192xf32, #tpu.memory_space<vmem>>, vector<16xf32>,
    %add3A_1391 = arith.addf %add3A_1388, %get3A_1390 : vector<16xf32>
    %get3A_1392 = arith.constant 5160 : index
    %get3A_1393 = tpu.vector_load %arg10[%get3A_1392] {strides = array<i32>} : memref<6192xf32, #tpu.memory_space<vmem>>, vector<16xf32>,
    %add3A_1394 = arith.addf %add3A_1391, %get3A_1393 : vector<16xf32>
    %get3A_1395 = arith.constant 5289 : index
    %get3A_1396 = tpu.vector_load %arg10[%get3A_1395] {strides = array<i32>} : memref<6192xf32, #tpu.memory_space<vmem>>, vector<16xf32>,
    %add3A_1397 = arith.addf %add3A_1394, %get3A_1396 : vector<16xf32>
    %get3A_1398 = arith.constant 5418 : index
    %get3A_1399 = tpu.vector_load %arg10[%get3A_1398] {strides = array<i32>} : memref<6192xf32, #tpu.memory_space<vmem>>, vector<16xf32>,
    %add3A_1400 = arith.addf %add3A_1397, %get3A_1399 : vector<16xf32>
    %get3A_1401 = arith.constant 5547 : index
    %get3A_1402 = tpu.vector_load %arg10[%get3A_1401] {strides = array<i32>} : memref<6192xf32, #tpu.memory_space<vmem>>, vector<16xf32>,
    %add3A_1403 = arith.addf %add3A_1400, %get3A_1402 : vector<16xf32>
    %get3A_1404 = arith.constant 5676 : index
    %get3A_1405 = tpu.vector_load %arg10[%get3A_1404] {strides = array<i32>} : memref<6192xf32, #tpu.memory_space<vmem>>, vector<16xf32>,
    %add3A_1406 = arith.addf %add3A_1403, %get3A_1405 : vector<16xf32>
    %get3A_1407 = arith.constant 5805 : index
    %get3A_1408 = tpu.vector_load %arg10[%get3A_1407] {strides = array<i32>} : memref<6192xf32, #tpu.memory_space<vmem>>, vector<16xf32>,
    %add3A_1409 = arith.addf %add3A_1406, %get3A_1408 : vector<16xf32>
    %get3A_1410 = arith.constant 5934 : index
    %get3A_1411 = tpu.vector_load %arg10[%get3A_1410] {strides = array<i32>} : memref<6192xf32, #tpu.memory_space<vmem>>, vector<16xf32>,
    %add3A_1412 = arith.addf %add3A_1409, %get3A_1411 : vector<16xf32>
    %get3A_1413 = arith.constant 6063 : index
    %get3A_1414 = tpu.vector_load %arg10[%get3A_1413] {strides = array<i32>} : memref<6192xf32, #tpu.memory_space<vmem>>, vector<16xf32>,
    %add3A_1415 = arith.addf %add3A_1412, %get3A_1414 : vector<16xf32>
    %swap3A_1416 = arith.constant 3 : i32
    %swap3A_1417 = arith.index_cast %swap3A_1416 : i32 to index
    %swap3A_1418 = arith.constant 0 : index
    %swap3A_1419 = tpu.vector_load %arg11[%swap3A_1417, %swap3A_1418] {strides = array<i32>} : memref<6x128xf32, #tpu.memory_space<vmem>>, vector<16xf32>,
    tpu.vector_store %arg11[%swap3A_1417, %swap3A_1418], %add3A_1415 {strides = array<i32>} : memref<6x128xf32, #tpu.memory_space<vmem>>, vector<16xf32>,
    %get3A_1420 = arith.constant 4144 : index
    %get3A_1421 = tpu.vector_load %arg10[%get3A_1420] {strides = array<i32>} : memref<6192xf32, #tpu.memory_space<vmem>>, vector<16xf32>,
    %get3A_1422 = arith.constant 4273 : index
    %get3A_1423 = tpu.vector_load %arg10[%get3A_1422] {strides = array<i32>} : memref<6192xf32, #tpu.memory_space<vmem>>, vector<16xf32>,
    %add3A_1424 = arith.addf %get3A_1421, %get3A_1423 : vector<16xf32>
    %get3A_1425 = arith.constant 4402 : index
    %get3A_1426 = tpu.vector_load %arg10[%get3A_1425] {strides = array<i32>} : memref<6192xf32, #tpu.memory_space<vmem>>, vector<16xf32>,
    %add3A_1427 = arith.addf %add3A_1424, %get3A_1426 : vector<16xf32>
    %get3A_1428 = arith.constant 4531 : index
    %get3A_1429 = tpu.vector_load %arg10[%get3A_1428] {strides = array<i32>} : memref<6192xf32, #tpu.memory_space<vmem>>, vector<16xf32>,
    %add3A_1430 = arith.addf %add3A_1427, %get3A_1429 : vector<16xf32>
    %get3A_1431 = arith.constant 4660 : index
    %get3A_1432 = tpu.vector_load %arg10[%get3A_1431] {strides = array<i32>} : memref<6192xf32, #tpu.memory_space<vmem>>, vector<16xf32>,
    %add3A_1433 = arith.addf %add3A_1430, %get3A_1432 : vector<16xf32>
    %get3A_1434 = arith.constant 4789 : index
    %get3A_1435 = tpu.vector_load %arg10[%get3A_1434] {strides = array<i32>} : memref<6192xf32, #tpu.memory_space<vmem>>, vector<16xf32>,
    %add3A_1436 = arith.addf %add3A_1433, %get3A_1435 : vector<16xf32>
    %get3A_1437 = arith.constant 4918 : index
    %get3A_1438 = tpu.vector_load %arg10[%get3A_1437] {strides = array<i32>} : memref<6192xf32, #tpu.memory_space<vmem>>, vector<16xf32>,
    %add3A_1439 = arith.addf %add3A_1436, %get3A_1438 : vector<16xf32>
    %get3A_1440 = arith.constant 5047 : index
    %get3A_1441 = tpu.vector_load %arg10[%get3A_1440] {strides = array<i32>} : memref<6192xf32, #tpu.memory_space<vmem>>, vector<16xf32>,
    %add3A_1442 = arith.addf %add3A_1439, %get3A_1441 : vector<16xf32>
    %get3A_1443 = arith.constant 5176 : index
    %get3A_1444 = tpu.vector_load %arg10[%get3A_1443] {strides = array<i32>} : memref<6192xf32, #tpu.memory_space<vmem>>, vector<16xf32>,
    %add3A_1445 = arith.addf %add3A_1442, %get3A_1444 : vector<16xf32>
    %get3A_1446 = arith.constant 5305 : index
    %get3A_1447 = tpu.vector_load %arg10[%get3A_1446] {strides = array<i32>} : memref<6192xf32, #tpu.memory_space<vmem>>, vector<16xf32>,
    %add3A_1448 = arith.addf %add3A_1445, %get3A_1447 : vector<16xf32>
    %get3A_1449 = arith.constant 5434 : index
    %get3A_1450 = tpu.vector_load %arg10[%get3A_1449] {strides = array<i32>} : memref<6192xf32, #tpu.memory_space<vmem>>, vector<16xf32>,
    %add3A_1451 = arith.addf %add3A_1448, %get3A_1450 : vector<16xf32>
    %get3A_1452 = arith.constant 5563 : index
    %get3A_1453 = tpu.vector_load %arg10[%get3A_1452] {strides = array<i32>} : memref<6192xf32, #tpu.memory_space<vmem>>, vector<16xf32>,
    %add3A_1454 = arith.addf %add3A_1451, %get3A_1453 : vector<16xf32>
    %get3A_1455 = arith.constant 5692 : index
    %get3A_1456 = tpu.vector_load %arg10[%get3A_1455] {strides = array<i32>} : memref<6192xf32, #tpu.memory_space<vmem>>, vector<16xf32>,
    %add3A_1457 = arith.addf %add3A_1454, %get3A_1456 : vector<16xf32>
    %get3A_1458 = arith.constant 5821 : index
    %get3A_1459 = tpu.vector_load %arg10[%get3A_1458] {strides = array<i32>} : memref<6192xf32, #tpu.memory_space<vmem>>, vector<16xf32>,
    %add3A_1460 = arith.addf %add3A_1457, %get3A_1459 : vector<16xf32>
    %get3A_1461 = arith.constant 5950 : index
    %get3A_1462 = tpu.vector_load %arg10[%get3A_1461] {strides = array<i32>} : memref<6192xf32, #tpu.memory_space<vmem>>, vector<16xf32>,
    %add3A_1463 = arith.addf %add3A_1460, %get3A_1462 : vector<16xf32>
    %get3A_1464 = arith.constant 6079 : index
    %get3A_1465 = tpu.vector_load %arg10[%get3A_1464] {strides = array<i32>} : memref<6192xf32, #tpu.memory_space<vmem>>, vector<16xf32>,
    %add3A_1466 = arith.addf %add3A_1463, %get3A_1465 : vector<16xf32>
    %swap3A_1467 = arith.constant 3 : i32
    %swap3A_1468 = arith.index_cast %swap3A_1467 : i32 to index
    %swap3A_1469 = arith.constant 16 : index
    %swap3A_1470 = tpu.vector_load %arg11[%swap3A_1468, %swap3A_1469] {strides = array<i32>} : memref<6x128xf32, #tpu.memory_space<vmem>>, vector<16xf32>,
    tpu.vector_store %arg11[%swap3A_1468, %swap3A_1469], %add3A_1466 {strides = array<i32>} : memref<6x128xf32, #tpu.memory_space<vmem>>, vector<16xf32>,
    %get3A_1471 = arith.constant 4160 : index
    %get3A_1472 = tpu.vector_load %arg10[%get3A_1471] {strides = array<i32>} : memref<6192xf32, #tpu.memory_space<vmem>>, vector<16xf32>,
    %get3A_1473 = arith.constant 4289 : index
    %get3A_1474 = tpu.vector_load %arg10[%get3A_1473] {strides = array<i32>} : memref<6192xf32, #tpu.memory_space<vmem>>, vector<16xf32>,
    %add3A_1475 = arith.addf %get3A_1472, %get3A_1474 : vector<16xf32>
    %get3A_1476 = arith.constant 4418 : index
    %get3A_1477 = tpu.vector_load %arg10[%get3A_1476] {strides = array<i32>} : memref<6192xf32, #tpu.memory_space<vmem>>, vector<16xf32>,
    %add3A_1478 = arith.addf %add3A_1475, %get3A_1477 : vector<16xf32>
    %get3A_1479 = arith.constant 4547 : index
    %get3A_1480 = tpu.vector_load %arg10[%get3A_1479] {strides = array<i32>} : memref<6192xf32, #tpu.memory_space<vmem>>, vector<16xf32>,
    %add3A_1481 = arith.addf %add3A_1478, %get3A_1480 : vector<16xf32>
    %get3A_1482 = arith.constant 4676 : index
    %get3A_1483 = tpu.vector_load %arg10[%get3A_1482] {strides = array<i32>} : memref<6192xf32, #tpu.memory_space<vmem>>, vector<16xf32>,
    %add3A_1484 = arith.addf %add3A_1481, %get3A_1483 : vector<16xf32>
    %get3A_1485 = arith.constant 4805 : index
    %get3A_1486 = tpu.vector_load %arg10[%get3A_1485] {strides = array<i32>} : memref<6192xf32, #tpu.memory_space<vmem>>, vector<16xf32>,
    %add3A_1487 = arith.addf %add3A_1484, %get3A_1486 : vector<16xf32>
    %get3A_1488 = arith.constant 4934 : index
    %get3A_1489 = tpu.vector_load %arg10[%get3A_1488] {strides = array<i32>} : memref<6192xf32, #tpu.memory_space<vmem>>, vector<16xf32>,
    %add3A_1490 = arith.addf %add3A_1487, %get3A_1489 : vector<16xf32>
    %get3A_1491 = arith.constant 5063 : index
    %get3A_1492 = tpu.vector_load %arg10[%get3A_1491] {strides = array<i32>} : memref<6192xf32, #tpu.memory_space<vmem>>, vector<16xf32>,
    %add3A_1493 = arith.addf %add3A_1490, %get3A_1492 : vector<16xf32>
    %get3A_1494 = arith.constant 5192 : index
    %get3A_1495 = tpu.vector_load %arg10[%get3A_1494] {strides = array<i32>} : memref<6192xf32, #tpu.memory_space<vmem>>, vector<16xf32>,
    %add3A_1496 = arith.addf %add3A_1493, %get3A_1495 : vector<16xf32>
    %get3A_1497 = arith.constant 5321 : index
    %get3A_1498 = tpu.vector_load %arg10[%get3A_1497] {strides = array<i32>} : memref<6192xf32, #tpu.memory_space<vmem>>, vector<16xf32>,
    %add3A_1499 = arith.addf %add3A_1496, %get3A_1498 : vector<16xf32>
    %get3A_1500 = arith.constant 5450 : index
    %get3A_1501 = tpu.vector_load %arg10[%get3A_1500] {strides = array<i32>} : memref<6192xf32, #tpu.memory_space<vmem>>, vector<16xf32>,
    %add3A_1502 = arith.addf %add3A_1499, %get3A_1501 : vector<16xf32>
    %get3A_1503 = arith.constant 5579 : index
    %get3A_1504 = tpu.vector_load %arg10[%get3A_1503] {strides = array<i32>} : memref<6192xf32, #tpu.memory_space<vmem>>, vector<16xf32>,
    %add3A_1505 = arith.addf %add3A_1502, %get3A_1504 : vector<16xf32>
    %get3A_1506 = arith.constant 5708 : index
    %get3A_1507 = tpu.vector_load %arg10[%get3A_1506] {strides = array<i32>} : memref<6192xf32, #tpu.memory_space<vmem>>, vector<16xf32>,
    %add3A_1508 = arith.addf %add3A_1505, %get3A_1507 : vector<16xf32>
    %get3A_1509 = arith.constant 5837 : index
    %get3A_1510 = tpu.vector_load %arg10[%get3A_1509] {strides = array<i32>} : memref<6192xf32, #tpu.memory_space<vmem>>, vector<16xf32>,
    %add3A_1511 = arith.addf %add3A_1508, %get3A_1510 : vector<16xf32>
    %get3A_1512 = arith.constant 5966 : index
    %get3A_1513 = tpu.vector_load %arg10[%get3A_1512] {strides = array<i32>} : memref<6192xf32, #tpu.memory_space<vmem>>, vector<16xf32>,
    %add3A_1514 = arith.addf %add3A_1511, %get3A_1513 : vector<16xf32>
    %get3A_1515 = arith.constant 6095 : index
    %get3A_1516 = tpu.vector_load %arg10[%get3A_1515] {strides = array<i32>} : memref<6192xf32, #tpu.memory_space<vmem>>, vector<16xf32>,
    %add3A_1517 = arith.addf %add3A_1514, %get3A_1516 : vector<16xf32>
    %swap3A_1518 = arith.constant 3 : i32
    %swap3A_1519 = arith.index_cast %swap3A_1518 : i32 to index
    %swap3A_1520 = arith.constant 32 : index
    %swap3A_1521 = tpu.vector_load %arg11[%swap3A_1519, %swap3A_1520] {strides = array<i32>} : memref<6x128xf32, #tpu.memory_space<vmem>>, vector<16xf32>,
    tpu.vector_store %arg11[%swap3A_1519, %swap3A_1520], %add3A_1517 {strides = array<i32>} : memref<6x128xf32, #tpu.memory_space<vmem>>, vector<16xf32>,
    %get3A_1522 = arith.constant 4176 : index
    %get3A_1523 = tpu.vector_load %arg10[%get3A_1522] {strides = array<i32>} : memref<6192xf32, #tpu.memory_space<vmem>>, vector<16xf32>,
    %get3A_1524 = arith.constant 4305 : index
    %get3A_1525 = tpu.vector_load %arg10[%get3A_1524] {strides = array<i32>} : memref<6192xf32, #tpu.memory_space<vmem>>, vector<16xf32>,
    %add3A_1526 = arith.addf %get3A_1523, %get3A_1525 : vector<16xf32>
    %get3A_1527 = arith.constant 4434 : index
    %get3A_1528 = tpu.vector_load %arg10[%get3A_1527] {strides = array<i32>} : memref<6192xf32, #tpu.memory_space<vmem>>, vector<16xf32>,
    %add3A_1529 = arith.addf %add3A_1526, %get3A_1528 : vector<16xf32>
    %get3A_1530 = arith.constant 4563 : index
    %get3A_1531 = tpu.vector_load %arg10[%get3A_1530] {strides = array<i32>} : memref<6192xf32, #tpu.memory_space<vmem>>, vector<16xf32>,
    %add3A_1532 = arith.addf %add3A_1529, %get3A_1531 : vector<16xf32>
    %get3A_1533 = arith.constant 4692 : index
    %get3A_1534 = tpu.vector_load %arg10[%get3A_1533] {strides = array<i32>} : memref<6192xf32, #tpu.memory_space<vmem>>, vector<16xf32>,
    %add3A_1535 = arith.addf %add3A_1532, %get3A_1534 : vector<16xf32>
    %get3A_1536 = arith.constant 4821 : index
    %get3A_1537 = tpu.vector_load %arg10[%get3A_1536] {strides = array<i32>} : memref<6192xf32, #tpu.memory_space<vmem>>, vector<16xf32>,
    %add3A_1538 = arith.addf %add3A_1535, %get3A_1537 : vector<16xf32>
    %get3A_1539 = arith.constant 4950 : index
    %get3A_1540 = tpu.vector_load %arg10[%get3A_1539] {strides = array<i32>} : memref<6192xf32, #tpu.memory_space<vmem>>, vector<16xf32>,
    %add3A_1541 = arith.addf %add3A_1538, %get3A_1540 : vector<16xf32>
    %get3A_1542 = arith.constant 5079 : index
    %get3A_1543 = tpu.vector_load %arg10[%get3A_1542] {strides = array<i32>} : memref<6192xf32, #tpu.memory_space<vmem>>, vector<16xf32>,
    %add3A_1544 = arith.addf %add3A_1541, %get3A_1543 : vector<16xf32>
    %get3A_1545 = arith.constant 5208 : index
    %get3A_1546 = tpu.vector_load %arg10[%get3A_1545] {strides = array<i32>} : memref<6192xf32, #tpu.memory_space<vmem>>, vector<16xf32>,
    %add3A_1547 = arith.addf %add3A_1544, %get3A_1546 : vector<16xf32>
    %get3A_1548 = arith.constant 5337 : index
    %get3A_1549 = tpu.vector_load %arg10[%get3A_1548] {strides = array<i32>} : memref<6192xf32, #tpu.memory_space<vmem>>, vector<16xf32>,
    %add3A_1550 = arith.addf %add3A_1547, %get3A_1549 : vector<16xf32>
    %get3A_1551 = arith.constant 5466 : index
    %get3A_1552 = tpu.vector_load %arg10[%get3A_1551] {strides = array<i32>} : memref<6192xf32, #tpu.memory_space<vmem>>, vector<16xf32>,
    %add3A_1553 = arith.addf %add3A_1550, %get3A_1552 : vector<16xf32>
    %get3A_1554 = arith.constant 5595 : index
    %get3A_1555 = tpu.vector_load %arg10[%get3A_1554] {strides = array<i32>} : memref<6192xf32, #tpu.memory_space<vmem>>, vector<16xf32>,
    %add3A_1556 = arith.addf %add3A_1553, %get3A_1555 : vector<16xf32>
    %get3A_1557 = arith.constant 5724 : index
    %get3A_1558 = tpu.vector_load %arg10[%get3A_1557] {strides = array<i32>} : memref<6192xf32, #tpu.memory_space<vmem>>, vector<16xf32>,
    %add3A_1559 = arith.addf %add3A_1556, %get3A_1558 : vector<16xf32>
    %get3A_1560 = arith.constant 5853 : index
    %get3A_1561 = tpu.vector_load %arg10[%get3A_1560] {strides = array<i32>} : memref<6192xf32, #tpu.memory_space<vmem>>, vector<16xf32>,
    %add3A_1562 = arith.addf %add3A_1559, %get3A_1561 : vector<16xf32>
    %get3A_1563 = arith.constant 5982 : index
    %get3A_1564 = tpu.vector_load %arg10[%get3A_1563] {strides = array<i32>} : memref<6192xf32, #tpu.memory_space<vmem>>, vector<16xf32>,
    %add3A_1565 = arith.addf %add3A_1562, %get3A_1564 : vector<16xf32>
    %get3A_1566 = arith.constant 6111 : index
    %get3A_1567 = tpu.vector_load %arg10[%get3A_1566] {strides = array<i32>} : memref<6192xf32, #tpu.memory_space<vmem>>, vector<16xf32>,
    %add3A_1568 = arith.addf %add3A_1565, %get3A_1567 : vector<16xf32>
    %swap3A_1569 = arith.constant 3 : i32
    %swap3A_1570 = arith.index_cast %swap3A_1569 : i32 to index
    %swap3A_1571 = arith.constant 48 : index
    %swap3A_1572 = tpu.vector_load %arg11[%swap3A_1570, %swap3A_1571] {strides = array<i32>} : memref<6x128xf32, #tpu.memory_space<vmem>>, vector<16xf32>,
    tpu.vector_store %arg11[%swap3A_1570, %swap3A_1571], %add3A_1568 {strides = array<i32>} : memref<6x128xf32, #tpu.memory_space<vmem>>, vector<16xf32>,
    %get3A_1573 = arith.constant 4192 : index
    %get3A_1574 = tpu.vector_load %arg10[%get3A_1573] {strides = array<i32>} : memref<6192xf32, #tpu.memory_space<vmem>>, vector<16xf32>,
    %get3A_1575 = arith.constant 4321 : index
    %get3A_1576 = tpu.vector_load %arg10[%get3A_1575] {strides = array<i32>} : memref<6192xf32, #tpu.memory_space<vmem>>, vector<16xf32>,
    %add3A_1577 = arith.addf %get3A_1574, %get3A_1576 : vector<16xf32>
    %get3A_1578 = arith.constant 4450 : index
    %get3A_1579 = tpu.vector_load %arg10[%get3A_1578] {strides = array<i32>} : memref<6192xf32, #tpu.memory_space<vmem>>, vector<16xf32>,
    %add3A_1580 = arith.addf %add3A_1577, %get3A_1579 : vector<16xf32>
    %get3A_1581 = arith.constant 4579 : index
    %get3A_1582 = tpu.vector_load %arg10[%get3A_1581] {strides = array<i32>} : memref<6192xf32, #tpu.memory_space<vmem>>, vector<16xf32>,
    %add3A_1583 = arith.addf %add3A_1580, %get3A_1582 : vector<16xf32>
    %get3A_1584 = arith.constant 4708 : index
    %get3A_1585 = tpu.vector_load %arg10[%get3A_1584] {strides = array<i32>} : memref<6192xf32, #tpu.memory_space<vmem>>, vector<16xf32>,
    %add3A_1586 = arith.addf %add3A_1583, %get3A_1585 : vector<16xf32>
    %get3A_1587 = arith.constant 4837 : index
    %get3A_1588 = tpu.vector_load %arg10[%get3A_1587] {strides = array<i32>} : memref<6192xf32, #tpu.memory_space<vmem>>, vector<16xf32>,
    %add3A_1589 = arith.addf %add3A_1586, %get3A_1588 : vector<16xf32>
    %get3A_1590 = arith.constant 4966 : index
    %get3A_1591 = tpu.vector_load %arg10[%get3A_1590] {strides = array<i32>} : memref<6192xf32, #tpu.memory_space<vmem>>, vector<16xf32>,
    %add3A_1592 = arith.addf %add3A_1589, %get3A_1591 : vector<16xf32>
    %get3A_1593 = arith.constant 5095 : index
    %get3A_1594 = tpu.vector_load %arg10[%get3A_1593] {strides = array<i32>} : memref<6192xf32, #tpu.memory_space<vmem>>, vector<16xf32>,
    %add3A_1595 = arith.addf %add3A_1592, %get3A_1594 : vector<16xf32>
    %get3A_1596 = arith.constant 5224 : index
    %get3A_1597 = tpu.vector_load %arg10[%get3A_1596] {strides = array<i32>} : memref<6192xf32, #tpu.memory_space<vmem>>, vector<16xf32>,
    %add3A_1598 = arith.addf %add3A_1595, %get3A_1597 : vector<16xf32>
    %get3A_1599 = arith.constant 5353 : index
    %get3A_1600 = tpu.vector_load %arg10[%get3A_1599] {strides = array<i32>} : memref<6192xf32, #tpu.memory_space<vmem>>, vector<16xf32>,
    %add3A_1601 = arith.addf %add3A_1598, %get3A_1600 : vector<16xf32>
    %get3A_1602 = arith.constant 5482 : index
    %get3A_1603 = tpu.vector_load %arg10[%get3A_1602] {strides = array<i32>} : memref<6192xf32, #tpu.memory_space<vmem>>, vector<16xf32>,
    %add3A_1604 = arith.addf %add3A_1601, %get3A_1603 : vector<16xf32>
    %get3A_1605 = arith.constant 5611 : index
    %get3A_1606 = tpu.vector_load %arg10[%get3A_1605] {strides = array<i32>} : memref<6192xf32, #tpu.memory_space<vmem>>, vector<16xf32>,
    %add3A_1607 = arith.addf %add3A_1604, %get3A_1606 : vector<16xf32>
    %get3A_1608 = arith.constant 5740 : index
    %get3A_1609 = tpu.vector_load %arg10[%get3A_1608] {strides = array<i32>} : memref<6192xf32, #tpu.memory_space<vmem>>, vector<16xf32>,
    %add3A_1610 = arith.addf %add3A_1607, %get3A_1609 : vector<16xf32>
    %get3A_1611 = arith.constant 5869 : index
    %get3A_1612 = tpu.vector_load %arg10[%get3A_1611] {strides = array<i32>} : memref<6192xf32, #tpu.memory_space<vmem>>, vector<16xf32>,
    %add3A_1613 = arith.addf %add3A_1610, %get3A_1612 : vector<16xf32>
    %get3A_1614 = arith.constant 5998 : index
    %get3A_1615 = tpu.vector_load %arg10[%get3A_1614] {strides = array<i32>} : memref<6192xf32, #tpu.memory_space<vmem>>, vector<16xf32>,
    %add3A_1616 = arith.addf %add3A_1613, %get3A_1615 : vector<16xf32>
    %get3A_1617 = arith.constant 6127 : index
    %get3A_1618 = tpu.vector_load %arg10[%get3A_1617] {strides = array<i32>} : memref<6192xf32, #tpu.memory_space<vmem>>, vector<16xf32>,
    %add3A_1619 = arith.addf %add3A_1616, %get3A_1618 : vector<16xf32>
    %swap3A_1620 = arith.constant 3 : i32
    %swap3A_1621 = arith.index_cast %swap3A_1620 : i32 to index
    %swap3A_1622 = arith.constant 64 : index
    %swap3A_1623 = tpu.vector_load %arg11[%swap3A_1621, %swap3A_1622] {strides = array<i32>} : memref<6x128xf32, #tpu.memory_space<vmem>>, vector<16xf32>,
    tpu.vector_store %arg11[%swap3A_1621, %swap3A_1622], %add3A_1619 {strides = array<i32>} : memref<6x128xf32, #tpu.memory_space<vmem>>, vector<16xf32>,
    %get3A_1624 = arith.constant 4208 : index
    %get3A_1625 = tpu.vector_load %arg10[%get3A_1624] {strides = array<i32>} : memref<6192xf32, #tpu.memory_space<vmem>>, vector<16xf32>,
    %get3A_1626 = arith.constant 4337 : index
    %get3A_1627 = tpu.vector_load %arg10[%get3A_1626] {strides = array<i32>} : memref<6192xf32, #tpu.memory_space<vmem>>, vector<16xf32>,
    %add3A_1628 = arith.addf %get3A_1625, %get3A_1627 : vector<16xf32>
    %get3A_1629 = arith.constant 4466 : index
    %get3A_1630 = tpu.vector_load %arg10[%get3A_1629] {strides = array<i32>} : memref<6192xf32, #tpu.memory_space<vmem>>, vector<16xf32>,
    %add3A_1631 = arith.addf %add3A_1628, %get3A_1630 : vector<16xf32>
    %get3A_1632 = arith.constant 4595 : index
    %get3A_1633 = tpu.vector_load %arg10[%get3A_1632] {strides = array<i32>} : memref<6192xf32, #tpu.memory_space<vmem>>, vector<16xf32>,
    %add3A_1634 = arith.addf %add3A_1631, %get3A_1633 : vector<16xf32>
    %get3A_1635 = arith.constant 4724 : index
    %get3A_1636 = tpu.vector_load %arg10[%get3A_1635] {strides = array<i32>} : memref<6192xf32, #tpu.memory_space<vmem>>, vector<16xf32>,
    %add3A_1637 = arith.addf %add3A_1634, %get3A_1636 : vector<16xf32>
    %get3A_1638 = arith.constant 4853 : index
    %get3A_1639 = tpu.vector_load %arg10[%get3A_1638] {strides = array<i32>} : memref<6192xf32, #tpu.memory_space<vmem>>, vector<16xf32>,
    %add3A_1640 = arith.addf %add3A_1637, %get3A_1639 : vector<16xf32>
    %get3A_1641 = arith.constant 4982 : index
    %get3A_1642 = tpu.vector_load %arg10[%get3A_1641] {strides = array<i32>} : memref<6192xf32, #tpu.memory_space<vmem>>, vector<16xf32>,
    %add3A_1643 = arith.addf %add3A_1640, %get3A_1642 : vector<16xf32>
    %get3A_1644 = arith.constant 5111 : index
    %get3A_1645 = tpu.vector_load %arg10[%get3A_1644] {strides = array<i32>} : memref<6192xf32, #tpu.memory_space<vmem>>, vector<16xf32>,
    %add3A_1646 = arith.addf %add3A_1643, %get3A_1645 : vector<16xf32>
    %get3A_1647 = arith.constant 5240 : index
    %get3A_1648 = tpu.vector_load %arg10[%get3A_1647] {strides = array<i32>} : memref<6192xf32, #tpu.memory_space<vmem>>, vector<16xf32>,
    %add3A_1649 = arith.addf %add3A_1646, %get3A_1648 : vector<16xf32>
    %get3A_1650 = arith.constant 5369 : index
    %get3A_1651 = tpu.vector_load %arg10[%get3A_1650] {strides = array<i32>} : memref<6192xf32, #tpu.memory_space<vmem>>, vector<16xf32>,
    %add3A_1652 = arith.addf %add3A_1649, %get3A_1651 : vector<16xf32>
    %get3A_1653 = arith.constant 5498 : index
    %get3A_1654 = tpu.vector_load %arg10[%get3A_1653] {strides = array<i32>} : memref<6192xf32, #tpu.memory_space<vmem>>, vector<16xf32>,
    %add3A_1655 = arith.addf %add3A_1652, %get3A_1654 : vector<16xf32>
    %get3A_1656 = arith.constant 5627 : index
    %get3A_1657 = tpu.vector_load %arg10[%get3A_1656] {strides = array<i32>} : memref<6192xf32, #tpu.memory_space<vmem>>, vector<16xf32>,
    %add3A_1658 = arith.addf %add3A_1655, %get3A_1657 : vector<16xf32>
    %get3A_1659 = arith.constant 5756 : index
    %get3A_1660 = tpu.vector_load %arg10[%get3A_1659] {strides = array<i32>} : memref<6192xf32, #tpu.memory_space<vmem>>, vector<16xf32>,
    %add3A_1661 = arith.addf %add3A_1658, %get3A_1660 : vector<16xf32>
    %get3A_1662 = arith.constant 5885 : index
    %get3A_1663 = tpu.vector_load %arg10[%get3A_1662] {strides = array<i32>} : memref<6192xf32, #tpu.memory_space<vmem>>, vector<16xf32>,
    %add3A_1664 = arith.addf %add3A_1661, %get3A_1663 : vector<16xf32>
    %get3A_1665 = arith.constant 6014 : index
    %get3A_1666 = tpu.vector_load %arg10[%get3A_1665] {strides = array<i32>} : memref<6192xf32, #tpu.memory_space<vmem>>, vector<16xf32>,
    %add3A_1667 = arith.addf %add3A_1664, %get3A_1666 : vector<16xf32>
    %get3A_1668 = arith.constant 6143 : index
    %get3A_1669 = tpu.vector_load %arg10[%get3A_1668] {strides = array<i32>} : memref<6192xf32, #tpu.memory_space<vmem>>, vector<16xf32>,
    %add3A_1670 = arith.addf %add3A_1667, %get3A_1669 : vector<16xf32>
    %swap3A_1671 = arith.constant 3 : i32
    %swap3A_1672 = arith.index_cast %swap3A_1671 : i32 to index
    %swap3A_1673 = arith.constant 80 : index
    %swap3A_1674 = tpu.vector_load %arg11[%swap3A_1672, %swap3A_1673] {strides = array<i32>} : memref<6x128xf32, #tpu.memory_space<vmem>>, vector<16xf32>,
    tpu.vector_store %arg11[%swap3A_1672, %swap3A_1673], %add3A_1670 {strides = array<i32>} : memref<6x128xf32, #tpu.memory_space<vmem>>, vector<16xf32>,
    %get3A_1675 = arith.constant 4224 : index
    %get3A_1676 = tpu.vector_load %arg10[%get3A_1675] {strides = array<i32>} : memref<6192xf32, #tpu.memory_space<vmem>>, vector<16xf32>,
    %get3A_1677 = arith.constant 4353 : index
    %get3A_1678 = tpu.vector_load %arg10[%get3A_1677] {strides = array<i32>} : memref<6192xf32, #tpu.memory_space<vmem>>, vector<16xf32>,
    %add3A_1679 = arith.addf %get3A_1676, %get3A_1678 : vector<16xf32>
    %get3A_1680 = arith.constant 4482 : index
    %get3A_1681 = tpu.vector_load %arg10[%get3A_1680] {strides = array<i32>} : memref<6192xf32, #tpu.memory_space<vmem>>, vector<16xf32>,
    %add3A_1682 = arith.addf %add3A_1679, %get3A_1681 : vector<16xf32>
    %get3A_1683 = arith.constant 4611 : index
    %get3A_1684 = tpu.vector_load %arg10[%get3A_1683] {strides = array<i32>} : memref<6192xf32, #tpu.memory_space<vmem>>, vector<16xf32>,
    %add3A_1685 = arith.addf %add3A_1682, %get3A_1684 : vector<16xf32>
    %get3A_1686 = arith.constant 4740 : index
    %get3A_1687 = tpu.vector_load %arg10[%get3A_1686] {strides = array<i32>} : memref<6192xf32, #tpu.memory_space<vmem>>, vector<16xf32>,
    %add3A_1688 = arith.addf %add3A_1685, %get3A_1687 : vector<16xf32>
    %get3A_1689 = arith.constant 4869 : index
    %get3A_1690 = tpu.vector_load %arg10[%get3A_1689] {strides = array<i32>} : memref<6192xf32, #tpu.memory_space<vmem>>, vector<16xf32>,
    %add3A_1691 = arith.addf %add3A_1688, %get3A_1690 : vector<16xf32>
    %get3A_1692 = arith.constant 4998 : index
    %get3A_1693 = tpu.vector_load %arg10[%get3A_1692] {strides = array<i32>} : memref<6192xf32, #tpu.memory_space<vmem>>, vector<16xf32>,
    %add3A_1694 = arith.addf %add3A_1691, %get3A_1693 : vector<16xf32>
    %get3A_1695 = arith.constant 5127 : index
    %get3A_1696 = tpu.vector_load %arg10[%get3A_1695] {strides = array<i32>} : memref<6192xf32, #tpu.memory_space<vmem>>, vector<16xf32>,
    %add3A_1697 = arith.addf %add3A_1694, %get3A_1696 : vector<16xf32>
    %get3A_1698 = arith.constant 5256 : index
    %get3A_1699 = tpu.vector_load %arg10[%get3A_1698] {strides = array<i32>} : memref<6192xf32, #tpu.memory_space<vmem>>, vector<16xf32>,
    %add3A_1700 = arith.addf %add3A_1697, %get3A_1699 : vector<16xf32>
    %get3A_1701 = arith.constant 5385 : index
    %get3A_1702 = tpu.vector_load %arg10[%get3A_1701] {strides = array<i32>} : memref<6192xf32, #tpu.memory_space<vmem>>, vector<16xf32>,
    %add3A_1703 = arith.addf %add3A_1700, %get3A_1702 : vector<16xf32>
    %get3A_1704 = arith.constant 5514 : index
    %get3A_1705 = tpu.vector_load %arg10[%get3A_1704] {strides = array<i32>} : memref<6192xf32, #tpu.memory_space<vmem>>, vector<16xf32>,
    %add3A_1706 = arith.addf %add3A_1703, %get3A_1705 : vector<16xf32>
    %get3A_1707 = arith.constant 5643 : index
    %get3A_1708 = tpu.vector_load %arg10[%get3A_1707] {strides = array<i32>} : memref<6192xf32, #tpu.memory_space<vmem>>, vector<16xf32>,
    %add3A_1709 = arith.addf %add3A_1706, %get3A_1708 : vector<16xf32>
    %get3A_1710 = arith.constant 5772 : index
    %get3A_1711 = tpu.vector_load %arg10[%get3A_1710] {strides = array<i32>} : memref<6192xf32, #tpu.memory_space<vmem>>, vector<16xf32>,
    %add3A_1712 = arith.addf %add3A_1709, %get3A_1711 : vector<16xf32>
    %get3A_1713 = arith.constant 5901 : index
    %get3A_1714 = tpu.vector_load %arg10[%get3A_1713] {strides = array<i32>} : memref<6192xf32, #tpu.memory_space<vmem>>, vector<16xf32>,
    %add3A_1715 = arith.addf %add3A_1712, %get3A_1714 : vector<16xf32>
    %get3A_1716 = arith.constant 6030 : index
    %get3A_1717 = tpu.vector_load %arg10[%get3A_1716] {strides = array<i32>} : memref<6192xf32, #tpu.memory_space<vmem>>, vector<16xf32>,
    %add3A_1718 = arith.addf %add3A_1715, %get3A_1717 : vector<16xf32>
    %get3A_1719 = arith.constant 6159 : index
    %get3A_1720 = tpu.vector_load %arg10[%get3A_1719] {strides = array<i32>} : memref<6192xf32, #tpu.memory_space<vmem>>, vector<16xf32>,
    %add3A_1721 = arith.addf %add3A_1718, %get3A_1720 : vector<16xf32>
    %swap3A_1722 = arith.constant 3 : i32
    %swap3A_1723 = arith.index_cast %swap3A_1722 : i32 to index
    %swap3A_1724 = arith.constant 96 : index
    %swap3A_1725 = tpu.vector_load %arg11[%swap3A_1723, %swap3A_1724] {strides = array<i32>} : memref<6x128xf32, #tpu.memory_space<vmem>>, vector<16xf32>,
    tpu.vector_store %arg11[%swap3A_1723, %swap3A_1724], %add3A_1721 {strides = array<i32>} : memref<6x128xf32, #tpu.memory_space<vmem>>, vector<16xf32>,
    %get3A_1726 = arith.constant 4240 : index
    %get3A_1727 = tpu.vector_load %arg10[%get3A_1726] {strides = array<i32>} : memref<6192xf32, #tpu.memory_space<vmem>>, vector<16xf32>,
    %get3A_1728 = arith.constant 4369 : index
    %get3A_1729 = tpu.vector_load %arg10[%get3A_1728] {strides = array<i32>} : memref<6192xf32, #tpu.memory_space<vmem>>, vector<16xf32>,
    %add3A_1730 = arith.addf %get3A_1727, %get3A_1729 : vector<16xf32>
    %get3A_1731 = arith.constant 4498 : index
    %get3A_1732 = tpu.vector_load %arg10[%get3A_1731] {strides = array<i32>} : memref<6192xf32, #tpu.memory_space<vmem>>, vector<16xf32>,
    %add3A_1733 = arith.addf %add3A_1730, %get3A_1732 : vector<16xf32>
    %get3A_1734 = arith.constant 4627 : index
    %get3A_1735 = tpu.vector_load %arg10[%get3A_1734] {strides = array<i32>} : memref<6192xf32, #tpu.memory_space<vmem>>, vector<16xf32>,
    %add3A_1736 = arith.addf %add3A_1733, %get3A_1735 : vector<16xf32>
    %get3A_1737 = arith.constant 4756 : index
    %get3A_1738 = tpu.vector_load %arg10[%get3A_1737] {strides = array<i32>} : memref<6192xf32, #tpu.memory_space<vmem>>, vector<16xf32>,
    %add3A_1739 = arith.addf %add3A_1736, %get3A_1738 : vector<16xf32>
    %get3A_1740 = arith.constant 4885 : index
    %get3A_1741 = tpu.vector_load %arg10[%get3A_1740] {strides = array<i32>} : memref<6192xf32, #tpu.memory_space<vmem>>, vector<16xf32>,
    %add3A_1742 = arith.addf %add3A_1739, %get3A_1741 : vector<16xf32>
    %get3A_1743 = arith.constant 5014 : index
    %get3A_1744 = tpu.vector_load %arg10[%get3A_1743] {strides = array<i32>} : memref<6192xf32, #tpu.memory_space<vmem>>, vector<16xf32>,
    %add3A_1745 = arith.addf %add3A_1742, %get3A_1744 : vector<16xf32>
    %get3A_1746 = arith.constant 5143 : index
    %get3A_1747 = tpu.vector_load %arg10[%get3A_1746] {strides = array<i32>} : memref<6192xf32, #tpu.memory_space<vmem>>, vector<16xf32>,
    %add3A_1748 = arith.addf %add3A_1745, %get3A_1747 : vector<16xf32>
    %get3A_1749 = arith.constant 5272 : index
    %get3A_1750 = tpu.vector_load %arg10[%get3A_1749] {strides = array<i32>} : memref<6192xf32, #tpu.memory_space<vmem>>, vector<16xf32>,
    %add3A_1751 = arith.addf %add3A_1748, %get3A_1750 : vector<16xf32>
    %get3A_1752 = arith.constant 5401 : index
    %get3A_1753 = tpu.vector_load %arg10[%get3A_1752] {strides = array<i32>} : memref<6192xf32, #tpu.memory_space<vmem>>, vector<16xf32>,
    %add3A_1754 = arith.addf %add3A_1751, %get3A_1753 : vector<16xf32>
    %get3A_1755 = arith.constant 5530 : index
    %get3A_1756 = tpu.vector_load %arg10[%get3A_1755] {strides = array<i32>} : memref<6192xf32, #tpu.memory_space<vmem>>, vector<16xf32>,
    %add3A_1757 = arith.addf %add3A_1754, %get3A_1756 : vector<16xf32>
    %get3A_1758 = arith.constant 5659 : index
    %get3A_1759 = tpu.vector_load %arg10[%get3A_1758] {strides = array<i32>} : memref<6192xf32, #tpu.memory_space<vmem>>, vector<16xf32>,
    %add3A_1760 = arith.addf %add3A_1757, %get3A_1759 : vector<16xf32>
    %get3A_1761 = arith.constant 5788 : index
    %get3A_1762 = tpu.vector_load %arg10[%get3A_1761] {strides = array<i32>} : memref<6192xf32, #tpu.memory_space<vmem>>, vector<16xf32>,
    %add3A_1763 = arith.addf %add3A_1760, %get3A_1762 : vector<16xf32>
    %get3A_1764 = arith.constant 5917 : index
    %get3A_1765 = tpu.vector_load %arg10[%get3A_1764] {strides = array<i32>} : memref<6192xf32, #tpu.memory_space<vmem>>, vector<16xf32>,
    %add3A_1766 = arith.addf %add3A_1763, %get3A_1765 : vector<16xf32>
    %get3A_1767 = arith.constant 6046 : index
    %get3A_1768 = tpu.vector_load %arg10[%get3A_1767] {strides = array<i32>} : memref<6192xf32, #tpu.memory_space<vmem>>, vector<16xf32>,
    %add3A_1769 = arith.addf %add3A_1766, %get3A_1768 : vector<16xf32>
    %get3A_1770 = arith.constant 6175 : index
    %get3A_1771 = tpu.vector_load %arg10[%get3A_1770] {strides = array<i32>} : memref<6192xf32, #tpu.memory_space<vmem>>, vector<16xf32>,
    %add3A_1772 = arith.addf %add3A_1769, %get3A_1771 : vector<16xf32>
    %swap3A_1773 = arith.constant 3 : i32
    %swap3A_1774 = arith.index_cast %swap3A_1773 : i32 to index
    %swap3A_1775 = arith.constant 112 : index
    %swap3A_1776 = tpu.vector_load %arg11[%swap3A_1774, %swap3A_1775] {strides = array<i32>} : memref<6x128xf32, #tpu.memory_space<vmem>>, vector<16xf32>,
    tpu.vector_store %arg11[%swap3A_1774, %swap3A_1775], %add3A_1772 {strides = array<i32>} : memref<6x128xf32, #tpu.memory_space<vmem>>, vector<16xf32>,
    %dma_wait3A_1777 = arith.constant 5 : i32
    %dma_wait3A_1778 = arith.constant 3 : i32
    %dma_wait3A_1779 = arith.constant 0 : i32
    %dma_wait3A_1780 = arith.constant 0 : i32
    %dma_wait3A_1781 = tpu.memref_slice %arg9[%dma_wait3A_1778, %dma_wait3A_1779, %dma_wait3A_1780] : memref<5x128x128xf32, #tpu.memory_space<vmem>> -> memref<1x128x128xf32, #tpu.memory_space<vmem>>
    %dma_wait3A_1782 = tpu.memref_squeeze %dma_wait3A_1781 : memref<1x128x128xf32, #tpu.memory_space<vmem>> -> memref<128x128xf32, #tpu.memory_space<vmem>>
    %dma_wait3A_1783 = arith.constant 0 : i32
    %dma_wait3A_1784 = tpu.memref_slice %arg6[%dma_wait3A_1777, %dma_wait3A_1783] : memref<7x128xi32, #tpu.memory_space<vmem>> -> memref<1x128xi32, #tpu.memory_space<vmem>>
    %dma_wait3A_1785 = tpu.memref_squeeze %dma_wait3A_1784 : memref<1x128xi32, #tpu.memory_space<vmem>> -> memref<128xi32, #tpu.memory_space<vmem>>
    %dma_wait3A_1786 = arith.constant 0 : i32
    %dma_wait3A_1787 = arith.constant 0 : i32
    %dma_wait3A_1788 = tpu.memref_slice %arg4[%dma_wait3A_1786, %dma_wait3A_1787] : memref<100000x128xf32, #tpu.memory_space<hbm>> -> memref<100000x128xf32, #tpu.memory_space<hbm>>
    tpu.wait_indirect_dma semaphore(%arg15 : memref<!tpu.dma_semaphore, #tpu.memory_space<semaphore_mem>>) src(%dma_wait3A_1788 : memref<100000x128xf32, #tpu.memory_space<hbm>>) dst(%dma_wait3A_1782 : memref<128x128xf32, #tpu.memory_space<vmem>>)
    %dma_wait3A_1789 = arith.constant 6 : i32
    %dma_wait3A_1790 = arith.constant 4 : i32
    %dma_wait3A_1791 = arith.constant 0 : i32
    %dma_wait3A_1792 = arith.constant 0 : i32
    %dma_wait3A_1793 = tpu.memref_slice %arg9[%dma_wait3A_1790, %dma_wait3A_1791, %dma_wait3A_1792] : memref<5x128x128xf32, #tpu.memory_space<vmem>> -> memref<1x128x128xf32, #tpu.memory_space<vmem>>
    %dma_wait3A_1794 = tpu.memref_squeeze %dma_wait3A_1793 : memref<1x128x128xf32, #tpu.memory_space<vmem>> -> memref<128x128xf32, #tpu.memory_space<vmem>>
    %dma_wait3A_1795 = arith.constant 0 : i32
    %dma_wait3A_1796 = tpu.memref_slice %arg6[%dma_wait3A_1789, %dma_wait3A_1795] : memref<7x128xi32, #tpu.memory_space<vmem>> -> memref<1x128xi32, #tpu.memory_space<vmem>>
    %dma_wait3A_1797 = tpu.memref_squeeze %dma_wait3A_1796 : memref<1x128xi32, #tpu.memory_space<vmem>> -> memref<128xi32, #tpu.memory_space<vmem>>
    %dma_wait3A_1798 = arith.constant 0 : i32
    %dma_wait3A_1799 = arith.constant 0 : i32
    %dma_wait3A_1800 = tpu.memref_slice %arg4[%dma_wait3A_1798, %dma_wait3A_1799] : memref<100000x128xf32, #tpu.memory_space<hbm>> -> memref<100000x128xf32, #tpu.memory_space<hbm>>
    tpu.wait_indirect_dma semaphore(%arg15 : memref<!tpu.dma_semaphore, #tpu.memory_space<semaphore_mem>>) src(%dma_wait3A_1800 : memref<100000x128xf32, #tpu.memory_space<hbm>>) dst(%dma_wait3A_1794 : memref<128x128xf32, #tpu.memory_space<vmem>>)
    %parallel_loop3A_1801 = arith.constant 0 : i32
    %parallel_loop3A_1802 = arith.constant 128 : i32
    %parallel_loop3A_1803 = arith.constant 1 : i32
    %parallel_loop3A_1804 = arith.constant 3 : i32
    %parallel_loop3A_1805 = arith.constant 4 : i32
    scf.for %parallel_loop3A_2622 = %parallel_loop3A_1801 to %parallel_loop3A_1802 step %parallel_loop3A_1803  : i32 {
      %parallel_loop3A_2623 = arith.index_cast %parallel_loop3A_2622 : i32 to index
      %parallel_loop3A_2624 = arith.constant 0 : index
      %parallel_loop3A_2625 = tpu.vector_load %arg7[%parallel_loop3A_2623, %parallel_loop3A_2624] {strides = array<i32>} : memref<128x128xf32, #tpu.memory_space<vmem>>, vector<16xf32>,
      %parallel_loop3A_2626 = arith.index_cast %parallel_loop3A_2622 : i32 to index
      %parallel_loop3A_2627 = arith.constant 16 : index
      %parallel_loop3A_2628 = tpu.vector_load %arg7[%parallel_loop3A_2626, %parallel_loop3A_2627] {strides = array<i32>} : memref<128x128xf32, #tpu.memory_space<vmem>>, vector<16xf32>,
      %parallel_loop3A_2629 = arith.index_cast %parallel_loop3A_2622 : i32 to index
      %parallel_loop3A_2630 = arith.constant 32 : index
      %parallel_loop3A_2631 = tpu.vector_load %arg7[%parallel_loop3A_2629, %parallel_loop3A_2630] {strides = array<i32>} : memref<128x128xf32, #tpu.memory_space<vmem>>, vector<16xf32>,
      %parallel_loop3A_2632 = arith.index_cast %parallel_loop3A_2622 : i32 to index
      %parallel_loop3A_2633 = arith.constant 48 : index
      %parallel_loop3A_2634 = tpu.vector_load %arg7[%parallel_loop3A_2632, %parallel_loop3A_2633] {strides = array<i32>} : memref<128x128xf32, #tpu.memory_space<vmem>>, vector<16xf32>,
      %parallel_loop3A_2635 = arith.index_cast %parallel_loop3A_2622 : i32 to index
      %parallel_loop3A_2636 = arith.constant 64 : index
      %parallel_loop3A_2637 = tpu.vector_load %arg7[%parallel_loop3A_2635, %parallel_loop3A_2636] {strides = array<i32>} : memref<128x128xf32, #tpu.memory_space<vmem>>, vector<16xf32>,
      %parallel_loop3A_2638 = arith.index_cast %parallel_loop3A_2622 : i32 to index
      %parallel_loop3A_2639 = arith.constant 80 : index
      %parallel_loop3A_2640 = tpu.vector_load %arg7[%parallel_loop3A_2638, %parallel_loop3A_2639] {strides = array<i32>} : memref<128x128xf32, #tpu.memory_space<vmem>>, vector<16xf32>,
      %parallel_loop3A_2641 = arith.index_cast %parallel_loop3A_2622 : i32 to index
      %parallel_loop3A_2642 = arith.constant 96 : index
      %parallel_loop3A_2643 = tpu.vector_load %arg7[%parallel_loop3A_2641, %parallel_loop3A_2642] {strides = array<i32>} : memref<128x128xf32, #tpu.memory_space<vmem>>, vector<16xf32>,
      %parallel_loop3A_2644 = arith.index_cast %parallel_loop3A_2622 : i32 to index
      %parallel_loop3A_2645 = arith.constant 112 : index
      %parallel_loop3A_2646 = tpu.vector_load %arg7[%parallel_loop3A_2644, %parallel_loop3A_2645] {strides = array<i32>} : memref<128x128xf32, #tpu.memory_space<vmem>>, vector<16xf32>,
      %parallel_loop3A_2647 = arith.constant 0 : i32
      %parallel_loop3A_2648 = arith.constant 0 : i32
      %parallel_loop3A_2649 = tpu.memref_slice %arg9[%parallel_loop3A_1804, %parallel_loop3A_2647, %parallel_loop3A_2648] : memref<5x128x128xf32, #tpu.memory_space<vmem>> -> memref<1x128x128xf32, #tpu.memory_space<vmem>>
      %parallel_loop3A_2650 = tpu.memref_squeeze %parallel_loop3A_2649 : memref<1x128x128xf32, #tpu.memory_space<vmem>> -> memref<128x128xf32, #tpu.memory_space<vmem>>
      %parallel_loop3A_2651 = arith.index_cast %parallel_loop3A_2622 : i32 to index
      %parallel_loop3A_2652 = arith.constant 0 : index
      %parallel_loop3A_2653 = tpu.vector_load %parallel_loop3A_2650[%parallel_loop3A_2651, %parallel_loop3A_2652] {strides = array<i32>} : memref<128x128xf32, #tpu.memory_space<vmem>>, vector<16xf32>,
      %parallel_loop3A_2654 = arith.mulf %parallel_loop3A_2625, %parallel_loop3A_2653 : vector<16xf32>
      %parallel_loop3A_2655 = arith.constant 0 : i32
      %parallel_loop3A_2656 = arith.constant 0 : i32
      %parallel_loop3A_2657 = tpu.memref_slice %arg9[%parallel_loop3A_1804, %parallel_loop3A_2655, %parallel_loop3A_2656] : memref<5x128x128xf32, #tpu.memory_space<vmem>> -> memref<1x128x128xf32, #tpu.memory_space<vmem>>
      %parallel_loop3A_2658 = tpu.memref_squeeze %parallel_loop3A_2657 : memref<1x128x128xf32, #tpu.memory_space<vmem>> -> memref<128x128xf32, #tpu.memory_space<vmem>>
      %parallel_loop3A_2659 = arith.index_cast %parallel_loop3A_2622 : i32 to index
      %parallel_loop3A_2660 = arith.constant 16 : index
      %parallel_loop3A_2661 = tpu.vector_load %parallel_loop3A_2658[%parallel_loop3A_2659, %parallel_loop3A_2660] {strides = array<i32>} : memref<128x128xf32, #tpu.memory_space<vmem>>, vector<16xf32>,
      %parallel_loop3A_2662 = arith.mulf %parallel_loop3A_2628, %parallel_loop3A_2661 : vector<16xf32>
      %parallel_loop3A_2663 = arith.addf %parallel_loop3A_2654, %parallel_loop3A_2662 : vector<16xf32>
      %parallel_loop3A_2664 = arith.constant 0 : i32
      %parallel_loop3A_2665 = arith.constant 0 : i32
      %parallel_loop3A_2666 = tpu.memref_slice %arg9[%parallel_loop3A_1804, %parallel_loop3A_2664, %parallel_loop3A_2665] : memref<5x128x128xf32, #tpu.memory_space<vmem>> -> memref<1x128x128xf32, #tpu.memory_space<vmem>>
      %parallel_loop3A_2667 = tpu.memref_squeeze %parallel_loop3A_2666 : memref<1x128x128xf32, #tpu.memory_space<vmem>> -> memref<128x128xf32, #tpu.memory_space<vmem>>
      %parallel_loop3A_2668 = arith.index_cast %parallel_loop3A_2622 : i32 to index
      %parallel_loop3A_2669 = arith.constant 32 : index
      %parallel_loop3A_2670 = tpu.vector_load %parallel_loop3A_2667[%parallel_loop3A_2668, %parallel_loop3A_2669] {strides = array<i32>} : memref<128x128xf32, #tpu.memory_space<vmem>>, vector<16xf32>,
      %parallel_loop3A_2671 = arith.mulf %parallel_loop3A_2631, %parallel_loop3A_2670 : vector<16xf32>
      %parallel_loop3A_2672 = arith.addf %parallel_loop3A_2663, %parallel_loop3A_2671 : vector<16xf32>
      %parallel_loop3A_2673 = arith.constant 0 : i32
      %parallel_loop3A_2674 = arith.constant 0 : i32
      %parallel_loop3A_2675 = tpu.memref_slice %arg9[%parallel_loop3A_1804, %parallel_loop3A_2673, %parallel_loop3A_2674] : memref<5x128x128xf32, #tpu.memory_space<vmem>> -> memref<1x128x128xf32, #tpu.memory_space<vmem>>
      %parallel_loop3A_2676 = tpu.memref_squeeze %parallel_loop3A_2675 : memref<1x128x128xf32, #tpu.memory_space<vmem>> -> memref<128x128xf32, #tpu.memory_space<vmem>>
      %parallel_loop3A_2677 = arith.index_cast %parallel_loop3A_2622 : i32 to index
      %parallel_loop3A_2678 = arith.constant 48 : index
      %parallel_loop3A_2679 = tpu.vector_load %parallel_loop3A_2676[%parallel_loop3A_2677, %parallel_loop3A_2678] {strides = array<i32>} : memref<128x128xf32, #tpu.memory_space<vmem>>, vector<16xf32>,
      %parallel_loop3A_2680 = arith.mulf %parallel_loop3A_2634, %parallel_loop3A_2679 : vector<16xf32>
      %parallel_loop3A_2681 = arith.addf %parallel_loop3A_2672, %parallel_loop3A_2680 : vector<16xf32>
      %parallel_loop3A_2682 = arith.constant 0 : i32
      %parallel_loop3A_2683 = arith.constant 0 : i32
      %parallel_loop3A_2684 = tpu.memref_slice %arg9[%parallel_loop3A_1804, %parallel_loop3A_2682, %parallel_loop3A_2683] : memref<5x128x128xf32, #tpu.memory_space<vmem>> -> memref<1x128x128xf32, #tpu.memory_space<vmem>>
      %parallel_loop3A_2685 = tpu.memref_squeeze %parallel_loop3A_2684 : memref<1x128x128xf32, #tpu.memory_space<vmem>> -> memref<128x128xf32, #tpu.memory_space<vmem>>
      %parallel_loop3A_2686 = arith.index_cast %parallel_loop3A_2622 : i32 to index
      %parallel_loop3A_2687 = arith.constant 64 : index
      %parallel_loop3A_2688 = tpu.vector_load %parallel_loop3A_2685[%parallel_loop3A_2686, %parallel_loop3A_2687] {strides = array<i32>} : memref<128x128xf32, #tpu.memory_space<vmem>>, vector<16xf32>,
      %parallel_loop3A_2689 = arith.mulf %parallel_loop3A_2637, %parallel_loop3A_2688 : vector<16xf32>
      %parallel_loop3A_2690 = arith.addf %parallel_loop3A_2681, %parallel_loop3A_2689 : vector<16xf32>
      %parallel_loop3A_2691 = arith.constant 0 : i32
      %parallel_loop3A_2692 = arith.constant 0 : i32
      %parallel_loop3A_2693 = tpu.memref_slice %arg9[%parallel_loop3A_1804, %parallel_loop3A_2691, %parallel_loop3A_2692] : memref<5x128x128xf32, #tpu.memory_space<vmem>> -> memref<1x128x128xf32, #tpu.memory_space<vmem>>
      %parallel_loop3A_2694 = tpu.memref_squeeze %parallel_loop3A_2693 : memref<1x128x128xf32, #tpu.memory_space<vmem>> -> memref<128x128xf32, #tpu.memory_space<vmem>>
      %parallel_loop3A_2695 = arith.index_cast %parallel_loop3A_2622 : i32 to index
      %parallel_loop3A_2696 = arith.constant 80 : index
      %parallel_loop3A_2697 = tpu.vector_load %parallel_loop3A_2694[%parallel_loop3A_2695, %parallel_loop3A_2696] {strides = array<i32>} : memref<128x128xf32, #tpu.memory_space<vmem>>, vector<16xf32>,
      %parallel_loop3A_2698 = arith.mulf %parallel_loop3A_2640, %parallel_loop3A_2697 : vector<16xf32>
      %parallel_loop3A_2699 = arith.addf %parallel_loop3A_2690, %parallel_loop3A_2698 : vector<16xf32>
      %parallel_loop3A_2700 = arith.constant 0 : i32
      %parallel_loop3A_2701 = arith.constant 0 : i32
      %parallel_loop3A_2702 = tpu.memref_slice %arg9[%parallel_loop3A_1804, %parallel_loop3A_2700, %parallel_loop3A_2701] : memref<5x128x128xf32, #tpu.memory_space<vmem>> -> memref<1x128x128xf32, #tpu.memory_space<vmem>>
      %parallel_loop3A_2703 = tpu.memref_squeeze %parallel_loop3A_2702 : memref<1x128x128xf32, #tpu.memory_space<vmem>> -> memref<128x128xf32, #tpu.memory_space<vmem>>
      %parallel_loop3A_2704 = arith.index_cast %parallel_loop3A_2622 : i32 to index
      %parallel_loop3A_2705 = arith.constant 96 : index
      %parallel_loop3A_2706 = tpu.vector_load %parallel_loop3A_2703[%parallel_loop3A_2704, %parallel_loop3A_2705] {strides = array<i32>} : memref<128x128xf32, #tpu.memory_space<vmem>>, vector<16xf32>,
      %parallel_loop3A_2707 = arith.mulf %parallel_loop3A_2643, %parallel_loop3A_2706 : vector<16xf32>
      %parallel_loop3A_2708 = arith.addf %parallel_loop3A_2699, %parallel_loop3A_2707 : vector<16xf32>
      %parallel_loop3A_2709 = arith.constant 0 : i32
      %parallel_loop3A_2710 = arith.constant 0 : i32
      %parallel_loop3A_2711 = tpu.memref_slice %arg9[%parallel_loop3A_1804, %parallel_loop3A_2709, %parallel_loop3A_2710] : memref<5x128x128xf32, #tpu.memory_space<vmem>> -> memref<1x128x128xf32, #tpu.memory_space<vmem>>
      %parallel_loop3A_2712 = tpu.memref_squeeze %parallel_loop3A_2711 : memref<1x128x128xf32, #tpu.memory_space<vmem>> -> memref<128x128xf32, #tpu.memory_space<vmem>>
      %parallel_loop3A_2713 = arith.index_cast %parallel_loop3A_2622 : i32 to index
      %parallel_loop3A_2714 = arith.constant 112 : index
      %parallel_loop3A_2715 = tpu.vector_load %parallel_loop3A_2712[%parallel_loop3A_2713, %parallel_loop3A_2714] {strides = array<i32>} : memref<128x128xf32, #tpu.memory_space<vmem>>, vector<16xf32>,
      %parallel_loop3A_2716 = arith.mulf %parallel_loop3A_2646, %parallel_loop3A_2715 : vector<16xf32>
      %parallel_loop3A_2717 = arith.addf %parallel_loop3A_2708, %parallel_loop3A_2716 : vector<16xf32>
      %parallel_loop3A_2718 = arith.constant 129 : i32
      %parallel_loop3A_2719 = vector.broadcast %parallel_loop3A_2718 : i32 to vector<16xi32>
      %parallel_loop3A_2720 = arith.muli %iota3A, %parallel_loop3A_2719 : vector<16xi32>
      %parallel_loop3A_2721 = arith.constant 0 : i32
      %parallel_loop3A_2722 = arith.addi %parallel_loop3A_2622, %parallel_loop3A_2721 : i32
      %parallel_loop3A_2723 = vector.broadcast %parallel_loop3A_2722 : i32 to vector<16xi32>
      %parallel_loop3A_2724 = arith.addi %parallel_loop3A_2720, %parallel_loop3A_2723 : vector<16xi32>
      tpu.vector_store_idx %arg10[%parallel_loop3A_2724], %parallel_loop3A_2717 : memref<6192xf32, #tpu.memory_space<vmem>>[vector<16xi32>], vector<16xf32>,
      %parallel_loop3A_2725 = arith.constant 0 : i32
      %parallel_loop3A_2726 = arith.constant 0 : i32
      %parallel_loop3A_2727 = tpu.memref_slice %arg9[%parallel_loop3A_1805, %parallel_loop3A_2725, %parallel_loop3A_2726] : memref<5x128x128xf32, #tpu.memory_space<vmem>> -> memref<1x128x128xf32, #tpu.memory_space<vmem>>
      %parallel_loop3A_2728 = tpu.memref_squeeze %parallel_loop3A_2727 : memref<1x128x128xf32, #tpu.memory_space<vmem>> -> memref<128x128xf32, #tpu.memory_space<vmem>>
      %parallel_loop3A_2729 = arith.index_cast %parallel_loop3A_2622 : i32 to index
      %parallel_loop3A_2730 = arith.constant 0 : index
      %parallel_loop3A_2731 = tpu.vector_load %parallel_loop3A_2728[%parallel_loop3A_2729, %parallel_loop3A_2730] {strides = array<i32>} : memref<128x128xf32, #tpu.memory_space<vmem>>, vector<16xf32>,
      %parallel_loop3A_2732 = arith.mulf %parallel_loop3A_2625, %parallel_loop3A_2731 : vector<16xf32>
      %parallel_loop3A_2733 = arith.constant 0 : i32
      %parallel_loop3A_2734 = arith.constant 0 : i32
      %parallel_loop3A_2735 = tpu.memref_slice %arg9[%parallel_loop3A_1805, %parallel_loop3A_2733, %parallel_loop3A_2734] : memref<5x128x128xf32, #tpu.memory_space<vmem>> -> memref<1x128x128xf32, #tpu.memory_space<vmem>>
      %parallel_loop3A_2736 = tpu.memref_squeeze %parallel_loop3A_2735 : memref<1x128x128xf32, #tpu.memory_space<vmem>> -> memref<128x128xf32, #tpu.memory_space<vmem>>
      %parallel_loop3A_2737 = arith.index_cast %parallel_loop3A_2622 : i32 to index
      %parallel_loop3A_2738 = arith.constant 16 : index
      %parallel_loop3A_2739 = tpu.vector_load %parallel_loop3A_2736[%parallel_loop3A_2737, %parallel_loop3A_2738] {strides = array<i32>} : memref<128x128xf32, #tpu.memory_space<vmem>>, vector<16xf32>,
      %parallel_loop3A_2740 = arith.mulf %parallel_loop3A_2628, %parallel_loop3A_2739 : vector<16xf32>
      %parallel_loop3A_2741 = arith.addf %parallel_loop3A_2732, %parallel_loop3A_2740 : vector<16xf32>
      %parallel_loop3A_2742 = arith.constant 0 : i32
      %parallel_loop3A_2743 = arith.constant 0 : i32
      %parallel_loop3A_2744 = tpu.memref_slice %arg9[%parallel_loop3A_1805, %parallel_loop3A_2742, %parallel_loop3A_2743] : memref<5x128x128xf32, #tpu.memory_space<vmem>> -> memref<1x128x128xf32, #tpu.memory_space<vmem>>
      %parallel_loop3A_2745 = tpu.memref_squeeze %parallel_loop3A_2744 : memref<1x128x128xf32, #tpu.memory_space<vmem>> -> memref<128x128xf32, #tpu.memory_space<vmem>>
      %parallel_loop3A_2746 = arith.index_cast %parallel_loop3A_2622 : i32 to index
      %parallel_loop3A_2747 = arith.constant 32 : index
      %parallel_loop3A_2748 = tpu.vector_load %parallel_loop3A_2745[%parallel_loop3A_2746, %parallel_loop3A_2747] {strides = array<i32>} : memref<128x128xf32, #tpu.memory_space<vmem>>, vector<16xf32>,
      %parallel_loop3A_2749 = arith.mulf %parallel_loop3A_2631, %parallel_loop3A_2748 : vector<16xf32>
      %parallel_loop3A_2750 = arith.addf %parallel_loop3A_2741, %parallel_loop3A_2749 : vector<16xf32>
      %parallel_loop3A_2751 = arith.constant 0 : i32
      %parallel_loop3A_2752 = arith.constant 0 : i32
      %parallel_loop3A_2753 = tpu.memref_slice %arg9[%parallel_loop3A_1805, %parallel_loop3A_2751, %parallel_loop3A_2752] : memref<5x128x128xf32, #tpu.memory_space<vmem>> -> memref<1x128x128xf32, #tpu.memory_space<vmem>>
      %parallel_loop3A_2754 = tpu.memref_squeeze %parallel_loop3A_2753 : memref<1x128x128xf32, #tpu.memory_space<vmem>> -> memref<128x128xf32, #tpu.memory_space<vmem>>
      %parallel_loop3A_2755 = arith.index_cast %parallel_loop3A_2622 : i32 to index
      %parallel_loop3A_2756 = arith.constant 48 : index
      %parallel_loop3A_2757 = tpu.vector_load %parallel_loop3A_2754[%parallel_loop3A_2755, %parallel_loop3A_2756] {strides = array<i32>} : memref<128x128xf32, #tpu.memory_space<vmem>>, vector<16xf32>,
      %parallel_loop3A_2758 = arith.mulf %parallel_loop3A_2634, %parallel_loop3A_2757 : vector<16xf32>
      %parallel_loop3A_2759 = arith.addf %parallel_loop3A_2750, %parallel_loop3A_2758 : vector<16xf32>
      %parallel_loop3A_2760 = arith.constant 0 : i32
      %parallel_loop3A_2761 = arith.constant 0 : i32
      %parallel_loop3A_2762 = tpu.memref_slice %arg9[%parallel_loop3A_1805, %parallel_loop3A_2760, %parallel_loop3A_2761] : memref<5x128x128xf32, #tpu.memory_space<vmem>> -> memref<1x128x128xf32, #tpu.memory_space<vmem>>
      %parallel_loop3A_2763 = tpu.memref_squeeze %parallel_loop3A_2762 : memref<1x128x128xf32, #tpu.memory_space<vmem>> -> memref<128x128xf32, #tpu.memory_space<vmem>>
      %parallel_loop3A_2764 = arith.index_cast %parallel_loop3A_2622 : i32 to index
      %parallel_loop3A_2765 = arith.constant 64 : index
      %parallel_loop3A_2766 = tpu.vector_load %parallel_loop3A_2763[%parallel_loop3A_2764, %parallel_loop3A_2765] {strides = array<i32>} : memref<128x128xf32, #tpu.memory_space<vmem>>, vector<16xf32>,
      %parallel_loop3A_2767 = arith.mulf %parallel_loop3A_2637, %parallel_loop3A_2766 : vector<16xf32>
      %parallel_loop3A_2768 = arith.addf %parallel_loop3A_2759, %parallel_loop3A_2767 : vector<16xf32>
      %parallel_loop3A_2769 = arith.constant 0 : i32
      %parallel_loop3A_2770 = arith.constant 0 : i32
      %parallel_loop3A_2771 = tpu.memref_slice %arg9[%parallel_loop3A_1805, %parallel_loop3A_2769, %parallel_loop3A_2770] : memref<5x128x128xf32, #tpu.memory_space<vmem>> -> memref<1x128x128xf32, #tpu.memory_space<vmem>>
      %parallel_loop3A_2772 = tpu.memref_squeeze %parallel_loop3A_2771 : memref<1x128x128xf32, #tpu.memory_space<vmem>> -> memref<128x128xf32, #tpu.memory_space<vmem>>
      %parallel_loop3A_2773 = arith.index_cast %parallel_loop3A_2622 : i32 to index
      %parallel_loop3A_2774 = arith.constant 80 : index
      %parallel_loop3A_2775 = tpu.vector_load %parallel_loop3A_2772[%parallel_loop3A_2773, %parallel_loop3A_2774] {strides = array<i32>} : memref<128x128xf32, #tpu.memory_space<vmem>>, vector<16xf32>,
      %parallel_loop3A_2776 = arith.mulf %parallel_loop3A_2640, %parallel_loop3A_2775 : vector<16xf32>
      %parallel_loop3A_2777 = arith.addf %parallel_loop3A_2768, %parallel_loop3A_2776 : vector<16xf32>
      %parallel_loop3A_2778 = arith.constant 0 : i32
      %parallel_loop3A_2779 = arith.constant 0 : i32
      %parallel_loop3A_2780 = tpu.memref_slice %arg9[%parallel_loop3A_1805, %parallel_loop3A_2778, %parallel_loop3A_2779] : memref<5x128x128xf32, #tpu.memory_space<vmem>> -> memref<1x128x128xf32, #tpu.memory_space<vmem>>
      %parallel_loop3A_2781 = tpu.memref_squeeze %parallel_loop3A_2780 : memref<1x128x128xf32, #tpu.memory_space<vmem>> -> memref<128x128xf32, #tpu.memory_space<vmem>>
      %parallel_loop3A_2782 = arith.index_cast %parallel_loop3A_2622 : i32 to index
      %parallel_loop3A_2783 = arith.constant 96 : index
      %parallel_loop3A_2784 = tpu.vector_load %parallel_loop3A_2781[%parallel_loop3A_2782, %parallel_loop3A_2783] {strides = array<i32>} : memref<128x128xf32, #tpu.memory_space<vmem>>, vector<16xf32>,
      %parallel_loop3A_2785 = arith.mulf %parallel_loop3A_2643, %parallel_loop3A_2784 : vector<16xf32>
      %parallel_loop3A_2786 = arith.addf %parallel_loop3A_2777, %parallel_loop3A_2785 : vector<16xf32>
      %parallel_loop3A_2787 = arith.constant 0 : i32
      %parallel_loop3A_2788 = arith.constant 0 : i32
      %parallel_loop3A_2789 = tpu.memref_slice %arg9[%parallel_loop3A_1805, %parallel_loop3A_2787, %parallel_loop3A_2788] : memref<5x128x128xf32, #tpu.memory_space<vmem>> -> memref<1x128x128xf32, #tpu.memory_space<vmem>>
      %parallel_loop3A_2790 = tpu.memref_squeeze %parallel_loop3A_2789 : memref<1x128x128xf32, #tpu.memory_space<vmem>> -> memref<128x128xf32, #tpu.memory_space<vmem>>
      %parallel_loop3A_2791 = arith.index_cast %parallel_loop3A_2622 : i32 to index
      %parallel_loop3A_2792 = arith.constant 112 : index
      %parallel_loop3A_2793 = tpu.vector_load %parallel_loop3A_2790[%parallel_loop3A_2791, %parallel_loop3A_2792] {strides = array<i32>} : memref<128x128xf32, #tpu.memory_space<vmem>>, vector<16xf32>,
      %parallel_loop3A_2794 = arith.mulf %parallel_loop3A_2646, %parallel_loop3A_2793 : vector<16xf32>
      %parallel_loop3A_2795 = arith.addf %parallel_loop3A_2786, %parallel_loop3A_2794 : vector<16xf32>
      %parallel_loop3A_2796 = arith.constant 129 : i32
      %parallel_loop3A_2797 = vector.broadcast %parallel_loop3A_2796 : i32 to vector<16xi32>
      %parallel_loop3A_2798 = arith.muli %iota3A, %parallel_loop3A_2797 : vector<16xi32>
      %parallel_loop3A_2799 = arith.constant 2064 : i32
      %parallel_loop3A_2800 = arith.addi %parallel_loop3A_2622, %parallel_loop3A_2799 : i32
      %parallel_loop3A_2801 = vector.broadcast %parallel_loop3A_2800 : i32 to vector<16xi32>
      %parallel_loop3A_2802 = arith.addi %parallel_loop3A_2798, %parallel_loop3A_2801 : vector<16xi32>
      tpu.vector_store_idx %arg10[%parallel_loop3A_2802], %parallel_loop3A_2795 : memref<6192xf32, #tpu.memory_space<vmem>>[vector<16xi32>], vector<16xf32>,
    } {sc.loop_unroll_factor = 2 : i64, sc.parallel_access}
    %get3A_1806 = arith.constant 0 : index
    %get3A_1807 = tpu.vector_load %arg10[%get3A_1806] {strides = array<i32>} : memref<6192xf32, #tpu.memory_space<vmem>>, vector<16xf32>,
    %get3A_1808 = arith.constant 129 : index
    %get3A_1809 = tpu.vector_load %arg10[%get3A_1808] {strides = array<i32>} : memref<6192xf32, #tpu.memory_space<vmem>>, vector<16xf32>,
    %add3A_1810 = arith.addf %get3A_1807, %get3A_1809 : vector<16xf32>
    %get3A_1811 = arith.constant 258 : index
    %get3A_1812 = tpu.vector_load %arg10[%get3A_1811] {strides = array<i32>} : memref<6192xf32, #tpu.memory_space<vmem>>, vector<16xf32>,
    %add3A_1813 = arith.addf %add3A_1810, %get3A_1812 : vector<16xf32>
    %get3A_1814 = arith.constant 387 : index
    %get3A_1815 = tpu.vector_load %arg10[%get3A_1814] {strides = array<i32>} : memref<6192xf32, #tpu.memory_space<vmem>>, vector<16xf32>,
    %add3A_1816 = arith.addf %add3A_1813, %get3A_1815 : vector<16xf32>
    %get3A_1817 = arith.constant 516 : index
    %get3A_1818 = tpu.vector_load %arg10[%get3A_1817] {strides = array<i32>} : memref<6192xf32, #tpu.memory_space<vmem>>, vector<16xf32>,
    %add3A_1819 = arith.addf %add3A_1816, %get3A_1818 : vector<16xf32>
    %get3A_1820 = arith.constant 645 : index
    %get3A_1821 = tpu.vector_load %arg10[%get3A_1820] {strides = array<i32>} : memref<6192xf32, #tpu.memory_space<vmem>>, vector<16xf32>,
    %add3A_1822 = arith.addf %add3A_1819, %get3A_1821 : vector<16xf32>
    %get3A_1823 = arith.constant 774 : index
    %get3A_1824 = tpu.vector_load %arg10[%get3A_1823] {strides = array<i32>} : memref<6192xf32, #tpu.memory_space<vmem>>, vector<16xf32>,
    %add3A_1825 = arith.addf %add3A_1822, %get3A_1824 : vector<16xf32>
    %get3A_1826 = arith.constant 903 : index
    %get3A_1827 = tpu.vector_load %arg10[%get3A_1826] {strides = array<i32>} : memref<6192xf32, #tpu.memory_space<vmem>>, vector<16xf32>,
    %add3A_1828 = arith.addf %add3A_1825, %get3A_1827 : vector<16xf32>
    %get3A_1829 = arith.constant 1032 : index
    %get3A_1830 = tpu.vector_load %arg10[%get3A_1829] {strides = array<i32>} : memref<6192xf32, #tpu.memory_space<vmem>>, vector<16xf32>,
    %add3A_1831 = arith.addf %add3A_1828, %get3A_1830 : vector<16xf32>
    %get3A_1832 = arith.constant 1161 : index
    %get3A_1833 = tpu.vector_load %arg10[%get3A_1832] {strides = array<i32>} : memref<6192xf32, #tpu.memory_space<vmem>>, vector<16xf32>,
    %add3A_1834 = arith.addf %add3A_1831, %get3A_1833 : vector<16xf32>
    %get3A_1835 = arith.constant 1290 : index
    %get3A_1836 = tpu.vector_load %arg10[%get3A_1835] {strides = array<i32>} : memref<6192xf32, #tpu.memory_space<vmem>>, vector<16xf32>,
    %add3A_1837 = arith.addf %add3A_1834, %get3A_1836 : vector<16xf32>
    %get3A_1838 = arith.constant 1419 : index
    %get3A_1839 = tpu.vector_load %arg10[%get3A_1838] {strides = array<i32>} : memref<6192xf32, #tpu.memory_space<vmem>>, vector<16xf32>,
    %add3A_1840 = arith.addf %add3A_1837, %get3A_1839 : vector<16xf32>
    %get3A_1841 = arith.constant 1548 : index
    %get3A_1842 = tpu.vector_load %arg10[%get3A_1841] {strides = array<i32>} : memref<6192xf32, #tpu.memory_space<vmem>>, vector<16xf32>,
    %add3A_1843 = arith.addf %add3A_1840, %get3A_1842 : vector<16xf32>
    %get3A_1844 = arith.constant 1677 : index
    %get3A_1845 = tpu.vector_load %arg10[%get3A_1844] {strides = array<i32>} : memref<6192xf32, #tpu.memory_space<vmem>>, vector<16xf32>,
    %add3A_1846 = arith.addf %add3A_1843, %get3A_1845 : vector<16xf32>
    %get3A_1847 = arith.constant 1806 : index
    %get3A_1848 = tpu.vector_load %arg10[%get3A_1847] {strides = array<i32>} : memref<6192xf32, #tpu.memory_space<vmem>>, vector<16xf32>,
    %add3A_1849 = arith.addf %add3A_1846, %get3A_1848 : vector<16xf32>
    %get3A_1850 = arith.constant 1935 : index
    %get3A_1851 = tpu.vector_load %arg10[%get3A_1850] {strides = array<i32>} : memref<6192xf32, #tpu.memory_space<vmem>>, vector<16xf32>,
    %add3A_1852 = arith.addf %add3A_1849, %get3A_1851 : vector<16xf32>
    %swap3A_1853 = arith.constant 4 : i32
    %swap3A_1854 = arith.index_cast %swap3A_1853 : i32 to index
    %swap3A_1855 = arith.constant 0 : index
    %swap3A_1856 = tpu.vector_load %arg11[%swap3A_1854, %swap3A_1855] {strides = array<i32>} : memref<6x128xf32, #tpu.memory_space<vmem>>, vector<16xf32>,
    tpu.vector_store %arg11[%swap3A_1854, %swap3A_1855], %add3A_1852 {strides = array<i32>} : memref<6x128xf32, #tpu.memory_space<vmem>>, vector<16xf32>,
    %get3A_1857 = arith.constant 16 : index
    %get3A_1858 = tpu.vector_load %arg10[%get3A_1857] {strides = array<i32>} : memref<6192xf32, #tpu.memory_space<vmem>>, vector<16xf32>,
    %get3A_1859 = arith.constant 145 : index
    %get3A_1860 = tpu.vector_load %arg10[%get3A_1859] {strides = array<i32>} : memref<6192xf32, #tpu.memory_space<vmem>>, vector<16xf32>,
    %add3A_1861 = arith.addf %get3A_1858, %get3A_1860 : vector<16xf32>
    %get3A_1862 = arith.constant 274 : index
    %get3A_1863 = tpu.vector_load %arg10[%get3A_1862] {strides = array<i32>} : memref<6192xf32, #tpu.memory_space<vmem>>, vector<16xf32>,
    %add3A_1864 = arith.addf %add3A_1861, %get3A_1863 : vector<16xf32>
    %get3A_1865 = arith.constant 403 : index
    %get3A_1866 = tpu.vector_load %arg10[%get3A_1865] {strides = array<i32>} : memref<6192xf32, #tpu.memory_space<vmem>>, vector<16xf32>,
    %add3A_1867 = arith.addf %add3A_1864, %get3A_1866 : vector<16xf32>
    %get3A_1868 = arith.constant 532 : index
    %get3A_1869 = tpu.vector_load %arg10[%get3A_1868] {strides = array<i32>} : memref<6192xf32, #tpu.memory_space<vmem>>, vector<16xf32>,
    %add3A_1870 = arith.addf %add3A_1867, %get3A_1869 : vector<16xf32>
    %get3A_1871 = arith.constant 661 : index
    %get3A_1872 = tpu.vector_load %arg10[%get3A_1871] {strides = array<i32>} : memref<6192xf32, #tpu.memory_space<vmem>>, vector<16xf32>,
    %add3A_1873 = arith.addf %add3A_1870, %get3A_1872 : vector<16xf32>
    %get3A_1874 = arith.constant 790 : index
    %get3A_1875 = tpu.vector_load %arg10[%get3A_1874] {strides = array<i32>} : memref<6192xf32, #tpu.memory_space<vmem>>, vector<16xf32>,
    %add3A_1876 = arith.addf %add3A_1873, %get3A_1875 : vector<16xf32>
    %get3A_1877 = arith.constant 919 : index
    %get3A_1878 = tpu.vector_load %arg10[%get3A_1877] {strides = array<i32>} : memref<6192xf32, #tpu.memory_space<vmem>>, vector<16xf32>,
    %add3A_1879 = arith.addf %add3A_1876, %get3A_1878 : vector<16xf32>
    %get3A_1880 = arith.constant 1048 : index
    %get3A_1881 = tpu.vector_load %arg10[%get3A_1880] {strides = array<i32>} : memref<6192xf32, #tpu.memory_space<vmem>>, vector<16xf32>,
    %add3A_1882 = arith.addf %add3A_1879, %get3A_1881 : vector<16xf32>
    %get3A_1883 = arith.constant 1177 : index
    %get3A_1884 = tpu.vector_load %arg10[%get3A_1883] {strides = array<i32>} : memref<6192xf32, #tpu.memory_space<vmem>>, vector<16xf32>,
    %add3A_1885 = arith.addf %add3A_1882, %get3A_1884 : vector<16xf32>
    %get3A_1886 = arith.constant 1306 : index
    %get3A_1887 = tpu.vector_load %arg10[%get3A_1886] {strides = array<i32>} : memref<6192xf32, #tpu.memory_space<vmem>>, vector<16xf32>,
    %add3A_1888 = arith.addf %add3A_1885, %get3A_1887 : vector<16xf32>
    %get3A_1889 = arith.constant 1435 : index
    %get3A_1890 = tpu.vector_load %arg10[%get3A_1889] {strides = array<i32>} : memref<6192xf32, #tpu.memory_space<vmem>>, vector<16xf32>,
    %add3A_1891 = arith.addf %add3A_1888, %get3A_1890 : vector<16xf32>
    %get3A_1892 = arith.constant 1564 : index
    %get3A_1893 = tpu.vector_load %arg10[%get3A_1892] {strides = array<i32>} : memref<6192xf32, #tpu.memory_space<vmem>>, vector<16xf32>,
    %add3A_1894 = arith.addf %add3A_1891, %get3A_1893 : vector<16xf32>
    %get3A_1895 = arith.constant 1693 : index
    %get3A_1896 = tpu.vector_load %arg10[%get3A_1895] {strides = array<i32>} : memref<6192xf32, #tpu.memory_space<vmem>>, vector<16xf32>,
    %add3A_1897 = arith.addf %add3A_1894, %get3A_1896 : vector<16xf32>
    %get3A_1898 = arith.constant 1822 : index
    %get3A_1899 = tpu.vector_load %arg10[%get3A_1898] {strides = array<i32>} : memref<6192xf32, #tpu.memory_space<vmem>>, vector<16xf32>,
    %add3A_1900 = arith.addf %add3A_1897, %get3A_1899 : vector<16xf32>
    %get3A_1901 = arith.constant 1951 : index
    %get3A_1902 = tpu.vector_load %arg10[%get3A_1901] {strides = array<i32>} : memref<6192xf32, #tpu.memory_space<vmem>>, vector<16xf32>,
    %add3A_1903 = arith.addf %add3A_1900, %get3A_1902 : vector<16xf32>
    %swap3A_1904 = arith.constant 4 : i32
    %swap3A_1905 = arith.index_cast %swap3A_1904 : i32 to index
    %swap3A_1906 = arith.constant 16 : index
    %swap3A_1907 = tpu.vector_load %arg11[%swap3A_1905, %swap3A_1906] {strides = array<i32>} : memref<6x128xf32, #tpu.memory_space<vmem>>, vector<16xf32>,
    tpu.vector_store %arg11[%swap3A_1905, %swap3A_1906], %add3A_1903 {strides = array<i32>} : memref<6x128xf32, #tpu.memory_space<vmem>>, vector<16xf32>,
    %get3A_1908 = arith.constant 32 : index
    %get3A_1909 = tpu.vector_load %arg10[%get3A_1908] {strides = array<i32>} : memref<6192xf32, #tpu.memory_space<vmem>>, vector<16xf32>,
    %get3A_1910 = arith.constant 161 : index
    %get3A_1911 = tpu.vector_load %arg10[%get3A_1910] {strides = array<i32>} : memref<6192xf32, #tpu.memory_space<vmem>>, vector<16xf32>,
    %add3A_1912 = arith.addf %get3A_1909, %get3A_1911 : vector<16xf32>
    %get3A_1913 = arith.constant 290 : index
    %get3A_1914 = tpu.vector_load %arg10[%get3A_1913] {strides = array<i32>} : memref<6192xf32, #tpu.memory_space<vmem>>, vector<16xf32>,
    %add3A_1915 = arith.addf %add3A_1912, %get3A_1914 : vector<16xf32>
    %get3A_1916 = arith.constant 419 : index
    %get3A_1917 = tpu.vector_load %arg10[%get3A_1916] {strides = array<i32>} : memref<6192xf32, #tpu.memory_space<vmem>>, vector<16xf32>,
    %add3A_1918 = arith.addf %add3A_1915, %get3A_1917 : vector<16xf32>
    %get3A_1919 = arith.constant 548 : index
    %get3A_1920 = tpu.vector_load %arg10[%get3A_1919] {strides = array<i32>} : memref<6192xf32, #tpu.memory_space<vmem>>, vector<16xf32>,
    %add3A_1921 = arith.addf %add3A_1918, %get3A_1920 : vector<16xf32>
    %get3A_1922 = arith.constant 677 : index
    %get3A_1923 = tpu.vector_load %arg10[%get3A_1922] {strides = array<i32>} : memref<6192xf32, #tpu.memory_space<vmem>>, vector<16xf32>,
    %add3A_1924 = arith.addf %add3A_1921, %get3A_1923 : vector<16xf32>
    %get3A_1925 = arith.constant 806 : index
    %get3A_1926 = tpu.vector_load %arg10[%get3A_1925] {strides = array<i32>} : memref<6192xf32, #tpu.memory_space<vmem>>, vector<16xf32>,
    %add3A_1927 = arith.addf %add3A_1924, %get3A_1926 : vector<16xf32>
    %get3A_1928 = arith.constant 935 : index
    %get3A_1929 = tpu.vector_load %arg10[%get3A_1928] {strides = array<i32>} : memref<6192xf32, #tpu.memory_space<vmem>>, vector<16xf32>,
    %add3A_1930 = arith.addf %add3A_1927, %get3A_1929 : vector<16xf32>
    %get3A_1931 = arith.constant 1064 : index
    %get3A_1932 = tpu.vector_load %arg10[%get3A_1931] {strides = array<i32>} : memref<6192xf32, #tpu.memory_space<vmem>>, vector<16xf32>,
    %add3A_1933 = arith.addf %add3A_1930, %get3A_1932 : vector<16xf32>
    %get3A_1934 = arith.constant 1193 : index
    %get3A_1935 = tpu.vector_load %arg10[%get3A_1934] {strides = array<i32>} : memref<6192xf32, #tpu.memory_space<vmem>>, vector<16xf32>,
    %add3A_1936 = arith.addf %add3A_1933, %get3A_1935 : vector<16xf32>
    %get3A_1937 = arith.constant 1322 : index
    %get3A_1938 = tpu.vector_load %arg10[%get3A_1937] {strides = array<i32>} : memref<6192xf32, #tpu.memory_space<vmem>>, vector<16xf32>,
    %add3A_1939 = arith.addf %add3A_1936, %get3A_1938 : vector<16xf32>
    %get3A_1940 = arith.constant 1451 : index
    %get3A_1941 = tpu.vector_load %arg10[%get3A_1940] {strides = array<i32>} : memref<6192xf32, #tpu.memory_space<vmem>>, vector<16xf32>,
    %add3A_1942 = arith.addf %add3A_1939, %get3A_1941 : vector<16xf32>
    %get3A_1943 = arith.constant 1580 : index
    %get3A_1944 = tpu.vector_load %arg10[%get3A_1943] {strides = array<i32>} : memref<6192xf32, #tpu.memory_space<vmem>>, vector<16xf32>,
    %add3A_1945 = arith.addf %add3A_1942, %get3A_1944 : vector<16xf32>
    %get3A_1946 = arith.constant 1709 : index
    %get3A_1947 = tpu.vector_load %arg10[%get3A_1946] {strides = array<i32>} : memref<6192xf32, #tpu.memory_space<vmem>>, vector<16xf32>,
    %add3A_1948 = arith.addf %add3A_1945, %get3A_1947 : vector<16xf32>
    %get3A_1949 = arith.constant 1838 : index
    %get3A_1950 = tpu.vector_load %arg10[%get3A_1949] {strides = array<i32>} : memref<6192xf32, #tpu.memory_space<vmem>>, vector<16xf32>,
    %add3A_1951 = arith.addf %add3A_1948, %get3A_1950 : vector<16xf32>
    %get3A_1952 = arith.constant 1967 : index
    %get3A_1953 = tpu.vector_load %arg10[%get3A_1952] {strides = array<i32>} : memref<6192xf32, #tpu.memory_space<vmem>>, vector<16xf32>,
    %add3A_1954 = arith.addf %add3A_1951, %get3A_1953 : vector<16xf32>
    %swap3A_1955 = arith.constant 4 : i32
    %swap3A_1956 = arith.index_cast %swap3A_1955 : i32 to index
    %swap3A_1957 = arith.constant 32 : index
    %swap3A_1958 = tpu.vector_load %arg11[%swap3A_1956, %swap3A_1957] {strides = array<i32>} : memref<6x128xf32, #tpu.memory_space<vmem>>, vector<16xf32>,
    tpu.vector_store %arg11[%swap3A_1956, %swap3A_1957], %add3A_1954 {strides = array<i32>} : memref<6x128xf32, #tpu.memory_space<vmem>>, vector<16xf32>,
    %get3A_1959 = arith.constant 48 : index
    %get3A_1960 = tpu.vector_load %arg10[%get3A_1959] {strides = array<i32>} : memref<6192xf32, #tpu.memory_space<vmem>>, vector<16xf32>,
    %get3A_1961 = arith.constant 177 : index
    %get3A_1962 = tpu.vector_load %arg10[%get3A_1961] {strides = array<i32>} : memref<6192xf32, #tpu.memory_space<vmem>>, vector<16xf32>,
    %add3A_1963 = arith.addf %get3A_1960, %get3A_1962 : vector<16xf32>
    %get3A_1964 = arith.constant 306 : index
    %get3A_1965 = tpu.vector_load %arg10[%get3A_1964] {strides = array<i32>} : memref<6192xf32, #tpu.memory_space<vmem>>, vector<16xf32>,
    %add3A_1966 = arith.addf %add3A_1963, %get3A_1965 : vector<16xf32>
    %get3A_1967 = arith.constant 435 : index
    %get3A_1968 = tpu.vector_load %arg10[%get3A_1967] {strides = array<i32>} : memref<6192xf32, #tpu.memory_space<vmem>>, vector<16xf32>,
    %add3A_1969 = arith.addf %add3A_1966, %get3A_1968 : vector<16xf32>
    %get3A_1970 = arith.constant 564 : index
    %get3A_1971 = tpu.vector_load %arg10[%get3A_1970] {strides = array<i32>} : memref<6192xf32, #tpu.memory_space<vmem>>, vector<16xf32>,
    %add3A_1972 = arith.addf %add3A_1969, %get3A_1971 : vector<16xf32>
    %get3A_1973 = arith.constant 693 : index
    %get3A_1974 = tpu.vector_load %arg10[%get3A_1973] {strides = array<i32>} : memref<6192xf32, #tpu.memory_space<vmem>>, vector<16xf32>,
    %add3A_1975 = arith.addf %add3A_1972, %get3A_1974 : vector<16xf32>
    %get3A_1976 = arith.constant 822 : index
    %get3A_1977 = tpu.vector_load %arg10[%get3A_1976] {strides = array<i32>} : memref<6192xf32, #tpu.memory_space<vmem>>, vector<16xf32>,
    %add3A_1978 = arith.addf %add3A_1975, %get3A_1977 : vector<16xf32>
    %get3A_1979 = arith.constant 951 : index
    %get3A_1980 = tpu.vector_load %arg10[%get3A_1979] {strides = array<i32>} : memref<6192xf32, #tpu.memory_space<vmem>>, vector<16xf32>,
    %add3A_1981 = arith.addf %add3A_1978, %get3A_1980 : vector<16xf32>
    %get3A_1982 = arith.constant 1080 : index
    %get3A_1983 = tpu.vector_load %arg10[%get3A_1982] {strides = array<i32>} : memref<6192xf32, #tpu.memory_space<vmem>>, vector<16xf32>,
    %add3A_1984 = arith.addf %add3A_1981, %get3A_1983 : vector<16xf32>
    %get3A_1985 = arith.constant 1209 : index
    %get3A_1986 = tpu.vector_load %arg10[%get3A_1985] {strides = array<i32>} : memref<6192xf32, #tpu.memory_space<vmem>>, vector<16xf32>,
    %add3A_1987 = arith.addf %add3A_1984, %get3A_1986 : vector<16xf32>
    %get3A_1988 = arith.constant 1338 : index
    %get3A_1989 = tpu.vector_load %arg10[%get3A_1988] {strides = array<i32>} : memref<6192xf32, #tpu.memory_space<vmem>>, vector<16xf32>,
    %add3A_1990 = arith.addf %add3A_1987, %get3A_1989 : vector<16xf32>
    %get3A_1991 = arith.constant 1467 : index
    %get3A_1992 = tpu.vector_load %arg10[%get3A_1991] {strides = array<i32>} : memref<6192xf32, #tpu.memory_space<vmem>>, vector<16xf32>,
    %add3A_1993 = arith.addf %add3A_1990, %get3A_1992 : vector<16xf32>
    %get3A_1994 = arith.constant 1596 : index
    %get3A_1995 = tpu.vector_load %arg10[%get3A_1994] {strides = array<i32>} : memref<6192xf32, #tpu.memory_space<vmem>>, vector<16xf32>,
    %add3A_1996 = arith.addf %add3A_1993, %get3A_1995 : vector<16xf32>
    %get3A_1997 = arith.constant 1725 : index
    %get3A_1998 = tpu.vector_load %arg10[%get3A_1997] {strides = array<i32>} : memref<6192xf32, #tpu.memory_space<vmem>>, vector<16xf32>,
    %add3A_1999 = arith.addf %add3A_1996, %get3A_1998 : vector<16xf32>
    %get3A_2000 = arith.constant 1854 : index
    %get3A_2001 = tpu.vector_load %arg10[%get3A_2000] {strides = array<i32>} : memref<6192xf32, #tpu.memory_space<vmem>>, vector<16xf32>,
    %add3A_2002 = arith.addf %add3A_1999, %get3A_2001 : vector<16xf32>
    %get3A_2003 = arith.constant 1983 : index
    %get3A_2004 = tpu.vector_load %arg10[%get3A_2003] {strides = array<i32>} : memref<6192xf32, #tpu.memory_space<vmem>>, vector<16xf32>,
    %add3A_2005 = arith.addf %add3A_2002, %get3A_2004 : vector<16xf32>
    %swap3A_2006 = arith.constant 4 : i32
    %swap3A_2007 = arith.index_cast %swap3A_2006 : i32 to index
    %swap3A_2008 = arith.constant 48 : index
    %swap3A_2009 = tpu.vector_load %arg11[%swap3A_2007, %swap3A_2008] {strides = array<i32>} : memref<6x128xf32, #tpu.memory_space<vmem>>, vector<16xf32>,
    tpu.vector_store %arg11[%swap3A_2007, %swap3A_2008], %add3A_2005 {strides = array<i32>} : memref<6x128xf32, #tpu.memory_space<vmem>>, vector<16xf32>,
    %get3A_2010 = arith.constant 64 : index
    %get3A_2011 = tpu.vector_load %arg10[%get3A_2010] {strides = array<i32>} : memref<6192xf32, #tpu.memory_space<vmem>>, vector<16xf32>,
    %get3A_2012 = arith.constant 193 : index
    %get3A_2013 = tpu.vector_load %arg10[%get3A_2012] {strides = array<i32>} : memref<6192xf32, #tpu.memory_space<vmem>>, vector<16xf32>,
    %add3A_2014 = arith.addf %get3A_2011, %get3A_2013 : vector<16xf32>
    %get3A_2015 = arith.constant 322 : index
    %get3A_2016 = tpu.vector_load %arg10[%get3A_2015] {strides = array<i32>} : memref<6192xf32, #tpu.memory_space<vmem>>, vector<16xf32>,
    %add3A_2017 = arith.addf %add3A_2014, %get3A_2016 : vector<16xf32>
    %get3A_2018 = arith.constant 451 : index
    %get3A_2019 = tpu.vector_load %arg10[%get3A_2018] {strides = array<i32>} : memref<6192xf32, #tpu.memory_space<vmem>>, vector<16xf32>,
    %add3A_2020 = arith.addf %add3A_2017, %get3A_2019 : vector<16xf32>
    %get3A_2021 = arith.constant 580 : index
    %get3A_2022 = tpu.vector_load %arg10[%get3A_2021] {strides = array<i32>} : memref<6192xf32, #tpu.memory_space<vmem>>, vector<16xf32>,
    %add3A_2023 = arith.addf %add3A_2020, %get3A_2022 : vector<16xf32>
    %get3A_2024 = arith.constant 709 : index
    %get3A_2025 = tpu.vector_load %arg10[%get3A_2024] {strides = array<i32>} : memref<6192xf32, #tpu.memory_space<vmem>>, vector<16xf32>,
    %add3A_2026 = arith.addf %add3A_2023, %get3A_2025 : vector<16xf32>
    %get3A_2027 = arith.constant 838 : index
    %get3A_2028 = tpu.vector_load %arg10[%get3A_2027] {strides = array<i32>} : memref<6192xf32, #tpu.memory_space<vmem>>, vector<16xf32>,
    %add3A_2029 = arith.addf %add3A_2026, %get3A_2028 : vector<16xf32>
    %get3A_2030 = arith.constant 967 : index
    %get3A_2031 = tpu.vector_load %arg10[%get3A_2030] {strides = array<i32>} : memref<6192xf32, #tpu.memory_space<vmem>>, vector<16xf32>,
    %add3A_2032 = arith.addf %add3A_2029, %get3A_2031 : vector<16xf32>
    %get3A_2033 = arith.constant 1096 : index
    %get3A_2034 = tpu.vector_load %arg10[%get3A_2033] {strides = array<i32>} : memref<6192xf32, #tpu.memory_space<vmem>>, vector<16xf32>,
    %add3A_2035 = arith.addf %add3A_2032, %get3A_2034 : vector<16xf32>
    %get3A_2036 = arith.constant 1225 : index
    %get3A_2037 = tpu.vector_load %arg10[%get3A_2036] {strides = array<i32>} : memref<6192xf32, #tpu.memory_space<vmem>>, vector<16xf32>,
    %add3A_2038 = arith.addf %add3A_2035, %get3A_2037 : vector<16xf32>
    %get3A_2039 = arith.constant 1354 : index
    %get3A_2040 = tpu.vector_load %arg10[%get3A_2039] {strides = array<i32>} : memref<6192xf32, #tpu.memory_space<vmem>>, vector<16xf32>,
    %add3A_2041 = arith.addf %add3A_2038, %get3A_2040 : vector<16xf32>
    %get3A_2042 = arith.constant 1483 : index
    %get3A_2043 = tpu.vector_load %arg10[%get3A_2042] {strides = array<i32>} : memref<6192xf32, #tpu.memory_space<vmem>>, vector<16xf32>,
    %add3A_2044 = arith.addf %add3A_2041, %get3A_2043 : vector<16xf32>
    %get3A_2045 = arith.constant 1612 : index
    %get3A_2046 = tpu.vector_load %arg10[%get3A_2045] {strides = array<i32>} : memref<6192xf32, #tpu.memory_space<vmem>>, vector<16xf32>,
    %add3A_2047 = arith.addf %add3A_2044, %get3A_2046 : vector<16xf32>
    %get3A_2048 = arith.constant 1741 : index
    %get3A_2049 = tpu.vector_load %arg10[%get3A_2048] {strides = array<i32>} : memref<6192xf32, #tpu.memory_space<vmem>>, vector<16xf32>,
    %add3A_2050 = arith.addf %add3A_2047, %get3A_2049 : vector<16xf32>
    %get3A_2051 = arith.constant 1870 : index
    %get3A_2052 = tpu.vector_load %arg10[%get3A_2051] {strides = array<i32>} : memref<6192xf32, #tpu.memory_space<vmem>>, vector<16xf32>,
    %add3A_2053 = arith.addf %add3A_2050, %get3A_2052 : vector<16xf32>
    %get3A_2054 = arith.constant 1999 : index
    %get3A_2055 = tpu.vector_load %arg10[%get3A_2054] {strides = array<i32>} : memref<6192xf32, #tpu.memory_space<vmem>>, vector<16xf32>,
    %add3A_2056 = arith.addf %add3A_2053, %get3A_2055 : vector<16xf32>
    %swap3A_2057 = arith.constant 4 : i32
    %swap3A_2058 = arith.index_cast %swap3A_2057 : i32 to index
    %swap3A_2059 = arith.constant 64 : index
    %swap3A_2060 = tpu.vector_load %arg11[%swap3A_2058, %swap3A_2059] {strides = array<i32>} : memref<6x128xf32, #tpu.memory_space<vmem>>, vector<16xf32>,
    tpu.vector_store %arg11[%swap3A_2058, %swap3A_2059], %add3A_2056 {strides = array<i32>} : memref<6x128xf32, #tpu.memory_space<vmem>>, vector<16xf32>,
    %get3A_2061 = arith.constant 80 : index
    %get3A_2062 = tpu.vector_load %arg10[%get3A_2061] {strides = array<i32>} : memref<6192xf32, #tpu.memory_space<vmem>>, vector<16xf32>,
    %get3A_2063 = arith.constant 209 : index
    %get3A_2064 = tpu.vector_load %arg10[%get3A_2063] {strides = array<i32>} : memref<6192xf32, #tpu.memory_space<vmem>>, vector<16xf32>,
    %add3A_2065 = arith.addf %get3A_2062, %get3A_2064 : vector<16xf32>
    %get3A_2066 = arith.constant 338 : index
    %get3A_2067 = tpu.vector_load %arg10[%get3A_2066] {strides = array<i32>} : memref<6192xf32, #tpu.memory_space<vmem>>, vector<16xf32>,
    %add3A_2068 = arith.addf %add3A_2065, %get3A_2067 : vector<16xf32>
    %get3A_2069 = arith.constant 467 : index
    %get3A_2070 = tpu.vector_load %arg10[%get3A_2069] {strides = array<i32>} : memref<6192xf32, #tpu.memory_space<vmem>>, vector<16xf32>,
    %add3A_2071 = arith.addf %add3A_2068, %get3A_2070 : vector<16xf32>
    %get3A_2072 = arith.constant 596 : index
    %get3A_2073 = tpu.vector_load %arg10[%get3A_2072] {strides = array<i32>} : memref<6192xf32, #tpu.memory_space<vmem>>, vector<16xf32>,
    %add3A_2074 = arith.addf %add3A_2071, %get3A_2073 : vector<16xf32>
    %get3A_2075 = arith.constant 725 : index
    %get3A_2076 = tpu.vector_load %arg10[%get3A_2075] {strides = array<i32>} : memref<6192xf32, #tpu.memory_space<vmem>>, vector<16xf32>,
    %add3A_2077 = arith.addf %add3A_2074, %get3A_2076 : vector<16xf32>
    %get3A_2078 = arith.constant 854 : index
    %get3A_2079 = tpu.vector_load %arg10[%get3A_2078] {strides = array<i32>} : memref<6192xf32, #tpu.memory_space<vmem>>, vector<16xf32>,
    %add3A_2080 = arith.addf %add3A_2077, %get3A_2079 : vector<16xf32>
    %get3A_2081 = arith.constant 983 : index
    %get3A_2082 = tpu.vector_load %arg10[%get3A_2081] {strides = array<i32>} : memref<6192xf32, #tpu.memory_space<vmem>>, vector<16xf32>,
    %add3A_2083 = arith.addf %add3A_2080, %get3A_2082 : vector<16xf32>
    %get3A_2084 = arith.constant 1112 : index
    %get3A_2085 = tpu.vector_load %arg10[%get3A_2084] {strides = array<i32>} : memref<6192xf32, #tpu.memory_space<vmem>>, vector<16xf32>,
    %add3A_2086 = arith.addf %add3A_2083, %get3A_2085 : vector<16xf32>
    %get3A_2087 = arith.constant 1241 : index
    %get3A_2088 = tpu.vector_load %arg10[%get3A_2087] {strides = array<i32>} : memref<6192xf32, #tpu.memory_space<vmem>>, vector<16xf32>,
    %add3A_2089 = arith.addf %add3A_2086, %get3A_2088 : vector<16xf32>
    %get3A_2090 = arith.constant 1370 : index
    %get3A_2091 = tpu.vector_load %arg10[%get3A_2090] {strides = array<i32>} : memref<6192xf32, #tpu.memory_space<vmem>>, vector<16xf32>,
    %add3A_2092 = arith.addf %add3A_2089, %get3A_2091 : vector<16xf32>
    %get3A_2093 = arith.constant 1499 : index
    %get3A_2094 = tpu.vector_load %arg10[%get3A_2093] {strides = array<i32>} : memref<6192xf32, #tpu.memory_space<vmem>>, vector<16xf32>,
    %add3A_2095 = arith.addf %add3A_2092, %get3A_2094 : vector<16xf32>
    %get3A_2096 = arith.constant 1628 : index
    %get3A_2097 = tpu.vector_load %arg10[%get3A_2096] {strides = array<i32>} : memref<6192xf32, #tpu.memory_space<vmem>>, vector<16xf32>,
    %add3A_2098 = arith.addf %add3A_2095, %get3A_2097 : vector<16xf32>
    %get3A_2099 = arith.constant 1757 : index
    %get3A_2100 = tpu.vector_load %arg10[%get3A_2099] {strides = array<i32>} : memref<6192xf32, #tpu.memory_space<vmem>>, vector<16xf32>,
    %add3A_2101 = arith.addf %add3A_2098, %get3A_2100 : vector<16xf32>
    %get3A_2102 = arith.constant 1886 : index
    %get3A_2103 = tpu.vector_load %arg10[%get3A_2102] {strides = array<i32>} : memref<6192xf32, #tpu.memory_space<vmem>>, vector<16xf32>,
    %add3A_2104 = arith.addf %add3A_2101, %get3A_2103 : vector<16xf32>
    %get3A_2105 = arith.constant 2015 : index
    %get3A_2106 = tpu.vector_load %arg10[%get3A_2105] {strides = array<i32>} : memref<6192xf32, #tpu.memory_space<vmem>>, vector<16xf32>,
    %add3A_2107 = arith.addf %add3A_2104, %get3A_2106 : vector<16xf32>
    %swap3A_2108 = arith.constant 4 : i32
    %swap3A_2109 = arith.index_cast %swap3A_2108 : i32 to index
    %swap3A_2110 = arith.constant 80 : index
    %swap3A_2111 = tpu.vector_load %arg11[%swap3A_2109, %swap3A_2110] {strides = array<i32>} : memref<6x128xf32, #tpu.memory_space<vmem>>, vector<16xf32>,
    tpu.vector_store %arg11[%swap3A_2109, %swap3A_2110], %add3A_2107 {strides = array<i32>} : memref<6x128xf32, #tpu.memory_space<vmem>>, vector<16xf32>,
    %get3A_2112 = arith.constant 96 : index
    %get3A_2113 = tpu.vector_load %arg10[%get3A_2112] {strides = array<i32>} : memref<6192xf32, #tpu.memory_space<vmem>>, vector<16xf32>,
    %get3A_2114 = arith.constant 225 : index
    %get3A_2115 = tpu.vector_load %arg10[%get3A_2114] {strides = array<i32>} : memref<6192xf32, #tpu.memory_space<vmem>>, vector<16xf32>,
    %add3A_2116 = arith.addf %get3A_2113, %get3A_2115 : vector<16xf32>
    %get3A_2117 = arith.constant 354 : index
    %get3A_2118 = tpu.vector_load %arg10[%get3A_2117] {strides = array<i32>} : memref<6192xf32, #tpu.memory_space<vmem>>, vector<16xf32>,
    %add3A_2119 = arith.addf %add3A_2116, %get3A_2118 : vector<16xf32>
    %get3A_2120 = arith.constant 483 : index
    %get3A_2121 = tpu.vector_load %arg10[%get3A_2120] {strides = array<i32>} : memref<6192xf32, #tpu.memory_space<vmem>>, vector<16xf32>,
    %add3A_2122 = arith.addf %add3A_2119, %get3A_2121 : vector<16xf32>
    %get3A_2123 = arith.constant 612 : index
    %get3A_2124 = tpu.vector_load %arg10[%get3A_2123] {strides = array<i32>} : memref<6192xf32, #tpu.memory_space<vmem>>, vector<16xf32>,
    %add3A_2125 = arith.addf %add3A_2122, %get3A_2124 : vector<16xf32>
    %get3A_2126 = arith.constant 741 : index
    %get3A_2127 = tpu.vector_load %arg10[%get3A_2126] {strides = array<i32>} : memref<6192xf32, #tpu.memory_space<vmem>>, vector<16xf32>,
    %add3A_2128 = arith.addf %add3A_2125, %get3A_2127 : vector<16xf32>
    %get3A_2129 = arith.constant 870 : index
    %get3A_2130 = tpu.vector_load %arg10[%get3A_2129] {strides = array<i32>} : memref<6192xf32, #tpu.memory_space<vmem>>, vector<16xf32>,
    %add3A_2131 = arith.addf %add3A_2128, %get3A_2130 : vector<16xf32>
    %get3A_2132 = arith.constant 999 : index
    %get3A_2133 = tpu.vector_load %arg10[%get3A_2132] {strides = array<i32>} : memref<6192xf32, #tpu.memory_space<vmem>>, vector<16xf32>,
    %add3A_2134 = arith.addf %add3A_2131, %get3A_2133 : vector<16xf32>
    %get3A_2135 = arith.constant 1128 : index
    %get3A_2136 = tpu.vector_load %arg10[%get3A_2135] {strides = array<i32>} : memref<6192xf32, #tpu.memory_space<vmem>>, vector<16xf32>,
    %add3A_2137 = arith.addf %add3A_2134, %get3A_2136 : vector<16xf32>
    %get3A_2138 = arith.constant 1257 : index
    %get3A_2139 = tpu.vector_load %arg10[%get3A_2138] {strides = array<i32>} : memref<6192xf32, #tpu.memory_space<vmem>>, vector<16xf32>,
    %add3A_2140 = arith.addf %add3A_2137, %get3A_2139 : vector<16xf32>
    %get3A_2141 = arith.constant 1386 : index
    %get3A_2142 = tpu.vector_load %arg10[%get3A_2141] {strides = array<i32>} : memref<6192xf32, #tpu.memory_space<vmem>>, vector<16xf32>,
    %add3A_2143 = arith.addf %add3A_2140, %get3A_2142 : vector<16xf32>
    %get3A_2144 = arith.constant 1515 : index
    %get3A_2145 = tpu.vector_load %arg10[%get3A_2144] {strides = array<i32>} : memref<6192xf32, #tpu.memory_space<vmem>>, vector<16xf32>,
    %add3A_2146 = arith.addf %add3A_2143, %get3A_2145 : vector<16xf32>
    %get3A_2147 = arith.constant 1644 : index
    %get3A_2148 = tpu.vector_load %arg10[%get3A_2147] {strides = array<i32>} : memref<6192xf32, #tpu.memory_space<vmem>>, vector<16xf32>,
    %add3A_2149 = arith.addf %add3A_2146, %get3A_2148 : vector<16xf32>
    %get3A_2150 = arith.constant 1773 : index
    %get3A_2151 = tpu.vector_load %arg10[%get3A_2150] {strides = array<i32>} : memref<6192xf32, #tpu.memory_space<vmem>>, vector<16xf32>,
    %add3A_2152 = arith.addf %add3A_2149, %get3A_2151 : vector<16xf32>
    %get3A_2153 = arith.constant 1902 : index
    %get3A_2154 = tpu.vector_load %arg10[%get3A_2153] {strides = array<i32>} : memref<6192xf32, #tpu.memory_space<vmem>>, vector<16xf32>,
    %add3A_2155 = arith.addf %add3A_2152, %get3A_2154 : vector<16xf32>
    %get3A_2156 = arith.constant 2031 : index
    %get3A_2157 = tpu.vector_load %arg10[%get3A_2156] {strides = array<i32>} : memref<6192xf32, #tpu.memory_space<vmem>>, vector<16xf32>,
    %add3A_2158 = arith.addf %add3A_2155, %get3A_2157 : vector<16xf32>
    %swap3A_2159 = arith.constant 4 : i32
    %swap3A_2160 = arith.index_cast %swap3A_2159 : i32 to index
    %swap3A_2161 = arith.constant 96 : index
    %swap3A_2162 = tpu.vector_load %arg11[%swap3A_2160, %swap3A_2161] {strides = array<i32>} : memref<6x128xf32, #tpu.memory_space<vmem>>, vector<16xf32>,
    tpu.vector_store %arg11[%swap3A_2160, %swap3A_2161], %add3A_2158 {strides = array<i32>} : memref<6x128xf32, #tpu.memory_space<vmem>>, vector<16xf32>,
    %get3A_2163 = arith.constant 112 : index
    %get3A_2164 = tpu.vector_load %arg10[%get3A_2163] {strides = array<i32>} : memref<6192xf32, #tpu.memory_space<vmem>>, vector<16xf32>,
    %get3A_2165 = arith.constant 241 : index
    %get3A_2166 = tpu.vector_load %arg10[%get3A_2165] {strides = array<i32>} : memref<6192xf32, #tpu.memory_space<vmem>>, vector<16xf32>,
    %add3A_2167 = arith.addf %get3A_2164, %get3A_2166 : vector<16xf32>
    %get3A_2168 = arith.constant 370 : index
    %get3A_2169 = tpu.vector_load %arg10[%get3A_2168] {strides = array<i32>} : memref<6192xf32, #tpu.memory_space<vmem>>, vector<16xf32>,
    %add3A_2170 = arith.addf %add3A_2167, %get3A_2169 : vector<16xf32>
    %get3A_2171 = arith.constant 499 : index
    %get3A_2172 = tpu.vector_load %arg10[%get3A_2171] {strides = array<i32>} : memref<6192xf32, #tpu.memory_space<vmem>>, vector<16xf32>,
    %add3A_2173 = arith.addf %add3A_2170, %get3A_2172 : vector<16xf32>
    %get3A_2174 = arith.constant 628 : index
    %get3A_2175 = tpu.vector_load %arg10[%get3A_2174] {strides = array<i32>} : memref<6192xf32, #tpu.memory_space<vmem>>, vector<16xf32>,
    %add3A_2176 = arith.addf %add3A_2173, %get3A_2175 : vector<16xf32>
    %get3A_2177 = arith.constant 757 : index
    %get3A_2178 = tpu.vector_load %arg10[%get3A_2177] {strides = array<i32>} : memref<6192xf32, #tpu.memory_space<vmem>>, vector<16xf32>,
    %add3A_2179 = arith.addf %add3A_2176, %get3A_2178 : vector<16xf32>
    %get3A_2180 = arith.constant 886 : index
    %get3A_2181 = tpu.vector_load %arg10[%get3A_2180] {strides = array<i32>} : memref<6192xf32, #tpu.memory_space<vmem>>, vector<16xf32>,
    %add3A_2182 = arith.addf %add3A_2179, %get3A_2181 : vector<16xf32>
    %get3A_2183 = arith.constant 1015 : index
    %get3A_2184 = tpu.vector_load %arg10[%get3A_2183] {strides = array<i32>} : memref<6192xf32, #tpu.memory_space<vmem>>, vector<16xf32>,
    %add3A_2185 = arith.addf %add3A_2182, %get3A_2184 : vector<16xf32>
    %get3A_2186 = arith.constant 1144 : index
    %get3A_2187 = tpu.vector_load %arg10[%get3A_2186] {strides = array<i32>} : memref<6192xf32, #tpu.memory_space<vmem>>, vector<16xf32>,
    %add3A_2188 = arith.addf %add3A_2185, %get3A_2187 : vector<16xf32>
    %get3A_2189 = arith.constant 1273 : index
    %get3A_2190 = tpu.vector_load %arg10[%get3A_2189] {strides = array<i32>} : memref<6192xf32, #tpu.memory_space<vmem>>, vector<16xf32>,
    %add3A_2191 = arith.addf %add3A_2188, %get3A_2190 : vector<16xf32>
    %get3A_2192 = arith.constant 1402 : index
    %get3A_2193 = tpu.vector_load %arg10[%get3A_2192] {strides = array<i32>} : memref<6192xf32, #tpu.memory_space<vmem>>, vector<16xf32>,
    %add3A_2194 = arith.addf %add3A_2191, %get3A_2193 : vector<16xf32>
    %get3A_2195 = arith.constant 1531 : index
    %get3A_2196 = tpu.vector_load %arg10[%get3A_2195] {strides = array<i32>} : memref<6192xf32, #tpu.memory_space<vmem>>, vector<16xf32>,
    %add3A_2197 = arith.addf %add3A_2194, %get3A_2196 : vector<16xf32>
    %get3A_2198 = arith.constant 1660 : index
    %get3A_2199 = tpu.vector_load %arg10[%get3A_2198] {strides = array<i32>} : memref<6192xf32, #tpu.memory_space<vmem>>, vector<16xf32>,
    %add3A_2200 = arith.addf %add3A_2197, %get3A_2199 : vector<16xf32>
    %get3A_2201 = arith.constant 1789 : index
    %get3A_2202 = tpu.vector_load %arg10[%get3A_2201] {strides = array<i32>} : memref<6192xf32, #tpu.memory_space<vmem>>, vector<16xf32>,
    %add3A_2203 = arith.addf %add3A_2200, %get3A_2202 : vector<16xf32>
    %get3A_2204 = arith.constant 1918 : index
    %get3A_2205 = tpu.vector_load %arg10[%get3A_2204] {strides = array<i32>} : memref<6192xf32, #tpu.memory_space<vmem>>, vector<16xf32>,
    %add3A_2206 = arith.addf %add3A_2203, %get3A_2205 : vector<16xf32>
    %get3A_2207 = arith.constant 2047 : index
    %get3A_2208 = tpu.vector_load %arg10[%get3A_2207] {strides = array<i32>} : memref<6192xf32, #tpu.memory_space<vmem>>, vector<16xf32>,
    %add3A_2209 = arith.addf %add3A_2206, %get3A_2208 : vector<16xf32>
    %swap3A_2210 = arith.constant 4 : i32
    %swap3A_2211 = arith.index_cast %swap3A_2210 : i32 to index
    %swap3A_2212 = arith.constant 112 : index
    %swap3A_2213 = tpu.vector_load %arg11[%swap3A_2211, %swap3A_2212] {strides = array<i32>} : memref<6x128xf32, #tpu.memory_space<vmem>>, vector<16xf32>,
    tpu.vector_store %arg11[%swap3A_2211, %swap3A_2212], %add3A_2209 {strides = array<i32>} : memref<6x128xf32, #tpu.memory_space<vmem>>, vector<16xf32>,
    %get3A_2214 = arith.constant 2064 : index
    %get3A_2215 = tpu.vector_load %arg10[%get3A_2214] {strides = array<i32>} : memref<6192xf32, #tpu.memory_space<vmem>>, vector<16xf32>,
    %get3A_2216 = arith.constant 2193 : index
    %get3A_2217 = tpu.vector_load %arg10[%get3A_2216] {strides = array<i32>} : memref<6192xf32, #tpu.memory_space<vmem>>, vector<16xf32>,
    %add3A_2218 = arith.addf %get3A_2215, %get3A_2217 : vector<16xf32>
    %get3A_2219 = arith.constant 2322 : index
    %get3A_2220 = tpu.vector_load %arg10[%get3A_2219] {strides = array<i32>} : memref<6192xf32, #tpu.memory_space<vmem>>, vector<16xf32>,
    %add3A_2221 = arith.addf %add3A_2218, %get3A_2220 : vector<16xf32>
    %get3A_2222 = arith.constant 2451 : index
    %get3A_2223 = tpu.vector_load %arg10[%get3A_2222] {strides = array<i32>} : memref<6192xf32, #tpu.memory_space<vmem>>, vector<16xf32>,
    %add3A_2224 = arith.addf %add3A_2221, %get3A_2223 : vector<16xf32>
    %get3A_2225 = arith.constant 2580 : index
    %get3A_2226 = tpu.vector_load %arg10[%get3A_2225] {strides = array<i32>} : memref<6192xf32, #tpu.memory_space<vmem>>, vector<16xf32>,
    %add3A_2227 = arith.addf %add3A_2224, %get3A_2226 : vector<16xf32>
    %get3A_2228 = arith.constant 2709 : index
    %get3A_2229 = tpu.vector_load %arg10[%get3A_2228] {strides = array<i32>} : memref<6192xf32, #tpu.memory_space<vmem>>, vector<16xf32>,
    %add3A_2230 = arith.addf %add3A_2227, %get3A_2229 : vector<16xf32>
    %get3A_2231 = arith.constant 2838 : index
    %get3A_2232 = tpu.vector_load %arg10[%get3A_2231] {strides = array<i32>} : memref<6192xf32, #tpu.memory_space<vmem>>, vector<16xf32>,
    %add3A_2233 = arith.addf %add3A_2230, %get3A_2232 : vector<16xf32>
    %get3A_2234 = arith.constant 2967 : index
    %get3A_2235 = tpu.vector_load %arg10[%get3A_2234] {strides = array<i32>} : memref<6192xf32, #tpu.memory_space<vmem>>, vector<16xf32>,
    %add3A_2236 = arith.addf %add3A_2233, %get3A_2235 : vector<16xf32>
    %get3A_2237 = arith.constant 3096 : index
    %get3A_2238 = tpu.vector_load %arg10[%get3A_2237] {strides = array<i32>} : memref<6192xf32, #tpu.memory_space<vmem>>, vector<16xf32>,
    %add3A_2239 = arith.addf %add3A_2236, %get3A_2238 : vector<16xf32>
    %get3A_2240 = arith.constant 3225 : index
    %get3A_2241 = tpu.vector_load %arg10[%get3A_2240] {strides = array<i32>} : memref<6192xf32, #tpu.memory_space<vmem>>, vector<16xf32>,
    %add3A_2242 = arith.addf %add3A_2239, %get3A_2241 : vector<16xf32>
    %get3A_2243 = arith.constant 3354 : index
    %get3A_2244 = tpu.vector_load %arg10[%get3A_2243] {strides = array<i32>} : memref<6192xf32, #tpu.memory_space<vmem>>, vector<16xf32>,
    %add3A_2245 = arith.addf %add3A_2242, %get3A_2244 : vector<16xf32>
    %get3A_2246 = arith.constant 3483 : index
    %get3A_2247 = tpu.vector_load %arg10[%get3A_2246] {strides = array<i32>} : memref<6192xf32, #tpu.memory_space<vmem>>, vector<16xf32>,
    %add3A_2248 = arith.addf %add3A_2245, %get3A_2247 : vector<16xf32>
    %get3A_2249 = arith.constant 3612 : index
    %get3A_2250 = tpu.vector_load %arg10[%get3A_2249] {strides = array<i32>} : memref<6192xf32, #tpu.memory_space<vmem>>, vector<16xf32>,
    %add3A_2251 = arith.addf %add3A_2248, %get3A_2250 : vector<16xf32>
    %get3A_2252 = arith.constant 3741 : index
    %get3A_2253 = tpu.vector_load %arg10[%get3A_2252] {strides = array<i32>} : memref<6192xf32, #tpu.memory_space<vmem>>, vector<16xf32>,
    %add3A_2254 = arith.addf %add3A_2251, %get3A_2253 : vector<16xf32>
    %get3A_2255 = arith.constant 3870 : index
    %get3A_2256 = tpu.vector_load %arg10[%get3A_2255] {strides = array<i32>} : memref<6192xf32, #tpu.memory_space<vmem>>, vector<16xf32>,
    %add3A_2257 = arith.addf %add3A_2254, %get3A_2256 : vector<16xf32>
    %get3A_2258 = arith.constant 3999 : index
    %get3A_2259 = tpu.vector_load %arg10[%get3A_2258] {strides = array<i32>} : memref<6192xf32, #tpu.memory_space<vmem>>, vector<16xf32>,
    %add3A_2260 = arith.addf %add3A_2257, %get3A_2259 : vector<16xf32>
    %swap3A_2261 = arith.constant 5 : i32
    %swap3A_2262 = arith.index_cast %swap3A_2261 : i32 to index
    %swap3A_2263 = arith.constant 0 : index
    %swap3A_2264 = tpu.vector_load %arg11[%swap3A_2262, %swap3A_2263] {strides = array<i32>} : memref<6x128xf32, #tpu.memory_space<vmem>>, vector<16xf32>,
    tpu.vector_store %arg11[%swap3A_2262, %swap3A_2263], %add3A_2260 {strides = array<i32>} : memref<6x128xf32, #tpu.memory_space<vmem>>, vector<16xf32>,
    %get3A_2265 = arith.constant 2080 : index
    %get3A_2266 = tpu.vector_load %arg10[%get3A_2265] {strides = array<i32>} : memref<6192xf32, #tpu.memory_space<vmem>>, vector<16xf32>,
    %get3A_2267 = arith.constant 2209 : index
    %get3A_2268 = tpu.vector_load %arg10[%get3A_2267] {strides = array<i32>} : memref<6192xf32, #tpu.memory_space<vmem>>, vector<16xf32>,
    %add3A_2269 = arith.addf %get3A_2266, %get3A_2268 : vector<16xf32>
    %get3A_2270 = arith.constant 2338 : index
    %get3A_2271 = tpu.vector_load %arg10[%get3A_2270] {strides = array<i32>} : memref<6192xf32, #tpu.memory_space<vmem>>, vector<16xf32>,
    %add3A_2272 = arith.addf %add3A_2269, %get3A_2271 : vector<16xf32>
    %get3A_2273 = arith.constant 2467 : index
    %get3A_2274 = tpu.vector_load %arg10[%get3A_2273] {strides = array<i32>} : memref<6192xf32, #tpu.memory_space<vmem>>, vector<16xf32>,
    %add3A_2275 = arith.addf %add3A_2272, %get3A_2274 : vector<16xf32>
    %get3A_2276 = arith.constant 2596 : index
    %get3A_2277 = tpu.vector_load %arg10[%get3A_2276] {strides = array<i32>} : memref<6192xf32, #tpu.memory_space<vmem>>, vector<16xf32>,
    %add3A_2278 = arith.addf %add3A_2275, %get3A_2277 : vector<16xf32>
    %get3A_2279 = arith.constant 2725 : index
    %get3A_2280 = tpu.vector_load %arg10[%get3A_2279] {strides = array<i32>} : memref<6192xf32, #tpu.memory_space<vmem>>, vector<16xf32>,
    %add3A_2281 = arith.addf %add3A_2278, %get3A_2280 : vector<16xf32>
    %get3A_2282 = arith.constant 2854 : index
    %get3A_2283 = tpu.vector_load %arg10[%get3A_2282] {strides = array<i32>} : memref<6192xf32, #tpu.memory_space<vmem>>, vector<16xf32>,
    %add3A_2284 = arith.addf %add3A_2281, %get3A_2283 : vector<16xf32>
    %get3A_2285 = arith.constant 2983 : index
    %get3A_2286 = tpu.vector_load %arg10[%get3A_2285] {strides = array<i32>} : memref<6192xf32, #tpu.memory_space<vmem>>, vector<16xf32>,
    %add3A_2287 = arith.addf %add3A_2284, %get3A_2286 : vector<16xf32>
    %get3A_2288 = arith.constant 3112 : index
    %get3A_2289 = tpu.vector_load %arg10[%get3A_2288] {strides = array<i32>} : memref<6192xf32, #tpu.memory_space<vmem>>, vector<16xf32>,
    %add3A_2290 = arith.addf %add3A_2287, %get3A_2289 : vector<16xf32>
    %get3A_2291 = arith.constant 3241 : index
    %get3A_2292 = tpu.vector_load %arg10[%get3A_2291] {strides = array<i32>} : memref<6192xf32, #tpu.memory_space<vmem>>, vector<16xf32>,
    %add3A_2293 = arith.addf %add3A_2290, %get3A_2292 : vector<16xf32>
    %get3A_2294 = arith.constant 3370 : index
    %get3A_2295 = tpu.vector_load %arg10[%get3A_2294] {strides = array<i32>} : memref<6192xf32, #tpu.memory_space<vmem>>, vector<16xf32>,
    %add3A_2296 = arith.addf %add3A_2293, %get3A_2295 : vector<16xf32>
    %get3A_2297 = arith.constant 3499 : index
    %get3A_2298 = tpu.vector_load %arg10[%get3A_2297] {strides = array<i32>} : memref<6192xf32, #tpu.memory_space<vmem>>, vector<16xf32>,
    %add3A_2299 = arith.addf %add3A_2296, %get3A_2298 : vector<16xf32>
    %get3A_2300 = arith.constant 3628 : index
    %get3A_2301 = tpu.vector_load %arg10[%get3A_2300] {strides = array<i32>} : memref<6192xf32, #tpu.memory_space<vmem>>, vector<16xf32>,
    %add3A_2302 = arith.addf %add3A_2299, %get3A_2301 : vector<16xf32>
    %get3A_2303 = arith.constant 3757 : index
    %get3A_2304 = tpu.vector_load %arg10[%get3A_2303] {strides = array<i32>} : memref<6192xf32, #tpu.memory_space<vmem>>, vector<16xf32>,
    %add3A_2305 = arith.addf %add3A_2302, %get3A_2304 : vector<16xf32>
    %get3A_2306 = arith.constant 3886 : index
    %get3A_2307 = tpu.vector_load %arg10[%get3A_2306] {strides = array<i32>} : memref<6192xf32, #tpu.memory_space<vmem>>, vector<16xf32>,
    %add3A_2308 = arith.addf %add3A_2305, %get3A_2307 : vector<16xf32>
    %get3A_2309 = arith.constant 4015 : index
    %get3A_2310 = tpu.vector_load %arg10[%get3A_2309] {strides = array<i32>} : memref<6192xf32, #tpu.memory_space<vmem>>, vector<16xf32>,
    %add3A_2311 = arith.addf %add3A_2308, %get3A_2310 : vector<16xf32>
    %swap3A_2312 = arith.constant 5 : i32
    %swap3A_2313 = arith.index_cast %swap3A_2312 : i32 to index
    %swap3A_2314 = arith.constant 16 : index
    %swap3A_2315 = tpu.vector_load %arg11[%swap3A_2313, %swap3A_2314] {strides = array<i32>} : memref<6x128xf32, #tpu.memory_space<vmem>>, vector<16xf32>,
    tpu.vector_store %arg11[%swap3A_2313, %swap3A_2314], %add3A_2311 {strides = array<i32>} : memref<6x128xf32, #tpu.memory_space<vmem>>, vector<16xf32>,
    %get3A_2316 = arith.constant 2096 : index
    %get3A_2317 = tpu.vector_load %arg10[%get3A_2316] {strides = array<i32>} : memref<6192xf32, #tpu.memory_space<vmem>>, vector<16xf32>,
    %get3A_2318 = arith.constant 2225 : index
    %get3A_2319 = tpu.vector_load %arg10[%get3A_2318] {strides = array<i32>} : memref<6192xf32, #tpu.memory_space<vmem>>, vector<16xf32>,
    %add3A_2320 = arith.addf %get3A_2317, %get3A_2319 : vector<16xf32>
    %get3A_2321 = arith.constant 2354 : index
    %get3A_2322 = tpu.vector_load %arg10[%get3A_2321] {strides = array<i32>} : memref<6192xf32, #tpu.memory_space<vmem>>, vector<16xf32>,
    %add3A_2323 = arith.addf %add3A_2320, %get3A_2322 : vector<16xf32>
    %get3A_2324 = arith.constant 2483 : index
    %get3A_2325 = tpu.vector_load %arg10[%get3A_2324] {strides = array<i32>} : memref<6192xf32, #tpu.memory_space<vmem>>, vector<16xf32>,
    %add3A_2326 = arith.addf %add3A_2323, %get3A_2325 : vector<16xf32>
    %get3A_2327 = arith.constant 2612 : index
    %get3A_2328 = tpu.vector_load %arg10[%get3A_2327] {strides = array<i32>} : memref<6192xf32, #tpu.memory_space<vmem>>, vector<16xf32>,
    %add3A_2329 = arith.addf %add3A_2326, %get3A_2328 : vector<16xf32>
    %get3A_2330 = arith.constant 2741 : index
    %get3A_2331 = tpu.vector_load %arg10[%get3A_2330] {strides = array<i32>} : memref<6192xf32, #tpu.memory_space<vmem>>, vector<16xf32>,
    %add3A_2332 = arith.addf %add3A_2329, %get3A_2331 : vector<16xf32>
    %get3A_2333 = arith.constant 2870 : index
    %get3A_2334 = tpu.vector_load %arg10[%get3A_2333] {strides = array<i32>} : memref<6192xf32, #tpu.memory_space<vmem>>, vector<16xf32>,
    %add3A_2335 = arith.addf %add3A_2332, %get3A_2334 : vector<16xf32>
    %get3A_2336 = arith.constant 2999 : index
    %get3A_2337 = tpu.vector_load %arg10[%get3A_2336] {strides = array<i32>} : memref<6192xf32, #tpu.memory_space<vmem>>, vector<16xf32>,
    %add3A_2338 = arith.addf %add3A_2335, %get3A_2337 : vector<16xf32>
    %get3A_2339 = arith.constant 3128 : index
    %get3A_2340 = tpu.vector_load %arg10[%get3A_2339] {strides = array<i32>} : memref<6192xf32, #tpu.memory_space<vmem>>, vector<16xf32>,
    %add3A_2341 = arith.addf %add3A_2338, %get3A_2340 : vector<16xf32>
    %get3A_2342 = arith.constant 3257 : index
    %get3A_2343 = tpu.vector_load %arg10[%get3A_2342] {strides = array<i32>} : memref<6192xf32, #tpu.memory_space<vmem>>, vector<16xf32>,
    %add3A_2344 = arith.addf %add3A_2341, %get3A_2343 : vector<16xf32>
    %get3A_2345 = arith.constant 3386 : index
    %get3A_2346 = tpu.vector_load %arg10[%get3A_2345] {strides = array<i32>} : memref<6192xf32, #tpu.memory_space<vmem>>, vector<16xf32>,
    %add3A_2347 = arith.addf %add3A_2344, %get3A_2346 : vector<16xf32>
    %get3A_2348 = arith.constant 3515 : index
    %get3A_2349 = tpu.vector_load %arg10[%get3A_2348] {strides = array<i32>} : memref<6192xf32, #tpu.memory_space<vmem>>, vector<16xf32>,
    %add3A_2350 = arith.addf %add3A_2347, %get3A_2349 : vector<16xf32>
    %get3A_2351 = arith.constant 3644 : index
    %get3A_2352 = tpu.vector_load %arg10[%get3A_2351] {strides = array<i32>} : memref<6192xf32, #tpu.memory_space<vmem>>, vector<16xf32>,
    %add3A_2353 = arith.addf %add3A_2350, %get3A_2352 : vector<16xf32>
    %get3A_2354 = arith.constant 3773 : index
    %get3A_2355 = tpu.vector_load %arg10[%get3A_2354] {strides = array<i32>} : memref<6192xf32, #tpu.memory_space<vmem>>, vector<16xf32>,
    %add3A_2356 = arith.addf %add3A_2353, %get3A_2355 : vector<16xf32>
    %get3A_2357 = arith.constant 3902 : index
    %get3A_2358 = tpu.vector_load %arg10[%get3A_2357] {strides = array<i32>} : memref<6192xf32, #tpu.memory_space<vmem>>, vector<16xf32>,
    %add3A_2359 = arith.addf %add3A_2356, %get3A_2358 : vector<16xf32>
    %get3A_2360 = arith.constant 4031 : index
    %get3A_2361 = tpu.vector_load %arg10[%get3A_2360] {strides = array<i32>} : memref<6192xf32, #tpu.memory_space<vmem>>, vector<16xf32>,
    %add3A_2362 = arith.addf %add3A_2359, %get3A_2361 : vector<16xf32>
    %swap3A_2363 = arith.constant 5 : i32
    %swap3A_2364 = arith.index_cast %swap3A_2363 : i32 to index
    %swap3A_2365 = arith.constant 32 : index
    %swap3A_2366 = tpu.vector_load %arg11[%swap3A_2364, %swap3A_2365] {strides = array<i32>} : memref<6x128xf32, #tpu.memory_space<vmem>>, vector<16xf32>,
    tpu.vector_store %arg11[%swap3A_2364, %swap3A_2365], %add3A_2362 {strides = array<i32>} : memref<6x128xf32, #tpu.memory_space<vmem>>, vector<16xf32>,
    %get3A_2367 = arith.constant 2112 : index
    %get3A_2368 = tpu.vector_load %arg10[%get3A_2367] {strides = array<i32>} : memref<6192xf32, #tpu.memory_space<vmem>>, vector<16xf32>,
    %get3A_2369 = arith.constant 2241 : index
    %get3A_2370 = tpu.vector_load %arg10[%get3A_2369] {strides = array<i32>} : memref<6192xf32, #tpu.memory_space<vmem>>, vector<16xf32>,
    %add3A_2371 = arith.addf %get3A_2368, %get3A_2370 : vector<16xf32>
    %get3A_2372 = arith.constant 2370 : index
    %get3A_2373 = tpu.vector_load %arg10[%get3A_2372] {strides = array<i32>} : memref<6192xf32, #tpu.memory_space<vmem>>, vector<16xf32>,
    %add3A_2374 = arith.addf %add3A_2371, %get3A_2373 : vector<16xf32>
    %get3A_2375 = arith.constant 2499 : index
    %get3A_2376 = tpu.vector_load %arg10[%get3A_2375] {strides = array<i32>} : memref<6192xf32, #tpu.memory_space<vmem>>, vector<16xf32>,
    %add3A_2377 = arith.addf %add3A_2374, %get3A_2376 : vector<16xf32>
    %get3A_2378 = arith.constant 2628 : index
    %get3A_2379 = tpu.vector_load %arg10[%get3A_2378] {strides = array<i32>} : memref<6192xf32, #tpu.memory_space<vmem>>, vector<16xf32>,
    %add3A_2380 = arith.addf %add3A_2377, %get3A_2379 : vector<16xf32>
    %get3A_2381 = arith.constant 2757 : index
    %get3A_2382 = tpu.vector_load %arg10[%get3A_2381] {strides = array<i32>} : memref<6192xf32, #tpu.memory_space<vmem>>, vector<16xf32>,
    %add3A_2383 = arith.addf %add3A_2380, %get3A_2382 : vector<16xf32>
    %get3A_2384 = arith.constant 2886 : index
    %get3A_2385 = tpu.vector_load %arg10[%get3A_2384] {strides = array<i32>} : memref<6192xf32, #tpu.memory_space<vmem>>, vector<16xf32>,
    %add3A_2386 = arith.addf %add3A_2383, %get3A_2385 : vector<16xf32>
    %get3A_2387 = arith.constant 3015 : index
    %get3A_2388 = tpu.vector_load %arg10[%get3A_2387] {strides = array<i32>} : memref<6192xf32, #tpu.memory_space<vmem>>, vector<16xf32>,
    %add3A_2389 = arith.addf %add3A_2386, %get3A_2388 : vector<16xf32>
    %get3A_2390 = arith.constant 3144 : index
    %get3A_2391 = tpu.vector_load %arg10[%get3A_2390] {strides = array<i32>} : memref<6192xf32, #tpu.memory_space<vmem>>, vector<16xf32>,
    %add3A_2392 = arith.addf %add3A_2389, %get3A_2391 : vector<16xf32>
    %get3A_2393 = arith.constant 3273 : index
    %get3A_2394 = tpu.vector_load %arg10[%get3A_2393] {strides = array<i32>} : memref<6192xf32, #tpu.memory_space<vmem>>, vector<16xf32>,
    %add3A_2395 = arith.addf %add3A_2392, %get3A_2394 : vector<16xf32>
    %get3A_2396 = arith.constant 3402 : index
    %get3A_2397 = tpu.vector_load %arg10[%get3A_2396] {strides = array<i32>} : memref<6192xf32, #tpu.memory_space<vmem>>, vector<16xf32>,
    %add3A_2398 = arith.addf %add3A_2395, %get3A_2397 : vector<16xf32>
    %get3A_2399 = arith.constant 3531 : index
    %get3A_2400 = tpu.vector_load %arg10[%get3A_2399] {strides = array<i32>} : memref<6192xf32, #tpu.memory_space<vmem>>, vector<16xf32>,
    %add3A_2401 = arith.addf %add3A_2398, %get3A_2400 : vector<16xf32>
    %get3A_2402 = arith.constant 3660 : index
    %get3A_2403 = tpu.vector_load %arg10[%get3A_2402] {strides = array<i32>} : memref<6192xf32, #tpu.memory_space<vmem>>, vector<16xf32>,
    %add3A_2404 = arith.addf %add3A_2401, %get3A_2403 : vector<16xf32>
    %get3A_2405 = arith.constant 3789 : index
    %get3A_2406 = tpu.vector_load %arg10[%get3A_2405] {strides = array<i32>} : memref<6192xf32, #tpu.memory_space<vmem>>, vector<16xf32>,
    %add3A_2407 = arith.addf %add3A_2404, %get3A_2406 : vector<16xf32>
    %get3A_2408 = arith.constant 3918 : index
    %get3A_2409 = tpu.vector_load %arg10[%get3A_2408] {strides = array<i32>} : memref<6192xf32, #tpu.memory_space<vmem>>, vector<16xf32>,
    %add3A_2410 = arith.addf %add3A_2407, %get3A_2409 : vector<16xf32>
    %get3A_2411 = arith.constant 4047 : index
    %get3A_2412 = tpu.vector_load %arg10[%get3A_2411] {strides = array<i32>} : memref<6192xf32, #tpu.memory_space<vmem>>, vector<16xf32>,
    %add3A_2413 = arith.addf %add3A_2410, %get3A_2412 : vector<16xf32>
    %swap3A_2414 = arith.constant 5 : i32
    %swap3A_2415 = arith.index_cast %swap3A_2414 : i32 to index
    %swap3A_2416 = arith.constant 48 : index
    %swap3A_2417 = tpu.vector_load %arg11[%swap3A_2415, %swap3A_2416] {strides = array<i32>} : memref<6x128xf32, #tpu.memory_space<vmem>>, vector<16xf32>,
    tpu.vector_store %arg11[%swap3A_2415, %swap3A_2416], %add3A_2413 {strides = array<i32>} : memref<6x128xf32, #tpu.memory_space<vmem>>, vector<16xf32>,
    %get3A_2418 = arith.constant 2128 : index
    %get3A_2419 = tpu.vector_load %arg10[%get3A_2418] {strides = array<i32>} : memref<6192xf32, #tpu.memory_space<vmem>>, vector<16xf32>,
    %get3A_2420 = arith.constant 2257 : index
    %get3A_2421 = tpu.vector_load %arg10[%get3A_2420] {strides = array<i32>} : memref<6192xf32, #tpu.memory_space<vmem>>, vector<16xf32>,
    %add3A_2422 = arith.addf %get3A_2419, %get3A_2421 : vector<16xf32>
    %get3A_2423 = arith.constant 2386 : index
    %get3A_2424 = tpu.vector_load %arg10[%get3A_2423] {strides = array<i32>} : memref<6192xf32, #tpu.memory_space<vmem>>, vector<16xf32>,
    %add3A_2425 = arith.addf %add3A_2422, %get3A_2424 : vector<16xf32>
    %get3A_2426 = arith.constant 2515 : index
    %get3A_2427 = tpu.vector_load %arg10[%get3A_2426] {strides = array<i32>} : memref<6192xf32, #tpu.memory_space<vmem>>, vector<16xf32>,
    %add3A_2428 = arith.addf %add3A_2425, %get3A_2427 : vector<16xf32>
    %get3A_2429 = arith.constant 2644 : index
    %get3A_2430 = tpu.vector_load %arg10[%get3A_2429] {strides = array<i32>} : memref<6192xf32, #tpu.memory_space<vmem>>, vector<16xf32>,
    %add3A_2431 = arith.addf %add3A_2428, %get3A_2430 : vector<16xf32>
    %get3A_2432 = arith.constant 2773 : index
    %get3A_2433 = tpu.vector_load %arg10[%get3A_2432] {strides = array<i32>} : memref<6192xf32, #tpu.memory_space<vmem>>, vector<16xf32>,
    %add3A_2434 = arith.addf %add3A_2431, %get3A_2433 : vector<16xf32>
    %get3A_2435 = arith.constant 2902 : index
    %get3A_2436 = tpu.vector_load %arg10[%get3A_2435] {strides = array<i32>} : memref<6192xf32, #tpu.memory_space<vmem>>, vector<16xf32>,
    %add3A_2437 = arith.addf %add3A_2434, %get3A_2436 : vector<16xf32>
    %get3A_2438 = arith.constant 3031 : index
    %get3A_2439 = tpu.vector_load %arg10[%get3A_2438] {strides = array<i32>} : memref<6192xf32, #tpu.memory_space<vmem>>, vector<16xf32>,
    %add3A_2440 = arith.addf %add3A_2437, %get3A_2439 : vector<16xf32>
    %get3A_2441 = arith.constant 3160 : index
    %get3A_2442 = tpu.vector_load %arg10[%get3A_2441] {strides = array<i32>} : memref<6192xf32, #tpu.memory_space<vmem>>, vector<16xf32>,
    %add3A_2443 = arith.addf %add3A_2440, %get3A_2442 : vector<16xf32>
    %get3A_2444 = arith.constant 3289 : index
    %get3A_2445 = tpu.vector_load %arg10[%get3A_2444] {strides = array<i32>} : memref<6192xf32, #tpu.memory_space<vmem>>, vector<16xf32>,
    %add3A_2446 = arith.addf %add3A_2443, %get3A_2445 : vector<16xf32>
    %get3A_2447 = arith.constant 3418 : index
    %get3A_2448 = tpu.vector_load %arg10[%get3A_2447] {strides = array<i32>} : memref<6192xf32, #tpu.memory_space<vmem>>, vector<16xf32>,
    %add3A_2449 = arith.addf %add3A_2446, %get3A_2448 : vector<16xf32>
    %get3A_2450 = arith.constant 3547 : index
    %get3A_2451 = tpu.vector_load %arg10[%get3A_2450] {strides = array<i32>} : memref<6192xf32, #tpu.memory_space<vmem>>, vector<16xf32>,
    %add3A_2452 = arith.addf %add3A_2449, %get3A_2451 : vector<16xf32>
    %get3A_2453 = arith.constant 3676 : index
    %get3A_2454 = tpu.vector_load %arg10[%get3A_2453] {strides = array<i32>} : memref<6192xf32, #tpu.memory_space<vmem>>, vector<16xf32>,
    %add3A_2455 = arith.addf %add3A_2452, %get3A_2454 : vector<16xf32>
    %get3A_2456 = arith.constant 3805 : index
    %get3A_2457 = tpu.vector_load %arg10[%get3A_2456] {strides = array<i32>} : memref<6192xf32, #tpu.memory_space<vmem>>, vector<16xf32>,
    %add3A_2458 = arith.addf %add3A_2455, %get3A_2457 : vector<16xf32>
    %get3A_2459 = arith.constant 3934 : index
    %get3A_2460 = tpu.vector_load %arg10[%get3A_2459] {strides = array<i32>} : memref<6192xf32, #tpu.memory_space<vmem>>, vector<16xf32>,
    %add3A_2461 = arith.addf %add3A_2458, %get3A_2460 : vector<16xf32>
    %get3A_2462 = arith.constant 4063 : index
    %get3A_2463 = tpu.vector_load %arg10[%get3A_2462] {strides = array<i32>} : memref<6192xf32, #tpu.memory_space<vmem>>, vector<16xf32>,
    %add3A_2464 = arith.addf %add3A_2461, %get3A_2463 : vector<16xf32>
    %swap3A_2465 = arith.constant 5 : i32
    %swap3A_2466 = arith.index_cast %swap3A_2465 : i32 to index
    %swap3A_2467 = arith.constant 64 : index
    %swap3A_2468 = tpu.vector_load %arg11[%swap3A_2466, %swap3A_2467] {strides = array<i32>} : memref<6x128xf32, #tpu.memory_space<vmem>>, vector<16xf32>,
    tpu.vector_store %arg11[%swap3A_2466, %swap3A_2467], %add3A_2464 {strides = array<i32>} : memref<6x128xf32, #tpu.memory_space<vmem>>, vector<16xf32>,
    %get3A_2469 = arith.constant 2144 : index
    %get3A_2470 = tpu.vector_load %arg10[%get3A_2469] {strides = array<i32>} : memref<6192xf32, #tpu.memory_space<vmem>>, vector<16xf32>,
    %get3A_2471 = arith.constant 2273 : index
    %get3A_2472 = tpu.vector_load %arg10[%get3A_2471] {strides = array<i32>} : memref<6192xf32, #tpu.memory_space<vmem>>, vector<16xf32>,
    %add3A_2473 = arith.addf %get3A_2470, %get3A_2472 : vector<16xf32>
    %get3A_2474 = arith.constant 2402 : index
    %get3A_2475 = tpu.vector_load %arg10[%get3A_2474] {strides = array<i32>} : memref<6192xf32, #tpu.memory_space<vmem>>, vector<16xf32>,
    %add3A_2476 = arith.addf %add3A_2473, %get3A_2475 : vector<16xf32>
    %get3A_2477 = arith.constant 2531 : index
    %get3A_2478 = tpu.vector_load %arg10[%get3A_2477] {strides = array<i32>} : memref<6192xf32, #tpu.memory_space<vmem>>, vector<16xf32>,
    %add3A_2479 = arith.addf %add3A_2476, %get3A_2478 : vector<16xf32>
    %get3A_2480 = arith.constant 2660 : index
    %get3A_2481 = tpu.vector_load %arg10[%get3A_2480] {strides = array<i32>} : memref<6192xf32, #tpu.memory_space<vmem>>, vector<16xf32>,
    %add3A_2482 = arith.addf %add3A_2479, %get3A_2481 : vector<16xf32>
    %get3A_2483 = arith.constant 2789 : index
    %get3A_2484 = tpu.vector_load %arg10[%get3A_2483] {strides = array<i32>} : memref<6192xf32, #tpu.memory_space<vmem>>, vector<16xf32>,
    %add3A_2485 = arith.addf %add3A_2482, %get3A_2484 : vector<16xf32>
    %get3A_2486 = arith.constant 2918 : index
    %get3A_2487 = tpu.vector_load %arg10[%get3A_2486] {strides = array<i32>} : memref<6192xf32, #tpu.memory_space<vmem>>, vector<16xf32>,
    %add3A_2488 = arith.addf %add3A_2485, %get3A_2487 : vector<16xf32>
    %get3A_2489 = arith.constant 3047 : index
    %get3A_2490 = tpu.vector_load %arg10[%get3A_2489] {strides = array<i32>} : memref<6192xf32, #tpu.memory_space<vmem>>, vector<16xf32>,
    %add3A_2491 = arith.addf %add3A_2488, %get3A_2490 : vector<16xf32>
    %get3A_2492 = arith.constant 3176 : index
    %get3A_2493 = tpu.vector_load %arg10[%get3A_2492] {strides = array<i32>} : memref<6192xf32, #tpu.memory_space<vmem>>, vector<16xf32>,
    %add3A_2494 = arith.addf %add3A_2491, %get3A_2493 : vector<16xf32>
    %get3A_2495 = arith.constant 3305 : index
    %get3A_2496 = tpu.vector_load %arg10[%get3A_2495] {strides = array<i32>} : memref<6192xf32, #tpu.memory_space<vmem>>, vector<16xf32>,
    %add3A_2497 = arith.addf %add3A_2494, %get3A_2496 : vector<16xf32>
    %get3A_2498 = arith.constant 3434 : index
    %get3A_2499 = tpu.vector_load %arg10[%get3A_2498] {strides = array<i32>} : memref<6192xf32, #tpu.memory_space<vmem>>, vector<16xf32>,
    %add3A_2500 = arith.addf %add3A_2497, %get3A_2499 : vector<16xf32>
    %get3A_2501 = arith.constant 3563 : index
    %get3A_2502 = tpu.vector_load %arg10[%get3A_2501] {strides = array<i32>} : memref<6192xf32, #tpu.memory_space<vmem>>, vector<16xf32>,
    %add3A_2503 = arith.addf %add3A_2500, %get3A_2502 : vector<16xf32>
    %get3A_2504 = arith.constant 3692 : index
    %get3A_2505 = tpu.vector_load %arg10[%get3A_2504] {strides = array<i32>} : memref<6192xf32, #tpu.memory_space<vmem>>, vector<16xf32>,
    %add3A_2506 = arith.addf %add3A_2503, %get3A_2505 : vector<16xf32>
    %get3A_2507 = arith.constant 3821 : index
    %get3A_2508 = tpu.vector_load %arg10[%get3A_2507] {strides = array<i32>} : memref<6192xf32, #tpu.memory_space<vmem>>, vector<16xf32>,
    %add3A_2509 = arith.addf %add3A_2506, %get3A_2508 : vector<16xf32>
    %get3A_2510 = arith.constant 3950 : index
    %get3A_2511 = tpu.vector_load %arg10[%get3A_2510] {strides = array<i32>} : memref<6192xf32, #tpu.memory_space<vmem>>, vector<16xf32>,
    %add3A_2512 = arith.addf %add3A_2509, %get3A_2511 : vector<16xf32>
    %get3A_2513 = arith.constant 4079 : index
    %get3A_2514 = tpu.vector_load %arg10[%get3A_2513] {strides = array<i32>} : memref<6192xf32, #tpu.memory_space<vmem>>, vector<16xf32>,
    %add3A_2515 = arith.addf %add3A_2512, %get3A_2514 : vector<16xf32>
    %swap3A_2516 = arith.constant 5 : i32
    %swap3A_2517 = arith.index_cast %swap3A_2516 : i32 to index
    %swap3A_2518 = arith.constant 80 : index
    %swap3A_2519 = tpu.vector_load %arg11[%swap3A_2517, %swap3A_2518] {strides = array<i32>} : memref<6x128xf32, #tpu.memory_space<vmem>>, vector<16xf32>,
    tpu.vector_store %arg11[%swap3A_2517, %swap3A_2518], %add3A_2515 {strides = array<i32>} : memref<6x128xf32, #tpu.memory_space<vmem>>, vector<16xf32>,
    %get3A_2520 = arith.constant 2160 : index
    %get3A_2521 = tpu.vector_load %arg10[%get3A_2520] {strides = array<i32>} : memref<6192xf32, #tpu.memory_space<vmem>>, vector<16xf32>,
    %get3A_2522 = arith.constant 2289 : index
    %get3A_2523 = tpu.vector_load %arg10[%get3A_2522] {strides = array<i32>} : memref<6192xf32, #tpu.memory_space<vmem>>, vector<16xf32>,
    %add3A_2524 = arith.addf %get3A_2521, %get3A_2523 : vector<16xf32>
    %get3A_2525 = arith.constant 2418 : index
    %get3A_2526 = tpu.vector_load %arg10[%get3A_2525] {strides = array<i32>} : memref<6192xf32, #tpu.memory_space<vmem>>, vector<16xf32>,
    %add3A_2527 = arith.addf %add3A_2524, %get3A_2526 : vector<16xf32>
    %get3A_2528 = arith.constant 2547 : index
    %get3A_2529 = tpu.vector_load %arg10[%get3A_2528] {strides = array<i32>} : memref<6192xf32, #tpu.memory_space<vmem>>, vector<16xf32>,
    %add3A_2530 = arith.addf %add3A_2527, %get3A_2529 : vector<16xf32>
    %get3A_2531 = arith.constant 2676 : index
    %get3A_2532 = tpu.vector_load %arg10[%get3A_2531] {strides = array<i32>} : memref<6192xf32, #tpu.memory_space<vmem>>, vector<16xf32>,
    %add3A_2533 = arith.addf %add3A_2530, %get3A_2532 : vector<16xf32>
    %get3A_2534 = arith.constant 2805 : index
    %get3A_2535 = tpu.vector_load %arg10[%get3A_2534] {strides = array<i32>} : memref<6192xf32, #tpu.memory_space<vmem>>, vector<16xf32>,
    %add3A_2536 = arith.addf %add3A_2533, %get3A_2535 : vector<16xf32>
    %get3A_2537 = arith.constant 2934 : index
    %get3A_2538 = tpu.vector_load %arg10[%get3A_2537] {strides = array<i32>} : memref<6192xf32, #tpu.memory_space<vmem>>, vector<16xf32>,
    %add3A_2539 = arith.addf %add3A_2536, %get3A_2538 : vector<16xf32>
    %get3A_2540 = arith.constant 3063 : index
    %get3A_2541 = tpu.vector_load %arg10[%get3A_2540] {strides = array<i32>} : memref<6192xf32, #tpu.memory_space<vmem>>, vector<16xf32>,
    %add3A_2542 = arith.addf %add3A_2539, %get3A_2541 : vector<16xf32>
    %get3A_2543 = arith.constant 3192 : index
    %get3A_2544 = tpu.vector_load %arg10[%get3A_2543] {strides = array<i32>} : memref<6192xf32, #tpu.memory_space<vmem>>, vector<16xf32>,
    %add3A_2545 = arith.addf %add3A_2542, %get3A_2544 : vector<16xf32>
    %get3A_2546 = arith.constant 3321 : index
    %get3A_2547 = tpu.vector_load %arg10[%get3A_2546] {strides = array<i32>} : memref<6192xf32, #tpu.memory_space<vmem>>, vector<16xf32>,
    %add3A_2548 = arith.addf %add3A_2545, %get3A_2547 : vector<16xf32>
    %get3A_2549 = arith.constant 3450 : index
    %get3A_2550 = tpu.vector_load %arg10[%get3A_2549] {strides = array<i32>} : memref<6192xf32, #tpu.memory_space<vmem>>, vector<16xf32>,
    %add3A_2551 = arith.addf %add3A_2548, %get3A_2550 : vector<16xf32>
    %get3A_2552 = arith.constant 3579 : index
    %get3A_2553 = tpu.vector_load %arg10[%get3A_2552] {strides = array<i32>} : memref<6192xf32, #tpu.memory_space<vmem>>, vector<16xf32>,
    %add3A_2554 = arith.addf %add3A_2551, %get3A_2553 : vector<16xf32>
    %get3A_2555 = arith.constant 3708 : index
    %get3A_2556 = tpu.vector_load %arg10[%get3A_2555] {strides = array<i32>} : memref<6192xf32, #tpu.memory_space<vmem>>, vector<16xf32>,
    %add3A_2557 = arith.addf %add3A_2554, %get3A_2556 : vector<16xf32>
    %get3A_2558 = arith.constant 3837 : index
    %get3A_2559 = tpu.vector_load %arg10[%get3A_2558] {strides = array<i32>} : memref<6192xf32, #tpu.memory_space<vmem>>, vector<16xf32>,
    %add3A_2560 = arith.addf %add3A_2557, %get3A_2559 : vector<16xf32>
    %get3A_2561 = arith.constant 3966 : index
    %get3A_2562 = tpu.vector_load %arg10[%get3A_2561] {strides = array<i32>} : memref<6192xf32, #tpu.memory_space<vmem>>, vector<16xf32>,
    %add3A_2563 = arith.addf %add3A_2560, %get3A_2562 : vector<16xf32>
    %get3A_2564 = arith.constant 4095 : index
    %get3A_2565 = tpu.vector_load %arg10[%get3A_2564] {strides = array<i32>} : memref<6192xf32, #tpu.memory_space<vmem>>, vector<16xf32>,
    %add3A_2566 = arith.addf %add3A_2563, %get3A_2565 : vector<16xf32>
    %swap3A_2567 = arith.constant 5 : i32
    %swap3A_2568 = arith.index_cast %swap3A_2567 : i32 to index
    %swap3A_2569 = arith.constant 96 : index
    %swap3A_2570 = tpu.vector_load %arg11[%swap3A_2568, %swap3A_2569] {strides = array<i32>} : memref<6x128xf32, #tpu.memory_space<vmem>>, vector<16xf32>,
    tpu.vector_store %arg11[%swap3A_2568, %swap3A_2569], %add3A_2566 {strides = array<i32>} : memref<6x128xf32, #tpu.memory_space<vmem>>, vector<16xf32>,
    %get3A_2571 = arith.constant 2176 : index
    %get3A_2572 = tpu.vector_load %arg10[%get3A_2571] {strides = array<i32>} : memref<6192xf32, #tpu.memory_space<vmem>>, vector<16xf32>,
    %get3A_2573 = arith.constant 2305 : index
    %get3A_2574 = tpu.vector_load %arg10[%get3A_2573] {strides = array<i32>} : memref<6192xf32, #tpu.memory_space<vmem>>, vector<16xf32>,
    %add3A_2575 = arith.addf %get3A_2572, %get3A_2574 : vector<16xf32>
    %get3A_2576 = arith.constant 2434 : index
    %get3A_2577 = tpu.vector_load %arg10[%get3A_2576] {strides = array<i32>} : memref<6192xf32, #tpu.memory_space<vmem>>, vector<16xf32>,
    %add3A_2578 = arith.addf %add3A_2575, %get3A_2577 : vector<16xf32>
    %get3A_2579 = arith.constant 2563 : index
    %get3A_2580 = tpu.vector_load %arg10[%get3A_2579] {strides = array<i32>} : memref<6192xf32, #tpu.memory_space<vmem>>, vector<16xf32>,
    %add3A_2581 = arith.addf %add3A_2578, %get3A_2580 : vector<16xf32>
    %get3A_2582 = arith.constant 2692 : index
    %get3A_2583 = tpu.vector_load %arg10[%get3A_2582] {strides = array<i32>} : memref<6192xf32, #tpu.memory_space<vmem>>, vector<16xf32>,
    %add3A_2584 = arith.addf %add3A_2581, %get3A_2583 : vector<16xf32>
    %get3A_2585 = arith.constant 2821 : index
    %get3A_2586 = tpu.vector_load %arg10[%get3A_2585] {strides = array<i32>} : memref<6192xf32, #tpu.memory_space<vmem>>, vector<16xf32>,
    %add3A_2587 = arith.addf %add3A_2584, %get3A_2586 : vector<16xf32>
    %get3A_2588 = arith.constant 2950 : index
    %get3A_2589 = tpu.vector_load %arg10[%get3A_2588] {strides = array<i32>} : memref<6192xf32, #tpu.memory_space<vmem>>, vector<16xf32>,
    %add3A_2590 = arith.addf %add3A_2587, %get3A_2589 : vector<16xf32>
    %get3A_2591 = arith.constant 3079 : index
    %get3A_2592 = tpu.vector_load %arg10[%get3A_2591] {strides = array<i32>} : memref<6192xf32, #tpu.memory_space<vmem>>, vector<16xf32>,
    %add3A_2593 = arith.addf %add3A_2590, %get3A_2592 : vector<16xf32>
    %get3A_2594 = arith.constant 3208 : index
    %get3A_2595 = tpu.vector_load %arg10[%get3A_2594] {strides = array<i32>} : memref<6192xf32, #tpu.memory_space<vmem>>, vector<16xf32>,
    %add3A_2596 = arith.addf %add3A_2593, %get3A_2595 : vector<16xf32>
    %get3A_2597 = arith.constant 3337 : index
    %get3A_2598 = tpu.vector_load %arg10[%get3A_2597] {strides = array<i32>} : memref<6192xf32, #tpu.memory_space<vmem>>, vector<16xf32>,
    %add3A_2599 = arith.addf %add3A_2596, %get3A_2598 : vector<16xf32>
    %get3A_2600 = arith.constant 3466 : index
    %get3A_2601 = tpu.vector_load %arg10[%get3A_2600] {strides = array<i32>} : memref<6192xf32, #tpu.memory_space<vmem>>, vector<16xf32>,
    %add3A_2602 = arith.addf %add3A_2599, %get3A_2601 : vector<16xf32>
    %get3A_2603 = arith.constant 3595 : index
    %get3A_2604 = tpu.vector_load %arg10[%get3A_2603] {strides = array<i32>} : memref<6192xf32, #tpu.memory_space<vmem>>, vector<16xf32>,
    %add3A_2605 = arith.addf %add3A_2602, %get3A_2604 : vector<16xf32>
    %get3A_2606 = arith.constant 3724 : index
    %get3A_2607 = tpu.vector_load %arg10[%get3A_2606] {strides = array<i32>} : memref<6192xf32, #tpu.memory_space<vmem>>, vector<16xf32>,
    %add3A_2608 = arith.addf %add3A_2605, %get3A_2607 : vector<16xf32>
    %get3A_2609 = arith.constant 3853 : index
    %get3A_2610 = tpu.vector_load %arg10[%get3A_2609] {strides = array<i32>} : memref<6192xf32, #tpu.memory_space<vmem>>, vector<16xf32>,
    %add3A_2611 = arith.addf %add3A_2608, %get3A_2610 : vector<16xf32>
    %get3A_2612 = arith.constant 3982 : index
    %get3A_2613 = tpu.vector_load %arg10[%get3A_2612] {strides = array<i32>} : memref<6192xf32, #tpu.memory_space<vmem>>, vector<16xf32>,
    %add3A_2614 = arith.addf %add3A_2611, %get3A_2613 : vector<16xf32>
    %get3A_2615 = arith.constant 4111 : index
    %get3A_2616 = tpu.vector_load %arg10[%get3A_2615] {strides = array<i32>} : memref<6192xf32, #tpu.memory_space<vmem>>, vector<16xf32>,
    %add3A_2617 = arith.addf %add3A_2614, %get3A_2616 : vector<16xf32>
    %swap3A_2618 = arith.constant 5 : i32
    %swap3A_2619 = arith.index_cast %swap3A_2618 : i32 to index
    %swap3A_2620 = arith.constant 112 : index
    %swap3A_2621 = tpu.vector_load %arg11[%swap3A_2619, %swap3A_2620] {strides = array<i32>} : memref<6x128xf32, #tpu.memory_space<vmem>>, vector<16xf32>,
    tpu.vector_store %arg11[%swap3A_2619, %swap3A_2620], %add3A_2617 {strides = array<i32>} : memref<6x128xf32, #tpu.memory_space<vmem>>, vector<16xf32>,
    "tpu.region"() ({
      %run_scoped3A = tpu.sem_alloc : memref<!tpu.dma_semaphore, #tpu.memory_space<semaphore_mem>>
      %dma_start3A_2622 = arith.constant 0 : i32
      %dma_start3A_2623 = arith.constant 0 : i32
      %dma_start3A_2624 = tpu.memref_slice %arg5[%add3A, %dma_start3A_2622, %dma_start3A_2623] : memref<32x6x128xf32, #tpu.memory_space<hbm>> -> memref<1x6x128xf32, #tpu.memory_space<hbm>>
      %dma_start3A_2625 = tpu.memref_squeeze %dma_start3A_2624 : memref<1x6x128xf32, #tpu.memory_space<hbm>> -> memref<6x128xf32, #tpu.memory_space<hbm>>
      %dma_start3A_2626 = arith.constant 0 : i32
      %dma_start3A_2627 = arith.constant 0 : i32
      %dma_start3A_2628 = tpu.memref_slice %arg5[%add3A, %dma_start3A_2626, %dma_start3A_2627] : memref<32x6x128xf32, #tpu.memory_space<hbm>> -> memref<1x6x128xf32, #tpu.memory_space<hbm>>
      %dma_start3A_2629 = tpu.memref_squeeze %dma_start3A_2628 : memref<1x6x128xf32, #tpu.memory_space<hbm>> -> memref<6x128xf32, #tpu.memory_space<hbm>>
      tpu.enqueue_dma source(%arg11 : memref<6x128xf32, #tpu.memory_space<vmem>>) target(%dma_start3A_2629 : memref<6x128xf32, #tpu.memory_space<hbm>>) target_semaphore(%run_scoped3A : memref<!tpu.dma_semaphore, #tpu.memory_space<semaphore_mem>>)
      %dma_wait3A_2630 = arith.constant 0 : i32
      %dma_wait3A_2631 = arith.constant 0 : i32
      %dma_wait3A_2632 = tpu.memref_slice %arg5[%add3A, %dma_wait3A_2630, %dma_wait3A_2631] : memref<32x6x128xf32, #tpu.memory_space<hbm>> -> memref<1x6x128xf32, #tpu.memory_space<hbm>>
      %dma_wait3A_2633 = tpu.memref_squeeze %dma_wait3A_2632 : memref<1x6x128xf32, #tpu.memory_space<hbm>> -> memref<6x128xf32, #tpu.memory_space<hbm>>
      %dma_wait3A_2634 = arith.constant 0 : i32
      %dma_wait3A_2635 = arith.constant 0 : i32
      %dma_wait3A_2636 = tpu.memref_slice %arg5[%add3A, %dma_wait3A_2634, %dma_wait3A_2635] : memref<32x6x128xf32, #tpu.memory_space<hbm>> -> memref<1x6x128xf32, #tpu.memory_space<hbm>>
      %dma_wait3A_2637 = tpu.memref_squeeze %dma_wait3A_2636 : memref<1x6x128xf32, #tpu.memory_space<hbm>> -> memref<6x128xf32, #tpu.memory_space<hbm>>
      tpu.wait_dma2 semaphore(%run_scoped3A : memref<!tpu.dma_semaphore, #tpu.memory_space<semaphore_mem>>) src(%arg11 : memref<6x128xf32, #tpu.memory_space<vmem>>) dst(%dma_wait3A_2637 : memref<6x128xf32, #tpu.memory_space<hbm>>)
      tpu.yield
    }) : () -> ()
    return
  }
}

</mosaic_0001>

<sc_bundles>
// kernel: _skipgram.3.cloned.1.call-start
scs
__scs_entry_jumppad:
0x0: {  	(pc) =	sbr.rel $0x88, $3  }
0x1: {  	(tag) =	ssettag $0x0;
	lr =	simm.s32 $0x1  }
0x2: {  	[smem:$0x3F9E] =	sst lr;
	_ =	strace $0xD0000000  }
0x3: {  	_ = 	snop  }
0x4: {  	_ = 	snop  }
0x5: {  	_ = 	snop  }
0x6: {  	_ = 	snop  }
0x7: {  	_ = 	snop  }
__scs_overlays_trampoline_lowered:
0x8: {  	[smem:$0x3FAD] =	sst s0  }
0x9: {  	[smem:$0x3FAE] =	sst s1  }
0xa: {  	[smem:$0x3FAF] =	sst s2  }
0xb: {  	[smem:$0x3FB0] =	sst s3  }
0xc: {  	[smem:$0x3FB1] =	sst s4  }
0xd: {  	[smem:$0x3FB2] =	sst s5  }
0xe: {  	[smem:$0x3FB3] =	sst s6  }
0xf: {  	[smem:$0x3FB4] =	sst s7  }
0x10: {  	[smem:$0x3FB5] =	sst s8  }
0x11: {  	[smem:$0x3FB6] =	sst s9;
	s0 =	simm.s32 @!p0 $0x0  }
0x12: {  	s1 =	sld [smem:$0x3F9C];
	s0 =	simm.s32 @p0 $0x1  }
0x13: {  	[smem:$0x3FB7] =	sst s0;
	s0 =	simm.s32 @!p1 $0x0  }
0x14: {  	s2 =	sld [smem:$0x3F9B];
	s0 =	simm.s32 @p1 $0x1  }
0x15: {  	[smem:$0x3FB8] =	sst s0;
	s0 =	simm.s32 @!p2 $0x0  }
0x16: {  	s3 =	sld [smem:$0x3FDB];
	s0 =	simm.s32 @p2 $0x1  }
0x17: {  	s4 =	simm.s32 $0x1BF5;
	[smem:$0x3FBA] =	sst s0  }
0x18: {  	s0 =	sld [smem:$0x3F9D];
	_ =	swait.ge [sflag:s4], $0x0  }
0x19: {  	s7 =	sld [smem:$0x3F9E]  }
0x1a: {  	s8 =	sadd.s32 $0xFFFFE003, lr  }
0x1b: {  	s9 =	sadd.s32 $0xFFFFFEF7, lr;
	s5 =	simm.s32 $0xFFFFFFFF;
	p2 =	slt.u32 s8, $0xFFFFF086  }
0x1c: {  	p1 =	slt.u32 s9, $0xF7A;
	s5 =	simm.s32 @!p2 $0x0  }
0x1d: {  	s5 =	simm.s32 @p1 $0x1;
	p0 =	seq.s32 s7, s2  }
0x1e: {  	s7 =	smul.u32 @!p0 $0xF7A, s2;
	p2 =	seq.s32 @!p0 s5, $0x0  }
0x1f: {  	s9 =	smul.u32 $0xF7A, s1;
	s8 =	simm.s32 @!p0 $0x1BF5;
	p2 =	por !p2, p0  }
0x20: {  	[sflag:s8] =	ssyncset.s32 @!p0 $0xFFFFF086;
	s6 =	sadd.s32 @!p0 s3, s7;
	s7 =	simm.s32 @!p0 $0x108  }
0x21: {  	s3 =	sadd.s32 s3, s9;
	s6 =	sadd.s32 @!p0 $0x88, s6;
	s7 =	simm.s32 @p2 $0x1082  }
0x22: {  	[simem:s7], [sflag:s8] =	dma.local @!p0 [hbm:s6], $0xF7A  }
0x23: {  	s9 =	sor.u32 $0xD0000000, s2;
	s6 =	simm.s32 $0x108;
	_ =	swait.ge @!p0 [sflag:s8], $0x0  }
0x24: {  	s3 =	sadd.s32 $0x88, s3;
	s6 =	simm.s32 @!p1 $0x1082;
	[sflag:s4] =	ssyncset.s32 $0xFFFFF086  }
0x25: {  	[simem:s6], [sflag:s4] =	dma.local [hbm:s3], $0xF7A  }
0x26: {  	[smem:$0x3F9E] =	sst s1;
	(tag) =	ssettag s2;
	_ =	strace s9  }
0x27: {  	s1 =	sld [smem:$0x3FAE]  }
0x28: {  	s2 =	sld [smem:$0x3FAF]  }
0x29: {  	s4 =	sld [smem:$0x3FB1]  }
0x2a: {  	p0 =	seq.s32 s5, $0x0;
	s5 =	sld [smem:$0x3FB2]  }
0x2b: {  	s6 =	sld [smem:$0x3FB3]  }
0x2c: {  	s7 =	sld [smem:$0x3FB4]  }
0x2d: {  	s3 =	simm.s32 $0x108;
	s8 =	sld [smem:$0x3FB5]  }
0x2e: {  	s3 =	simm.s32 @!p0 $0x1082;
	s9 =	sld [smem:$0x3FB6]  }
0x2f: {  	lr =	sadd.s32 s0, s3;
	s0 =	sld [smem:$0x3FAD]  }
0x30: {  	s3 =	sld [smem:$0x3FB0]  }
0x31: {  	[smem:$0x3FB9] =	sst s10  }
0x32: {  	s10 =	sld [smem:$0x3FB7];
	_ =	sdelay $0x3  }
0x33: {  	p0 =	seq.s32 s10, $0x1;
	s10 =	sld [smem:$0x3FB9];
	_ =	sdelay $0x3  }
0x34: {  	[smem:$0x3FB9] =	sst s10  }
0x35: {  	s10 =	sld [smem:$0x3FB8];
	_ =	sdelay $0x3  }
0x36: {  	p1 =	seq.s32 s10, $0x1;
	s10 =	sld [smem:$0x3FB9];
	_ =	sdelay $0x3  }
0x37: {  	[smem:$0x3FB9] =	sst s10  }
0x38: {  	s10 =	sld [smem:$0x3FBA]  }
0x39: {  	_ = 	snop;
	(pc) =	sbr.ind lr, $3  }
0x3a: {  	_ = 	snop  }
0x3b: {  	_ = 	snop  }
0x3c: {  	p2 =	seq.s32 s10, $0x1;
	s10 =	sld [smem:$0x3FB9]  }
0x3d: {  	_ =	shalt  }
0x3e: {  	_ =	shalt  }
0x3f: {  	_ =	shalt  }
0x40: {  	_ =	shalt  }
0x41: {  	_ =	shalt  }
0x42: {  	_ =	shalt  }
0x43: {  	_ =	shalt  }
0x44: {  	_ =	shalt  }
0x45: {  	_ =	shalt  }
0x46: {  	_ =	shalt  }
0x47: {  	_ =	shalt  }
0x48: {  	_ =	shalt  }
0x49: {  	_ =	shalt  }
0x4a: {  	_ =	shalt  }
0x4b: {  	_ =	shalt  }
0x4c: {  	_ =	shalt  }
0x4d: {  	_ =	shalt  }
0x4e: {  	_ =	shalt  }
0x4f: {  	_ =	shalt  }
0x50: {  	_ =	shalt  }
0x51: {  	_ =	shalt  }
0x52: {  	_ =	shalt  }
0x53: {  	_ =	shalt  }
0x54: {  	_ =	shalt  }
0x55: {  	_ =	shalt  }
0x56: {  	_ =	shalt  }
0x57: {  	_ =	shalt  }
0x58: {  	_ =	shalt  }
0x59: {  	_ =	shalt  }
0x5a: {  	_ =	shalt  }
0x5b: {  	_ =	shalt  }
0x5c: {  	_ =	shalt  }
0x5d: {  	_ =	shalt  }
0x5e: {  	_ =	shalt  }
0x5f: {  	_ =	shalt  }
0x60: {  	_ =	shalt  }
0x61: {  	_ =	shalt  }
0x62: {  	_ =	shalt  }
0x63: {  	_ =	shalt  }
0x64: {  	_ =	shalt  }
0x65: {  	_ =	shalt  }
0x66: {  	_ =	shalt  }
0x67: {  	_ =	shalt  }
0x68: {  	_ =	shalt  }
0x69: {  	_ =	shalt  }
0x6a: {  	_ =	shalt  }
0x6b: {  	_ =	shalt  }
0x6c: {  	_ =	shalt  }
0x6d: {  	_ =	shalt  }
0x6e: {  	_ =	shalt  }
0x6f: {  	_ =	shalt  }
0x70: {  	_ =	shalt  }
0x71: {  	_ =	shalt  }
0x72: {  	_ =	shalt  }
0x73: {  	_ =	shalt  }
0x74: {  	_ =	shalt  }
0x75: {  	_ =	shalt  }
0x76: {  	_ =	shalt  }
0x77: {  	_ =	shalt  }
0x78: {  	_ =	shalt  }
0x79: {  	_ =	shalt  }
0x7a: {  	_ =	shalt  }
0x7b: {  	_ =	shalt  }
0x7c: {  	_ =	shalt  }
0x7d: {  	_ =	shalt  }
0x7e: {  	_ =	shalt  }
0x7f: {  	_ =	shalt  }
0x80: {  	_ =	shalt  }
0x81: {  	_ =	shalt  }
0x82: {  	_ =	shalt  }
0x83: {  	_ =	shalt  }
0x84: {  	_ =	shalt  }
0x85: {  	_ =	shalt  }
0x86: {  	_ =	shalt  }
0x87: {  	_ =	shalt  }
.Lfunc_end0:
.L_simem_size_0:
called_computation_lowered:
.L_overlay_start_0:
0x88: {  	s2 =	sld [smem:$0x3FD9]  }
0x89: {  	s3 =	sld [smem:$0x3FFE];
	_ =	sdelay $0x1  }
0x8a: {  	s1 =	srdreg.scid  }
0x8b: {  	s0 =	sand.u32 $0x1, s1  }
0x8c: {  	s17 =	sshll.u32 s0, $0xA;
	s2 =	sadd.s32 s3, s2  }
0x8d: {  	s2 =	sadd.s32 s2, s17  }
0x8e: {  	[smem:$0x3FC5] =	sst s2  }
0x8f: {  	_ = 	snop  }
0x90: {  	s2 =	sld [smem:$0x3FC8]  }
0x91: {  	s18 =	sld [smem:$0x3FC7];
	(tm) =	ssettm $0x1  }
0x92: {  	s4 =	sld [smem:$0x3FFB];
	_ =	sdelay $0x3  }
0x93: {  	_ =	strace s4  }
0x94: {  	s4 =	sld [smem:$0x3FFC];
	_ =	sdelay $0x3  }
0x95: {  	_ =	strace s4  }
0x96: {  	s4 =	sld [smem:$0x3FFD];
	_ =	sdelay $0x3  }
0x97: {  	_ =	strace s4  }
0x98: {  	_ =	strace $0x8FFFFFFF  }
0x99: {  	s19 =	sld [smem:$0x3FDB];
	_ =	sdelay $0x1  }
0x9a: {  	s5 =	simm.s32 $_scs_section_size  }
0x9b: {  	s6 =	simm.s32 $_size__tile_overlayer_lowered;
	s7 =	simm.s32 $_tile_overlayer_lowered  }
0x9c: {  	s22 =	simm.s32 $0x1BFF;
	s21 =	sshll.u32 s7, $0x1;
	s4 =	sadd.s32 s5, s19  }
0x9d: {  	s8 =	simm.s32 $0x0;
	s20 =	sshll.u32 s6, $0x1;
	s6 =	sadd.s32 s21, s4  }
0x9e: {  	[timem:s8], [sflag:s22] =	dma.local [hbm:s6], s20  }
0x9f: {  	_ =	swait.ge [sflag:s22], s20  }
0xa0: {  	s5 =	ssub.s32 $0x0, s20;
	[sflag:s22] =	ssyncset.done $0x0  }
0xa1: {  	[sflag:s22] =	ssyncadd.s32 s5;
	_ =	sdelay $0x1  }
0xa2: {  	s23 =	simm.s32 $0x1B8B  }
0xa3: {  	_ =	swait.ge [sflag:s23], $0x1  }
0xa4: {  	[sflag:s23] =	ssyncset.done $0x0  }
0xa5: {  	s25 =	simm.s32 $0x1B8E;
	s24 =	sld [smem:$0x3FFE];
	[sflag:s23] =	ssyncadd.s32 $0xFFFFFFFF  }
0xa6: {  	s26 =	simm.s32 $execute0_lowered;
	[smem:$0x3FD2] =	sst s25  }
0xa7: {  	s6 =	sshll.u32 s26, $0x1;
	_ =	strace $0x80000046;
	[dreg:$0x1] =	wrdreg $0xFFFFFFFF  }
0xa8: {  	s28 =	simm.s32 $_size_execute0_lowered;
	s4 =	sadd.s32 s4, s6;
	[dreg:$0x0] =	wrdreg $0x0  }
0xa9: {  	s6 =	sshll.u32 s28, $0x1;
	[dreg:$0x2] =	wrdreg s4  }
0xaa: {  	[dreg:$0x3] =	wrdreg s6  }
0xab: {  	[dreg:$0x4] =	wrdreg $0xC0  }
0xac: {  	_ =	task [dreg:s8], $0x5FFFF  }
0xad: {  	[dreg:$0x1] =	wrdreg $0xFFFFFFFF  }
0xae: {  	[dreg:$0x0] =	wrdreg $0x60  }
0xaf: {  	[dreg:$0x2] =	wrdreg s24  }
0xb0: {  	[dreg:$0x3] =	wrdreg s2  }
0xb1: {  	[dreg:$0x4] =	wrdreg s18  }
0xb2: {  	[dreg:$0x5] =	wrdreg $0x9  }
0xb3: {  	_ =	task.clear_ibuf [dreg:s8], $0x6FFFF;
	_ =	strace $0x90000046  }
0xb4: {  	s29 =	simm.s32 $0x9;
	_ =	strace $0x80000048  }
0xb5: {  	_ =	swait.ge [sflag:s29], $0x1  }
0xb6: {  	[sflag:s29] =	ssyncadd.s32 $0xFFFFFFFF  }
0xb7: {  	_ =	strace $0x90000048  }
0xb8: {  	_ =	sfence  }
0xb9: {  	s30 =	sld [smem:$0x0];
	_ =	sdelay $0x2  }
0xba: {  	s31 =	sshll.u32 s1, $0xD;
	s1 =	sshrl.u32 s1, $0x2  }
0xbb: {  	s3 =	sand.u32 $0x4000, s31;
	s1 =	sadd.s32 s1, s30  }
0xbc: {  	s0 =	sor.u32 s3, s0;
	s1 =	sshll.u32 s1, $0x11  }
0xbd: {  	s0 =	sor.u32 s1, s0  }
0xbe: {  	s0 =	sadd.s32 $0x8F2B, s0  }
0xbf: {  	[sflag:s0] =	ssyncadd.remote.s32 $0x1  }
0xc0: {  	_ =	sfence.sel $0xFFFF  }
0xc1: {  	[dreg:$0x0] =	wrdreg $0xFFFFFFFF;
	(pc) =	sbr.abs _section_cstart, $3  }
0xc2: {  	[dreg:$0x1] =	wrdreg $0xFFFFFFFF  }
0xc3: {  	_ =	task.clear_ibuf [dreg:s8], $0x2FFFF;
	_ =	strace $0x9FFFFFFF  }
0xc4: {  	(tm) =	ssettm $0x7FFFFFFF  }
0xc5: {  	_ =	shalt  }
tec
execute0_lowered:
.L_overlay_start_1:
0x0: {  	(tag) =	ssettag $0x1  }
0x1: {  	s0 =	rddreg [dreg:$0x0]  }
0x2: {  	s3 =	rddreg [dreg:$0x2];
	s1 =	srdreg.scid  }
0x3: {  	s4 =	simm.s32 $0x0;
	s2 =	stileid.u32;
	s8 =	simm.s32 $0x1  }
0x4: {  	s9 =	simm.s32 $0x80;
	s13 =	simm.s32 $0x8400;
	s14 =	simm.s32 $0x180  }
0x5: {  	s15 =	simm.s32 $0xC400;
	s16 =	simm.s32 $0x200;
	s17 =	simm.s32 $0x10400  }
0x6: {  	s18 =	simm.s32 $0x280;
	s19 =	simm.s32 $0x14400;
	s20 =	simm.s32 $0x300  }
0x7: {  	s21 =	simm.s32 $0x18400;
	s22 =	simm.s32 $0x2;
	s23 =	simm.s32 $0x1C400  }
0x8: {  	s24 =	simm.s32 $0x3;
	s25 =	simm.s32 $0x4;
	s26 =	simm.s32 $0x1DC80  }
0x9: {  	s28 =	simm.s32 $0x5;
	s29 =	simm.s32 $0x0;
	s1 =	sand.u32 $0x1, s1  }
0xa: {  	s2 =	sshll.u32 s2, $0x8;
	s5 =	sshll.u32 s1, $0x7;
	s1 =	ssub.s32 $0x2, s1  }
0xb: {  	[smem:$0x7FF] =	sst s4;
	s2 =	sor.u32 s5, s2;
	s31 =	sshrl.u32 s1, $0x1  }
0xc: {  	v0 =	vlaneseq.u32;
	_ =	strace $0x80000047;
	s0 =	sadd.s32 s2, s0;
	s1 =	ssub.s32 s1, s31  }
0xd: {  	v0 =	vmul.u32 $0x81, v0;
	s5 =	sadd.s32 $0x400, s0;
	s6 =	sadd.s32 $0x1400, s0;
	s7 =	smax.u32 s1, $0x1  }
.LBB2_1:
0xe: {  	[tilespmem:s4], [sflag:$0x1] =	stream.linear.gather [hbm4b:s5+s4], $0x380, $0x38;
	[tilespmem:$0x1E080] =	vst v63  }
0xf: {  	_ =	swait.ge [sflag:s8], $0x380  }
0x10: {  	[sflag:s8] =	ssyncset.done $0x0  }
0x11: {  	[sflag:s8] =	ssyncadd.s32 $0xFFFFFC80  }
0x12: {  	s1 =	simm.s32 $0x400;
	s0 =	rddreg [dreg:$0x1]  }
0x13: {  	[tilespmem:s1], [sflag:$0x2] =	stream.indirect.gather [hbm4b:s0+s9], $0x80, s4, s9, $0xb8;
	[tilespmem:$0x1E080] =	vst v63  }
0x14: {  	s11 =	simm.s32 $0x4400  }
0x15: {  	[tilespmem:s11], [sflag:$0x2] =	stream.indirect.gather [hbm4b:s3+s9], $0x80, s9, s9, $0xb8;
	[tilespmem:$0x1E080] =	vst v63  }
0x16: {  	s12 =	simm.s32 $0x100  }
0x17: {  	[tilespmem:s13], [sflag:$0x3] =	stream.indirect.gather [hbm4b:s3+s9], $0x80, s12, s9, $0xb8;
	[tilespmem:$0x1E080] =	vst v63  }
0x18: {  	_ = 	snop  }
0x19: {  	[tilespmem:s15], [sflag:$0x3] =	stream.indirect.gather [hbm4b:s3+s9], $0x80, s14, s9, $0xb8;
	[tilespmem:$0x1E080] =	vst v63  }
0x1a: {  	_ = 	snop  }
0x1b: {  	[tilespmem:s17], [sflag:$0x3] =	stream.indirect.gather [hbm4b:s3+s9], $0x80, s16, s9, $0xb8;
	[tilespmem:$0x1E080] =	vst v63  }
0x1c: {  	_ = 	snop  }
0x1d: {  	[tilespmem:s19], [sflag:$0x4] =	stream.indirect.gather [hbm4b:s3+s9], $0x80, s18, s9, $0xb8;
	[tilespmem:$0x1E080] =	vst v63  }
0x1e: {  	_ = 	snop  }
0x1f: {  	[tilespmem:s21], [sflag:$0x4] =	stream.indirect.gather [hbm4b:s3+s9], $0x80, s20, s9, $0xb8;
	[tilespmem:$0x1E080] =	vst v63  }
0x20: {  	_ =	swait.ge [sflag:s22], $0x4000  }
0x21: {  	[sflag:s22] =	ssyncset.done $0x0  }
0x22: {  	[sflag:s22] =	ssyncadd.s32 $0xFFFFC000  }
0x23: {  	_ =	swait.ge [sflag:s22], $0x4000  }
0x24: {  	[sflag:s22] =	ssyncset.done $0x0  }
0x25: {  	s30 =	simm.s32 $0x480;
	[sflag:s22] =	ssyncadd.s32 $0xFFFFC000  }
0x26: {  	v1 =	vld [tilespmem:s30+$0x0]  }
0x27: {  	s31 =	simm.s32 $0x4480;
	v2 =	vld [tilespmem:s30+$0x10]  }
0x28: {  	v3 =	vld [tilespmem:s31+$0x0]  }
0x29: {  	v4 =	vld [tilespmem:s31+$0x10]  }
0x2a: {  	v5 =	vld [tilespmem:s30+$0x20]  }
0x2b: {  	v6 =	vld [tilespmem:s31+$0x20]  }
0x2c: {  	v7 =	vld [tilespmem:s30+$0x30]  }
0x2d: {  	v8 =	vld [tilespmem:s31+$0x30]  }
0x2e: {  	v9 =	vld [tilespmem:s30+$0x40]  }
0x2f: {  	v10 =	vld [tilespmem:s31+$0x40]  }
0x30: {  	v11 =	vld [tilespmem:s30+$0x50]  }
0x31: {  	v12 =	vld [tilespmem:s31+$0x50]  }
0x32: {  	v13 =	vld [tilespmem:s30+$0x60]  }
0x33: {  	v14 =	vld [tilespmem:s31+$0x60]  }
0x34: {  	v15 =	vld [tilespmem:s30+$0x70]  }
0x35: {  	v17 =	vld [tilespmem:s30+$0xFFFFFF90]  }
0x36: {  	v18 =	vld [tilespmem:s31+$0xFFFFFF80]  }
0x37: {  	v1 =	vmul.f32 v3, v1;
	v2 =	vmul.f32 v4, v2;
	v3 =	vld [tilespmem:s31+$0xFFFFFF90]  }
0x38: {  	v4 =	vld [tilespmem:s30+$0xFFFFFF80]  }
0x39: {  	v1 =	vadd.f32 v2, v1;
	v2 =	vmul.f32 v6, v5;
	v5 =	vld [tilespmem:s30+$0xFFFFFFA0]  }
0x3a: {  	v6 =	vld [tilespmem:s31+$0xFFFFFFA0]  }
0x3b: {  	v16 =	vld [tilespmem:s31+$0x70]  }
0x3c: {  	v1 =	vadd.f32 v2, v1;
	v2 =	vmul.f32 v8, v7;
	v7 =	vld [tilespmem:s30+$0xFFFFFFB0]  }
0x3d: {  	v8 =	vld [tilespmem:s31+$0xFFFFFFB0];
	v3 =	vmul.f32 v3, v17;
	v4 =	vmul.f32 v18, v4  }
0x3e: {  	v1 =	vadd.f32 v2, v1;
	v2 =	vmul.f32 v10, v9;
	v9 =	vld [tilespmem:s30+$0xFFFFFFC0]  }
0x3f: {  	v10 =	vld [tilespmem:s31+$0xFFFFFFC0];
	v3 =	vadd.f32 v3, v4;
	v4 =	vmul.f32 v6, v5  }
0x40: {  	v5 =	vld [tilespmem:s31+$0xFFFFFFD0];
	v1 =	vadd.f32 v2, v1;
	v2 =	vmul.f32 v12, v11  }
0x41: {  	v11 =	vld [tilespmem:s30+$0xFFFFFFD0];
	v3 =	vadd.f32 v4, v3  }
0x42: {  	s2 =	simm.s32 $0x1;
	v62 =	vld [tilespmem:s31+$0xFFFFFFE0];
	v4 =	vmul.f32 v8, v7;
	v1 =	vadd.f32 v2, v1;
	v2 =	vmul.f32 v14, v13  }
0x43: {  	v63 =	vadd.s32 s2, v0;
	v6 =	vld [tilespmem:s30+$0xFFFFFFE0]  }
0x44: {  	v3 =	vadd.f32 v4, v3;
	v9 =	vmul.f32 v10, v9;
	v7 =	vadd.f32 v2, v1;
	v1 =	vld [tilespmem:s30+$0xFFFFFFF0]  }
0x45: {  	s1 =	simm.s32 $0x580;
	v8 =	vmul.f32 v16, v15;
	v2 =	vld [tilespmem:s31+$0xFFFFFFF0]  }
0x46: {  	s2 =	simm.s32 $0x4580;
	v4 =	vld [tilespmem:s1+$0x0];
	v3 =	vadd.f32 v9, v3;
	v5 =	vmul.f32 v5, v11  }
0x47: {  	v9 =	vld [tilespmem:s2+$0x10];
	v10 =	vadd.f32 v8, v7  }
0x48: {  	v6 =	vmul.f32 v62, v6;
	v7 =	vld [tilespmem:s1+$0x10];
	v5 =	vadd.f32 v5, v3  }
0x49: {  	s10 =	simm.s32 $0x4;
	s0 =	simm.s32 $0x2;
	v8 =	vld [tilespmem:s2+$0x0];
	v3 =	vadd.s32 s4, v0;
	[tilespmem:v63+s23+$0x0] =	vst.idx.msk $0xffff, v10  }
.LBB2_2:
0x4a: {  	p0 =	slt.u32 s10, $0x7E;
	v10 =	vld [tilespmem:s1+$0x20];
	v5 =	vadd.f32 v6, v5;
	v1 =	vmul.f32 v2, v1  }
0x4b: {  	v2 =	vld [tilespmem:s2+$0x20]  }
0x4c: {  	v6 =	vld [tilespmem:s1+$0x30];
	v1 =	vadd.f32 v1, v5  }
0x4d: {  	v5 =	vld [tilespmem:s2+$0x30]  }
0x4e: {  	v4 =	vmul.f32 v8, v4;
	v11 =	vld [tilespmem:s1+$0x40];
	v7 =	vmul.f32 v9, v7;
	[tilespmem:v3+s23+$0x0] =	vst.idx.msk $0xffff, v1  }
0x4f: {  	v1 =	vld [tilespmem:s2+$0x40]  }
0x50: {  	v3 =	vld [tilespmem:s1+$0x50];
	v4 =	vadd.f32 v7, v4;
	v2 =	vmul.f32 v2, v10  }
0x51: {  	v7 =	vld [tilespmem:s2+$0x50]  }
0x52: {  	v8 =	vld [tilespmem:s1+$0x60];
	v2 =	vadd.f32 v2, v4;
	v4 =	vmul.f32 v5, v6  }
0x53: {  	v5 =	vld [tilespmem:s2+$0x60]  }
0x54: {  	v6 =	vld [tilespmem:s1+$0x70];
	v2 =	vadd.f32 v4, v2;
	v1 =	vmul.f32 v1, v11  }
0x55: {  	v4 =	vld [tilespmem:s2+$0x70]  }
0x56: {  	v9 =	vld [tilespmem:s1+$0xFFFFFF90];
	v1 =	vadd.f32 v1, v2;
	v2 =	vmul.f32 v7, v3  }
0x57: {  	v3 =	vld [tilespmem:s2+$0xFFFFFF80]  }
0x58: {  	s11 =	sadd.s32 $0x1, s0;
	v7 =	vld [tilespmem:s2+$0xFFFFFF90];
	v1 =	vadd.f32 v2, v1;
	v2 =	vmul.f32 v5, v8  }
0x59: {  	v8 =	vadd.s32 s11, v0;
	v5 =	vld [tilespmem:s1+$0xFFFFFF80]  }
0x5a: {  	v10 =	vld [tilespmem:s1+$0xFFFFFFA0];
	v1 =	vadd.f32 v2, v1;
	v2 =	vmul.f32 v4, v6  }
0x5b: {  	v4 =	vld [tilespmem:s2+$0xFFFFFFA0]  }
0x5c: {  	v6 =	vld [tilespmem:s1+$0xFFFFFFB0];
	v1 =	vadd.f32 v2, v1  }
0x5d: {  	v2 =	vmul.f32 v7, v9;
	v7 =	vld [tilespmem:s2+$0xFFFFFFB0]  }
0x5e: {  	v9 =	vld [tilespmem:s1+$0xFFFFFFC0];
	v3 =	vmul.f32 v3, v5;
	[tilespmem:v8+s23+$0x0] =	vst.idx.msk $0xffff, v1  }
0x5f: {  	v5 =	vld [tilespmem:s2+$0xFFFFFFC0]  }
0x60: {  	v8 =	vld [tilespmem:s1+$0xFFFFFFD0];
	v1 =	vadd.f32 v2, v3;
	v2 =	vmul.f32 v4, v10  }
0x61: {  	v3 =	vld [tilespmem:s2+$0xFFFFFFD0]  }
0x62: {  	v10 =	vld [tilespmem:s1+$0xFFFFFFE0];
	v2 =	vadd.f32 v2, v1;
	v4 =	vmul.f32 v7, v6  }
0x63: {  	v6 =	vld [tilespmem:s2+$0xFFFFFFE0]  }
0x64: {  	v1 =	vld [tilespmem:s1+$0xFFFFFFF0];
	v7 =	vadd.f32 v4, v2;
	v5 =	vmul.f32 v5, v9  }
.Ltmp0:
0x65: {  	s1 =	sadd.s32 $0x100, s1;
	v2 =	vld [tilespmem:s2+$0xFFFFFFF0];
	(pc) =	sbr.rel @p0 .LBB2_2-.Ltmp0, $4  }
0x66: {  	v4 =	vld [tilespmem:s1+$0x0];
	v5 =	vadd.f32 v5, v7;
	v3 =	vmul.f32 v3, v8  }
0x67: {  	s2 =	sadd.s32 $0x100, s2;
	v7 =	vld [tilespmem:s1+$0x10]  }
0x68: {  	v8 =	vld [tilespmem:s2+$0x0];
	v5 =	vadd.f32 v3, v5;
	v6 =	vmul.f32 v6, v10  }
0x69: {  	v3 =	vadd.s32 s0, v0;
	s0 =	smov.u32 s10;
	s10 =	sadd.s32 $0x2, s10;
	v9 =	vld [tilespmem:s2+$0x10]  }
0x6a: {  	v10 =	vld [tilespmem:s1+$0x20]  }
0x6b: {  	v11 =	vld [tilespmem:s2+$0x20]  }
0x6c: {  	v12 =	vld [tilespmem:s1+$0x30]  }
0x6d: {  	v13 =	vld [tilespmem:s2+$0x30]  }
0x6e: {  	v14 =	vld [tilespmem:s1+$0x40]  }
0x6f: {  	v15 =	vld [tilespmem:s2+$0x40]  }
0x70: {  	v16 =	vld [tilespmem:s1+$0x50]  }
0x71: {  	v17 =	vld [tilespmem:s2+$0x50]  }
0x72: {  	v18 =	vld [tilespmem:s1+$0x60]  }
0x73: {  	v19 =	vld [tilespmem:s2+$0x60]  }
0x74: {  	v20 =	vld [tilespmem:s1+$0x70]  }
0x75: {  	v21 =	vld [tilespmem:s2+$0x70]  }
0x76: {  	v22 =	vld [tilespmem:s1+$0xFFFFFF90]  }
0x77: {  	v23 =	vld [tilespmem:s2+$0xFFFFFF80]  }
0x78: {  	v24 =	vld [tilespmem:s2+$0xFFFFFF90]  }
0x79: {  	v25 =	vld [tilespmem:s1+$0xFFFFFF80]  }
0x7a: {  	v26 =	vld [tilespmem:s1+$0xFFFFFFA0]  }
0x7b: {  	v27 =	vld [tilespmem:s2+$0xFFFFFFA0]  }
0x7c: {  	v28 =	vld [tilespmem:s1+$0xFFFFFFB0]  }
0x7d: {  	v4 =	vmul.f32 v8, v4;
	v8 =	vld [tilespmem:s2+$0xFFFFFFB0];
	v7 =	vmul.f32 v9, v7  }
0x7e: {  	v9 =	vmul.f32 v24, v22;
	v22 =	vld [tilespmem:s1+$0xFFFFFFC0];
	v23 =	vmul.f32 v23, v25  }
0x7f: {  	v4 =	vadd.f32 v7, v4;
	v7 =	vmul.f32 v11, v10;
	v10 =	vld [tilespmem:s2+$0xFFFFFFC0]  }
0x80: {  	v11 =	vld [tilespmem:s1+$0xFFFFFFD0];
	v9 =	vadd.f32 v9, v23;
	v23 =	vmul.f32 v27, v26  }
0x81: {  	v4 =	vadd.f32 v7, v4;
	v7 =	vmul.f32 v13, v12;
	v12 =	vld [tilespmem:s2+$0xFFFFFFD0]  }
0x82: {  	v13 =	vld [tilespmem:s1+$0xFFFFFFE0];
	v8 =	vmul.f32 v8, v28;
	v9 =	vadd.f32 v23, v9  }
0x83: {  	v4 =	vadd.f32 v7, v4;
	v7 =	vmul.f32 v15, v14;
	v14 =	vld [tilespmem:s2+$0xFFFFFFE0]  }
0x84: {  	v15 =	vld [tilespmem:s1+$0xFFFFFFF0];
	v8 =	vadd.f32 v8, v9;
	v9 =	vmul.f32 v10, v22  }
0x85: {  	v10 =	vld [tilespmem:s2+$0xFFFFFFF0];
	v4 =	vadd.f32 v7, v4;
	v7 =	vmul.f32 v17, v16  }
0x86: {  	v5 =	vadd.f32 v6, v5;
	v6 =	vadd.f32 v9, v8;
	v8 =	vmul.f32 v12, v11  }
0x87: {  	v1 =	vmul.f32 v2, v1;
	s2 =	sadd.s32 $0x1, s0;
	v2 =	vadd.f32 v7, v4;
	v4 =	vmul.f32 v19, v18  }
0x88: {  	v7 =	vadd.s32 s2, v0;
	v6 =	vadd.f32 v8, v6;
	v8 =	vmul.f32 v14, v13  }
0x89: {  	v9 =	vadd.s32 s0, v0;
	v2 =	vadd.f32 v4, v2;
	v4 =	vmul.f32 v21, v20  }
0x8a: {  	v1 =	vadd.f32 v1, v5;
	v5 =	vadd.f32 v8, v6;
	v6 =	vmul.f32 v10, v15  }
0x8b: {  	v2 =	vadd.f32 v4, v2  }
0x8c: {  	[tilespmem:v3+s23+$0x0] =	vst.idx.msk $0xffff, v1;
	v1 =	vadd.f32 v6, v5  }
0x8d: {  	[tilespmem:v7+s23+$0x0] =	vst.idx.msk $0xffff, v2  }
0x8e: {  	[tilespmem:v9+s23+$0x0] =	vst.idx.msk $0xffff, v1  }
0x8f: {  	v1 =	vld [tilespmem:$0x1C400]  }
0x90: {  	v2 =	vld [tilespmem:$0x1C481]  }
0x91: {  	v3 =	vld [tilespmem:$0x1C502]  }
0x92: {  	v4 =	vld [tilespmem:$0x1C583]  }
0x93: {  	v10 =	vld [tilespmem:$0x1C604]  }
0x94: {  	v11 =	vld [tilespmem:$0x1C685]  }
0x95: {  	v12 =	vld [tilespmem:$0x1C706]  }
0x96: {  	v13 =	vld [tilespmem:$0x1C787]  }
0x97: {  	v16 =	vld [tilespmem:$0x1C808]  }
0x98: {  	v18 =	vld [tilespmem:$0x1C889]  }
0x99: {  	v31 =	vld [tilespmem:$0x1C90A]  }
0x9a: {  	v5 =	vld [tilespmem:$0x1C98B]  }
0x9b: {  	v6 =	vld [tilespmem:$0x1C410]  }
0x9c: {  	v8 =	vld [tilespmem:$0x1C491]  }
0x9d: {  	v20 =	vld [tilespmem:$0x1C512]  }
0x9e: {  	v21 =	vld [tilespmem:$0x1C593]  }
0x9f: {  	v22 =	vld [tilespmem:$0x1C614]  }
0xa0: {  	v23 =	vld [tilespmem:$0x1C695]  }
0xa1: {  	v24 =	vld [tilespmem:$0x1C716]  }
0xa2: {  	v25 =	vld [tilespmem:$0x1C797]  }
0xa3: {  	v26 =	vld [tilespmem:$0x1C818]  }
0xa4: {  	v27 =	vld [tilespmem:$0x1C899]  }
0xa5: {  	v28 =	vld [tilespmem:$0x1C91A]  }
0xa6: {  	v29 =	vld [tilespmem:$0x1C99B]  }
0xa7: {  	v30 =	vld [tilespmem:$0x1CA1C]  }
0xa8: {  	v9 =	vld [tilespmem:$0x1C420]  }
0xa9: {  	v34 =	vld [tilespmem:$0x1C4A1]  }
0xaa: {  	v35 =	vld [tilespmem:$0x1C522]  }
0xab: {  	v36 =	vld [tilespmem:$0x1C5A3]  }
0xac: {  	v37 =	vld [tilespmem:$0x1C624]  }
0xad: {  	v38 =	vld [tilespmem:$0x1C6A5]  }
0xae: {  	v39 =	vld [tilespmem:$0x1C726]  }
0xaf: {  	v40 =	vld [tilespmem:$0x1C7A7]  }
0xb0: {  	v41 =	vld [tilespmem:$0x1C828]  }
0xb1: {  	v42 =	vld [tilespmem:$0x1C8A9]  }
0xb2: {  	v43 =	vld [tilespmem:$0x1C92A]  }
0xb3: {  	v44 =	vld [tilespmem:$0x1C9AB]  }
0xb4: {  	v45 =	vld [tilespmem:$0x1CA2C]  }
0xb5: {  	v46 =	vld [tilespmem:$0x1CAAD]  }
0xb6: {  	v47 =	vld [tilespmem:$0x1CB2E]  }
0xb7: {  	v48 =	vld [tilespmem:$0x1CBAF]  }
0xb8: {  	v49 =	vld [tilespmem:$0x1C430]  }
0xb9: {  	v50 =	vld [tilespmem:$0x1C4B1]  }
0xba: {  	v51 =	vld [tilespmem:$0x1C532]  }
0xbb: {  	v52 =	vld [tilespmem:$0x1C5B3]  }
0xbc: {  	v53 =	vld [tilespmem:$0x1C634]  }
0xbd: {  	v54 =	vld [tilespmem:$0x1C6B5]  }
0xbe: {  	v55 =	vld [tilespmem:$0x1C736]  }
0xbf: {  	v56 =	vld [tilespmem:$0x1C7B7]  }
0xc0: {  	v57 =	vld [tilespmem:$0x1C838]  }
0xc1: {  	v58 =	vld [tilespmem:$0x1C8B9]  }
0xc2: {  	v59 =	vld [tilespmem:$0x1C93A]  }
0xc3: {  	v60 =	vld [tilespmem:$0x1C9BB]  }
0xc4: {  	v61 =	vld [tilespmem:$0x1CA3C]  }
0xc5: {  	v62 =	vld [tilespmem:$0x1CABD]  }
0xc6: {  	v63 =	vld [tilespmem:$0x1CB3E]  }
0xc7: {  	v14 =	vld [tilespmem:$0x1CBBF]  }
0xc8: {  	v7 =	vld [tilespmem:$0x1C440]  }
0xc9: {  	v15 =	vld [tilespmem:$0x1C542]  }
0xca: {  	v17 =	vld [tilespmem:$0x1C5C3]  }
0xcb: {  	v19 =	vld [tilespmem:$0x1C644]  }
0xcc: {  	v32 =	vld [tilespmem:$0x1C6C5]  }
0xcd: {  	v33 =	vld [tilespmem:$0x1C746]  }
0xce: {  	[tilespmem:$0x1FF70] =	vst v5;
	v5 =	vld [tilespmem:$0x1CA0C]  }
0xcf: {  	v1 =	vadd.f32 v2, v1;
	v2 =	vld [tilespmem:$0x1C7C7]  }
0xd0: {  	v6 =	vadd.f32 v8, v6;
	v8 =	vld [tilespmem:$0x1C848]  }
0xd1: {  	v1 =	vadd.f32 v3, v1;
	v3 =	vadd.f32 v34, v9;
	v9 =	vld [tilespmem:$0x1C8C9]  }
0xd2: {  	v49 =	vadd.f32 v50, v49;
	v34 =	vadd.f32 v20, v6;
	v20 =	vld [tilespmem:$0x1C94A]  }
0xd3: {  	v6 =	vld [tilespmem:$0x1C9CB]  }
0xd4: {  	v51 =	vadd.f32 v51, v49;
	v49 =	vld [tilespmem:$0x1CADD]  }
0xd5: {  	v1 =	vadd.f32 v4, v1;
	v4 =	vld [tilespmem:$0x1CA4C]  }
0xd6: {  	v3 =	vadd.f32 v35, v3;
	[tilespmem:$0x1FF80] =	vst v5;
	v5 =	vld [tilespmem:$0x1CA8D]  }
0xd7: {  	v21 =	vadd.f32 v21, v34;
	v34 =	vld [tilespmem:$0x1C4D1]  }
0xd8: {  	v35 =	vadd.f32 v36, v3;
	v3 =	vld [tilespmem:$0x1CACD]  }
0xd9: {  	v1 =	vadd.f32 v10, v1;
	v10 =	vld [tilespmem:$0x1CB4E]  }
0xda: {  	v21 =	vadd.f32 v22, v21;
	v22 =	vadd.f32 v52, v51;
	v51 =	vld [tilespmem:$0x1CBDF]  }
0xdb: {  	[tilespmem:$0x1FF90] =	vst v5;
	v5 =	vld [tilespmem:$0x1CB0E]  }
0xdc: {  	v11 =	vadd.f32 v11, v1;
	v1 =	vld [tilespmem:$0x1CBCF]  }
0xdd: {  	v21 =	vadd.f32 v23, v21;
	v23 =	vld [tilespmem:$0x1C450]  }
0xde: {  	v37 =	vadd.f32 v37, v35;
	v35 =	vld [tilespmem:$0x1C9DB]  }
0xdf: {  	v22 =	vadd.f32 v53, v22;
	v53 =	vld [tilespmem:$0x1C460]  }
0xe0: {  	[tilespmem:$0x1FFB0] =	vst v5;
	v5 =	vld [tilespmem:$0x1CB8F]  }
0xe1: {  	v11 =	vadd.f32 v12, v11;
	v21 =	vadd.f32 v24, v21;
	v24 =	vld [tilespmem:$0x1C552]  }
0xe2: {  	v50 =	vld [tilespmem:$0x1FF90]  }
0xe3: {  	v11 =	vadd.f32 v13, v11;
	v13 =	vld [tilespmem:$0x1C5D3]  }
0xe4: {  	v22 =	vadd.f32 v54, v22;
	v21 =	vadd.f32 v25, v21;
	v25 =	vld [tilespmem:$0x1C654]  }
0xe5: {  	[tilespmem:$0x1FFD0] =	vst v5;
	v5 =	vld [tilespmem:$0x1CA9D]  }
0xe6: {  	v22 =	vadd.f32 v55, v22;
	v55 =	vld [tilespmem:$0x1C4E1]  }
0xe7: {  	v11 =	vadd.f32 v16, v11;
	v16 =	vld [tilespmem:$0x1C6D5]  }
0xe8: {  	v21 =	vadd.f32 v26, v21;
	v26 =	vld [tilespmem:$0x1C756]  }
0xe9: {  	v12 =	vadd.f32 v38, v37;
	v11 =	vadd.f32 v18, v11;
	v18 =	vld [tilespmem:$0x1C7D7]  }
0xea: {  	v22 =	vadd.f32 v56, v22;
	[tilespmem:$0x1FFA0] =	vst v5;
	v5 =	vld [tilespmem:$0x1CB1E]  }
0xeb: {  	v12 =	vadd.f32 v39, v12;
	v21 =	vadd.f32 v27, v21;
	v27 =	vld [tilespmem:$0x1C858]  }
0xec: {  	v22 =	vadd.f32 v57, v22;
	v54 =	vld [tilespmem:$0x1FFB0]  }
0xed: {  	v12 =	vadd.f32 v40, v12;
	v57 =	vld [tilespmem:$0x1C470]  }
0xee: {  	v11 =	vadd.f32 v31, v11;
	v31 =	vld [tilespmem:$0x1C8D9];
	v22 =	vadd.f32 v58, v22  }
0xef: {  	v12 =	vadd.f32 v41, v12;
	[tilespmem:$0x1FFC0] =	vst v5;
	v5 =	vld [tilespmem:$0x1CB9F]  }
0xf0: {  	v21 =	vadd.f32 v28, v21;
	v28 =	vld [tilespmem:$0x1C95A];
	v22 =	vadd.f32 v59, v22  }
0xf1: {  	v12 =	vadd.f32 v42, v12;
	v42 =	vld [tilespmem:$0x1FF70]  }
0xf2: {  	v21 =	vadd.f32 v29, v21;
	v29 =	vld [tilespmem:$0x1CA5C];
	v22 =	vadd.f32 v60, v22  }
0xf3: {  	v12 =	vadd.f32 v43, v12;
	v43 =	vld [tilespmem:$0x1FF80]  }
0xf4: {  	v22 =	vadd.f32 v61, v22;
	[tilespmem:$0x1FFE0] =	vst v5;
	v5 =	vld [tilespmem:$0x1C4C1]  }
0xf5: {  	v59 =	vld [tilespmem:$0x1C4F1];
	v12 =	vadd.f32 v44, v12  }
0xf6: {  	v58 =	vld [tilespmem:$0x1FFD0];
	v11 =	vadd.f32 v42, v11;
	v22 =	vadd.f32 v62, v22  }
0xf7: {  	v21 =	vadd.f32 v30, v21;
	v30 =	vld [tilespmem:$0x1CB5E];
	v12 =	vadd.f32 v45, v12  }
0xf8: {  	v61 =	vld [tilespmem:$0x1C562];
	v11 =	vadd.f32 v43, v11;
	v22 =	vadd.f32 v63, v22  }
0xf9: {  	v12 =	vadd.f32 v46, v12;
	v5 =	vadd.f32 v5, v7;
	v7 =	vld [tilespmem:$0x1C572]  }
0xfa: {  	v52 =	vld [tilespmem:$0x1FFA0];
	v14 =	vadd.f32 v14, v22;
	v22 =	vadd.f32 v34, v23  }
0xfb: {  	v62 =	vld [tilespmem:$0x1C5F3];
	v11 =	vadd.f32 v50, v11;
	v5 =	vadd.f32 v15, v5  }
0xfc: {  	v63 =	vld [tilespmem:$0x1C664];
	v22 =	vadd.f32 v24, v22;
	v24 =	vadd.f32 v59, v57  }
0xfd: {  	v12 =	vadd.f32 v47, v12;
	v5 =	vadd.f32 v17, v5;
	v17 =	vld [tilespmem:$0x1C674]  }
0xfe: {  	v11 =	vadd.f32 v54, v11;
	v23 =	vld [tilespmem:$0x1C5E3];
	v7 =	vadd.f32 v7, v24  }
0xff: {  	v12 =	vadd.f32 v48, v12;
	v56 =	vld [tilespmem:$0x1FFC0];
	v15 =	vadd.f32 v55, v53  }
0x100: {  	v13 =	vadd.f32 v13, v22;
	v22 =	vld [tilespmem:$0x1C6E5];
	v7 =	vadd.f32 v62, v7  }
0x101: {  	[tilespmem:$0x1FFF0] =	vst v33;
	v21 =	vadd.f32 v52, v21;
	v60 =	vld [tilespmem:$0x1FFE0];
	v15 =	vadd.f32 v61, v15  }
0x102: {  	v13 =	vadd.f32 v25, v13;
	v7 =	vadd.f32 v17, v7;
	v17 =	vld [tilespmem:$0x1FFF0]  }
0x103: {  	v5 =	vadd.f32 v19, v5;
	v15 =	vadd.f32 v23, v15;
	v19 =	vld [tilespmem:$0x1C6F5]  }
0x104: {  	v11 =	vadd.f32 v58, v11;
	v13 =	vadd.f32 v16, v13;
	v23 =	vld [tilespmem:$0x1C766]  }
0x105: {  	v24 =	vld [tilespmem:$0x1C776];
	v5 =	vadd.f32 v32, v5;
	v15 =	vadd.f32 v63, v15  }
0x106: {  	v21 =	vadd.f32 v56, v21;
	v16 =	vld [tilespmem:$0x1C7E7];
	v13 =	vadd.f32 v26, v13  }
0x107: {  	v15 =	vadd.f32 v22, v15;
	v5 =	vadd.f32 v17, v5;
	v17 =	vld [tilespmem:$0x1C7F7]  }
0x108: {  	v21 =	vadd.f32 v60, v21;
	v7 =	vadd.f32 v19, v7;
	v19 =	vld [tilespmem:$0x1C868]  }
0x109: {  	v2 =	vadd.f32 v2, v5;
	v5 =	vadd.f32 v23, v15;
	v15 =	vld [tilespmem:$0x1C878]  }
0x10a: {  	v13 =	vadd.f32 v18, v13;
	v18 =	vld [tilespmem:$0x1C8E9];
	v7 =	vadd.f32 v24, v7  }
0x10b: {  	v2 =	vadd.f32 v8, v2;
	v5 =	vadd.f32 v16, v5;
	v8 =	vld [tilespmem:$0x1C8F9]  }
0x10c: {  	v13 =	vadd.f32 v27, v13;
	v16 =	vld [tilespmem:$0x1C96A];
	v7 =	vadd.f32 v17, v7  }
0x10d: {  	v2 =	vadd.f32 v9, v2;
	v5 =	vadd.f32 v19, v5;
	v9 =	vld [tilespmem:$0x1C97A]  }
0x10e: {  	v13 =	vadd.f32 v31, v13;
	v7 =	vadd.f32 v15, v7;
	v15 =	vld [tilespmem:$0x1C9EB]  }
0x10f: {  	v17 =	vld [tilespmem:$0x1C9FB];
	v2 =	vadd.f32 v20, v2;
	v5 =	vadd.f32 v18, v5  }
0x110: {  	v13 =	vadd.f32 v28, v13;
	v18 =	vld [tilespmem:$0x1CA6C];
	v7 =	vadd.f32 v8, v7  }
0x111: {  	v2 =	vadd.f32 v6, v2;
	v5 =	vadd.f32 v16, v5;
	v6 =	vld [tilespmem:$0x1CA7C]  }
0x112: {  	v8 =	vadd.f32 v35, v13;
	v13 =	vld [tilespmem:$0x1CAED];
	v7 =	vadd.f32 v9, v7  }
0x113: {  	v2 =	vadd.f32 v4, v2;
	v4 =	vadd.f32 v15, v5;
	v5 =	vld [tilespmem:$0x1CAFD]  }
0x114: {  	v8 =	vadd.f32 v29, v8;
	v9 =	vld [tilespmem:$0x1CB6E];
	v7 =	vadd.f32 v17, v7  }
0x115: {  	v2 =	vadd.f32 v3, v2;
	v3 =	vadd.f32 v18, v4;
	v4 =	vld [tilespmem:$0x1CB7E]  }
0x116: {  	v15 =	vld [tilespmem:$0x1CBEF];
	v8 =	vadd.f32 v49, v8;
	v6 =	vadd.f32 v6, v7  }
0x117: {  	[tilespmem:$0x1DCA0] =	vst v12;
	v7 =	vld [tilespmem:$0x1CBFF];
	v2 =	vadd.f32 v10, v2;
	v3 =	vadd.f32 v13, v3  }
0x118: {  	[tilespmem:$0x1DCB0] =	vst v14;
	v8 =	vadd.f32 v30, v8;
	v5 =	vadd.f32 v5, v6  }
0x119: {  	[tilespmem:$0x1DC80] =	vst v11;
	v1 =	vadd.f32 v1, v2;
	v2 =	vadd.f32 v9, v3  }
0x11a: {  	[tilespmem:$0x1DC90] =	vst v21;
	v3 =	vadd.f32 v51, v8;
	v4 =	vadd.f32 v4, v5  }
0x11b: {  	[tilespmem:$0x1DCC0] =	vst v1;
	v1 =	vadd.f32 v15, v2  }
0x11c: {  	[tilespmem:$0x1DCD0] =	vst v3;
	v2 =	vadd.f32 v7, v4  }
0x11d: {  	[tilespmem:$0x1DCE0] =	vst v1  }
0x11e: {  	[tilespmem:$0x1DCF0] =	vst v2  }
0x11f: {  	_ =	swait.ge [sflag:s24], $0x4000  }
0x120: {  	[sflag:s24] =	ssyncset.done $0x0  }
0x121: {  	[sflag:s24] =	ssyncadd.s32 $0xFFFFC000  }
0x122: {  	_ =	swait.ge [sflag:s24], $0x4000  }
0x123: {  	[sflag:s24] =	ssyncset.done $0x0  }
0x124: {  	[sflag:s24] =	ssyncadd.s32 $0xFFFFC000  }
0x125: {  	_ =	swait.ge [sflag:s24], $0x4000  }
0x126: {  	[sflag:s24] =	ssyncset.done $0x0  }
0x127: {  	s30 =	simm.s32 $0x0;
	[sflag:s24] =	ssyncadd.s32 $0xFFFFC000  }
0x128: {  	v9 =	vld [tilespmem:s30+$0x480]  }
0x129: {  	v10 =	vld [tilespmem:s30+$0x490]  }
0x12a: {  	v1 =	vld [tilespmem:s30+$0x8480]  }
0x12b: {  	v2 =	vld [tilespmem:s30+$0x8490]  }
0x12c: {  	v11 =	vld [tilespmem:s30+$0x4A0]  }
0x12d: {  	v3 =	vld [tilespmem:s30+$0x84A0]  }
0x12e: {  	v12 =	vld [tilespmem:s30+$0x4B0]  }
0x12f: {  	v4 =	vld [tilespmem:s30+$0x84B0]  }
0x130: {  	v13 =	vld [tilespmem:s30+$0x4C0];
	v1 =	vmul.f32 v1, v9;
	v2 =	vmul.f32 v2, v10  }
0x131: {  	v5 =	vld [tilespmem:s30+$0x84C0]  }
0x132: {  	v14 =	vld [tilespmem:s30+$0x4D0];
	v1 =	vadd.f32 v2, v1;
	v2 =	vmul.f32 v3, v11  }
0x133: {  	v3 =	vld [tilespmem:s30+$0x84D0]  }
0x134: {  	v15 =	vld [tilespmem:s30+$0x4E0];
	v1 =	vadd.f32 v2, v1;
	v2 =	vmul.f32 v4, v12  }
0x135: {  	v4 =	vld [tilespmem:s30+$0x84E0]  }
0x136: {  	v16 =	vld [tilespmem:s30+$0x4F0];
	v1 =	vadd.f32 v2, v1;
	v2 =	vmul.f32 v5, v13  }
0x137: {  	v5 =	vld [tilespmem:s30+$0x84F0]  }
0x138: {  	v3 =	vmul.f32 v3, v14;
	v6 =	vadd.f32 v2, v1  }
0x139: {  	v8 =	vld [tilespmem:s30+$0x8410]  }
0x13a: {  	s10 =	simm.s32 $0x1;
	v17 =	vld [tilespmem:s30+$0x8420];
	v4 =	vmul.f32 v4, v15;
	v3 =	vadd.f32 v3, v6  }
0x13b: {  	v7 =	vadd.s32 s10, v0;
	v18 =	vld [tilespmem:s30+$0x8430]  }
0x13c: {  	v22 =	vld [tilespmem:s30+$0x8440];
	v5 =	vmul.f32 v5, v16;
	v3 =	vadd.f32 v4, v3  }
0x13d: {  	v2 =	vld [tilespmem:s30+$0x400]  }
0x13e: {  	v1 =	vld [tilespmem:s30+$0x410];
	v3 =	vadd.f32 v5, v3  }
0x13f: {  	v6 =	vld [tilespmem:s30+$0x8400]  }
0x140: {  	v4 =	vld [tilespmem:s30+$0x420];
	[tilespmem:v7+s23+$0x0] =	vst.idx.msk $0xffff, v3  }
0x141: {  	v19 =	vld [tilespmem:s30+$0xC480]  }
0x142: {  	v20 =	vld [tilespmem:s30+$0xC490]  }
0x143: {  	v5 =	vld [tilespmem:s30+$0x430]  }
0x144: {  	v21 =	vld [tilespmem:s30+$0xC4A0]  }
0x145: {  	v7 =	vld [tilespmem:s30+$0x440]  }
0x146: {  	v23 =	vld [tilespmem:s30+$0xC4B0]  }
0x147: {  	v3 =	vld [tilespmem:s30+$0x450];
	v19 =	vmul.f32 v19, v9;
	v20 =	vmul.f32 v20, v10  }
0x148: {  	v8 =	vmul.f32 v8, v1;
	v6 =	vmul.f32 v6, v2;
	v24 =	vld [tilespmem:s30+$0xC4C0]  }
0x149: {  	v25 =	vld [tilespmem:s30+$0xC4D0];
	v21 =	vmul.f32 v21, v11;
	v19 =	vadd.f32 v20, v19  }
0x14a: {  	v8 =	vadd.f32 v8, v6;
	v17 =	vmul.f32 v17, v4;
	v6 =	vld [tilespmem:s30+$0x460]  }
0x14b: {  	v20 =	vld [tilespmem:s30+$0x8450];
	v19 =	vadd.f32 v21, v19;
	v21 =	vmul.f32 v23, v12  }
0x14c: {  	v8 =	vadd.f32 v17, v8;
	v17 =	vmul.f32 v18, v5;
	v18 =	vld [tilespmem:s30+$0xC4E0]  }
0x14d: {  	v23 =	vmul.f32 v24, v13;
	v24 =	vld [tilespmem:s30+$0xC4F0];
	v19 =	vadd.f32 v21, v19  }
0x14e: {  	v17 =	vadd.f32 v17, v8;
	v22 =	vmul.f32 v22, v7;
	v21 =	vld [tilespmem:s30+$0x8460]  }
0x14f: {  	v8 =	vld [tilespmem:s30+$0x470];
	v19 =	vadd.f32 v23, v19;
	v23 =	vmul.f32 v25, v14  }
0x150: {  	v17 =	vadd.f32 v22, v17;
	v22 =	vld [tilespmem:s30+$0x8470];
	v20 =	vmul.f32 v20, v3  }
0x151: {  	s11 =	simm.s32 $0x811;
	v18 =	vmul.f32 v18, v15;
	v19 =	vadd.f32 v23, v19  }
0x152: {  	v17 =	vadd.f32 v20, v17;
	v20 =	vadd.s32 s11, v0  }
0x153: {  	s31 =	simm.s32 $0x0;
	v21 =	vmul.f32 v21, v6;
	v18 =	vadd.f32 v18, v19;
	v19 =	vmul.f32 v24, v16  }
0x154: {  	v23 =	vadd.s32 s31, v0  }
0x155: {  	v17 =	vadd.f32 v21, v17;
	v21 =	vmul.f32 v22, v8;
	v18 =	vadd.f32 v19, v18;
	_ =	sdelay $0x1  }
0x156: {  	v17 =	vadd.f32 v21, v17;
	[tilespmem:v20+s23+$0x0] =	vst.idx.msk $0xffff, v18  }
0x157: {  	v18 =	vld [tilespmem:s30+$0x10480]  }
0x158: {  	[tilespmem:v23+s23+$0x0] =	vst.idx.msk $0xffff, v17;
	v17 =	vld [tilespmem:s30+$0x10490]  }
0x159: {  	v20 =	vld [tilespmem:s30+$0x104A0]  }
0x15a: {  	v19 =	vld [tilespmem:s30+$0xC400]  }
0x15b: {  	v21 =	vld [tilespmem:s30+$0xC410]  }
0x15c: {  	v22 =	vld [tilespmem:s30+$0x104B0]  }
0x15d: {  	v23 =	vld [tilespmem:s30+$0xC420];
	v9 =	vmul.f32 v18, v9;
	v10 =	vmul.f32 v17, v10  }
0x15e: {  	v17 =	vld [tilespmem:s30+$0x104C0]  }
0x15f: {  	v18 =	vld [tilespmem:s30+$0xC430];
	v9 =	vadd.f32 v10, v9;
	v10 =	vmul.f32 v20, v11  }
0x160: {  	v11 =	vmul.f32 v19, v2;
	v19 =	vmul.f32 v21, v1;
	v20 =	vld [tilespmem:s30+$0x104D0]  }
0x161: {  	v21 =	vld [tilespmem:s30+$0xC440];
	v9 =	vadd.f32 v10, v9;
	v10 =	vmul.f32 v22, v12  }
0x162: {  	v11 =	vadd.f32 v19, v11;
	v12 =	vmul.f32 v23, v4;
	v19 =	vld [tilespmem:s30+$0x104E0]  }
0x163: {  	v22 =	vld [tilespmem:s30+$0xC450];
	v9 =	vadd.f32 v10, v9;
	v10 =	vmul.f32 v17, v13  }
0x164: {  	v11 =	vadd.f32 v12, v11;
	v12 =	vmul.f32 v18, v5;
	v13 =	vld [tilespmem:s30+$0x104F0]  }
0x165: {  	v17 =	vld [tilespmem:s30+$0xC460];
	v14 =	vmul.f32 v20, v14;
	v10 =	vadd.f32 v10, v9  }
0x166: {  	s2 =	simm.s32 $0x100;
	v18 =	vld [tilespmem:s30+$0xC470];
	v11 =	vadd.f32 v12, v11;
	v12 =	vmul.f32 v21, v7  }
0x167: {  	s12 =	simm.s32 $0x1021;
	v20 =	vld [tilespmem:s2+$0x8490];
	v15 =	vmul.f32 v19, v15;
	v14 =	vadd.f32 v14, v10  }
0x168: {  	v9 =	vld [tilespmem:s2+$0x480];
	v21 =	vmul.f32 v22, v3;
	v11 =	vadd.f32 v12, v11;
	v12 =	vadd.s32 s12, v0  }
0x169: {  	v19 =	vld [tilespmem:s2+$0x8480];
	v13 =	vmul.f32 v13, v16;
	v14 =	vadd.f32 v15, v14  }
0x16a: {  	s11 =	simm.s32 $0x810;
	v10 =	vld [tilespmem:s2+$0x490];
	v30 =	vmul.f32 v17, v6;
	v28 =	vadd.f32 v21, v11  }
0x16b: {  	s1 =	simm.s32 $0x400;
	s0 =	simm.s32 $0x2;
	s10 =	simm.s32 $0x4;
	v27 =	vadd.s32 s11, v0;
	v29 =	vmul.f32 v18, v8;
	v11 =	vld [tilespmem:s2+$0x4A0];
	v13 =	vadd.f32 v13, v14  }
.LBB2_4:
0x16c: {  	p0 =	slt.u32 s10, $0x7E;
	v17 =	vld [tilespmem:s2+$0x84A0];
	v14 =	vadd.f32 v30, v28  }
0x16d: {  	v16 =	vld [tilespmem:s2+$0x4B0];
	[tilespmem:v12+s23+$0x0] =	vst.idx.msk $0xffff, v13  }
0x16e: {  	v13 =	vld [tilespmem:s2+$0x84B0];
	v12 =	vadd.f32 v29, v14  }
0x16f: {  	v18 =	vmul.f32 v19, v9;
	v15 =	vld [tilespmem:s2+$0x4C0];
	v19 =	vmul.f32 v20, v10  }
0x170: {  	v20 =	vld [tilespmem:s2+$0x84C0];
	[tilespmem:v27+s23+$0x0] =	vst.idx.msk $0xffff, v12  }
0x171: {  	v14 =	vld [tilespmem:s2+$0x4D0];
	v18 =	vadd.f32 v19, v18;
	v17 =	vmul.f32 v17, v11  }
0x172: {  	v19 =	vld [tilespmem:s2+$0x84D0]  }
0x173: {  	v12 =	vld [tilespmem:s2+$0x4E0];
	v17 =	vadd.f32 v17, v18;
	v18 =	vmul.f32 v13, v16  }
0x174: {  	v21 =	vld [tilespmem:s2+$0x84E0]  }
0x175: {  	v13 =	vld [tilespmem:s2+$0x4F0];
	v17 =	vadd.f32 v18, v17;
	v18 =	vmul.f32 v20, v15  }
0x176: {  	v20 =	vld [tilespmem:s2+$0x84F0]  }
0x177: {  	v22 =	vld [tilespmem:s2+$0x400];
	v17 =	vadd.f32 v18, v17;
	v18 =	vmul.f32 v19, v14  }
0x178: {  	v19 =	vld [tilespmem:s2+$0x410]  }
0x179: {  	s11 =	sadd.s32 $0x1, s0;
	v23 =	vld [tilespmem:s2+$0x8400];
	v17 =	vadd.f32 v18, v17;
	v18 =	vmul.f32 v21, v12  }
0x17a: {  	v24 =	vadd.s32 s11, v0;
	v21 =	vld [tilespmem:s2+$0x8410]  }
0x17b: {  	v25 =	vld [tilespmem:s2+$0x420];
	v17 =	vadd.f32 v18, v17;
	v18 =	vmul.f32 v20, v13  }
0x17c: {  	v20 =	vld [tilespmem:s2+$0x8420]  }
0x17d: {  	v26 =	vld [tilespmem:s2+$0x430];
	v17 =	vadd.f32 v18, v17  }
0x17e: {  	v18 =	vmul.f32 v23, v22;
	v23 =	vld [tilespmem:s2+$0x8430]  }
0x17f: {  	v27 =	vld [tilespmem:s2+$0x440];
	v21 =	vmul.f32 v21, v19;
	[tilespmem:v24+s23+$0x0] =	vst.idx.msk $0xffff, v17  }
0x180: {  	v17 =	vld [tilespmem:s2+$0xC480]  }
0x181: {  	v18 =	vadd.f32 v21, v18;
	v20 =	vmul.f32 v20, v25;
	v21 =	vld [tilespmem:s2+$0xC490]  }
0x182: {  	v24 =	vld [tilespmem:s2+$0x8440]  }
0x183: {  	v18 =	vadd.f32 v20, v18;
	v20 =	vmul.f32 v23, v26;
	v23 =	vld [tilespmem:s2+$0xC4A0]  }
0x184: {  	v28 =	vld [tilespmem:s2+$0x450]  }
0x185: {  	v18 =	vadd.f32 v20, v18;
	v20 =	vld [tilespmem:s2+$0xC4B0]  }
0x186: {  	v17 =	vmul.f32 v17, v9;
	v29 =	vld [tilespmem:s2+$0x8450];
	v21 =	vmul.f32 v21, v10  }
0x187: {  	v24 =	vmul.f32 v24, v27;
	v30 =	vld [tilespmem:s2+$0xC4C0]  }
0x188: {  	v31 =	vld [tilespmem:s2+$0x460];
	v17 =	vadd.f32 v21, v17;
	v21 =	vmul.f32 v23, v11  }
0x189: {  	v18 =	vadd.f32 v24, v18;
	v23 =	vld [tilespmem:s2+$0xC4D0]  }
0x18a: {  	v24 =	vld [tilespmem:s2+$0x8460];
	v17 =	vadd.f32 v21, v17;
	v20 =	vmul.f32 v20, v16  }
0x18b: {  	v21 =	vmul.f32 v29, v28;
	v29 =	vld [tilespmem:s2+$0xC4E0]  }
0x18c: {  	v32 =	vld [tilespmem:s2+$0x470];
	v17 =	vadd.f32 v20, v17;
	v20 =	vmul.f32 v30, v15  }
0x18d: {  	v18 =	vadd.f32 v21, v18;
	v21 =	vld [tilespmem:s2+$0xC4F0]  }
0x18e: {  	v30 =	vld [tilespmem:s2+$0x8470];
	v17 =	vadd.f32 v20, v17;
	v20 =	vmul.f32 v23, v14  }
0x18f: {  	v23 =	vmul.f32 v24, v31;
	v24 =	vld [tilespmem:s30+$0x10400]  }
0x190: {  	s11 =	sadd.s32 $0x811, s0;
	v17 =	vadd.f32 v20, v17;
	v20 =	vmul.f32 v29, v12;
	v29 =	vld [tilespmem:s30+$0x10410]  }
0x191: {  	v18 =	vadd.f32 v23, v18;
	v23 =	vadd.s32 s11, v0;
	v33 =	vld [tilespmem:s30+$0x10420]  }
0x192: {  	v34 =	vadd.s32 s0, v0;
	v17 =	vadd.f32 v20, v17;
	v20 =	vmul.f32 v21, v13;
	v21 =	vld [tilespmem:s30+$0x10430]  }
0x193: {  	v30 =	vmul.f32 v30, v32;
	v35 =	vld [tilespmem:s30+$0x10440]  }
0x194: {  	v17 =	vadd.f32 v20, v17;
	v20 =	vmul.f32 v24, v2;
	v24 =	vld [tilespmem:s30+$0x10450];
	v2 =	vmov v22  }
0x195: {  	v18 =	vadd.f32 v30, v18;
	v22 =	vmul.f32 v29, v1;
	v29 =	vld [tilespmem:s30+$0x10460];
	v1 =	vmov v19  }
0x196: {  	[tilespmem:v23+s23+$0x0] =	vst.idx.msk $0xffff, v17;
	v17 =	vmul.f32 v33, v4;
	v19 =	vld [tilespmem:s30+$0x10470];
	v4 =	vmov v25;
	s30 =	smov.u32 s2  }
0x197: {  	[tilespmem:v34+s23+$0x0] =	vst.idx.msk $0xffff, v18;
	v18 =	vld [tilespmem:s30+$0x10480];
	v20 =	vadd.f32 v22, v20;
	v21 =	vmul.f32 v21, v5;
	v5 =	vmov v26  }
0x198: {  	v22 =	vld [tilespmem:s30+$0x10490];
	v23 =	vmul.f32 v35, v7;
	v7 =	vmov v27  }
0x199: {  	v25 =	vld [tilespmem:s30+$0xC400];
	v17 =	vadd.f32 v17, v20;
	v20 =	vmul.f32 v24, v3;
	v3 =	vmov v28  }
0x19a: {  	v24 =	vld [tilespmem:s30+$0x104A0];
	v26 =	vmul.f32 v29, v6;
	v6 =	vmov v31  }
0x19b: {  	v27 =	vld [tilespmem:s30+$0xC410];
	v17 =	vadd.f32 v21, v17;
	v19 =	vmul.f32 v19, v8;
	v8 =	vmov v32  }
0x19c: {  	v21 =	vld [tilespmem:s30+$0x104B0]  }
0x19d: {  	v9 =	vmul.f32 v18, v9;
	v28 =	vld [tilespmem:s30+$0xC420];
	v10 =	vmul.f32 v22, v10;
	v17 =	vadd.f32 v23, v17  }
0x19e: {  	v18 =	vmul.f32 v25, v2;
	v22 =	vld [tilespmem:s30+$0x104C0]  }
0x19f: {  	s2 =	sadd.s32 $0x1020, s31;
	s31 =	smov.u32 s0;
	s0 =	smov.u32 s10;
	v23 =	vld [tilespmem:s30+$0xC430];
	v9 =	vadd.f32 v10, v9;
	v10 =	vmul.f32 v24, v11;
	v11 =	vadd.f32 v20, v17  }
0x1a0: {  	v24 =	vadd.s32 s2, v0;
	v17 =	vmul.f32 v27, v1;
	v20 =	vld [tilespmem:s30+$0x104D0]  }
0x1a1: {  	v25 =	vld [tilespmem:s30+$0xC440];
	v9 =	vadd.f32 v10, v9;
	v10 =	vmul.f32 v21, v16;
	v11 =	vadd.f32 v26, v11  }
0x1a2: {  	v16 =	vadd.f32 v17, v18;
	v17 =	vmul.f32 v28, v4;
	v18 =	vld [tilespmem:s30+$0x104E0]  }
0x1a3: {  	v21 =	vld [tilespmem:s30+$0xC450];
	v9 =	vadd.f32 v10, v9;
	v10 =	vmul.f32 v22, v15;
	v11 =	vadd.f32 v19, v11  }
0x1a4: {  	v15 =	vadd.f32 v17, v16;
	v16 =	vmul.f32 v23, v5;
	v17 =	vld [tilespmem:s30+$0x104F0]  }
0x1a5: {  	s1 =	sadd.s32 $0x400, s1;
	v22 =	vld [tilespmem:s30+$0xC460];
	v10 =	vadd.f32 v10, v9;
	v14 =	vmul.f32 v20, v14;
	[tilespmem:v24+s23+$0x0] =	vst.idx.msk $0xffff, v11  }
0x1a6: {  	s2 =	sshra.s32 s1, $0x2;
	v11 =	vadd.f32 v16, v15;
	v15 =	vmul.f32 v25, v7;
	v16 =	vld [tilespmem:s30+$0xC470]  }
.Ltmp1:
0x1a7: {  	s11 =	sadd.s32 $0x1021, s31;
	v9 =	vld [tilespmem:s2+$0x480];
	v14 =	vadd.f32 v14, v10;
	v18 =	vmul.f32 v18, v12;
	(pc) =	sbr.rel @p0 .LBB2_4-.Ltmp1, $4  }
0x1a8: {  	v12 =	vadd.s32 s11, v0;
	v10 =	vld [tilespmem:s2+$0x490];
	v11 =	vadd.f32 v15, v11;
	v15 =	vmul.f32 v21, v3  }
0x1a9: {  	v19 =	vld [tilespmem:s2+$0x8480];
	v14 =	vadd.f32 v18, v14;
	v13 =	vmul.f32 v17, v13  }
0x1aa: {  	s11 =	sadd.s32 $0x810, s31;
	v20 =	vld [tilespmem:s2+$0x8490];
	v28 =	vadd.f32 v15, v11;
	v30 =	vmul.f32 v22, v6  }
0x1ab: {  	s10 =	sadd.s32 $0x2, s10;
	v27 =	vadd.s32 s11, v0;
	v11 =	vld [tilespmem:s2+$0x4A0];
	v29 =	vmul.f32 v16, v8;
	v13 =	vadd.f32 v13, v14  }
0x1ac: {  	v21 =	vld [tilespmem:s2+$0x84A0]  }
0x1ad: {  	v18 =	vld [tilespmem:s2+$0x4B0]  }
0x1ae: {  	v31 =	vld [tilespmem:s2+$0x84B0]  }
0x1af: {  	v17 =	vld [tilespmem:s2+$0x4C0]  }
0x1b0: {  	v32 =	vld [tilespmem:s2+$0x84C0]  }
0x1b1: {  	v16 =	vld [tilespmem:s2+$0x4D0]  }
0x1b2: {  	v33 =	vld [tilespmem:s2+$0x84D0]  }
0x1b3: {  	v15 =	vld [tilespmem:s2+$0x4E0]  }
0x1b4: {  	v34 =	vld [tilespmem:s2+$0x84E0]  }
0x1b5: {  	v14 =	vld [tilespmem:s2+$0x4F0]  }
0x1b6: {  	v35 =	vld [tilespmem:s2+$0x84F0]  }
0x1b7: {  	v25 =	vld [tilespmem:s2+$0x400]  }
0x1b8: {  	v26 =	vld [tilespmem:s2+$0x410]  }
0x1b9: {  	v22 =	vld [tilespmem:s2+$0x8400]  }
0x1ba: {  	v36 =	vld [tilespmem:s2+$0x8410]  }
0x1bb: {  	v24 =	vld [tilespmem:s2+$0x420]  }
0x1bc: {  	v37 =	vld [tilespmem:s2+$0x8420];
	v19 =	vmul.f32 v19, v9;
	v20 =	vmul.f32 v20, v10  }
0x1bd: {  	v23 =	vld [tilespmem:s2+$0x430]  }
0x1be: {  	v38 =	vld [tilespmem:s2+$0x8430];
	v19 =	vadd.f32 v20, v19;
	v20 =	vmul.f32 v21, v11  }
0x1bf: {  	v61 =	vld [tilespmem:s2+$0x8440];
	v21 =	vmul.f32 v22, v25;
	v36 =	vmul.f32 v36, v26  }
0x1c0: {  	v22 =	vld [tilespmem:s2+$0x440];
	v19 =	vadd.f32 v20, v19;
	v20 =	vmul.f32 v31, v18  }
0x1c1: {  	v39 =	vld [tilespmem:s2+$0x8450];
	v37 =	vmul.f32 v37, v24;
	v36 =	vadd.f32 v36, v21  }
0x1c2: {  	v32 =	vmul.f32 v32, v17;
	v21 =	vld [tilespmem:s2+$0x450];
	v19 =	vadd.f32 v20, v19  }
0x1c3: {  	v63 =	vld [tilespmem:s2+$0x8460];
	v62 =	vmul.f32 v38, v23;
	v36 =	vadd.f32 v37, v36  }
0x1c4: {  	v33 =	vmul.f32 v33, v16;
	v20 =	vld [tilespmem:s2+$0x460];
	v32 =	vadd.f32 v32, v19  }
0x1c5: {  	v41 =	vld [tilespmem:s2+$0x8470];
	v31 =	vmul.f32 v61, v22;
	v36 =	vadd.f32 v62, v36  }
0x1c6: {  	s1 =	sadd.s32 $0x1, s0;
	v40 =	vmul.f32 v34, v15;
	v19 =	vld [tilespmem:s2+$0x470];
	v32 =	vadd.f32 v33, v32  }
0x1c7: {  	v42 =	vadd.s32 s1, v0;
	v43 =	vmul.f32 v39, v21;
	v31 =	vadd.f32 v31, v36  }
0x1c8: {  	v44 =	vmul.f32 v35, v14;
	v32 =	vadd.f32 v40, v32  }
0x1c9: {  	v45 =	vmul.f32 v63, v20;
	v31 =	vadd.f32 v43, v31  }
0x1ca: {  	v46 =	vadd.s32 s0, v0;
	v32 =	vadd.f32 v44, v32  }
0x1cb: {  	v34 =	vmul.f32 v41, v19;
	v31 =	vadd.f32 v45, v31  }
0x1cc: {  	[tilespmem:v42+s23+$0x0] =	vst.idx.msk $0xffff, v32  }
0x1cd: {  	v31 =	vadd.f32 v34, v31;
	v32 =	vld [tilespmem:s2+$0xC480]  }
0x1ce: {  	v47 =	vld [tilespmem:s2+$0xC490]  }
0x1cf: {  	v48 =	vld [tilespmem:s2+$0xC4A0];
	[tilespmem:v46+s23+$0x0] =	vst.idx.msk $0xffff, v31  }
0x1d0: {  	v31 =	vld [tilespmem:s2+$0xC400]  }
0x1d1: {  	v33 =	vld [tilespmem:s2+$0xC410]  }
0x1d2: {  	v49 =	vld [tilespmem:s2+$0xC4B0]  }
0x1d3: {  	v50 =	vld [tilespmem:s2+$0xC420]  }
0x1d4: {  	v51 =	vld [tilespmem:s2+$0xC4C0];
	v32 =	vmul.f32 v32, v9;
	v34 =	vmul.f32 v47, v10  }
0x1d5: {  	v53 =	vld [tilespmem:s2+$0xC430];
	v52 =	vmul.f32 v48, v11  }
0x1d6: {  	v54 =	vld [tilespmem:s2+$0xC4D0];
	v32 =	vadd.f32 v34, v32;
	v31 =	vmul.f32 v31, v25;
	v33 =	vmul.f32 v33, v26  }
0x1d7: {  	v28 =	vadd.f32 v30, v28;
	v57 =	vld [tilespmem:s2+$0xC440];
	v56 =	vmul.f32 v49, v18  }
0x1d8: {  	v58 =	vld [tilespmem:s2+$0xC4E0];
	v59 =	vmul.f32 v50, v24;
	v55 =	vadd.f32 v52, v32;
	v31 =	vadd.f32 v33, v31  }
0x1d9: {  	v28 =	vadd.f32 v29, v28;
	v62 =	vld [tilespmem:s2+$0xC450];
	v61 =	vmul.f32 v51, v17  }
0x1da: {  	v63 =	vld [tilespmem:s2+$0xC4F0];
	v40 =	vmul.f32 v53, v23;
	v60 =	vadd.f32 v56, v55;
	v31 =	vadd.f32 v59, v31  }
0x1db: {  	[tilespmem:v27+s23+$0x0] =	vst.idx.msk $0xffff, v28;
	v43 =	vld [tilespmem:s2+$0xC460];
	v42 =	vmul.f32 v54, v16  }
0x1dc: {  	v44 =	vld [tilespmem:s30+$0x10400];
	v45 =	vmul.f32 v57, v22;
	v41 =	vadd.f32 v61, v60;
	v31 =	vadd.f32 v40, v31  }
0x1dd: {  	v46 =	vmul.f32 v58, v15;
	v47 =	vld [tilespmem:s2+$0xC470]  }
0x1de: {  	s12 =	sadd.s32 $0x811, s0;
	v48 =	vld [tilespmem:s30+$0x10410];
	v32 =	vmul.f32 v62, v21;
	v27 =	vadd.f32 v42, v41;
	v31 =	vadd.f32 v45, v31  }
0x1df: {  	v49 =	vadd.s32 s12, v0;
	v51 =	vmul.f32 v63, v14;
	v50 =	vld [tilespmem:s30+$0x10420]  }
0x1e0: {  	s10 =	sadd.s32 $0x810, s0;
	v29 =	vmul.f32 v43, v20;
	v53 =	vld [tilespmem:s30+$0x10440];
	v27 =	vadd.f32 v46, v27;
	v31 =	vadd.f32 v32, v31  }
0x1e1: {  	v54 =	vadd.s32 s10, v0;
	v57 =	vld [tilespmem:s30+$0x10470]  }
0x1e2: {  	v52 =	vld [tilespmem:s30+$0x10430];
	v34 =	vmul.f32 v47, v19;
	v27 =	vadd.f32 v51, v27;
	v29 =	vadd.f32 v29, v31  }
0x1e3: {  	v55 =	vld [tilespmem:s30+$0x10450]  }
0x1e4: {  	v56 =	vld [tilespmem:s30+$0x10460];
	[tilespmem:v49+s23+$0x0] =	vst.idx.msk $0xffff, v27;
	v29 =	vadd.f32 v34, v29  }
0x1e5: {  	v33 =	vld [tilespmem:s2+$0x10480]  }
0x1e6: {  	v58 =	vld [tilespmem:s2+$0x10490];
	[tilespmem:v54+s23+$0x0] =	vst.idx.msk $0xffff, v29  }
0x1e7: {  	v29 =	vld [tilespmem:s2+$0x10400]  }
0x1e8: {  	v38 =	vld [tilespmem:s2+$0x10410]  }
0x1e9: {  	v2 =	vmul.f32 v44, v2;
	v1 =	vmul.f32 v48, v1;
	v59 =	vld [tilespmem:s2+$0x104A0]  }
0x1ea: {  	v60 =	vld [tilespmem:s2+$0x10420]  }
0x1eb: {  	v4 =	vmul.f32 v50, v4;
	v1 =	vadd.f32 v1, v2;
	v5 =	vmul.f32 v52, v5;
	v61 =	vld [tilespmem:s2+$0x104B0]  }
0x1ec: {  	v2 =	vmul.f32 v33, v9;
	v9 =	vmul.f32 v58, v10;
	v10 =	vld [tilespmem:s2+$0x10430]  }
0x1ed: {  	v1 =	vadd.f32 v4, v1;
	v62 =	vld [tilespmem:s2+$0x104C0];
	v25 =	vmul.f32 v29, v25;
	v26 =	vmul.f32 v38, v26  }
0x1ee: {  	v7 =	vmul.f32 v53, v7;
	v4 =	vmul.f32 v59, v11;
	v2 =	vadd.f32 v9, v2;
	v9 =	vld [tilespmem:s2+$0x10440]  }
0x1ef: {  	v1 =	vadd.f32 v5, v1;
	v11 =	vld [tilespmem:s2+$0x104D0];
	v24 =	vmul.f32 v60, v24;
	v25 =	vadd.f32 v26, v25  }
0x1f0: {  	v3 =	vmul.f32 v55, v3;
	v5 =	vld [tilespmem:s2+$0x10450];
	v2 =	vadd.f32 v4, v2;
	v4 =	vmul.f32 v61, v18  }
0x1f1: {  	v1 =	vadd.f32 v7, v1;
	v18 =	vld [tilespmem:s2+$0x104E0];
	v10 =	vmul.f32 v10, v23;
	v23 =	vadd.f32 v24, v25  }
0x1f2: {  	v6 =	vmul.f32 v56, v6;
	v7 =	vld [tilespmem:s2+$0x10460];
	v2 =	vadd.f32 v4, v2;
	v4 =	vmul.f32 v62, v17  }
0x1f3: {  	v1 =	vadd.f32 v3, v1;
	v17 =	vld [tilespmem:s2+$0x104F0];
	v9 =	vmul.f32 v9, v22;
	v10 =	vadd.f32 v10, v23  }
0x1f4: {  	v8 =	vmul.f32 v57, v8;
	v3 =	vmul.f32 v11, v16;
	v2 =	vadd.f32 v4, v2;
	v4 =	vld [tilespmem:s2+$0x10470]  }
0x1f5: {  	s11 =	sadd.s32 $0x1020, s31;
	v1 =	vadd.f32 v6, v1;
	v5 =	vmul.f32 v5, v21;
	v9 =	vadd.f32 v9, v10  }
0x1f6: {  	s12 =	sadd.s32 $0x1021, s0;
	v11 =	vadd.s32 s11, v0;
	v2 =	vadd.f32 v3, v2;
	v3 =	vmul.f32 v18, v15  }
0x1f7: {  	v6 =	vadd.s32 s12, v0;
	v7 =	vmul.f32 v7, v20;
	s2 =	sadd.s32 $0x1020, s0;
	v5 =	vadd.f32 v5, v9  }
0x1f8: {  	v2 =	vadd.f32 v3, v2;
	v3 =	vmul.f32 v17, v14;
	v9 =	vadd.s32 s2, v0  }
0x1f9: {  	v1 =	vadd.f32 v8, v1;
	v4 =	vmul.f32 v4, v19;
	v5 =	vadd.f32 v7, v5  }
0x1fa: {  	[tilespmem:v12+s23+$0x0] =	vst.idx.msk $0xffff, v13;
	v2 =	vadd.f32 v3, v2  }
0x1fb: {  	[tilespmem:v11+s23+$0x0] =	vst.idx.msk $0xffff, v1;
	v1 =	vadd.f32 v4, v5  }
0x1fc: {  	[tilespmem:v6+s23+$0x0] =	vst.idx.msk $0xffff, v2  }
0x1fd: {  	[tilespmem:v9+s23+$0x0] =	vst.idx.msk $0xffff, v1  }
0x1fe: {  	v30 =	vld [tilespmem:$0x1C400]  }
0x1ff: {  	v29 =	vld [tilespmem:$0x1C481]  }
0x200: {  	v31 =	vld [tilespmem:$0x1C502]  }
0x201: {  	v39 =	vld [tilespmem:$0x1C583]  }
0x202: {  	v46 =	vld [tilespmem:$0x1C604]  }
0x203: {  	v53 =	vld [tilespmem:$0x1C685]  }
0x204: {  	v63 =	vld [tilespmem:$0x1C97A]  }
0x205: {  	v1 =	vld [tilespmem:$0x1C706]  }
0x206: {  	v15 =	vld [tilespmem:$0x1C410]  }
0x207: {  	v13 =	vld [tilespmem:$0x1C491]  }
0x208: {  	v17 =	vld [tilespmem:$0x1C512]  }
0x209: {  	[tilespmem:$0x1F650] =	vst v63;
	v63 =	vld [tilespmem:$0x1CAFD]  }
0x20a: {  	v21 =	vld [tilespmem:$0x1C593]  }
0x20b: {  	v26 =	vld [tilespmem:$0x1C614]  }
0x20c: {  	v36 =	vld [tilespmem:$0x1C695]  }
0x20d: {  	v42 =	vld [tilespmem:$0x1C716]  }
0x20e: {  	[tilespmem:$0x1F710] =	vst v63;
	v63 =	vld [tilespmem:$0x1CC10]  }
0x20f: {  	v52 =	vld [tilespmem:$0x1C797]  }
0x210: {  	v59 =	vld [tilespmem:$0x1C818]  }
0x211: {  	v6 =	vld [tilespmem:$0x1C420]  }
0x212: {  	v5 =	vld [tilespmem:$0x1C4A1]  }
0x213: {  	[tilespmem:$0x1F770] =	vst v63;
	v63 =	vld [tilespmem:$0x1CD93]  }
0x214: {  	v8 =	vld [tilespmem:$0x1C522]  }
0x215: {  	[tilespmem:$0x1F330] =	vst v1;
	v1 =	vld [tilespmem:$0x1C787]  }
0x216: {  	v10 =	vld [tilespmem:$0x1C5A3]  }
0x217: {  	v16 =	vld [tilespmem:$0x1C624]  }
0x218: {  	[tilespmem:$0x1F800] =	vst v63;
	v63 =	vld [tilespmem:$0x1CF16]  }
0x219: {  	v20 =	vld [tilespmem:$0x1C6A5]  }
0x21a: {  	[tilespmem:$0x1F340] =	vst v1;
	v1 =	vld [tilespmem:$0x1C808]  }
0x21b: {  	v24 =	vld [tilespmem:$0x1C726]  }
0x21c: {  	v33 =	vld [tilespmem:$0x1C7A7]  }
0x21d: {  	[tilespmem:$0x1F8B0] =	vst v63;
	v63 =	vld [tilespmem:$0x1D099]  }
0x21e: {  	v38 =	vld [tilespmem:$0x1C828]  }
0x21f: {  	[tilespmem:$0x1F350] =	vst v1;
	v1 =	vld [tilespmem:$0x1C889]  }
0x220: {  	v48 =	vld [tilespmem:$0x1C8A9]  }
0x221: {  	v56 =	vld [tilespmem:$0x1C92A]  }
0x222: {  	[tilespmem:$0x1F970] =	vst v63;
	v63 =	vld [tilespmem:$0x1D21C]  }
0x223: {  	v12 =	vld [tilespmem:$0x1CB3E]  }
0x224: {  	[tilespmem:$0x1F360] =	vst v1;
	v1 =	vld [tilespmem:$0x1C90A]  }
0x225: {  	v2 =	vld [tilespmem:$0x1C430]  }
0x226: {  	v3 =	vld [tilespmem:$0x1C532]  }
0x227: {  	[tilespmem:$0x1FA30] =	vst v63;
	v63 =	vld [tilespmem:$0x1D39F]  }
0x228: {  	[tilespmem:$0x1F480] =	vst v12;
	v12 =	vld [tilespmem:$0x1CBBF]  }
0x229: {  	[tilespmem:$0x1F380] =	vst v1;
	v1 =	vld [tilespmem:$0x1C98B]  }
0x22a: {  	v4 =	vld [tilespmem:$0x1C5B3]  }
0x22b: {  	v7 =	vld [tilespmem:$0x1C634]  }
0x22c: {  	[tilespmem:$0x1FAF0] =	vst v63;
	v63 =	vld [tilespmem:$0x1CD22]  }
0x22d: {  	[tilespmem:$0x1F4C0] =	vst v12;
	v12 =	vld [tilespmem:$0x1C440]  }
0x22e: {  	[tilespmem:$0x1F3A0] =	vst v1;
	v1 =	vld [tilespmem:$0x1CA0C]  }
0x22f: {  	v9 =	vld [tilespmem:$0x1C6B5]  }
0x230: {  	v11 =	vld [tilespmem:$0x1C736]  }
0x231: {  	[tilespmem:$0x1F7F0] =	vst v63;
	v63 =	vld [tilespmem:$0x1CEA5]  }
0x232: {  	[tilespmem:$0x1F4A0] =	vst v12;
	v12 =	vld [tilespmem:$0x1C4C1]  }
0x233: {  	[tilespmem:$0x1F3C0] =	vst v1;
	v1 =	vld [tilespmem:$0x1CA8D]  }
0x234: {  	v18 =	vld [tilespmem:$0x1C7B7]  }
0x235: {  	v22 =	vld [tilespmem:$0x1C838]  }
0x236: {  	[tilespmem:$0x1F890] =	vst v63;
	v63 =	vld [tilespmem:$0x1D028]  }
0x237: {  	[tilespmem:$0x1F4B0] =	vst v12;
	v12 =	vld [tilespmem:$0x1C542]  }
0x238: {  	[tilespmem:$0x1F3F0] =	vst v1;
	v1 =	vld [tilespmem:$0x1CB0E]  }
0x239: {  	v27 =	vld [tilespmem:$0x1C8B9]  }
0x23a: {  	v35 =	vld [tilespmem:$0x1C93A]  }
0x23b: {  	[tilespmem:$0x1F950] =	vst v63;
	v63 =	vld [tilespmem:$0x1D1AB]  }
0x23c: {  	[tilespmem:$0x1F4D0] =	vst v12;
	v12 =	vld [tilespmem:$0x1C5C3]  }
0x23d: {  	[tilespmem:$0x1F420] =	vst v1;
	v1 =	vld [tilespmem:$0x1CB8F]  }
0x23e: {  	v41 =	vld [tilespmem:$0x1C9BB]  }
0x23f: {  	v50 =	vld [tilespmem:$0x1CA3C]  }
0x240: {  	[tilespmem:$0x1FA10] =	vst v63;
	v63 =	vld [tilespmem:$0x1D32E]  }
0x241: {  	[tilespmem:$0x1F4E0] =	vst v12;
	v12 =	vld [tilespmem:$0x1C644]  }
0x242: {  	[tilespmem:$0x1F450] =	vst v1;
	v1 =	vld [tilespmem:$0x1C899]  }
0x243: {  	v58 =	vld [tilespmem:$0x1CABD]  }
0x244: {  	v49 =	vld [tilespmem:$0x1C450]  }
0x245: {  	[tilespmem:$0x1FAD0] =	vst v63;
	v63 =	vld [tilespmem:$0x1CCB1]  }
0x246: {  	[tilespmem:$0x1F4F0] =	vst v12;
	v12 =	vld [tilespmem:$0x1C6C5]  }
0x247: {  	[tilespmem:$0x1F370] =	vst v1;
	v1 =	vld [tilespmem:$0x1C91A]  }
0x248: {  	v45 =	vld [tilespmem:$0x1C4D1]  }
0x249: {  	v55 =	vld [tilespmem:$0x1C552]  }
0x24a: {  	[tilespmem:$0x1F7E0] =	vst v63;
	v63 =	vld [tilespmem:$0x1CE34]  }
0x24b: {  	[tilespmem:$0x1F510] =	vst v12;
	v12 =	vld [tilespmem:$0x1C746]  }
0x24c: {  	[tilespmem:$0x1F390] =	vst v1;
	v1 =	vld [tilespmem:$0x1C99B]  }
0x24d: {  	v44 =	vld [tilespmem:$0x1C5D3]  }
0x24e: {  	v28 =	vld [tilespmem:$0x1C460]  }
0x24f: {  	[tilespmem:$0x1F880] =	vst v63;
	v63 =	vld [tilespmem:$0x1CFB7]  }
0x250: {  	[tilespmem:$0x1F530] =	vst v12;
	v12 =	vld [tilespmem:$0x1C7C7]  }
0x251: {  	[tilespmem:$0x1F3B0] =	vst v1;
	v1 =	vld [tilespmem:$0x1CA1C]  }
0x252: {  	v25 =	vld [tilespmem:$0x1C4E1]  }
0x253: {  	v34 =	vld [tilespmem:$0x1C562]  }
0x254: {  	[tilespmem:$0x1F940] =	vst v63;
	v63 =	vld [tilespmem:$0x1D13A]  }
0x255: {  	[tilespmem:$0x1F550] =	vst v12;
	v12 =	vld [tilespmem:$0x1C848]  }
0x256: {  	[tilespmem:$0x1F3E0] =	vst v1;
	v1 =	vld [tilespmem:$0x1CA9D]  }
0x257: {  	v40 =	vld [tilespmem:$0x1C5E3]  }
0x258: {  	v51 =	vld [tilespmem:$0x1C664]  }
0x259: {  	[tilespmem:$0x1FA00] =	vst v63;
	v63 =	vld [tilespmem:$0x1D2BD]  }
0x25a: {  	[tilespmem:$0x1F580] =	vst v12;
	v12 =	vld [tilespmem:$0x1C8C9]  }
0x25b: {  	[tilespmem:$0x1F410] =	vst v1;
	v1 =	vld [tilespmem:$0x1CB1E]  }
0x25c: {  	v60 =	vld [tilespmem:$0x1C6E5]  }
0x25d: {  	v14 =	vld [tilespmem:$0x1C470]  }
0x25e: {  	[tilespmem:$0x1FAC0] =	vst v63;
	v63 =	vld [tilespmem:$0x1CDC3]  }
0x25f: {  	[tilespmem:$0x1F5B0] =	vst v12;
	v12 =	vld [tilespmem:$0x1C94A]  }
0x260: {  	[tilespmem:$0x1F440] =	vst v1;
	v1 =	vld [tilespmem:$0x1CB9F]  }
0x261: {  	v19 =	vld [tilespmem:$0x1C572]  }
0x262: {  	v23 =	vld [tilespmem:$0x1C5F3]  }
0x263: {  	[tilespmem:$0x1F860] =	vst v63;
	v63 =	vld [tilespmem:$0x1CE44]  }
0x264: {  	[tilespmem:$0x1F5E0] =	vst v12;
	v12 =	vld [tilespmem:$0x1C9CB]  }
0x265: {  	[tilespmem:$0x1F470] =	vst v1;
	v1 =	vld [tilespmem:$0x1C9AB]  }
0x266: {  	v32 =	vld [tilespmem:$0x1C674]  }
0x267: {  	v37 =	vld [tilespmem:$0x1C6F5]  }
0x268: {  	[tilespmem:$0x1F8A0] =	vst v63;
	v63 =	vld [tilespmem:$0x1CEC5]  }
0x269: {  	[tilespmem:$0x1F620] =	vst v12;
	v12 =	vld [tilespmem:$0x1CA4C]  }
0x26a: {  	[tilespmem:$0x1F3D0] =	vst v1;
	v1 =	vld [tilespmem:$0x1CA2C]  }
0x26b: {  	v43 =	vld [tilespmem:$0x1C776]  }
0x26c: {  	v54 =	vld [tilespmem:$0x1C7F7]  }
0x26d: {  	[tilespmem:$0x1F8E0] =	vst v63;
	v63 =	vld [tilespmem:$0x1CF46]  }
0x26e: {  	[tilespmem:$0x1F660] =	vst v12;
	v12 =	vld [tilespmem:$0x1CACD]  }
0x26f: {  	[tilespmem:$0x1F400] =	vst v1;
	v1 =	vld [tilespmem:$0x1CAAD]  }
0x270: {  	v62 =	vld [tilespmem:$0x1C878]  }
0x271: {  	v47 =	vld [tilespmem:$0x1C8F9]  }
0x272: {  	[tilespmem:$0x1F920] =	vst v63;
	v63 =	vld [tilespmem:$0x1CFC7]  }
0x273: {  	[tilespmem:$0x1F6A0] =	vst v12;
	v12 =	vld [tilespmem:$0x1CB4E]  }
0x274: {  	[tilespmem:$0x1F430] =	vst v1;
	v1 =	vld [tilespmem:$0x1CB2E]  }
0x275: {  	v57 =	vld [tilespmem:$0x1C9FB]  }
0x276: {  	v61 =	vld [tilespmem:$0x1CA7C]  }
0x277: {  	[tilespmem:$0x1F960] =	vst v63;
	v63 =	vld [tilespmem:$0x1D048]  }
0x278: {  	[tilespmem:$0x1F6E0] =	vst v12;
	v12 =	vld [tilespmem:$0x1CBCF]  }
0x279: {  	[tilespmem:$0x1F460] =	vst v1;
	v1 =	vld [tilespmem:$0x1CBAF]  }
0x27a: {  	[tilespmem:$0x1F690] =	vst v57;
	v57 =	vld [tilespmem:$0x1CB7E]  }
0x27b: {  	[tilespmem:$0x1F6D0] =	vst v61;
	v61 =	vld [tilespmem:$0x1CBFF]  }
0x27c: {  	[tilespmem:$0x1F9A0] =	vst v63;
	v63 =	vld [tilespmem:$0x1D0C9]  }
0x27d: {  	[tilespmem:$0x1F720] =	vst v12;
	v12 =	vld [tilespmem:$0x1C654]  }
0x27e: {  	[tilespmem:$0x1F490] =	vst v1;
	v1 =	vld [tilespmem:$0x1C4B1]  }
0x27f: {  	[tilespmem:$0x1F610] =	vst v47;
	v47 =	vld [tilespmem:$0x1CC40]  }
0x280: {  	v13 =	vadd.f32 v13, v15;
	v15 =	vld [tilespmem:$0x1CC60]  }
0x281: {  	[tilespmem:$0x1F9E0] =	vst v63;
	v63 =	vld [tilespmem:$0x1D14A]  }
0x282: {  	v5 =	vadd.f32 v5, v6;
	v6 =	vld [tilespmem:$0x1CCE1]  }
0x283: {  	[tilespmem:$0x1F500] =	vst v12;
	v12 =	vld [tilespmem:$0x1C6D5];
	v1 =	vadd.f32 v1, v2  }
0x284: {  	v5 =	vadd.f32 v8, v5;
	v8 =	vld [tilespmem:$0x1CDE3]  }
0x285: {  	[tilespmem:$0x1F750] =	vst v57;
	v1 =	vadd.f32 v3, v1;
	v3 =	vld [tilespmem:$0x1CE64]  }
0x286: {  	[tilespmem:$0x1FA20] =	vst v63;
	v63 =	vld [tilespmem:$0x1D1CB]  }
0x287: {  	[tilespmem:$0x1F790] =	vst v61;
	v57 =	vld [tilespmem:$0x1CC91]  }
0x288: {  	[tilespmem:$0x1F520] =	vst v12;
	v12 =	vld [tilespmem:$0x1C756]  }
0x289: {  	[tilespmem:$0x1FB80] =	vst v6;
	v2 =	vld [tilespmem:$0x1CD62]  }
0x28a: {  	[tilespmem:$0x1FBE0] =	vst v3;
	v3 =	vadd.f32 v10, v5;
	v5 =	vld [tilespmem:$0x1CEE5]  }
0x28b: {  	v6 =	vadd.f32 v17, v13;
	[tilespmem:$0x1FA60] =	vst v63;
	v63 =	vld [tilespmem:$0x1D24C]  }
0x28c: {  	v29 =	vadd.f32 v29, v30;
	[tilespmem:$0x1FB70] =	vst v15;
	v1 =	vadd.f32 v4, v1;
	v4 =	vld [tilespmem:$0x1CF66]  }
0x28d: {  	v61 =	vld [tilespmem:$0x1CD12];
	v6 =	vadd.f32 v21, v6;
	[tilespmem:$0x1F540] =	vst v12  }
0x28e: {  	v15 =	vadd.f32 v31, v29;
	v13 =	vld [tilespmem:$0x1D36E];
	[tilespmem:$0x1FBA0] =	vst v2  }
0x28f: {  	v12 =	vld [tilespmem:$0x1C7D7];
	[tilespmem:$0x1FC10] =	vst v5;
	v5 =	vadd.f32 v26, v6  }
0x290: {  	v2 =	vadd.f32 v39, v15;
	[tilespmem:$0x1FAA0] =	vst v63;
	v63 =	vld [tilespmem:$0x1D2CD]  }
0x291: {  	[tilespmem:$0x1FC40] =	vst v4;
	v4 =	vadd.f32 v36, v5;
	v5 =	vld [tilespmem:$0x1F330]  }
0x292: {  	v17 =	vld [tilespmem:$0x1CC70];
	v2 =	vadd.f32 v46, v2  }
0x293: {  	[tilespmem:$0x1FBC0] =	vst v8;
	v8 =	vld [tilespmem:$0x1D0E9]  }
0x294: {  	[tilespmem:$0x1F570] =	vst v12;
	v12 =	vld [tilespmem:$0x1C858];
	v2 =	vadd.f32 v53, v2  }
0x295: {  	[tilespmem:$0x1FAE0] =	vst v63;
	v63 =	vld [tilespmem:$0x1D34E]  }
0x296: {  	v2 =	vadd.f32 v5, v2;
	v5 =	vld [tilespmem:$0x1D16A]  }
0x297: {  	[tilespmem:$0x1F7C0] =	vst v61;
	v61 =	vld [tilespmem:$0x1CE95]  }
0x298: {  	[tilespmem:$0x1F780] =	vst v57;
	v57 =	vld [tilespmem:$0x1CE14]  }
0x299: {  	[tilespmem:$0x1F5A0] =	vst v12;
	v12 =	vld [tilespmem:$0x1C8D9]  }
0x29a: {  	[tilespmem:$0x1FB20] =	vst v63;
	v63 =	vld [tilespmem:$0x1D3CF]  }
0x29b: {  	[tilespmem:$0x1FCD0] =	vst v5;
	v5 =	vld [tilespmem:$0x1F340]  }
0x29c: {  	[tilespmem:$0x1F870] =	vst v61;
	v61 =	vld [tilespmem:$0x1D018]  }
0x29d: {  	[tilespmem:$0x1F830] =	vst v57;
	v57 =	vld [tilespmem:$0x1CF97]  }
0x29e: {  	[tilespmem:$0x1F5D0] =	vst v12;
	v12 =	vld [tilespmem:$0x1C95A]  }
0x29f: {  	[tilespmem:$0x1FB60] =	vst v63;
	v63 =	vld [tilespmem:$0x1CC50]  }
0x2a0: {  	v2 =	vadd.f32 v5, v2;
	v5 =	vld [tilespmem:$0x1D1EB]  }
0x2a1: {  	[tilespmem:$0x1F930] =	vst v61;
	v61 =	vld [tilespmem:$0x1D19B]  }
0x2a2: {  	[tilespmem:$0x1F8F0] =	vst v57;
	v57 =	vld [tilespmem:$0x1D11A]  }
0x2a3: {  	[tilespmem:$0x1F600] =	vst v12;
	v12 =	vld [tilespmem:$0x1C9DB]  }
0x2a4: {  	[tilespmem:$0x1FB40] =	vst v63;
	v63 =	vld [tilespmem:$0x1CCD1]  }
0x2a5: {  	[tilespmem:$0x1FD00] =	vst v5;
	v5 =	vld [tilespmem:$0x1D26C]  }
0x2a6: {  	[tilespmem:$0x1F9F0] =	vst v61;
	v61 =	vld [tilespmem:$0x1D31E]  }
0x2a7: {  	[tilespmem:$0x1F9B0] =	vst v57;
	v57 =	vld [tilespmem:$0x1D29D]  }
0x2a8: {  	[tilespmem:$0x1F640] =	vst v12;
	v12 =	vld [tilespmem:$0x1CA5C]  }
0x2a9: {  	[tilespmem:$0x1FB50] =	vst v63;
	v63 =	vld [tilespmem:$0x1CD52]  }
0x2aa: {  	[tilespmem:$0x1FD30] =	vst v5;
	v5 =	vld [tilespmem:$0x1F350]  }
0x2ab: {  	[tilespmem:$0x1FAB0] =	vst v61;
	v61 =	vld [tilespmem:$0x1CCA1]  }
0x2ac: {  	[tilespmem:$0x1FA70] =	vst v57;
	v57 =	vld [tilespmem:$0x1CC20]  }
0x2ad: {  	[tilespmem:$0x1F680] =	vst v12;
	v12 =	vld [tilespmem:$0x1CADD]  }
0x2ae: {  	[tilespmem:$0x1FB90] =	vst v63;
	v63 =	vld [tilespmem:$0x1CDD3]  }
0x2af: {  	v2 =	vadd.f32 v5, v2;
	v5 =	vld [tilespmem:$0x1D2ED]  }
0x2b0: {  	[tilespmem:$0x1F7B0] =	vst v61;
	v61 =	vld [tilespmem:$0x1CE24]  }
0x2b1: {  	[tilespmem:$0x1F7A0] =	vst v57;
	v57 =	vld [tilespmem:$0x1CDA3]  }
0x2b2: {  	[tilespmem:$0x1F6C0] =	vst v12;
	v12 =	vld [tilespmem:$0x1CB5E]  }
0x2b3: {  	[tilespmem:$0x1FBB0] =	vst v63;
	v63 =	vld [tilespmem:$0x1CE54]  }
0x2b4: {  	[tilespmem:$0x1FD60] =	vst v5;
	v5 =	vld [tilespmem:$0x1F360]  }
0x2b5: {  	[tilespmem:$0x1F850] =	vst v61;
	v61 =	vld [tilespmem:$0x1CFA7]  }
0x2b6: {  	[tilespmem:$0x1F820] =	vst v57;
	v57 =	vld [tilespmem:$0x1CF26]  }
0x2b7: {  	[tilespmem:$0x1F700] =	vst v12;
	v12 =	vld [tilespmem:$0x1CBDF]  }
0x2b8: {  	[tilespmem:$0x1FBD0] =	vst v63;
	v63 =	vld [tilespmem:$0x1CED5]  }
0x2b9: {  	v2 =	vadd.f32 v5, v2;
	v5 =	vld [tilespmem:$0x1D3EF]  }
0x2ba: {  	[tilespmem:$0x1F910] =	vst v61;
	v61 =	vld [tilespmem:$0x1D12A]  }
0x2bb: {  	[tilespmem:$0x1F8D0] =	vst v57;
	v57 =	vld [tilespmem:$0x1D0A9]  }
0x2bc: {  	[tilespmem:$0x1F740] =	vst v12;
	v12 =	vld [tilespmem:$0x1C766]  }
0x2bd: {  	v4 =	vadd.f32 v42, v4;
	[tilespmem:$0x1FBF0] =	vst v63;
	v63 =	vld [tilespmem:$0x1CF56]  }
0x2be: {  	[tilespmem:$0x1FDB0] =	vst v5;
	v5 =	vld [tilespmem:$0x1F370]  }
0x2bf: {  	[tilespmem:$0x1F9D0] =	vst v61;
	v61 =	vld [tilespmem:$0x1D2AD];
	v4 =	vadd.f32 v52, v4  }
0x2c0: {  	[tilespmem:$0x1F990] =	vst v57;
	v57 =	vld [tilespmem:$0x1D22C]  }
0x2c1: {  	v4 =	vadd.f32 v59, v4;
	[tilespmem:$0x1F560] =	vst v12;
	v12 =	vld [tilespmem:$0x1C7E7]  }
0x2c2: {  	[tilespmem:$0x1FC20] =	vst v63;
	v63 =	vld [tilespmem:$0x1CFD7]  }
0x2c3: {  	v4 =	vadd.f32 v5, v4;
	v5 =	vld [tilespmem:$0x1F380]  }
0x2c4: {  	[tilespmem:$0x1FA90] =	vst v61;
	v61 =	vld [tilespmem:$0x1CC30]  }
0x2c5: {  	[tilespmem:$0x1FA50] =	vst v57;
	v57 =	vld [tilespmem:$0x1D3AF]  }
0x2c6: {  	[tilespmem:$0x1F590] =	vst v12;
	v12 =	vld [tilespmem:$0x1C868]  }
0x2c7: {  	[tilespmem:$0x1FC50] =	vst v63;
	v63 =	vld [tilespmem:$0x1D058]  }
0x2c8: {  	v2 =	vadd.f32 v5, v2;
	v5 =	vld [tilespmem:$0x1F390]  }
0x2c9: {  	[tilespmem:$0x1F7D0] =	vst v61;
	v61 =	vld [tilespmem:$0x1CDB3]  }
0x2ca: {  	[tilespmem:$0x1FB10] =	vst v57;
	v57 =	vld [tilespmem:$0x1CD32]  }
0x2cb: {  	[tilespmem:$0x1F5C0] =	vst v12;
	v12 =	vld [tilespmem:$0x1C8E9]  }
0x2cc: {  	[tilespmem:$0x1FC70] =	vst v63;
	v63 =	vld [tilespmem:$0x1D0D9]  }
0x2cd: {  	v4 =	vadd.f32 v5, v4;
	v5 =	vld [tilespmem:$0x1F3A0]  }
0x2ce: {  	[tilespmem:$0x1F840] =	vst v61;
	v61 =	vld [tilespmem:$0x1CF36]  }
0x2cf: {  	[tilespmem:$0x1F810] =	vst v57;
	v57 =	vld [tilespmem:$0x1CEB5]  }
0x2d0: {  	[tilespmem:$0x1F5F0] =	vst v12;
	v12 =	vld [tilespmem:$0x1C96A]  }
0x2d1: {  	[tilespmem:$0x1FC90] =	vst v63;
	v63 =	vld [tilespmem:$0x1D15A]  }
0x2d2: {  	v2 =	vadd.f32 v5, v2;
	v5 =	vld [tilespmem:$0x1F3B0]  }
0x2d3: {  	[tilespmem:$0x1F900] =	vst v61;
	v61 =	vld [tilespmem:$0x1D0B9]  }
0x2d4: {  	[tilespmem:$0x1F8C0] =	vst v57;
	v57 =	vld [tilespmem:$0x1D038]  }
0x2d5: {  	[tilespmem:$0x1F630] =	vst v12;
	v12 =	vld [tilespmem:$0x1C9EB]  }
0x2d6: {  	[tilespmem:$0x1FCB0] =	vst v63;
	v63 =	vld [tilespmem:$0x1D1DB]  }
0x2d7: {  	v4 =	vadd.f32 v5, v4;
	v5 =	vld [tilespmem:$0x1CE74]  }
0x2d8: {  	[tilespmem:$0x1F9C0] =	vst v61;
	v61 =	vld [tilespmem:$0x1D23C];
	v3 =	vadd.f32 v16, v3  }
0x2d9: {  	[tilespmem:$0x1F980] =	vst v57;
	v57 =	vld [tilespmem:$0x1D1BB]  }
0x2da: {  	v3 =	vadd.f32 v20, v3;
	[tilespmem:$0x1F670] =	vst v12;
	v12 =	vld [tilespmem:$0x1CA6C]  }
0x2db: {  	[tilespmem:$0x1FCE0] =	vst v63;
	v63 =	vld [tilespmem:$0x1D25C]  }
0x2dc: {  	v3 =	vadd.f32 v24, v3;
	[tilespmem:$0x1FC00] =	vst v5;
	v5 =	vld [tilespmem:$0x1F3C0]  }
0x2dd: {  	[tilespmem:$0x1FA80] =	vst v61;
	v61 =	vld [tilespmem:$0x1D3BF]  }
0x2de: {  	[tilespmem:$0x1FA40] =	vst v57;
	v57 =	vld [tilespmem:$0x1D33E];
	v3 =	vadd.f32 v33, v3  }
0x2df: {  	[tilespmem:$0x1F6B0] =	vst v12;
	v12 =	vld [tilespmem:$0x1CAED]  }
0x2e0: {  	v3 =	vadd.f32 v38, v3;
	[tilespmem:$0x1FD10] =	vst v63;
	v63 =	vld [tilespmem:$0x1D2DD]  }
0x2e1: {  	v2 =	vadd.f32 v5, v2;
	v5 =	vld [tilespmem:$0x1F3D0]  }
0x2e2: {  	[tilespmem:$0x1FB30] =	vst v61;
	v61 =	vld [tilespmem:$0x1CCC1];
	v3 =	vadd.f32 v48, v3  }
0x2e3: {  	[tilespmem:$0x1FB00] =	vst v57;
	v57 =	vld [tilespmem:$0x1CD42]  }
0x2e4: {  	v3 =	vadd.f32 v56, v3;
	[tilespmem:$0x1F6F0] =	vst v12;
	v12 =	vld [tilespmem:$0x1CB6E]  }
0x2e5: {  	[tilespmem:$0x1FD40] =	vst v63;
	v63 =	vld [tilespmem:$0x1D35E]  }
0x2e6: {  	v3 =	vadd.f32 v5, v3;
	v5 =	vld [tilespmem:$0x1CEF5]  }
0x2e7: {  	v1 =	vadd.f32 v7, v1;
	v7 =	vld [tilespmem:$0x1D068]  }
0x2e8: {  	v53 =	vld [tilespmem:$0x1CCF1]  }
0x2e9: {  	[tilespmem:$0x1F730] =	vst v12;
	v12 =	vld [tilespmem:$0x1CBEF]  }
0x2ea: {  	[tilespmem:$0x1FD70] =	vst v63;
	v63 =	vld [tilespmem:$0x1D3DF]  }
0x2eb: {  	[tilespmem:$0x1FC30] =	vst v5;
	v5 =	vld [tilespmem:$0x1F3E0]  }
0x2ec: {  	v6 =	vld [tilespmem:$0x1CFE7]  }
0x2ed: {  	v26 =	vld [tilespmem:$0x1CDF3]  }
0x2ee: {  	v38 =	vld [tilespmem:$0x1CD72];
	[tilespmem:$0x1F760] =	vst v12  }
0x2ef: {  	v12 =	vld [tilespmem:$0x1C4F1];
	[tilespmem:$0x1FD90] =	vst v63  }
0x2f0: {  	v4 =	vadd.f32 v5, v4;
	v5 =	vld [tilespmem:$0x1CF76];
	_ =	sdelay $0x4  }
0x2f1: {  	[tilespmem:$0x1FC60] =	vst v5;
	v5 =	vld [tilespmem:$0x1F3F0];
	_ =	sdelay $0x4  }
0x2f2: {  	v2 =	vadd.f32 v5, v2;
	v5 =	vld [tilespmem:$0x1F400];
	_ =	sdelay $0x4  }
0x2f3: {  	v3 =	vadd.f32 v5, v3;
	v5 =	vld [tilespmem:$0x1CFF7];
	_ =	sdelay $0x4  }
0x2f4: {  	[tilespmem:$0x1FC80] =	vst v5;
	v5 =	vld [tilespmem:$0x1F410];
	_ =	sdelay $0x4  }
0x2f5: {  	v4 =	vadd.f32 v5, v4;
	v5 =	vld [tilespmem:$0x1D078];
	_ =	sdelay $0x4  }
0x2f6: {  	[tilespmem:$0x1FCA0] =	vst v5;
	v5 =	vld [tilespmem:$0x1F420];
	_ =	sdelay $0x4  }
0x2f7: {  	v2 =	vadd.f32 v5, v2;
	v5 =	vld [tilespmem:$0x1F430];
	_ =	sdelay $0x4  }
0x2f8: {  	v3 =	vadd.f32 v5, v3;
	v5 =	vld [tilespmem:$0x1D0F9];
	_ =	sdelay $0x4  }
0x2f9: {  	[tilespmem:$0x1FCC0] =	vst v5;
	v5 =	vld [tilespmem:$0x1F440];
	_ =	sdelay $0x4  }
0x2fa: {  	v4 =	vadd.f32 v5, v4;
	v5 =	vld [tilespmem:$0x1D17A];
	_ =	sdelay $0x4  }
0x2fb: {  	[tilespmem:$0x1FCF0] =	vst v5;
	v5 =	vld [tilespmem:$0x1F450];
	_ =	sdelay $0x4  }
0x2fc: {  	v2 =	vadd.f32 v5, v2;
	_ =	sdelay $0x1  }
0x2fd: {  	[tilespmem:$0x1FEB0] =	vst v2;
	v2 =	vld [tilespmem:$0x1F460];
	_ =	sdelay $0x3  }
0x2fe: {  	v1 =	vadd.f32 v9, v1  }
0x2ff: {  	v2 =	vadd.f32 v2, v3;
	v3 =	vld [tilespmem:$0x1D1FB]  }
0x300: {  	v1 =	vadd.f32 v11, v1;
	_ =	sdelay $0x1  }
0x301: {  	v1 =	vadd.f32 v18, v1;
	_ =	sdelay $0x1  }
0x302: {  	v1 =	vadd.f32 v22, v1;
	[tilespmem:$0x1FD20] =	vst v3;
	v3 =	vld [tilespmem:$0x1F470];
	_ =	sdelay $0x1  }
0x303: {  	v1 =	vadd.f32 v27, v1;
	_ =	sdelay $0x1  }
0x304: {  	v1 =	vadd.f32 v35, v1  }
0x305: {  	v3 =	vadd.f32 v3, v4  }
0x306: {  	v1 =	vadd.f32 v41, v1  }
0x307: {  	[tilespmem:$0x1FEC0] =	vst v3;
	v3 =	vld [tilespmem:$0x1F480]  }
0x308: {  	v1 =	vadd.f32 v50, v1;
	_ =	sdelay $0x1  }
0x309: {  	v1 =	vadd.f32 v58, v1;
	_ =	sdelay $0x1  }
0x30a: {  	v1 =	vadd.f32 v3, v1;
	v3 =	vld [tilespmem:$0x1D27C];
	_ =	sdelay $0x4  }
0x30b: {  	[tilespmem:$0x1FD50] =	vst v3;
	v3 =	vld [tilespmem:$0x1F490];
	_ =	sdelay $0x4  }
0x30c: {  	v2 =	vadd.f32 v3, v2  }
0x30d: {  	v3 =	vld [tilespmem:$0x1F4B0]  }
0x30e: {  	[tilespmem:$0x1FED0] =	vst v2;
	v2 =	vld [tilespmem:$0x1F4A0];
	_ =	sdelay $0x4  }
0x30f: {  	v2 =	vadd.f32 v3, v2;
	v3 =	vld [tilespmem:$0x1D2FD];
	_ =	sdelay $0x4  }
0x310: {  	[tilespmem:$0x1FD80] =	vst v3;
	v3 =	vld [tilespmem:$0x1F4C0];
	_ =	sdelay $0x4  }
0x311: {  	v1 =	vadd.f32 v3, v1;
	v3 =	vld [tilespmem:$0x1D37E];
	_ =	sdelay $0x4  }
0x312: {  	[tilespmem:$0x1FDA0] =	vst v3;
	v3 =	vld [tilespmem:$0x1F4D0];
	_ =	sdelay $0x1  }
0x313: {  	v5 =	vld [tilespmem:$0x1F4E0];
	_ =	sdelay $0x2  }
0x314: {  	v2 =	vadd.f32 v3, v2;
	_ =	sdelay $0x1  }
0x315: {  	v2 =	vadd.f32 v5, v2;
	v5 =	vld [tilespmem:$0x1F4F0];
	_ =	sdelay $0x3  }
0x316: {  	[tilespmem:$0x1FEE0] =	vst v1;
	v1 =	vadd.f32 v45, v49  }
0x317: {  	v2 =	vadd.f32 v5, v2;
	v5 =	vld [tilespmem:$0x1F500]  }
0x318: {  	v1 =	vadd.f32 v55, v1;
	_ =	sdelay $0x1  }
0x319: {  	v1 =	vadd.f32 v44, v1;
	_ =	sdelay $0x1  }
0x31a: {  	v1 =	vadd.f32 v5, v1;
	v5 =	vld [tilespmem:$0x1F510];
	_ =	sdelay $0x4  }
0x31b: {  	v2 =	vadd.f32 v5, v2;
	v5 =	vld [tilespmem:$0x1F520];
	_ =	sdelay $0x4  }
0x31c: {  	v1 =	vadd.f32 v5, v1;
	v5 =	vld [tilespmem:$0x1F530];
	_ =	sdelay $0x4  }
0x31d: {  	v2 =	vadd.f32 v5, v2;
	v5 =	vld [tilespmem:$0x1F540];
	_ =	sdelay $0x4  }
0x31e: {  	v3 =	vadd.f32 v25, v28;
	v1 =	vadd.f32 v5, v1;
	v5 =	vld [tilespmem:$0x1F550];
	_ =	sdelay $0x1  }
0x31f: {  	v3 =	vadd.f32 v34, v3;
	_ =	sdelay $0x1  }
0x320: {  	v3 =	vadd.f32 v40, v3  }
0x321: {  	v2 =	vadd.f32 v5, v2;
	v5 =	vld [tilespmem:$0x1F560]  }
0x322: {  	v3 =	vadd.f32 v51, v3;
	_ =	sdelay $0x1  }
0x323: {  	v3 =	vadd.f32 v60, v3;
	_ =	sdelay $0x1  }
0x324: {  	v3 =	vadd.f32 v5, v3;
	v5 =	vld [tilespmem:$0x1F570];
	_ =	sdelay $0x4  }
0x325: {  	v1 =	vadd.f32 v5, v1;
	v5 =	vld [tilespmem:$0x1F580];
	_ =	sdelay $0x4  }
0x326: {  	v2 =	vadd.f32 v5, v2;
	v5 =	vld [tilespmem:$0x1F590];
	_ =	sdelay $0x4  }
0x327: {  	v3 =	vadd.f32 v5, v3;
	v5 =	vld [tilespmem:$0x1F5A0];
	_ =	sdelay $0x4  }
0x328: {  	v1 =	vadd.f32 v5, v1;
	v5 =	vld [tilespmem:$0x1F5B0];
	_ =	sdelay $0x4  }
0x329: {  	v2 =	vadd.f32 v5, v2;
	v5 =	vld [tilespmem:$0x1F5C0];
	_ =	sdelay $0x4  }
0x32a: {  	v3 =	vadd.f32 v5, v3;
	v5 =	vld [tilespmem:$0x1F5D0];
	_ =	sdelay $0x4  }
0x32b: {  	v1 =	vadd.f32 v5, v1;
	v5 =	vld [tilespmem:$0x1F5E0];
	_ =	sdelay $0x3  }
0x32c: {  	v4 =	vld [tilespmem:$0x1D3FF]  }
0x32d: {  	v2 =	vadd.f32 v5, v2;
	v5 =	vld [tilespmem:$0x1F5F0];
	_ =	sdelay $0x3  }
0x32e: {  	[tilespmem:$0x1FDC0] =	vst v4;
	v4 =	vadd.f32 v12, v14  }
0x32f: {  	v3 =	vadd.f32 v5, v3;
	v5 =	vld [tilespmem:$0x1D40F]  }
0x330: {  	v4 =	vadd.f32 v19, v4;
	_ =	sdelay $0x1  }
0x331: {  	v4 =	vadd.f32 v23, v4;
	_ =	sdelay $0x1  }
0x332: {  	v4 =	vadd.f32 v32, v4;
	[tilespmem:$0x1FDD0] =	vst v5;
	v5 =	vld [tilespmem:$0x1F600];
	_ =	sdelay $0x1  }
0x333: {  	v4 =	vadd.f32 v37, v4;
	_ =	sdelay $0x1  }
0x334: {  	v4 =	vadd.f32 v43, v4  }
0x335: {  	v1 =	vadd.f32 v5, v1;
	v5 =	vld [tilespmem:$0x1F610]  }
0x336: {  	v4 =	vadd.f32 v54, v4;
	_ =	sdelay $0x1  }
0x337: {  	v4 =	vadd.f32 v62, v4;
	_ =	sdelay $0x1  }
0x338: {  	v4 =	vadd.f32 v5, v4;
	v5 =	vld [tilespmem:$0x1F620];
	_ =	sdelay $0x4  }
0x339: {  	v2 =	vadd.f32 v5, v2;
	v5 =	vld [tilespmem:$0x1F630];
	_ =	sdelay $0x4  }
0x33a: {  	v3 =	vadd.f32 v5, v3;
	v5 =	vld [tilespmem:$0x1F640];
	_ =	sdelay $0x4  }
0x33b: {  	v1 =	vadd.f32 v5, v1;
	v5 =	vld [tilespmem:$0x1F650];
	_ =	sdelay $0x4  }
0x33c: {  	v4 =	vadd.f32 v5, v4;
	v5 =	vld [tilespmem:$0x1F660];
	_ =	sdelay $0x4  }
0x33d: {  	v2 =	vadd.f32 v5, v2;
	v5 =	vld [tilespmem:$0x1F670];
	_ =	sdelay $0x4  }
0x33e: {  	v3 =	vadd.f32 v5, v3;
	v5 =	vld [tilespmem:$0x1D5A3];
	_ =	sdelay $0x4  }
0x33f: {  	[tilespmem:$0x1FDE0] =	vst v5;
	v5 =	vld [tilespmem:$0x1F680];
	_ =	sdelay $0x4  }
0x340: {  	v1 =	vadd.f32 v5, v1;
	v5 =	vld [tilespmem:$0x1F690];
	_ =	sdelay $0x4  }
0x341: {  	v4 =	vadd.f32 v5, v4;
	v5 =	vld [tilespmem:$0x1D624];
	_ =	sdelay $0x4  }
0x342: {  	[tilespmem:$0x1FDF0] =	vst v5;
	v5 =	vld [tilespmem:$0x1F6A0];
	_ =	sdelay $0x4  }
0x343: {  	v2 =	vadd.f32 v5, v2;
	v5 =	vld [tilespmem:$0x1F6B0];
	_ =	sdelay $0x4  }
0x344: {  	v3 =	vadd.f32 v5, v3;
	v5 =	vld [tilespmem:$0x1D6A5];
	_ =	sdelay $0x4  }
0x345: {  	[tilespmem:$0x1FE00] =	vst v5;
	v5 =	vld [tilespmem:$0x1F6C0];
	_ =	sdelay $0x4  }
0x346: {  	v1 =	vadd.f32 v5, v1;
	v5 =	vld [tilespmem:$0x1F6D0];
	_ =	sdelay $0x4  }
0x347: {  	v4 =	vadd.f32 v5, v4;
	v5 =	vld [tilespmem:$0x1D726];
	_ =	sdelay $0x4  }
0x348: {  	[tilespmem:$0x1FE10] =	vst v5;
	v5 =	vld [tilespmem:$0x1F6E0];
	_ =	sdelay $0x4  }
0x349: {  	v2 =	vadd.f32 v5, v2;
	v5 =	vld [tilespmem:$0x1F6F0];
	_ =	sdelay $0x4  }
0x34a: {  	v3 =	vadd.f32 v5, v3;
	v5 =	vld [tilespmem:$0x1D7A7];
	_ =	sdelay $0x4  }
0x34b: {  	[tilespmem:$0x1FE20] =	vst v5;
	v5 =	vld [tilespmem:$0x1F700];
	_ =	sdelay $0x4  }
0x34c: {  	v1 =	vadd.f32 v5, v1;
	v5 =	vld [tilespmem:$0x1F710];
	_ =	sdelay $0x4  }
0x34d: {  	v4 =	vadd.f32 v5, v4;
	v5 =	vld [tilespmem:$0x1D828];
	_ =	sdelay $0x4  }
0x34e: {  	[tilespmem:$0x1FE30] =	vst v5;
	v5 =	vld [tilespmem:$0x1F720];
	_ =	sdelay $0x4  }
0x34f: {  	v2 =	vadd.f32 v5, v2;
	_ =	sdelay $0x1  }
0x350: {  	[tilespmem:$0x1FEF0] =	vst v2;
	v2 =	vld [tilespmem:$0x1F730];
	_ =	sdelay $0x4  }
0x351: {  	v2 =	vadd.f32 v2, v3;
	v3 =	vld [tilespmem:$0x1D8A9];
	_ =	sdelay $0x4  }
0x352: {  	[tilespmem:$0x1FE40] =	vst v3;
	v3 =	vld [tilespmem:$0x1F740];
	_ =	sdelay $0x4  }
0x353: {  	v1 =	vadd.f32 v3, v1;
	v3 =	vld [tilespmem:$0x1D92A];
	_ =	sdelay $0x4  }
0x354: {  	[tilespmem:$0x1FE50] =	vst v3;
	v3 =	vld [tilespmem:$0x1F760];
	_ =	sdelay $0x4  }
0x355: {  	v2 =	vadd.f32 v3, v2  }
0x356: {  	v3 =	vld [tilespmem:$0x1F780]  }
0x357: {  	[tilespmem:$0x1FF10] =	vst v2;
	v2 =	vld [tilespmem:$0x1F770];
	_ =	sdelay $0x4  }
0x358: {  	v2 =	vadd.f32 v3, v2;
	v3 =	vld [tilespmem:$0x1D9AB];
	_ =	sdelay $0x2  }
0x359: {  	[tilespmem:$0x1FF00] =	vst v1;
	v1 =	vld [tilespmem:$0x1F750];
	_ =	sdelay $0x1  }
0x35a: {  	[tilespmem:$0x1FE60] =	vst v3;
	v3 =	vld [tilespmem:$0x1F790];
	_ =	sdelay $0x2  }
0x35b: {  	v1 =	vadd.f32 v1, v4;
	_ =	sdelay $0x1  }
0x35c: {  	v1 =	vadd.f32 v3, v1  }
0x35d: {  	v3 =	vld [tilespmem:$0x1F7B0]  }
0x35e: {  	[tilespmem:$0x1FF20] =	vst v1;
	v1 =	vld [tilespmem:$0x1F7A0];
	_ =	sdelay $0x4  }
0x35f: {  	v1 =	vadd.f32 v3, v1;
	v3 =	vld [tilespmem:$0x1DA2C];
	_ =	sdelay $0x1  }
0x360: {  	v5 =	vld [tilespmem:$0x1DB2E];
	_ =	sdelay $0x2  }
0x361: {  	[tilespmem:$0x1FE70] =	vst v3;
	v3 =	vld [tilespmem:$0x1F7C0];
	_ =	sdelay $0x1  }
0x362: {  	[tilespmem:$0x1FE90] =	vst v5;
	v5 =	vld [tilespmem:$0x1F800];
	_ =	sdelay $0x1  }
0x363: {  	v4 =	vld [tilespmem:$0x1F7E0]  }
0x364: {  	v2 =	vadd.f32 v3, v2;
	v3 =	vld [tilespmem:$0x1F7D0];
	_ =	sdelay $0x1  }
0x365: {  	v2 =	vadd.f32 v5, v2;
	v5 =	vld [tilespmem:$0x1F810];
	_ =	sdelay $0x2  }
0x366: {  	v3 =	vadd.f32 v4, v3;
	v4 =	vld [tilespmem:$0x1DAAD];
	_ =	sdelay $0x1  }
0x367: {  	v3 =	vadd.f32 v5, v3;
	v5 =	vld [tilespmem:$0x1DBAF];
	_ =	sdelay $0x2  }
0x368: {  	[tilespmem:$0x1FE80] =	vst v4;
	v4 =	vld [tilespmem:$0x1F7F0];
	_ =	sdelay $0x1  }
0x369: {  	[tilespmem:$0x1FEA0] =	vst v5;
	v5 =	vld [tilespmem:$0x1F820];
	_ =	sdelay $0x2  }
0x36a: {  	v1 =	vadd.f32 v4, v1;
	_ =	sdelay $0x1  }
0x36b: {  	v1 =	vadd.f32 v5, v1;
	v5 =	vld [tilespmem:$0x1F830];
	_ =	sdelay $0x4  }
0x36c: {  	v2 =	vadd.f32 v5, v2;
	v5 =	vld [tilespmem:$0x1F840];
	_ =	sdelay $0x4  }
0x36d: {  	v3 =	vadd.f32 v5, v3;
	v5 =	vld [tilespmem:$0x1F850];
	_ =	sdelay $0x4  }
0x36e: {  	v1 =	vadd.f32 v5, v1;
	v5 =	vld [tilespmem:$0x1F860]  }
0x36f: {  	v4 =	vadd.f32 v61, v47;
	_ =	sdelay $0x1  }
0x370: {  	v4 =	vadd.f32 v57, v4;
	_ =	sdelay $0x1  }
0x371: {  	v4 =	vadd.f32 v5, v4;
	v5 =	vld [tilespmem:$0x1F870];
	_ =	sdelay $0x4  }
0x372: {  	v2 =	vadd.f32 v5, v2;
	v5 =	vld [tilespmem:$0x1F880];
	_ =	sdelay $0x4  }
0x373: {  	v3 =	vadd.f32 v5, v3;
	v5 =	vld [tilespmem:$0x1F890];
	_ =	sdelay $0x4  }
0x374: {  	v1 =	vadd.f32 v5, v1;
	v5 =	vld [tilespmem:$0x1F8A0];
	_ =	sdelay $0x4  }
0x375: {  	v4 =	vadd.f32 v5, v4;
	v5 =	vld [tilespmem:$0x1F8B0];
	_ =	sdelay $0x4  }
0x376: {  	v2 =	vadd.f32 v5, v2;
	v5 =	vld [tilespmem:$0x1F8C0];
	_ =	sdelay $0x4  }
0x377: {  	v3 =	vadd.f32 v5, v3;
	v5 =	vld [tilespmem:$0x1F8D0];
	_ =	sdelay $0x4  }
0x378: {  	v1 =	vadd.f32 v5, v1;
	v5 =	vld [tilespmem:$0x1F8E0];
	_ =	sdelay $0x4  }
0x379: {  	v4 =	vadd.f32 v5, v4;
	v5 =	vld [tilespmem:$0x1F8F0];
	_ =	sdelay $0x4  }
0x37a: {  	v2 =	vadd.f32 v5, v2;
	v5 =	vld [tilespmem:$0x1F900];
	_ =	sdelay $0x4  }
0x37b: {  	v3 =	vadd.f32 v5, v3;
	v5 =	vld [tilespmem:$0x1F910];
	_ =	sdelay $0x4  }
0x37c: {  	v1 =	vadd.f32 v5, v1;
	v5 =	vld [tilespmem:$0x1F920];
	_ =	sdelay $0x4  }
0x37d: {  	v4 =	vadd.f32 v5, v4;
	v5 =	vld [tilespmem:$0x1F930];
	_ =	sdelay $0x4  }
0x37e: {  	v2 =	vadd.f32 v5, v2;
	v5 =	vld [tilespmem:$0x1F940];
	_ =	sdelay $0x4  }
0x37f: {  	v3 =	vadd.f32 v5, v3;
	v5 =	vld [tilespmem:$0x1F950];
	_ =	sdelay $0x4  }
0x380: {  	v1 =	vadd.f32 v5, v1;
	v5 =	vld [tilespmem:$0x1F960];
	_ =	sdelay $0x4  }
0x381: {  	v4 =	vadd.f32 v5, v4;
	v5 =	vld [tilespmem:$0x1F970];
	_ =	sdelay $0x4  }
0x382: {  	v2 =	vadd.f32 v5, v2;
	v5 =	vld [tilespmem:$0x1F980];
	_ =	sdelay $0x4  }
0x383: {  	v3 =	vadd.f32 v5, v3;
	v5 =	vld [tilespmem:$0x1F990];
	_ =	sdelay $0x4  }
0x384: {  	v1 =	vadd.f32 v5, v1;
	v5 =	vld [tilespmem:$0x1F9A0];
	_ =	sdelay $0x4  }
0x385: {  	v4 =	vadd.f32 v5, v4;
	v5 =	vld [tilespmem:$0x1F9B0];
	_ =	sdelay $0x4  }
0x386: {  	v2 =	vadd.f32 v5, v2;
	v5 =	vld [tilespmem:$0x1F9C0];
	_ =	sdelay $0x4  }
0x387: {  	v3 =	vadd.f32 v5, v3;
	v5 =	vld [tilespmem:$0x1F9D0];
	_ =	sdelay $0x4  }
0x388: {  	v1 =	vadd.f32 v5, v1;
	v5 =	vld [tilespmem:$0x1F9E0];
	_ =	sdelay $0x4  }
0x389: {  	v4 =	vadd.f32 v5, v4;
	v5 =	vld [tilespmem:$0x1F9F0];
	_ =	sdelay $0x4  }
0x38a: {  	v2 =	vadd.f32 v5, v2;
	v5 =	vld [tilespmem:$0x1FA00];
	_ =	sdelay $0x4  }
0x38b: {  	v3 =	vadd.f32 v5, v3;
	v5 =	vld [tilespmem:$0x1FA10];
	_ =	sdelay $0x4  }
0x38c: {  	v1 =	vadd.f32 v5, v1;
	v5 =	vld [tilespmem:$0x1FA20];
	_ =	sdelay $0x4  }
0x38d: {  	v4 =	vadd.f32 v5, v4;
	v5 =	vld [tilespmem:$0x1FA30];
	_ =	sdelay $0x4  }
0x38e: {  	v2 =	vadd.f32 v5, v2;
	v5 =	vld [tilespmem:$0x1FA40];
	_ =	sdelay $0x4  }
0x38f: {  	v3 =	vadd.f32 v5, v3;
	v5 =	vld [tilespmem:$0x1FA50];
	_ =	sdelay $0x4  }
0x390: {  	v1 =	vadd.f32 v5, v1;
	v5 =	vld [tilespmem:$0x1FA60];
	_ =	sdelay $0x4  }
0x391: {  	v4 =	vadd.f32 v5, v4;
	v5 =	vld [tilespmem:$0x1FA70];
	_ =	sdelay $0x4  }
0x392: {  	v2 =	vadd.f32 v5, v2;
	v5 =	vld [tilespmem:$0x1FA80];
	_ =	sdelay $0x4  }
0x393: {  	v3 =	vadd.f32 v5, v3;
	v5 =	vld [tilespmem:$0x1FA90];
	_ =	sdelay $0x4  }
0x394: {  	v9 =	vadd.f32 v5, v1;
	v1 =	vld [tilespmem:$0x1FAA0];
	_ =	sdelay $0x4  }
0x395: {  	v4 =	vadd.f32 v1, v4;
	v1 =	vld [tilespmem:$0x1FAB0];
	_ =	sdelay $0x4  }
0x396: {  	v10 =	vadd.f32 v1, v2;
	v2 =	vld [tilespmem:$0x1FAF0];
	_ =	sdelay $0x4  }
0x397: {  	v1 =	vld [tilespmem:$0x1FAC0];
	v2 =	vadd.f32 v2, v10;
	_ =	sdelay $0x1  }
0x398: {  	[tilespmem:$0x1FF30] =	vst v2;
	v2 =	vld [tilespmem:$0x1FB00];
	_ =	sdelay $0x2  }
0x399: {  	v11 =	vadd.f32 v1, v3;
	v1 =	vld [tilespmem:$0x1FAD0];
	_ =	sdelay $0x1  }
0x39a: {  	v10 =	vadd.f32 v2, v11;
	v2 =	vld [tilespmem:$0x1FB10];
	_ =	sdelay $0x2  }
0x39b: {  	v9 =	vadd.f32 v1, v9;
	_ =	sdelay $0x1  }
0x39c: {  	v1 =	vld [tilespmem:$0x1FAE0];
	v2 =	vadd.f32 v2, v9;
	_ =	sdelay $0x1  }
0x39d: {  	[tilespmem:$0x1FF40] =	vst v2;
	v2 =	vld [tilespmem:$0x1FB20];
	_ =	sdelay $0x2  }
0x39e: {  	v1 =	vadd.f32 v1, v4;
	_ =	sdelay $0x1  }
0x39f: {  	v1 =	vadd.f32 v2, v1;
	v2 =	vld [tilespmem:$0x1FB30];
	_ =	sdelay $0x4  }
0x3a0: {  	v2 =	vadd.f32 v2, v10  }
0x3a1: {  	v3 =	vld [tilespmem:$0x1FB50]  }
0x3a2: {  	[tilespmem:$0x1FF50] =	vst v2;
	v2 =	vld [tilespmem:$0x1FB40];
	_ =	sdelay $0x4  }
0x3a3: {  	v11 =	vadd.f32 v3, v2;
	v2 =	vld [tilespmem:$0x1FB60];
	_ =	sdelay $0x4  }
0x3a4: {  	v1 =	vadd.f32 v2, v1  }
0x3a5: {  	v2 =	vld [tilespmem:$0x1FB80]  }
0x3a6: {  	[tilespmem:$0x1FF60] =	vst v1;
	v1 =	vld [tilespmem:$0x1FB70];
	_ =	sdelay $0x4  }
0x3a7: {  	v1 =	vadd.f32 v2, v1;
	v2 =	vld [tilespmem:$0x1FB90];
	_ =	sdelay $0x4  }
0x3a8: {  	v11 =	vadd.f32 v2, v11;
	v2 =	vld [tilespmem:$0x1FBA0];
	_ =	sdelay $0x4  }
0x3a9: {  	v1 =	vadd.f32 v2, v1;
	v2 =	vld [tilespmem:$0x1FBB0];
	_ =	sdelay $0x4  }
0x3aa: {  	v11 =	vadd.f32 v2, v11;
	v2 =	vld [tilespmem:$0x1FBC0];
	_ =	sdelay $0x1  }
0x3ab: {  	v3 =	vld [tilespmem:$0x1FBE0];
	_ =	sdelay $0x2  }
0x3ac: {  	v1 =	vadd.f32 v2, v1;
	v2 =	vld [tilespmem:$0x1FBD0];
	_ =	sdelay $0x1  }
0x3ad: {  	v1 =	vadd.f32 v3, v1;
	v3 =	vld [tilespmem:$0x1FBF0];
	_ =	sdelay $0x2  }
0x3ae: {  	v2 =	vadd.f32 v2, v11  }
0x3af: {  	v17 =	vadd.f32 v53, v17  }
0x3b0: {  	v2 =	vadd.f32 v3, v2;
	v3 =	vld [tilespmem:$0x1FC00]  }
0x3b1: {  	v17 =	vadd.f32 v38, v17;
	_ =	sdelay $0x1  }
0x3b2: {  	v17 =	vadd.f32 v26, v17;
	_ =	sdelay $0x1  }
0x3b3: {  	v17 =	vadd.f32 v3, v17;
	v3 =	vld [tilespmem:$0x1FC10];
	_ =	sdelay $0x4  }
0x3b4: {  	v1 =	vadd.f32 v3, v1;
	v3 =	vld [tilespmem:$0x1FC20];
	_ =	sdelay $0x4  }
0x3b5: {  	v2 =	vadd.f32 v3, v2;
	v3 =	vld [tilespmem:$0x1FC30];
	_ =	sdelay $0x4  }
0x3b6: {  	v17 =	vadd.f32 v3, v17;
	v3 =	vld [tilespmem:$0x1FC40];
	_ =	sdelay $0x4  }
0x3b7: {  	v1 =	vadd.f32 v3, v1;
	v3 =	vld [tilespmem:$0x1FC50];
	_ =	sdelay $0x4  }
0x3b8: {  	v2 =	vadd.f32 v3, v2;
	v3 =	vld [tilespmem:$0x1FC60];
	_ =	sdelay $0x3  }
0x3b9: {  	v50 =	vld [tilespmem:$0x1CC80]  }
0x3ba: {  	v17 =	vadd.f32 v3, v17;
	v3 =	vld [tilespmem:$0x1FC70]  }
0x3bb: {  	v31 =	vld [tilespmem:$0x1CD01]  }
0x3bc: {  	v30 =	vld [tilespmem:$0x1CD82]  }
0x3bd: {  	v59 =	vld [tilespmem:$0x1CE03]  }
0x3be: {  	v56 =	vld [tilespmem:$0x1CE84]  }
0x3bf: {  	v2 =	vadd.f32 v3, v2;
	v3 =	vld [tilespmem:$0x1FC80]  }
0x3c0: {  	v52 =	vld [tilespmem:$0x1CF86]  }
0x3c1: {  	v46 =	vld [tilespmem:$0x1D007]  }
0x3c2: {  	v36 =	vld [tilespmem:$0x1D088]  }
0x3c3: {  	v42 =	vld [tilespmem:$0x1D109]  }
0x3c4: {  	v17 =	vadd.f32 v3, v17;
	v3 =	vld [tilespmem:$0x1FC90]  }
0x3c5: {  	v35 =	vld [tilespmem:$0x1D28C]  }
0x3c6: {  	v63 =	vld [tilespmem:$0x1D420]  }
0x3c7: {  	v33 =	vld [tilespmem:$0x1D430]  }
0x3c8: {  	v22 =	vld [tilespmem:$0x1D4B1]  }
0x3c9: {  	v2 =	vadd.f32 v3, v2;
	v3 =	vld [tilespmem:$0x1FCA0]  }
0x3ca: {  	v29 =	vld [tilespmem:$0x1D532]  }
0x3cb: {  	v48 =	vld [tilespmem:$0x1D838]  }
0x3cc: {  	v39 =	vld [tilespmem:$0x1D9BB]  }
0x3cd: {  	v41 =	vld [tilespmem:$0x1DA3C]  }
0x3ce: {  	v17 =	vadd.f32 v3, v17;
	v3 =	vld [tilespmem:$0x1FCB0]  }
0x3cf: {  	v58 =	vld [tilespmem:$0x1DBBF]  }
0x3d0: {  	v15 =	vld [tilespmem:$0x1D440]  }
0x3d1: {  	v16 =	vld [tilespmem:$0x1D542]  }
0x3d2: {  	v18 =	vld [tilespmem:$0x1D5C3]  }
0x3d3: {  	v2 =	vadd.f32 v3, v2;
	v3 =	vld [tilespmem:$0x1FCC0]  }
0x3d4: {  	v20 =	vld [tilespmem:$0x1D6C5]  }
0x3d5: {  	v21 =	vld [tilespmem:$0x1D746]  }
0x3d6: {  	v24 =	vld [tilespmem:$0x1D848]  }
0x3d7: {  	v27 =	vld [tilespmem:$0x1D94A];
	v1 =	vadd.f32 v6, v1  }
0x3d8: {  	v17 =	vadd.f32 v3, v17;
	v3 =	vld [tilespmem:$0x1FCD0]  }
0x3d9: {  	v53 =	vld [tilespmem:$0x1D9CB];
	v1 =	vadd.f32 v7, v1  }
0x3da: {  	v38 =	vld [tilespmem:$0x1DACD];
	v31 =	vadd.f32 v31, v50  }
0x3db: {  	v50 =	vld [tilespmem:$0x1DA4C];
	v1 =	vadd.f32 v8, v1  }
0x3dc: {  	v30 =	vadd.f32 v30, v31;
	v31 =	vld [tilespmem:$0x1DB4E]  }
0x3dd: {  	v1 =	vadd.f32 v3, v1;
	v3 =	vld [tilespmem:$0x1FCE0]  }
0x3de: {  	v26 =	vadd.f32 v59, v30;
	v30 =	vld [tilespmem:$0x1D450]  }
0x3df: {  	v59 =	vld [tilespmem:$0x1D4D1]  }
0x3e0: {  	v26 =	vadd.f32 v56, v26;
	v56 =	vld [tilespmem:$0x1D552]  }
0x3e1: {  	v14 =	vld [tilespmem:$0x1D4C1]  }
0x3e2: {  	v2 =	vadd.f32 v3, v2;
	v3 =	vld [tilespmem:$0x1FCF0]  }
0x3e3: {  	v12 =	vld [tilespmem:$0x1DBDF]  }
0x3e4: {  	v19 =	vld [tilespmem:$0x1D644]  }
0x3e5: {  	v23 =	vld [tilespmem:$0x1D7C7]  }
0x3e6: {  	v14 =	vadd.f32 v14, v15;
	v15 =	vld [tilespmem:$0x1D96A]  }
0x3e7: {  	v17 =	vadd.f32 v3, v17;
	v3 =	vld [tilespmem:$0x1FD00]  }
0x3e8: {  	v32 =	vld [tilespmem:$0x1D20B];
	v14 =	vadd.f32 v16, v14  }
0x3e9: {  	v16 =	vld [tilespmem:$0x1DA6C]  }
0x3ea: {  	v37 =	vld [tilespmem:$0x1D93A];
	v18 =	vadd.f32 v18, v14  }
0x3eb: {  	v14 =	vld [tilespmem:$0x1DAED]  }
0x3ec: {  	v18 =	vadd.f32 v19, v18;
	v1 =	vadd.f32 v3, v1;
	v3 =	vld [tilespmem:$0x1FD10]  }
0x3ed: {  	v43 =	vld [tilespmem:$0x1D4A1]  }
0x3ee: {  	v54 =	vld [tilespmem:$0x1D736];
	v18 =	vadd.f32 v20, v18  }
0x3ef: {  	v20 =	vld [tilespmem:$0x1D4F1]  }
0x3f0: {  	v62 =	vld [tilespmem:$0x1D522];
	v18 =	vadd.f32 v21, v18  }
0x3f1: {  	v2 =	vadd.f32 v3, v2;
	v3 =	vld [tilespmem:$0x1FD20]  }
0x3f2: {  	v21 =	vld [tilespmem:$0x1D5F3];
	v18 =	vadd.f32 v23, v18  }
0x3f3: {  	v23 =	vld [tilespmem:$0x1D6F5]  }
0x3f4: {  	v18 =	vadd.f32 v24, v18;
	v24 =	vld [tilespmem:$0x1D7F7]  }
0x3f5: {  	v45 =	vld [tilespmem:$0x1D8B9]  }
0x3f6: {  	v17 =	vadd.f32 v3, v17;
	v3 =	vld [tilespmem:$0x1FD30]  }
0x3f7: {  	v49 =	vld [tilespmem:$0x1DABD]  }
0x3f8: {  	v55 =	vld [tilespmem:$0x1DB3E]  }
0x3f9: {  	v25 =	vld [tilespmem:$0x1D8C9]  }
0x3fa: {  	v51 =	vld [tilespmem:$0x1CF05]  }
0x3fb: {  	v1 =	vadd.f32 v3, v1;
	v3 =	vld [tilespmem:$0x1FD40]  }
0x3fc: {  	v44 =	vld [tilespmem:$0x1D30D]  }
0x3fd: {  	v28 =	vld [tilespmem:$0x1DBCF]  }
0x3fe: {  	v34 =	vld [tilespmem:$0x1D634]  }
0x3ff: {  	v40 =	vld [tilespmem:$0x1D18A];
	v18 =	vadd.f32 v25, v18  }
0x400: {  	v26 =	vadd.f32 v51, v26;
	v2 =	vadd.f32 v3, v2;
	v3 =	vld [tilespmem:$0x1FD50]  }
0x401: {  	v25 =	vld [tilespmem:$0x1D8F9]  }
0x402: {  	v18 =	vadd.f32 v27, v18;
	v27 =	vld [tilespmem:$0x1D9FB];
	v26 =	vadd.f32 v52, v26  }
0x403: {  	v60 =	vld [tilespmem:$0x1D38E]  }
0x404: {  	v18 =	vadd.f32 v53, v18;
	v51 =	vld [tilespmem:$0x1D654];
	v26 =	vadd.f32 v46, v26  }
0x405: {  	v17 =	vadd.f32 v3, v17;
	v3 =	vld [tilespmem:$0x1FD60]  }
0x406: {  	v18 =	vadd.f32 v50, v18;
	v50 =	vld [tilespmem:$0x1D613];
	v26 =	vadd.f32 v36, v26  }
0x407: {  	v52 =	vld [tilespmem:$0x1D756]  }
0x408: {  	v46 =	vld [tilespmem:$0x1D858];
	v26 =	vadd.f32 v42, v26  }
0x409: {  	v36 =	vld [tilespmem:$0x1D95A]  }
0x40a: {  	v26 =	vadd.f32 v40, v26;
	v1 =	vadd.f32 v3, v1;
	v3 =	vld [tilespmem:$0x1FD70]  }
0x40b: {  	v42 =	vld [tilespmem:$0x1DA5C]  }
0x40c: {  	v40 =	vld [tilespmem:$0x1DB5E];
	v26 =	vadd.f32 v32, v26  }
0x40d: {  	v32 =	vld [tilespmem:$0x1D460]  }
0x40e: {  	v26 =	vadd.f32 v35, v26;
	v35 =	vld [tilespmem:$0x1D562]  }
0x40f: {  	v2 =	vadd.f32 v3, v2;
	v3 =	vld [tilespmem:$0x1FD80]  }
0x410: {  	v53 =	vld [tilespmem:$0x1FE80]  }
0x411: {  	v47 =	vld [tilespmem:$0x1D5B3]  }
0x412: {  	v61 =	vld [tilespmem:$0x1D6B5]  }
0x413: {  	v57 =	vld [tilespmem:$0x1D7B7]  }
0x414: {  	v17 =	vadd.f32 v3, v17;
	v3 =	vadd.f32 v44, v26;
	v44 =	vld [tilespmem:$0x1FD90]  }
0x415: {  	v5 =	vld [tilespmem:$0x1D6D5]  }
0x416: {  	v9 =	vld [tilespmem:$0x1D4E1]  }
0x417: {  	v4 =	vld [tilespmem:$0x1D5D3]  }
0x418: {  	v10 =	vld [tilespmem:$0x1DADD]  }
0x419: {  	v26 =	vadd.f32 v44, v2;
	v44 =	vld [tilespmem:$0x1FDB0]  }
0x41a: {  	v11 =	vld [tilespmem:$0x1D5E3]  }
0x41b: {  	v9 =	vadd.f32 v9, v32;
	v1 =	vadd.f32 v13, v1;
	v13 =	vld [tilespmem:$0x1D664]  }
0x41c: {  	v2 =	vld [tilespmem:$0x1FDA0]  }
0x41d: {  	v9 =	vadd.f32 v35, v9;
	v6 =	vld [tilespmem:$0x1D7D7]  }
0x41e: {  	v44 =	vadd.f32 v44, v1;
	v1 =	vadd.f32 v60, v3;
	v60 =	vld [tilespmem:$0x1FDC0]  }
0x41f: {  	v9 =	vadd.f32 v11, v9;
	v7 =	vld [tilespmem:$0x1D8D9]  }
0x420: {  	v8 =	vld [tilespmem:$0x1D9DB]  }
0x421: {  	v9 =	vadd.f32 v13, v9;
	v13 =	vld [tilespmem:$0x1D715];
	v2 =	vadd.f32 v2, v17  }
0x422: {  	v17 =	vld [tilespmem:$0x1D6E5]  }
0x423: {  	v60 =	vadd.f32 v60, v2;
	v2 =	vadd.f32 v43, v63;
	v43 =	vld [tilespmem:$0x1FDD0]  }
0x424: {  	v3 =	vld [tilespmem:$0x1D766]  }
0x425: {  	v2 =	vadd.f32 v62, v2;
	v62 =	vadd.f32 v59, v30;
	v59 =	vld [tilespmem:$0x1FDE0]  }
0x426: {  	v63 =	vld [tilespmem:$0x1D7E7]  }
0x427: {  	v9 =	vadd.f32 v17, v9;
	v17 =	vld [tilespmem:$0x1D796]  }
0x428: {  	v43 =	vadd.f32 v43, v1;
	v1 =	vadd.f32 v22, v33;
	v22 =	vld [tilespmem:$0x1D868]  }
0x429: {  	v33 =	vld [tilespmem:$0x1D8E9]  }
0x42a: {  	v30 =	vadd.f32 v59, v2;
	v2 =	vld [tilespmem:$0x1D9EB]  }
0x42b: {  	v1 =	vadd.f32 v29, v1;
	v29 =	vadd.f32 v56, v62;
	v62 =	vld [tilespmem:$0x1FDF0]  }
0x42c: {  	v56 =	vld [tilespmem:$0x1FE10]  }
0x42d: {  	v3 =	vadd.f32 v3, v9;
	v59 =	vld [tilespmem:$0x1FE20]  }
0x42e: {  	v1 =	vadd.f32 v47, v1;
	v29 =	vadd.f32 v4, v29;
	v4 =	vld [tilespmem:$0x1DB6E]  }
0x42f: {  	v47 =	vld [tilespmem:$0x1D674]  }
0x430: {  	v3 =	vadd.f32 v63, v3;
	v34 =	vadd.f32 v34, v1;
	v1 =	vld [tilespmem:$0x1FE00]  }
0x431: {  	v29 =	vadd.f32 v51, v29;
	v51 =	vld [tilespmem:$0x1FE60]  }
0x432: {  	v3 =	vadd.f32 v22, v3;
	v30 =	vadd.f32 v62, v30;
	v62 =	vld [tilespmem:$0x1FE40]  }
0x433: {  	v19 =	vadd.f32 v61, v34;
	v34 =	vld [tilespmem:$0x1D470]  }
0x434: {  	v3 =	vadd.f32 v33, v3;
	v5 =	vadd.f32 v5, v29;
	v29 =	vld [tilespmem:$0x1D572]  }
0x435: {  	v61 =	vld [tilespmem:$0x1FE30]  }
0x436: {  	v3 =	vadd.f32 v15, v3;
	v15 =	vld [tilespmem:$0x1FF40]  }
0x437: {  	v5 =	vadd.f32 v52, v5;
	v52 =	vld [tilespmem:$0x1FE70]  }
0x438: {  	v19 =	vadd.f32 v54, v19;
	v54 =	vld [tilespmem:$0x1DBFF]  }
0x439: {  	v30 =	vadd.f32 v1, v30;
	v1 =	vld [tilespmem:$0x1DBEF];
	v5 =	vadd.f32 v6, v5  }
0x43a: {  	v6 =	vld [tilespmem:$0x1D776]  }
0x43b: {  	v19 =	vadd.f32 v57, v19;
	v57 =	vld [tilespmem:$0x1FE90];
	v5 =	vadd.f32 v46, v5  }
0x43c: {  	v30 =	vadd.f32 v56, v30;
	v56 =	vld [tilespmem:$0x1D480]  }
0x43d: {  	v19 =	vadd.f32 v48, v19;
	v48 =	vld [tilespmem:$0x1FE50];
	v5 =	vadd.f32 v7, v5  }
0x43e: {  	v46 =	vld [tilespmem:$0x1D582]  }
0x43f: {  	[tilespmem:$0x1DD90] =	vst v15;
	v15 =	vld [tilespmem:$0x1FF50];
	v5 =	vadd.f32 v36, v5  }
0x440: {  	v30 =	vadd.f32 v59, v30;
	v59 =	vld [tilespmem:$0x1D501]  }
0x441: {  	v19 =	vadd.f32 v45, v19;
	v45 =	vld [tilespmem:$0x1D878];
	v5 =	vadd.f32 v8, v5  }
0x442: {  	v7 =	vld [tilespmem:$0x1D97A];
	v30 =	vadd.f32 v61, v30  }
0x443: {  	v61 =	vld [tilespmem:$0x1FEA0];
	v5 =	vadd.f32 v42, v5  }
0x444: {  	v19 =	vadd.f32 v37, v19;
	v36 =	vld [tilespmem:$0x1DA7C];
	v30 =	vadd.f32 v62, v30  }
0x445: {  	v62 =	vld [tilespmem:$0x1D511];
	v5 =	vadd.f32 v10, v5  }
0x446: {  	v19 =	vadd.f32 v39, v19;
	v30 =	vadd.f32 v48, v30;
	v10 =	vld [tilespmem:$0x1D490]  }
0x447: {  	v37 =	vld [tilespmem:$0x1DAFD];
	v5 =	vadd.f32 v40, v5  }
0x448: {  	v48 =	vld [tilespmem:$0x1D592];
	v19 =	vadd.f32 v41, v19;
	v30 =	vadd.f32 v51, v30  }
0x449: {  	v5 =	vadd.f32 v12, v5;
	v12 =	vadd.f32 v20, v34;
	v20 =	vld [tilespmem:$0x1D603]  }
0x44a: {  	[tilespmem:$0x1DDA0] =	vst v15;
	v15 =	vld [tilespmem:$0x1FF60];
	v19 =	vadd.f32 v49, v19;
	v49 =	vadd.f32 v59, v56  }
0x44b: {  	v51 =	vld [tilespmem:$0x1D684];
	v10 =	vadd.f32 v62, v10;
	v12 =	vadd.f32 v29, v12  }
0x44c: {  	v30 =	vadd.f32 v52, v30;
	v52 =	vld [tilespmem:$0x1D694];
	v11 =	vadd.f32 v46, v49  }
0x44d: {  	v10 =	vadd.f32 v48, v10;
	v12 =	vadd.f32 v21, v12;
	v21 =	vld [tilespmem:$0x1D705]  }
0x44e: {  	v8 =	vld [tilespmem:$0x1DB7E];
	v11 =	vadd.f32 v20, v11  }
0x44f: {  	[tilespmem:$0x1DDB0] =	vst v15;
	v15 =	vld [tilespmem:$0x1DB0D];
	v10 =	vadd.f32 v50, v10;
	v12 =	vadd.f32 v47, v12  }
0x450: {  	v20 =	vld [tilespmem:$0x1D786];
	v11 =	vadd.f32 v51, v11  }
0x451: {  	v10 =	vadd.f32 v52, v10;
	v12 =	vadd.f32 v23, v12;
	v23 =	vld [tilespmem:$0x1D807]  }
0x452: {  	v9 =	vadd.f32 v21, v11;
	v11 =	vld [tilespmem:$0x1D817]  }
0x453: {  	v10 =	vadd.f32 v13, v10;
	v13 =	vld [tilespmem:$0x1FED0]  }
0x454: {  	v21 =	vld [tilespmem:$0x1FEC0]  }
0x455: {  	v6 =	vadd.f32 v6, v12;
	v12 =	vld [tilespmem:$0x1D888]  }
0x456: {  	v9 =	vadd.f32 v20, v9;
	v20 =	vld [tilespmem:$0x1FEE0]  }
0x457: {  	v10 =	vadd.f32 v17, v10;
	v17 =	vld [tilespmem:$0x1FEF0]  }
0x458: {  	[tilespmem:$0x1DD20] =	vst v13;
	v13 =	vld [tilespmem:$0x1D898]  }
0x459: {  	v9 =	vadd.f32 v23, v9;
	[tilespmem:$0x1DD10] =	vst v21;
	v21 =	vld [tilespmem:$0x1FF00]  }
0x45a: {  	v2 =	vadd.f32 v2, v3;
	v10 =	vadd.f32 v11, v10;
	v11 =	vld [tilespmem:$0x1FF10]  }
0x45b: {  	v9 =	vadd.f32 v12, v9;
	v12 =	vld [tilespmem:$0x1FF20]  }
0x45c: {  	v18 =	vadd.f32 v38, v18;
	v2 =	vadd.f32 v16, v2;
	[tilespmem:$0x1DD30] =	vst v20;
	v20 =	vld [tilespmem:$0x1D909]  }
0x45d: {  	v6 =	vadd.f32 v24, v6;
	v10 =	vadd.f32 v13, v10;
	v13 =	vld [tilespmem:$0x1FF30]  }
0x45e: {  	v2 =	vadd.f32 v14, v2;
	[tilespmem:$0x1DD40] =	vst v17;
	v17 =	vld [tilespmem:$0x1D919]  }
0x45f: {  	v18 =	vadd.f32 v31, v18;
	v6 =	vadd.f32 v45, v6;
	[tilespmem:$0x1DD50] =	vst v21;
	v21 =	vld [tilespmem:$0x1D98A]  }
0x460: {  	v2 =	vadd.f32 v4, v2;
	[tilespmem:$0x1DD60] =	vst v11;
	v11 =	vld [tilespmem:$0x1D99A]  }
0x461: {  	v18 =	vadd.f32 v28, v18;
	v6 =	vadd.f32 v25, v6;
	[tilespmem:$0x1DD70] =	vst v12;
	v12 =	vld [tilespmem:$0x1DA0B]  }
0x462: {  	v1 =	vadd.f32 v1, v2;
	v9 =	vadd.f32 v20, v9;
	[tilespmem:$0x1DD80] =	vst v13;
	v13 =	vld [tilespmem:$0x1DA1B]  }
0x463: {  	v6 =	vadd.f32 v7, v6;
	v7 =	vld [tilespmem:$0x1DA8C];
	v10 =	vadd.f32 v17, v10  }
0x464: {  	v30 =	vadd.f32 v53, v30;
	v3 =	vadd.f32 v21, v9;
	v9 =	vld [tilespmem:$0x1DA9C]  }
0x465: {  	[tilespmem:$0x1DE20] =	vst v18;
	v53 =	vld [tilespmem:$0x1FEB0];
	v6 =	vadd.f32 v27, v6;
	v10 =	vadd.f32 v11, v10  }
0x466: {  	[tilespmem:$0x1DDC0] =	vst v26;
	v19 =	vadd.f32 v55, v19;
	v11 =	vld [tilespmem:$0x1DB1D];
	v3 =	vadd.f32 v12, v3  }
0x467: {  	[tilespmem:$0x1DDD0] =	vst v44;
	v6 =	vadd.f32 v36, v6;
	v12 =	vld [tilespmem:$0x1DB8E];
	v10 =	vadd.f32 v13, v10  }
0x468: {  	[tilespmem:$0x1DDE0] =	vst v60;
	v19 =	vadd.f32 v58, v19;
	v3 =	vadd.f32 v7, v3;
	v7 =	vld [tilespmem:$0x1DB9E]  }
0x469: {  	[tilespmem:$0x1DDF0] =	vst v43;
	v6 =	vadd.f32 v37, v6;
	v13 =	vld [tilespmem:$0x1DC0F];
	v9 =	vadd.f32 v9, v10  }
0x46a: {  	v4 =	vld [tilespmem:$0x1DC1F];
	[tilespmem:$0x1DE40] =	vst v1;
	v30 =	vadd.f32 v57, v30;
	v3 =	vadd.f32 v15, v3  }
0x46b: {  	[tilespmem:$0x1DE10] =	vst v19;
	v6 =	vadd.f32 v8, v6;
	v8 =	vadd.f32 v11, v9  }
0x46c: {  	[tilespmem:$0x1DE30] =	vst v5;
	v30 =	vadd.f32 v61, v30;
	v2 =	vadd.f32 v12, v3  }
0x46d: {  	[tilespmem:$0x1DD00] =	vst v53;
	v3 =	vadd.f32 v54, v6;
	v5 =	vadd.f32 v7, v8  }
0x46e: {  	[tilespmem:$0x1DE00] =	vst v30;
	v1 =	vadd.f32 v13, v2  }
0x46f: {  	[tilespmem:$0x1DE50] =	vst v3;
	v2 =	vadd.f32 v4, v5  }
0x470: {  	[tilespmem:$0x1DE60] =	vst v1  }
0x471: {  	[tilespmem:$0x1DE70] =	vst v2  }
0x472: {  	_ =	swait.ge [sflag:s25], $0x4000  }
0x473: {  	[sflag:s25] =	ssyncset.done $0x0  }
0x474: {  	[sflag:s25] =	ssyncadd.s32 $0xFFFFC000  }
0x475: {  	_ =	swait.ge [sflag:s25], $0x4000  }
0x476: {  	[sflag:s25] =	ssyncset.done $0x0  }
0x477: {  	s1 =	simm.s32 $0x0;
	[sflag:s25] =	ssyncadd.s32 $0xFFFFC000  }
0x478: {  	v7 =	vld [tilespmem:s1+$0x480]  }
0x479: {  	v8 =	vld [tilespmem:s1+$0x490]  }
0x47a: {  	v1 =	vld [tilespmem:s1+$0x14480]  }
0x47b: {  	v2 =	vld [tilespmem:s1+$0x14490]  }
0x47c: {  	v19 =	vld [tilespmem:s1+$0x4A0]  }
0x47d: {  	v3 =	vld [tilespmem:s1+$0x144A0]  }
0x47e: {  	v20 =	vld [tilespmem:s1+$0x4B0]  }
0x47f: {  	v4 =	vld [tilespmem:s1+$0x144B0]  }
0x480: {  	v21 =	vld [tilespmem:s1+$0x4C0]  }
0x481: {  	v5 =	vld [tilespmem:s1+$0x144C0]  }
0x482: {  	v9 =	vld [tilespmem:s1+$0x4D0]  }
0x483: {  	v18 =	vld [tilespmem:s1+$0x4E0]  }
0x484: {  	v17 =	vld [tilespmem:s1+$0x4F0]  }
0x485: {  	v10 =	vld [tilespmem:s1+$0x400]  }
0x486: {  	v11 =	vld [tilespmem:s1+$0x410]  }
0x487: {  	v22 =	vld [tilespmem:s1+$0x14410]  }
0x488: {  	v12 =	vld [tilespmem:s1+$0x420]  }
0x489: {  	v23 =	vld [tilespmem:s1+$0x14420]  }
0x48a: {  	v13 =	vld [tilespmem:s1+$0x430]  }
0x48b: {  	v24 =	vld [tilespmem:s1+$0x14430]  }
0x48c: {  	v14 =	vld [tilespmem:s1+$0x440]  }
0x48d: {  	v27 =	vld [tilespmem:s1+$0x14440]  }
0x48e: {  	v15 =	vld [tilespmem:s1+$0x450]  }
0x48f: {  	v57 =	vld [tilespmem:s1+$0x14450]  }
0x490: {  	v16 =	vld [tilespmem:s1+$0x460]  }
0x491: {  	v33 =	vld [tilespmem:s1+$0x14460]  }
0x492: {  	s30 =	simm.s32 $0x100;
	v36 =	vld [tilespmem:s1+$0x14470]  }
0x493: {  	v37 =	vld [tilespmem:s30+$0x480]  }
0x494: {  	v38 =	vld [tilespmem:s30+$0x490]  }
0x495: {  	v39 =	vld [tilespmem:s30+$0x4A0]  }
0x496: {  	v40 =	vld [tilespmem:s30+$0x4B0]  }
0x497: {  	v6 =	vld [tilespmem:s30+$0x144B0];
	v1 =	vmul.f32 v1, v7;
	v2 =	vmul.f32 v2, v8  }
0x498: {  	v41 =	vld [tilespmem:s30+$0x4C0]  }
0x499: {  	v58 =	vld [tilespmem:s30+$0x144C0];
	v1 =	vadd.f32 v2, v1;
	v2 =	vmul.f32 v3, v19  }
0x49a: {  	v3 =	vld [tilespmem:s1+$0x144D0]  }
0x49b: {  	v43 =	vld [tilespmem:s30+$0x4D0];
	v1 =	vadd.f32 v2, v1;
	v2 =	vmul.f32 v4, v20  }
0x49c: {  	v4 =	vld [tilespmem:s1+$0x144E0]  }
0x49d: {  	v44 =	vld [tilespmem:s30+$0x4E0];
	v1 =	vadd.f32 v2, v1;
	v2 =	vmul.f32 v5, v21  }
0x49e: {  	v5 =	vld [tilespmem:s1+$0x144F0]  }
0x49f: {  	v45 =	vld [tilespmem:s30+$0x4F0];
	v1 =	vadd.f32 v2, v1;
	v2 =	vmul.f32 v3, v9  }
0x4a0: {  	v59 =	vld [tilespmem:s30+$0x144F0]  }
0x4a1: {  	s10 =	simm.s32 $0x1;
	v47 =	vld [tilespmem:s30+$0x14400];
	v1 =	vadd.f32 v2, v1;
	v2 =	vmul.f32 v4, v18  }
0x4a2: {  	v48 =	vld [tilespmem:s30+$0x14410];
	v4 =	vadd.s32 s10, v0  }
0x4a3: {  	v46 =	vld [tilespmem:s30+$0x14420];
	v1 =	vadd.f32 v2, v1;
	v2 =	vmul.f32 v5, v17  }
0x4a4: {  	v53 =	vld [tilespmem:s30+$0x14430]  }
0x4a5: {  	v3 =	vld [tilespmem:s1+$0x14400];
	v1 =	vadd.f32 v2, v1  }
0x4a6: {  	v2 =	vld [tilespmem:s30+$0x14480]  }
0x4a7: {  	[tilespmem:v4+s23+$0x0] =	vst.idx.msk $0xffff, v1;
	v4 =	vld [tilespmem:s30+$0x14490]  }
0x4a8: {  	v42 =	vmul.f32 v58, v41;
	v58 =	vld [tilespmem:s30+$0x14450]  }
0x4a9: {  	v5 =	vld [tilespmem:s30+$0x144A0]  }
0x4aa: {  	v52 =	vmul.f32 v3, v10;
	v3 =	vld [tilespmem:s30+$0x430]  }
0x4ab: {  	v1 =	vld [tilespmem:s1+$0x470]  }
0x4ac: {  	v54 =	vld [tilespmem:s1+$0x18480];
	v2 =	vmul.f32 v2, v37;
	v4 =	vmul.f32 v4, v38  }
0x4ad: {  	v55 =	vld [tilespmem:s1+$0x18490]  }
0x4ae: {  	v56 =	vld [tilespmem:s1+$0x184A0];
	v2 =	vadd.f32 v4, v2;
	v4 =	vmul.f32 v5, v39  }
0x4af: {  	v5 =	vld [tilespmem:s30+$0x144D0]  }
0x4b0: {  	v32 =	vld [tilespmem:s1+$0x184D0];
	v2 =	vadd.f32 v4, v2;
	v4 =	vmul.f32 v6, v40  }
0x4b1: {  	v6 =	vld [tilespmem:s30+$0x144E0]  }
0x4b2: {  	v22 =	vmul.f32 v22, v11;
	v29 =	vld [tilespmem:s1+$0x184B0];
	v2 =	vadd.f32 v4, v2  }
0x4b3: {  	v31 =	vld [tilespmem:s1+$0x184C0];
	v7 =	vmul.f32 v54, v7;
	v8 =	vmul.f32 v55, v8  }
0x4b4: {  	v23 =	vmul.f32 v23, v12;
	v34 =	vld [tilespmem:s1+$0x184E0];
	v60 =	vmul.f32 v5, v43;
	v2 =	vadd.f32 v42, v2  }
0x4b5: {  	v22 =	vadd.f32 v22, v52;
	v35 =	vld [tilespmem:s1+$0x184F0];
	v32 =	vmul.f32 v32, v9;
	v7 =	vadd.f32 v8, v7  }
0x4b6: {  	s11 =	simm.s32 $0x3;
	v9 =	vld [tilespmem:s30+$0x470];
	v8 =	vmul.f32 v56, v19;
	v61 =	vmul.f32 v6, v44;
	v2 =	vadd.f32 v60, v2  }
0x4b7: {  	v62 =	vadd.s32 s11, v0;
	v22 =	vadd.f32 v23, v22;
	v23 =	vmul.f32 v24, v13;
	v19 =	vld [tilespmem:s30+$0x14440]  }
0x4b8: {  	v63 =	vmul.f32 v59, v45;
	v8 =	vadd.f32 v8, v7;
	v7 =	vld [tilespmem:s30+$0x450];
	v2 =	vadd.f32 v61, v2  }
0x4b9: {  	v22 =	vadd.f32 v23, v22;
	v23 =	vmul.f32 v27, v14;
	v20 =	vmul.f32 v29, v20;
	v4 =	vld [tilespmem:s30+$0x400]  }
0x4ba: {  	v5 =	vld [tilespmem:s30+$0x410];
	v2 =	vadd.f32 v63, v2  }
0x4bb: {  	v22 =	vadd.f32 v23, v22;
	v23 =	vmul.f32 v57, v15;
	v20 =	vadd.f32 v20, v8;
	v8 =	vld [tilespmem:s30+$0x460]  }
0x4bc: {  	v6 =	vld [tilespmem:s30+$0x420];
	[tilespmem:v62+s23+$0x0] =	vst.idx.msk $0xffff, v2  }
0x4bd: {  	v22 =	vadd.f32 v23, v22;
	v23 =	vmul.f32 v33, v16;
	v54 =	vld [tilespmem:s30+$0x18480]  }
0x4be: {  	v55 =	vld [tilespmem:s30+$0x18490]  }
0x4bf: {  	v22 =	vadd.f32 v23, v22;
	v23 =	vmul.f32 v47, v4;
	v47 =	vld [tilespmem:s30+$0x14460]  }
0x4c0: {  	s0 =	simm.s32 $0x0;
	v56 =	vld [tilespmem:s30+$0x184A0]  }
0x4c1: {  	v21 =	vmul.f32 v31, v21;
	v18 =	vmul.f32 v34, v18;
	v60 =	vadd.s32 s0, v0;
	v2 =	vld [tilespmem:s30+$0x440]  }
0x4c2: {  	v61 =	vmul.f32 v36, v1;
	v62 =	vmul.f32 v48, v5;
	v57 =	vld [tilespmem:s30+$0x184B0]  }
0x4c3: {  	v20 =	vadd.f32 v21, v20;
	v59 =	vld [tilespmem:s30+$0x184C0];
	v25 =	vmul.f32 v54, v37;
	v24 =	vmul.f32 v55, v38  }
0x4c4: {  	v22 =	vadd.f32 v61, v22;
	v48 =	vmul.f32 v46, v6;
	v63 =	vld [tilespmem:s30+$0x184D0];
	v23 =	vadd.f32 v62, v23  }
0x4c5: {  	v20 =	vadd.f32 v32, v20;
	v49 =	vld [tilespmem:s30+$0x184E0];
	v39 =	vmul.f32 v56, v39;
	v21 =	vadd.f32 v24, v25  }
0x4c6: {  	[tilespmem:v60+s23+$0x0] =	vst.idx.msk $0xffff, v22;
	v51 =	vld [tilespmem:s30+$0x184F0];
	v22 =	vadd.f32 v48, v23;
	v23 =	vmul.f32 v53, v3  }
0x4c7: {  	v17 =	vmul.f32 v35, v17;
	v30 =	vld [tilespmem:s1+$0x18410];
	v50 =	vmul.f32 v57, v40;
	v21 =	vadd.f32 v39, v21  }
0x4c8: {  	v18 =	vadd.f32 v18, v20;
	v53 =	vld [tilespmem:s30+$0x14470];
	v19 =	vmul.f32 v19, v2;
	v22 =	vadd.f32 v23, v22  }
0x4c9: {  	s12 =	simm.s32 $0x811;
	s10 =	simm.s32 $0x813;
	v20 =	vmul.f32 v58, v7;
	v52 =	vmul.f32 v59, v41;
	v23 =	vld [tilespmem:s1+$0x18400];
	v21 =	vadd.f32 v50, v21  }
0x4ca: {  	v58 =	vadd.s32 s10, v0;
	v62 =	vld [tilespmem:s1+$0x18450];
	v54 =	vadd.s32 s12, v0;
	v19 =	vadd.f32 v19, v22  }
0x4cb: {  	s2 =	simm.s32 $0x2;
	v18 =	vadd.f32 v17, v18;
	v55 =	vmul.f32 v63, v43;
	v22 =	vld [tilespmem:s1+$0x18420];
	v21 =	vadd.f32 v52, v21  }
0x4cc: {  	v60 =	vadd.s32 s2, v0;
	v59 =	vld [tilespmem:s1+$0x18440];
	v19 =	vadd.f32 v20, v19;
	v20 =	vmul.f32 v47, v8  }
0x4cd: {  	v56 =	vmul.f32 v49, v44;
	v57 =	vld [tilespmem:s1+$0x18430];
	v11 =	vmul.f32 v30, v11;
	v21 =	vadd.f32 v55, v21  }
0x4ce: {  	v63 =	vld [tilespmem:s1+$0x18460];
	v23 =	vmul.f32 v23, v10;
	v19 =	vadd.f32 v20, v19;
	v20 =	vmul.f32 v53, v9  }
0x4cf: {  	s31 =	simm.s32 $0x200;
	v17 =	vld [tilespmem:s1+$0x18470];
	v61 =	vmul.f32 v51, v45;
	[tilespmem:v54+s23+$0x0] =	vst.idx.msk $0xffff, v18;
	v21 =	vadd.f32 v56, v21  }
0x4d0: {  	v10 =	vld [tilespmem:s31+$0x480];
	v12 =	vmul.f32 v22, v12;
	v18 =	vadd.f32 v20, v19;
	v19 =	vadd.f32 v11, v23  }
0x4d1: {  	v14 =	vmul.f32 v59, v14;
	v11 =	vld [tilespmem:s31+$0x490];
	v21 =	vadd.f32 v61, v21  }
0x4d2: {  	v20 =	vld [tilespmem:s31+$0x14480];
	[tilespmem:v60+s23+$0x0] =	vst.idx.msk $0xffff, v18;
	v18 =	vmul.f32 v57, v13;
	v19 =	vadd.f32 v12, v19  }
0x4d3: {  	s11 =	simm.s32 $0x6;
	s10 =	simm.s32 $0x800;
	s1 =	simm.s32 $0x4;
	v13 =	vmul.f32 v62, v15;
	v15 =	vld [tilespmem:s31+$0x14490];
	v12 =	vmul.f32 v63, v16;
	[tilespmem:v58+s23+$0x0] =	vst.idx.msk $0xffff, v21  }
.LBB2_6:
0x4d4: {  	p0 =	slt.u32 s11, $0x7E;
	v16 =	vld [tilespmem:s31+$0x4A0];
	v18 =	vadd.f32 v18, v19;
	v17 =	vmul.f32 v17, v1;
	v1 =	vmov v9  }
0x4d5: {  	v9 =	vld [tilespmem:s31+$0x144A0]  }
0x4d6: {  	v19 =	vld [tilespmem:s31+$0x4B0];
	v14 =	vadd.f32 v14, v18  }
0x4d7: {  	v18 =	vld [tilespmem:s31+$0x144B0]  }
0x4d8: {  	s12 =	sadd.s32 $0x810, s0;
	s0 =	smov.u32 s2;
	s2 =	smov.u32 s1;
	v20 =	vmul.f32 v20, v10;
	v21 =	vld [tilespmem:s31+$0x4C0];
	v15 =	vmul.f32 v15, v11;
	v13 =	vadd.f32 v13, v14  }
0x4d9: {  	s1 =	smov.u32 s11;
	v22 =	vadd.s32 s12, v0;
	v14 =	vld [tilespmem:s31+$0x144C0]  }
0x4da: {  	v23 =	vld [tilespmem:s31+$0x4D0];
	v15 =	vadd.f32 v15, v20;
	v9 =	vmul.f32 v9, v16;
	v12 =	vadd.f32 v12, v13  }
0x4db: {  	v13 =	vld [tilespmem:s31+$0x144D0]  }
0x4dc: {  	v20 =	vld [tilespmem:s31+$0x4E0];
	v9 =	vadd.f32 v9, v15;
	v15 =	vmul.f32 v18, v19;
	v12 =	vadd.f32 v17, v12  }
0x4dd: {  	v17 =	vld [tilespmem:s31+$0x144E0]  }
0x4de: {  	v18 =	vld [tilespmem:s31+$0x4F0];
	v9 =	vadd.f32 v15, v9;
	v14 =	vmul.f32 v14, v21;
	[tilespmem:v22+s23+$0x0] =	vst.idx.msk $0xffff, v12  }
0x4df: {  	v12 =	vld [tilespmem:s31+$0x144F0]  }
0x4e0: {  	v15 =	vld [tilespmem:s31+$0x400];
	v9 =	vadd.f32 v14, v9;
	v13 =	vmul.f32 v13, v23  }
0x4e1: {  	v14 =	vld [tilespmem:s31+$0x410]  }
0x4e2: {  	s12 =	sadd.s32 $0x1, s2;
	v22 =	vld [tilespmem:s31+$0x14400];
	v9 =	vadd.f32 v13, v9;
	v13 =	vmul.f32 v17, v20  }
0x4e3: {  	v24 =	vadd.s32 s12, v0;
	v17 =	vld [tilespmem:s31+$0x14410]  }
0x4e4: {  	v25 =	vld [tilespmem:s31+$0x420];
	v9 =	vadd.f32 v13, v9;
	v12 =	vmul.f32 v12, v18  }
0x4e5: {  	v13 =	vld [tilespmem:s31+$0x14420]  }
0x4e6: {  	v26 =	vld [tilespmem:s31+$0x430];
	v9 =	vadd.f32 v12, v9  }
0x4e7: {  	v12 =	vmul.f32 v22, v15;
	v22 =	vld [tilespmem:s31+$0x14430]  }
0x4e8: {  	v27 =	vld [tilespmem:s31+$0x440];
	v17 =	vmul.f32 v17, v14;
	[tilespmem:v24+s23+$0x0] =	vst.idx.msk $0xffff, v9  }
0x4e9: {  	v9 =	vld [tilespmem:s31+$0x18480]  }
0x4ea: {  	v12 =	vadd.f32 v17, v12;
	v13 =	vmul.f32 v13, v25;
	v17 =	vld [tilespmem:s31+$0x18490]  }
0x4eb: {  	v24 =	vld [tilespmem:s31+$0x14440]  }
0x4ec: {  	v12 =	vadd.f32 v13, v12;
	v13 =	vmul.f32 v22, v26;
	v22 =	vld [tilespmem:s31+$0x184A0]  }
0x4ed: {  	v28 =	vld [tilespmem:s31+$0x450]  }
0x4ee: {  	v12 =	vadd.f32 v13, v12;
	v13 =	vld [tilespmem:s31+$0x184B0]  }
0x4ef: {  	v9 =	vmul.f32 v9, v10;
	v29 =	vld [tilespmem:s31+$0x14450];
	v10 =	vmul.f32 v17, v11  }
0x4f0: {  	v11 =	vmul.f32 v24, v27;
	v17 =	vld [tilespmem:s31+$0x184C0]  }
0x4f1: {  	v24 =	vld [tilespmem:s31+$0x460];
	v9 =	vadd.f32 v10, v9;
	v10 =	vmul.f32 v22, v16  }
0x4f2: {  	v11 =	vadd.f32 v11, v12;
	v12 =	vld [tilespmem:s31+$0x184D0]  }
0x4f3: {  	v16 =	vld [tilespmem:s31+$0x14460];
	v10 =	vadd.f32 v10, v9;
	v13 =	vmul.f32 v13, v19  }
0x4f4: {  	v19 =	vmul.f32 v29, v28;
	v22 =	vld [tilespmem:s31+$0x184E0]  }
0x4f5: {  	v9 =	vld [tilespmem:s31+$0x470];
	v10 =	vadd.f32 v13, v10;
	v13 =	vmul.f32 v17, v21  }
0x4f6: {  	v11 =	vadd.f32 v19, v11;
	v17 =	vld [tilespmem:s31+$0x184F0]  }
0x4f7: {  	v19 =	vld [tilespmem:s31+$0x14470];
	v10 =	vadd.f32 v13, v10;
	v12 =	vmul.f32 v12, v23  }
0x4f8: {  	v13 =	vmul.f32 v16, v24;
	v16 =	vld [tilespmem:s30+$0x18400]  }
0x4f9: {  	s12 =	sadd.s32 $0x811, s2;
	v10 =	vadd.f32 v12, v10;
	v12 =	vmul.f32 v22, v20;
	v20 =	vld [tilespmem:s30+$0x18410]  }
0x4fa: {  	v11 =	vadd.f32 v13, v11;
	v13 =	vadd.s32 s12, v0;
	v21 =	vld [tilespmem:s30+$0x18420]  }
0x4fb: {  	v22 =	vadd.s32 s2, v0;
	v10 =	vadd.f32 v12, v10;
	v12 =	vmul.f32 v17, v18;
	v18 =	vld [tilespmem:s30+$0x18430]  }
0x4fc: {  	v17 =	vmul.f32 v19, v9;
	v19 =	vld [tilespmem:s30+$0x18440]  }
0x4fd: {  	v10 =	vadd.f32 v12, v10;
	v12 =	vmul.f32 v16, v4;
	v16 =	vld [tilespmem:s30+$0x18450];
	v4 =	vmov v15  }
0x4fe: {  	s10 =	sadd.s32 $0x400, s10;
	v11 =	vadd.f32 v17, v11;
	v15 =	vmul.f32 v20, v5;
	v23 =	vld [tilespmem:s30+$0x18460];
	v5 =	vmov v14  }
.Ltmp2:
0x4ff: {  	[tilespmem:v13+s23+$0x0] =	vst.idx.msk $0xffff, v10;
	v13 =	vmul.f32 v21, v6;
	v17 =	vld [tilespmem:s30+$0x18470];
	v6 =	vmov v25;
	s30 =	smov.u32 s31;
	s31 =	sshra.s32 s10, $0x2;
	(pc) =	sbr.rel @p0 .LBB2_6-.Ltmp2, $4  }
0x500: {  	v10 =	vld [tilespmem:s31+$0x480];
	[tilespmem:v22+s23+$0x0] =	vst.idx.msk $0xffff, v11;
	v12 =	vadd.f32 v15, v12;
	v18 =	vmul.f32 v18, v3;
	v3 =	vmov v26  }
0x501: {  	v11 =	vld [tilespmem:s31+$0x490];
	v14 =	vmul.f32 v19, v2;
	v2 =	vmov v27  }
0x502: {  	v20 =	vld [tilespmem:s31+$0x14480];
	v19 =	vadd.f32 v13, v12;
	v13 =	vmul.f32 v16, v7;
	v7 =	vmov v28  }
0x503: {  	s11 =	sadd.s32 $0x2, s11;
	v15 =	vld [tilespmem:s31+$0x14490];
	v12 =	vmul.f32 v23, v8;
	v8 =	vmov v24  }
0x504: {  	v16 =	vld [tilespmem:s31+$0x4A0]  }
0x505: {  	v21 =	vld [tilespmem:s31+$0x144A0]  }
0x506: {  	v22 =	vld [tilespmem:s31+$0x4B0]  }
0x507: {  	v23 =	vld [tilespmem:s31+$0x144B0]  }
0x508: {  	v24 =	vld [tilespmem:s31+$0x4C0]  }
0x509: {  	v25 =	vld [tilespmem:s31+$0x144C0]  }
0x50a: {  	v26 =	vld [tilespmem:s31+$0x4D0]  }
0x50b: {  	v39 =	vld [tilespmem:s31+$0x144D0];
	v20 =	vmul.f32 v20, v10;
	v15 =	vmul.f32 v15, v11  }
0x50c: {  	v27 =	vld [tilespmem:s31+$0x4E0]  }
0x50d: {  	v41 =	vld [tilespmem:s31+$0x144E0];
	v38 =	vmul.f32 v21, v16;
	v15 =	vadd.f32 v15, v20  }
0x50e: {  	v28 =	vld [tilespmem:s31+$0x4F0]  }
0x50f: {  	v43 =	vld [tilespmem:s31+$0x144F0];
	v40 =	vmul.f32 v23, v22;
	v15 =	vadd.f32 v38, v15  }
0x510: {  	v29 =	vld [tilespmem:s31+$0x400]  }
0x511: {  	v30 =	vld [tilespmem:s31+$0x14400];
	v42 =	vmul.f32 v25, v24;
	v15 =	vadd.f32 v40, v15  }
0x512: {  	v31 =	vld [tilespmem:s31+$0x14410]  }
0x513: {  	v32 =	vld [tilespmem:s31+$0x420];
	v44 =	vmul.f32 v39, v26;
	v15 =	vadd.f32 v42, v15  }
0x514: {  	v21 =	vld [tilespmem:s31+$0x410]  }
0x515: {  	s10 =	sadd.s32 $0x1, s1;
	v48 =	vld [tilespmem:s31+$0x14420];
	v45 =	vmul.f32 v41, v27;
	v15 =	vadd.f32 v44, v15  }
0x516: {  	v33 =	vld [tilespmem:s31+$0x430];
	v46 =	vadd.s32 s10, v0  }
0x517: {  	v49 =	vld [tilespmem:s31+$0x14430];
	v47 =	vmul.f32 v43, v28;
	v15 =	vadd.f32 v45, v15  }
0x518: {  	v34 =	vld [tilespmem:s31+$0x440]  }
0x519: {  	v53 =	vld [tilespmem:s31+$0x14440];
	v50 =	vmul.f32 v30, v29;
	v51 =	vmul.f32 v31, v21;
	v15 =	vadd.f32 v47, v15  }
0x51a: {  	v35 =	vld [tilespmem:s31+$0x14450]  }
0x51b: {  	v36 =	vld [tilespmem:s31+$0x14460];
	v54 =	vmul.f32 v48, v32;
	[tilespmem:v46+s23+$0x0] =	vst.idx.msk $0xffff, v15;
	v15 =	vadd.f32 v51, v50  }
0x51c: {  	v25 =	vld [tilespmem:s31+$0x450]  }
0x51d: {  	v62 =	vld [tilespmem:s30+$0x18400];
	v20 =	vmul.f32 v49, v33;
	v15 =	vadd.f32 v54, v15  }
0x51e: {  	v23 =	vld [tilespmem:s31+$0x460]  }
0x51f: {  	v37 =	vld [tilespmem:s31+$0x14470];
	v55 =	vmul.f32 v53, v34;
	v15 =	vadd.f32 v20, v15  }
0x520: {  	v31 =	vld [tilespmem:s31+$0x470]  }
0x521: {  	v63 =	vld [tilespmem:s30+$0x18410];
	v56 =	vmul.f32 v35, v25;
	v15 =	vadd.f32 v55, v15  }
0x522: {  	v53 =	vld [tilespmem:s30+$0x18440]  }
0x523: {  	v4 =	vmul.f32 v62, v4;
	v62 =	vld [tilespmem:s30+$0x18470];
	v58 =	vmul.f32 v36, v23;
	v15 =	vadd.f32 v56, v15  }
0x524: {  	v40 =	vadd.s32 s1, v0;
	v46 =	vld [tilespmem:s30+$0x18420]  }
0x525: {  	v60 =	vmul.f32 v37, v31;
	v50 =	vld [tilespmem:s30+$0x18430];
	v15 =	vadd.f32 v58, v15  }
0x526: {  	v52 =	vld [tilespmem:s31+$0x18480]  }
0x527: {  	v38 =	vld [tilespmem:s31+$0x18490];
	v15 =	vadd.f32 v60, v15  }
0x528: {  	v18 =	vadd.f32 v18, v19;
	v57 =	vld [tilespmem:s31+$0x184A0]  }
0x529: {  	v39 =	vld [tilespmem:s31+$0x184B0];
	[tilespmem:v40+s23+$0x0] =	vst.idx.msk $0xffff, v15  }
0x52a: {  	v14 =	vadd.f32 v14, v18;
	v15 =	vld [tilespmem:s31+$0x18400]  }
0x52b: {  	v44 =	vld [tilespmem:s31+$0x18410]  }
0x52c: {  	v1 =	vmul.f32 v17, v1;
	s12 =	sadd.s32 $0x811, s1;
	v13 =	vadd.f32 v13, v14;
	v59 =	vld [tilespmem:s31+$0x184C0]  }
0x52d: {  	v5 =	vmul.f32 v63, v5;
	v63 =	vadd.s32 s12, v0;
	v2 =	vmul.f32 v53, v2;
	v47 =	vld [tilespmem:s31+$0x18420]  }
0x52e: {  	v12 =	vadd.f32 v12, v13;
	v41 =	vld [tilespmem:s31+$0x184D0];
	v6 =	vmul.f32 v46, v6;
	v3 =	vmul.f32 v50, v3  }
0x52f: {  	v4 =	vadd.f32 v5, v4;
	v43 =	vmul.f32 v38, v11;
	v40 =	vmul.f32 v52, v10;
	v52 =	vld [tilespmem:s31+$0x18430]  }
0x530: {  	v1 =	vadd.f32 v1, v12;
	v55 =	vld [tilespmem:s30+$0x18450];
	v15 =	vmul.f32 v15, v29;
	v18 =	vmul.f32 v44, v21  }
0x531: {  	s0 =	sadd.s32 $0x810, s0;
	v45 =	vmul.f32 v57, v16;
	v4 =	vadd.f32 v6, v4;
	v54 =	vld [tilespmem:s31+$0x18440];
	v10 =	vadd.f32 v43, v40  }
0x532: {  	v51 =	vadd.s32 s0, v0;
	v58 =	vld [tilespmem:s30+$0x18460];
	v14 =	vmul.f32 v47, v32;
	v15 =	vadd.f32 v18, v15  }
0x533: {  	v48 =	vmul.f32 v39, v22;
	v3 =	vadd.f32 v3, v4;
	v57 =	vld [tilespmem:s31+$0x18450];
	v10 =	vadd.f32 v45, v10  }
0x534: {  	v61 =	vld [tilespmem:s31+$0x184E0];
	v49 =	vmul.f32 v59, v24;
	v59 =	vmul.f32 v52, v33;
	v14 =	vadd.f32 v14, v15  }
0x535: {  	v7 =	vmul.f32 v55, v7;
	v2 =	vadd.f32 v2, v3;
	v60 =	vld [tilespmem:s31+$0x18460];
	v10 =	vadd.f32 v48, v10  }
0x536: {  	v42 =	vld [tilespmem:s31+$0x184F0];
	v20 =	vmul.f32 v62, v9;
	v5 =	vmul.f32 v54, v34;
	v14 =	vadd.f32 v59, v14  }
0x537: {  	v56 =	vmul.f32 v41, v26;
	v2 =	vadd.f32 v7, v2;
	v3 =	vld [tilespmem:s31+$0x18470];
	v10 =	vadd.f32 v49, v10  }
0x538: {  	s30 =	sadd.s32 $0x810, s2;
	v8 =	vmul.f32 v58, v8;
	v6 =	vmul.f32 v57, v25;
	v5 =	vadd.f32 v5, v14  }
0x539: {  	v61 =	vmul.f32 v61, v27;
	v19 =	vadd.s32 s30, v0;
	v10 =	vadd.f32 v56, v10  }
0x53a: {  	s31 =	sadd.s32 $0x810, s1;
	v2 =	vadd.f32 v8, v2;
	v4 =	vmul.f32 v60, v23;
	v5 =	vadd.f32 v6, v5  }
0x53b: {  	[tilespmem:v51+s23+$0x0] =	vst.idx.msk $0xffff, v1;
	v21 =	vadd.s32 s31, v0;
	v18 =	vmul.f32 v42, v28;
	v10 =	vadd.f32 v61, v10  }
0x53c: {  	v1 =	vadd.f32 v20, v2;
	v3 =	vmul.f32 v3, v31;
	v4 =	vadd.f32 v4, v5  }
0x53d: {  	v22 =	vadd.f32 v18, v10  }
0x53e: {  	[tilespmem:v19+s23+$0x0] =	vst.idx.msk $0xffff, v1;
	v2 =	vadd.f32 v3, v4  }
0x53f: {  	[tilespmem:v63+s23+$0x0] =	vst.idx.msk $0xffff, v22  }
0x540: {  	[tilespmem:v21+s23+$0x0] =	vst.idx.msk $0xffff, v2  }
0x541: {  	v30 =	vld [tilespmem:$0x1C400]  }
0x542: {  	v29 =	vld [tilespmem:$0x1C481]  }
0x543: {  	v33 =	vld [tilespmem:$0x1C502]  }
0x544: {  	v39 =	vld [tilespmem:$0x1C583]  }
0x545: {  	v46 =	vld [tilespmem:$0x1C604]  }
0x546: {  	v52 =	vld [tilespmem:$0x1C685]  }
0x547: {  	v60 =	vld [tilespmem:$0x1C706]  }
0x548: {  	v1 =	vld [tilespmem:$0x1C787]  }
0x549: {  	v15 =	vld [tilespmem:$0x1C410]  }
0x54a: {  	v12 =	vld [tilespmem:$0x1C491]  }
0x54b: {  	v17 =	vld [tilespmem:$0x1C512]  }
0x54c: {  	v21 =	vld [tilespmem:$0x1C593]  }
0x54d: {  	v25 =	vld [tilespmem:$0x1C614]  }
0x54e: {  	v38 =	vld [tilespmem:$0x1C695]  }
0x54f: {  	v47 =	vld [tilespmem:$0x1C716]  }
0x550: {  	v56 =	vld [tilespmem:$0x1C797]  }
0x551: {  	v55 =	vld [tilespmem:$0x1C818]  }
0x552: {  	v6 =	vld [tilespmem:$0x1C420]  }
0x553: {  	v5 =	vld [tilespmem:$0x1C4A1]  }
0x554: {  	v8 =	vld [tilespmem:$0x1C522]  }
0x555: {  	v10 =	vld [tilespmem:$0x1C5A3]  }
0x556: {  	v16 =	vld [tilespmem:$0x1C624]  }
0x557: {  	v20 =	vld [tilespmem:$0x1C6A5]  }
0x558: {  	v24 =	vld [tilespmem:$0x1C726]  }
0x559: {  	v32 =	vld [tilespmem:$0x1C7A7]  }
0x55a: {  	v37 =	vld [tilespmem:$0x1C828]  }
0x55b: {  	v44 =	vld [tilespmem:$0x1C8A9]  }
0x55c: {  	v53 =	vld [tilespmem:$0x1C92A]  }
0x55d: {  	v61 =	vld [tilespmem:$0x1C9AB]  }
0x55e: {  	v2 =	vld [tilespmem:$0x1C430]  }
0x55f: {  	v3 =	vld [tilespmem:$0x1C532]  }
0x560: {  	v4 =	vld [tilespmem:$0x1C5B3]  }
0x561: {  	v7 =	vld [tilespmem:$0x1C634]  }
0x562: {  	v9 =	vld [tilespmem:$0x1C6B5]  }
0x563: {  	v11 =	vld [tilespmem:$0x1C736]  }
0x564: {  	v18 =	vld [tilespmem:$0x1C7B7]  }
0x565: {  	v22 =	vld [tilespmem:$0x1C838]  }
0x566: {  	v27 =	vld [tilespmem:$0x1C8B9]  }
0x567: {  	v35 =	vld [tilespmem:$0x1C93A]  }
0x568: {  	v41 =	vld [tilespmem:$0x1C9BB]  }
0x569: {  	v49 =	vld [tilespmem:$0x1CA3C]  }
0x56a: {  	v57 =	vld [tilespmem:$0x1CABD]  }
0x56b: {  	v23 =	vld [tilespmem:$0x1CB3E]  }
0x56c: {  	v26 =	vld [tilespmem:$0x1CBBF]  }
0x56d: {  	v28 =	vld [tilespmem:$0x1C440]  }
0x56e: {  	v63 =	vld [tilespmem:$0x1CBCF]  }
0x56f: {  	v31 =	vld [tilespmem:$0x1C4C1]  }
0x570: {  	[tilespmem:$0x1EDC0] =	vst v1;
	v1 =	vld [tilespmem:$0x1C808]  }
0x571: {  	v34 =	vld [tilespmem:$0x1C542]  }
0x572: {  	v36 =	vld [tilespmem:$0x1C5C3]  }
0x573: {  	[tilespmem:$0x1F180] =	vst v63;
	v63 =	vld [tilespmem:$0x1C868]  }
0x574: {  	v40 =	vld [tilespmem:$0x1C644]  }
0x575: {  	[tilespmem:$0x1EDD0] =	vst v1;
	v1 =	vld [tilespmem:$0x1C889]  }
0x576: {  	v42 =	vld [tilespmem:$0x1C6C5]  }
0x577: {  	v43 =	vld [tilespmem:$0x1C746]  }
0x578: {  	[tilespmem:$0x1F020] =	vst v63;
	v63 =	vld [tilespmem:$0x1C8F9]  }
0x579: {  	v45 =	vld [tilespmem:$0x1C7C7]  }
0x57a: {  	[tilespmem:$0x1EDE0] =	vst v1;
	v1 =	vld [tilespmem:$0x1C90A]  }
0x57b: {  	v48 =	vld [tilespmem:$0x1C848]  }
0x57c: {  	v50 =	vld [tilespmem:$0x1C8C9]  }
0x57d: {  	[tilespmem:$0x1F070] =	vst v63;
	v63 =	vld [tilespmem:$0x1C97A]  }
0x57e: {  	v51 =	vld [tilespmem:$0x1C94A]  }
0x57f: {  	[tilespmem:$0x1EE00] =	vst v1;
	v1 =	vld [tilespmem:$0x1C98B]  }
0x580: {  	v54 =	vld [tilespmem:$0x1C9CB]  }
0x581: {  	v58 =	vld [tilespmem:$0x1CA4C]  }
0x582: {  	[tilespmem:$0x1F0B0] =	vst v63;
	v63 =	vld [tilespmem:$0x1C9FB]  }
0x583: {  	v59 =	vld [tilespmem:$0x1CACD]  }
0x584: {  	[tilespmem:$0x1EE20] =	vst v1;
	v1 =	vld [tilespmem:$0x1CA0C]  }
0x585: {  	v62 =	vld [tilespmem:$0x1CB4E]  }
0x586: {  	v19 =	vld [tilespmem:$0x1C654]  }
0x587: {  	[tilespmem:$0x1F0F0] =	vst v63;
	v63 =	vld [tilespmem:$0x1CA7C]  }
0x588: {  	v14 =	vld [tilespmem:$0x1C470]  }
0x589: {  	[tilespmem:$0x1EE40] =	vst v1;
	v1 =	vld [tilespmem:$0x1CA8D]  }
0x58a: {  	v13 =	vld [tilespmem:$0x1C4F1]  }
0x58b: {  	[tilespmem:$0x1EFC0] =	vst v45;
	v45 =	vld [tilespmem:$0x1C450]  }
0x58c: {  	[tilespmem:$0x1F130] =	vst v63;
	v63 =	vld [tilespmem:$0x1CAFD]  }
0x58d: {  	[tilespmem:$0x1EFA0] =	vst v43;
	v43 =	vld [tilespmem:$0x1C4D1]  }
0x58e: {  	[tilespmem:$0x1EE60] =	vst v1;
	v1 =	vld [tilespmem:$0x1CB0E]  }
0x58f: {  	[tilespmem:$0x1F010] =	vst v50;
	v50 =	vld [tilespmem:$0x1C552]  }
0x590: {  	[tilespmem:$0x1F100] =	vst v59;
	v59 =	vld [tilespmem:$0x1C5D3]  }
0x591: {  	[tilespmem:$0x1F170] =	vst v63;
	v63 =	vld [tilespmem:$0x1CB7E]  }
0x592: {  	[tilespmem:$0x1EEF0] =	vst v23;
	v23 =	vld [tilespmem:$0x1C6D5]  }
0x593: {  	[tilespmem:$0x1EE90] =	vst v1;
	v1 =	vld [tilespmem:$0x1CB8F]  }
0x594: {  	[tilespmem:$0x1EF30] =	vst v26;
	v26 =	vld [tilespmem:$0x1C756]  }
0x595: {  	[tilespmem:$0x1EF10] =	vst v28;
	v28 =	vld [tilespmem:$0x1C7D7]  }
0x596: {  	[tilespmem:$0x1F1B0] =	vst v63;
	v63 =	vld [tilespmem:$0x1CBFF]  }
0x597: {  	[tilespmem:$0x1EF20] =	vst v31;
	v31 =	vld [tilespmem:$0x1C858]  }
0x598: {  	[tilespmem:$0x1EEC0] =	vst v1;
	v1 =	vld [tilespmem:$0x1C899]  }
0x599: {  	[tilespmem:$0x1EF40] =	vst v34;
	v34 =	vld [tilespmem:$0x1C8D9]  }
0x59a: {  	[tilespmem:$0x1EF50] =	vst v36;
	v36 =	vld [tilespmem:$0x1C95A]  }
0x59b: {  	[tilespmem:$0x1F1F0] =	vst v63;
	v63 =	vld [tilespmem:$0x1CC10]  }
0x59c: {  	[tilespmem:$0x1EF60] =	vst v40;
	v40 =	vld [tilespmem:$0x1C9DB]  }
0x59d: {  	[tilespmem:$0x1EDF0] =	vst v1;
	v1 =	vld [tilespmem:$0x1C91A]  }
0x59e: {  	[tilespmem:$0x1EF80] =	vst v42;
	v42 =	vld [tilespmem:$0x1CA5C]  }
0x59f: {  	[tilespmem:$0x1EFE0] =	vst v48;
	v48 =	vld [tilespmem:$0x1CADD]  }
0x5a0: {  	[tilespmem:$0x1F1D0] =	vst v63;
	v63 =	vld [tilespmem:$0x1CC91]  }
0x5a1: {  	[tilespmem:$0x1F040] =	vst v51;
	v51 =	vld [tilespmem:$0x1CB5E]  }
0x5a2: {  	[tilespmem:$0x1EE10] =	vst v1;
	v1 =	vld [tilespmem:$0x1C99B]  }
0x5a3: {  	[tilespmem:$0x1F080] =	vst v54;
	v54 =	vld [tilespmem:$0x1CBDF]  }
0x5a4: {  	[tilespmem:$0x1F140] =	vst v62;
	v62 =	vld [tilespmem:$0x1C766]  }
0x5a5: {  	[tilespmem:$0x1F1E0] =	vst v63;
	v63 =	vld [tilespmem:$0x1CD12]  }
0x5a6: {  	[tilespmem:$0x1F0C0] =	vst v58;
	v58 =	vld [tilespmem:$0x1C7E7]  }
0x5a7: {  	[tilespmem:$0x1EE30] =	vst v1;
	v1 =	vld [tilespmem:$0x1CA1C]  }
0x5a8: {  	[tilespmem:$0x1EF70] =	vst v19;
	v19 =	vld [tilespmem:$0x1C8E9]  }
0x5a9: {  	v29 =	vadd.f32 v29, v30;
	v30 =	vld [tilespmem:$0x1D29D]  }
0x5aa: {  	v12 =	vadd.f32 v12, v15;
	[tilespmem:$0x1F200] =	vst v63;
	v63 =	vld [tilespmem:$0x1CD93]  }
0x5ab: {  	v5 =	vadd.f32 v5, v6;
	v6 =	vld [tilespmem:$0x1CCA1]  }
0x5ac: {  	v29 =	vadd.f32 v33, v29;
	v33 =	vadd.f32 v17, v12;
	[tilespmem:$0x1EE50] =	vst v1;
	v1 =	vld [tilespmem:$0x1CA9D]  }
0x5ad: {  	v5 =	vadd.f32 v8, v5;
	v8 =	vld [tilespmem:$0x1CC20]  }
0x5ae: {  	v12 =	vadd.f32 v21, v33;
	v21 =	vld [tilespmem:$0x1D22C]  }
0x5af: {  	[tilespmem:$0x1F210] =	vst v63;
	v63 =	vld [tilespmem:$0x1CE14]  }
0x5b0: {  	[tilespmem:$0x1EFD0] =	vst v28;
	v28 =	vld [tilespmem:$0x1C460]  }
0x5b1: {  	[tilespmem:$0x1EE80] =	vst v1;
	v1 =	vld [tilespmem:$0x1CB1E]  }
0x5b2: {  	[tilespmem:$0x1EFB0] =	vst v26;
	v26 =	vld [tilespmem:$0x1C4E1]  }
0x5b3: {  	[tilespmem:$0x1F030] =	vst v34;
	v34 =	vld [tilespmem:$0x1C562]  }
0x5b4: {  	[tilespmem:$0x1F220] =	vst v63;
	v63 =	vld [tilespmem:$0x1CE95]  }
0x5b5: {  	[tilespmem:$0x1F0A0] =	vst v40;
	v40 =	vld [tilespmem:$0x1C5E3]  }
0x5b6: {  	[tilespmem:$0x1EEB0] =	vst v1;
	v1 =	vld [tilespmem:$0x1CB9F]  }
0x5b7: {  	[tilespmem:$0x1F120] =	vst v48;
	v48 =	vld [tilespmem:$0x1C664]  }
0x5b8: {  	[tilespmem:$0x1F1A0] =	vst v54;
	v54 =	vld [tilespmem:$0x1C6E5]  }
0x5b9: {  	[tilespmem:$0x1F230] =	vst v63;
	v63 =	vld [tilespmem:$0x1CF16]  }
0x5ba: {  	[tilespmem:$0x1EF90] =	vst v23;
	v23 =	vld [tilespmem:$0x1C96A]  }
0x5bb: {  	[tilespmem:$0x1EEE0] =	vst v1;
	v1 =	vld [tilespmem:$0x1CA2C]  }
0x5bc: {  	[tilespmem:$0x1F000] =	vst v31;
	v31 =	vld [tilespmem:$0x1C9EB]  }
0x5bd: {  	[tilespmem:$0x1F060] =	vst v36;
	v36 =	vld [tilespmem:$0x1CA6C]  }
0x5be: {  	[tilespmem:$0x1F240] =	vst v63;
	v63 =	vld [tilespmem:$0x1CF97]  }
0x5bf: {  	[tilespmem:$0x1F0E0] =	vst v42;
	v42 =	vld [tilespmem:$0x1CAED]  }
0x5c0: {  	[tilespmem:$0x1EE70] =	vst v1;
	v1 =	vld [tilespmem:$0x1CAAD]  }
0x5c1: {  	[tilespmem:$0x1F160] =	vst v51;
	v51 =	vld [tilespmem:$0x1CB6E]  }
0x5c2: {  	[tilespmem:$0x1EFF0] =	vst v58;
	v58 =	vld [tilespmem:$0x1CBEF]  }
0x5c3: {  	[tilespmem:$0x1F250] =	vst v63;
	v63 =	vld [tilespmem:$0x1D018]  }
0x5c4: {  	[tilespmem:$0x1F050] =	vst v19;
	v19 =	vld [tilespmem:$0x1C572]  }
0x5c5: {  	[tilespmem:$0x1EEA0] =	vst v1;
	v1 =	vld [tilespmem:$0x1CB2E]  }
0x5c6: {  	[tilespmem:$0x1F2E0] =	vst v30;
	v30 =	vld [tilespmem:$0x1CEA5]  }
0x5c7: {  	v15 =	vld [tilespmem:$0x1EDD0]  }
0x5c8: {  	[tilespmem:$0x1F260] =	vst v63;
	v63 =	vld [tilespmem:$0x1D099]  }
0x5c9: {  	v6 =	vadd.f32 v6, v8;
	v8 =	vld [tilespmem:$0x1D15A]  }
0x5ca: {  	[tilespmem:$0x1EED0] =	vst v1;
	v1 =	vld [tilespmem:$0x1CBAF]  }
0x5cb: {  	[tilespmem:$0x1F090] =	vst v23;
	v23 =	vld [tilespmem:$0x1C5F3]  }
0x5cc: {  	[tilespmem:$0x1F0D0] =	vst v31;
	v31 =	vld [tilespmem:$0x1C674]  }
0x5cd: {  	[tilespmem:$0x1F270] =	vst v63;
	v63 =	vld [tilespmem:$0x1D11A]  }
0x5ce: {  	[tilespmem:$0x1F110] =	vst v36;
	v36 =	vld [tilespmem:$0x1C6F5]  }
0x5cf: {  	[tilespmem:$0x1EF00] =	vst v1;
	v1 =	vld [tilespmem:$0x1C4B1]  }
0x5d0: {  	[tilespmem:$0x1F150] =	vst v42;
	v42 =	vld [tilespmem:$0x1C776]  }
0x5d1: {  	[tilespmem:$0x1F190] =	vst v51;
	v51 =	vld [tilespmem:$0x1C7F7]  }
0x5d2: {  	[tilespmem:$0x1F290] =	vst v63;
	v63 =	vld [tilespmem:$0x1D19B]  }
0x5d3: {  	[tilespmem:$0x1F1C0] =	vst v58;
	v58 =	vld [tilespmem:$0x1C878]  }
0x5d4: {  	v1 =	vadd.f32 v1, v2;
	v2 =	vld [tilespmem:$0x1D31E]  }
0x5d5: {  	v17 =	vld [tilespmem:$0x1EDE0]  }
0x5d6: {  	v33 =	vld [tilespmem:$0x1EE30];
	v1 =	vadd.f32 v3, v1  }
0x5d7: {  	[tilespmem:$0x1F2A0] =	vst v63;
	v63 =	vld [tilespmem:$0x1D21C]  }
0x5d8: {  	v3 =	vadd.f32 v10, v5;
	v5 =	vld [tilespmem:$0x1CD22];
	v1 =	vadd.f32 v4, v1  }
0x5d9: {  	v4 =	vld [tilespmem:$0x1CDA3];
	[tilespmem:$0x1F300] =	vst v2;
	v2 =	vadd.f32 v39, v29  }
0x5da: {  	v3 =	vadd.f32 v16, v3;
	v16 =	vld [tilespmem:$0x1D0A9];
	v1 =	vadd.f32 v7, v1  }
0x5db: {  	v39 =	vld [tilespmem:$0x1D39F];
	v2 =	vadd.f32 v46, v2  }
0x5dc: {  	v46 =	vadd.f32 v25, v12;
	v12 =	vld [tilespmem:$0x1EDC0];
	v1 =	vadd.f32 v9, v1  }
0x5dd: {  	v29 =	vld [tilespmem:$0x1CFA7];
	v2 =	vadd.f32 v52, v2  }
0x5de: {  	v3 =	vadd.f32 v20, v3;
	v20 =	vld [tilespmem:$0x1EDF0];
	v1 =	vadd.f32 v11, v1  }
0x5df: {  	v25 =	vld [tilespmem:$0x1EE10];
	v2 =	vadd.f32 v60, v2  }
0x5e0: {  	v5 =	vadd.f32 v5, v6;
	v6 =	vld [tilespmem:$0x1D2DD];
	v1 =	vadd.f32 v18, v1  }
0x5e1: {  	v3 =	vadd.f32 v24, v3;
	v24 =	vld [tilespmem:$0x1D2AD];
	v2 =	vadd.f32 v12, v2  }
0x5e2: {  	v1 =	vadd.f32 v22, v1;
	v22 =	vld [tilespmem:$0x1EE00]  }
0x5e3: {  	v9 =	vld [tilespmem:$0x1CC30];
	v2 =	vadd.f32 v15, v2  }
0x5e4: {  	v3 =	vadd.f32 v32, v3;
	v32 =	vld [tilespmem:$0x1EE20];
	v1 =	vadd.f32 v27, v1  }
0x5e5: {  	v10 =	vadd.f32 v38, v46;
	v38 =	vld [tilespmem:$0x1CE24];
	v2 =	vadd.f32 v17, v2  }
0x5e6: {  	v3 =	vadd.f32 v37, v3;
	v37 =	vld [tilespmem:$0x1EE40];
	v1 =	vadd.f32 v35, v1  }
0x5e7: {  	v52 =	vld [tilespmem:$0x1D12A];
	v2 =	vadd.f32 v22, v2  }
0x5e8: {  	v1 =	vadd.f32 v41, v1;
	v41 =	vld [tilespmem:$0x1EE60]  }
0x5e9: {  	[tilespmem:$0x1F2C0] =	vst v63;
	v46 =	vld [tilespmem:$0x1EE80];
	v63 =	vadd.f32 v47, v10;
	v2 =	vadd.f32 v32, v2  }
0x5ea: {  	v1 =	vadd.f32 v49, v1;
	v49 =	vld [tilespmem:$0x1EE90]  }
0x5eb: {  	[tilespmem:$0x1F280] =	vst v16;
	v16 =	vld [tilespmem:$0x1D2BD];
	v7 =	vadd.f32 v56, v63;
	v2 =	vadd.f32 v37, v2  }
0x5ec: {  	v60 =	vld [tilespmem:$0x1EEC0];
	v3 =	vadd.f32 v44, v3  }
0x5ed: {  	v44 =	vld [tilespmem:$0x1EE70];
	v7 =	vadd.f32 v55, v7;
	v2 =	vadd.f32 v41, v2  }
0x5ee: {  	v4 =	vadd.f32 v4, v5;
	v5 =	vld [tilespmem:$0x1D3DF];
	v3 =	vadd.f32 v53, v3  }
0x5ef: {  	v53 =	vld [tilespmem:$0x1EEA0];
	v7 =	vadd.f32 v20, v7;
	v2 =	vadd.f32 v49, v2  }
0x5f0: {  	[tilespmem:$0x1F320] =	vst v39;
	v39 =	vld [tilespmem:$0x1EE50];
	v3 =	vadd.f32 v61, v3  }
0x5f1: {  	v7 =	vadd.f32 v25, v7;
	v22 =	vadd.f32 v60, v2;
	v2 =	vld [tilespmem:$0x1EED0]  }
0x5f2: {  	v11 =	vld [tilespmem:$0x1D3BF];
	v3 =	vadd.f32 v44, v3  }
0x5f3: {  	v47 =	vld [tilespmem:$0x1CF26];
	v7 =	vadd.f32 v33, v7  }
0x5f4: {  	v55 =	vld [tilespmem:$0x1EEB0];
	v3 =	vadd.f32 v53, v3  }
0x5f5: {  	v10 =	vld [tilespmem:$0x1CCB1];
	v7 =	vadd.f32 v39, v7  }
0x5f6: {  	v2 =	vadd.f32 v2, v3;
	v3 =	vld [tilespmem:$0x1EEE0]  }
0x5f7: {  	v18 =	vld [tilespmem:$0x1D1AB];
	v7 =	vadd.f32 v46, v7  }
0x5f8: {  	v56 =	vld [tilespmem:$0x1D028]  }
0x5f9: {  	v63 =	vld [tilespmem:$0x1D3AF];
	v7 =	vadd.f32 v55, v7  }
0x5fa: {  	[tilespmem:$0x1F2F0] =	vst v24;
	v24 =	vld [tilespmem:$0x1CEB5]  }
0x5fb: {  	v17 =	vadd.f32 v3, v7;
	v3 =	vld [tilespmem:$0x1EEF0]  }
0x5fc: {  	v15 =	vld [tilespmem:$0x1D1BB]  }
0x5fd: {  	v27 =	vld [tilespmem:$0x1D32E]  }
0x5fe: {  	v9 =	vadd.f32 v10, v9;
	v10 =	vld [tilespmem:$0x1D1DB];
	v1 =	vadd.f32 v57, v1  }
0x5ff: {  	v20 =	vld [tilespmem:$0x1D13A]  }
0x600: {  	v1 =	vadd.f32 v3, v1;
	v3 =	vld [tilespmem:$0x1EF00]  }
0x601: {  	v35 =	vld [tilespmem:$0x1CE34]  }
0x602: {  	v61 =	vadd.f32 v13, v14;
	v14 =	vld [tilespmem:$0x1D23C]  }
0x603: {  	v13 =	vld [tilespmem:$0x1D33E]  }
0x604: {  	v25 =	vld [tilespmem:$0x1CFB7]  }
0x605: {  	[tilespmem:$0x1F2D0] =	vst v21;
	v21 =	vadd.f32 v3, v2;
	v2 =	vld [tilespmem:$0x1EF10]  }
0x606: {  	v3 =	vld [tilespmem:$0x1EF20]  }
0x607: {  	v44 =	vld [tilespmem:$0x1EFB0]  }
0x608: {  	[tilespmem:$0x1F310] =	vst v27;
	v27 =	vld [tilespmem:$0x1CD32]  }
0x609: {  	v33 =	vld [tilespmem:$0x1CDB3]  }
0x60a: {  	v32 =	vld [tilespmem:$0x1D038]  }
0x60b: {  	v2 =	vadd.f32 v3, v2;
	v3 =	vld [tilespmem:$0x1EF30]  }
0x60c: {  	v53 =	vld [tilespmem:$0x1F020]  }
0x60d: {  	v39 =	vld [tilespmem:$0x1D0B9]  }
0x60e: {  	v37 =	vld [tilespmem:$0x1EF80]  }
0x60f: {  	v57 =	vld [tilespmem:$0x1F050]  }
0x610: {  	[tilespmem:$0x1F2B0] =	vst v18;
	v18 =	vadd.f32 v3, v1;
	v3 =	vld [tilespmem:$0x1EF40]  }
0x611: {  	v41 =	vld [tilespmem:$0x1CF36]  }
0x612: {  	v46 =	vld [tilespmem:$0x1EFD0]  }
0x613: {  	v49 =	vld [tilespmem:$0x1EFF0]  }
0x614: {  	v55 =	vld [tilespmem:$0x1F040];
	v7 =	vadd.f32 v19, v61  }
0x615: {  	v2 =	vadd.f32 v3, v2;
	v3 =	vadd.f32 v26, v28;
	v26 =	vld [tilespmem:$0x1EF50]  }
0x616: {  	v60 =	vld [tilespmem:$0x1F080]  }
0x617: {  	v7 =	vadd.f32 v23, v7;
	v28 =	vld [tilespmem:$0x1EF60]  }
0x618: {  	v19 =	vld [tilespmem:$0x1CC40];
	v1 =	vadd.f32 v43, v45  }
0x619: {  	v7 =	vadd.f32 v31, v7;
	v3 =	vadd.f32 v34, v3;
	v34 =	vld [tilespmem:$0x1EF70]  }
0x61a: {  	v43 =	vld [tilespmem:$0x1EFA0];
	v1 =	vadd.f32 v50, v1;
	v2 =	vadd.f32 v26, v2  }
0x61b: {  	v7 =	vadd.f32 v36, v7;
	v3 =	vadd.f32 v40, v3;
	v40 =	vld [tilespmem:$0x1EF90]  }
0x61c: {  	v61 =	vld [tilespmem:$0x1F090];
	v1 =	vadd.f32 v59, v1;
	v2 =	vadd.f32 v28, v2  }
0x61d: {  	v7 =	vadd.f32 v42, v7;
	v45 =	vld [tilespmem:$0x1EFC0];
	v3 =	vadd.f32 v48, v3  }
0x61e: {  	v23 =	vld [tilespmem:$0x1CCC1];
	v1 =	vadd.f32 v34, v1;
	v2 =	vadd.f32 v37, v2  }
0x61f: {  	v7 =	vadd.f32 v51, v7;
	v48 =	vld [tilespmem:$0x1EFE0];
	v3 =	vadd.f32 v54, v3  }
0x620: {  	v51 =	vld [tilespmem:$0x1F010];
	v1 =	vadd.f32 v40, v1;
	v2 =	vadd.f32 v43, v2  }
0x621: {  	v50 =	vld [tilespmem:$0x1F000];
	v3 =	vadd.f32 v62, v3  }
0x622: {  	v31 =	vld [tilespmem:$0x1CE44];
	v1 =	vadd.f32 v44, v1;
	v2 =	vadd.f32 v45, v2  }
0x623: {  	v36 =	vld [tilespmem:$0x1CF46];
	v3 =	vadd.f32 v49, v3  }
0x624: {  	v42 =	vld [tilespmem:$0x1D0C9];
	v1 =	vadd.f32 v46, v1;
	v2 =	vadd.f32 v48, v2  }
0x625: {  	v54 =	vld [tilespmem:$0x1F030];
	v3 =	vadd.f32 v53, v3  }
0x626: {  	v1 =	vadd.f32 v50, v1;
	v50 =	vld [tilespmem:$0x1F0D0];
	v2 =	vadd.f32 v51, v2  }
0x627: {  	v7 =	vadd.f32 v58, v7;
	v58 =	vld [tilespmem:$0x1F060];
	v3 =	vadd.f32 v57, v3  }
0x628: {  	v2 =	vadd.f32 v55, v2;
	v55 =	vld [tilespmem:$0x1F110]  }
0x629: {  	v62 =	vld [tilespmem:$0x1F0A0];
	v3 =	vadd.f32 v61, v3  }
0x62a: {  	v1 =	vadd.f32 v54, v1;
	v2 =	vadd.f32 v60, v2;
	v60 =	vld [tilespmem:$0x1F150]  }
0x62b: {  	v51 =	vld [tilespmem:$0x1F0E0];
	v3 =	vadd.f32 v50, v3  }
0x62c: {  	v59 =	vld [tilespmem:$0x1F070];
	v1 =	vadd.f32 v58, v1  }
0x62d: {  	v57 =	vld [tilespmem:$0x1F120];
	v3 =	vadd.f32 v55, v3  }
0x62e: {  	v48 =	vld [tilespmem:$0x1F0B0];
	v1 =	vadd.f32 v62, v1  }
0x62f: {  	v12 =	vadd.f32 v60, v3;
	v3 =	vld [tilespmem:$0x1F160]  }
0x630: {  	v53 =	vld [tilespmem:$0x1F0F0];
	v1 =	vadd.f32 v51, v1  }
0x631: {  	v7 =	vadd.f32 v59, v7;
	v59 =	vld [tilespmem:$0x1F140]  }
0x632: {  	v58 =	vld [tilespmem:$0x1F130];
	v1 =	vadd.f32 v57, v1  }
0x633: {  	v49 =	vld [tilespmem:$0x1F0C0];
	v7 =	vadd.f32 v48, v7  }
0x634: {  	v1 =	vadd.f32 v3, v1;
	v3 =	vld [tilespmem:$0x1F170]  }
0x635: {  	v54 =	vld [tilespmem:$0x1F100];
	v7 =	vadd.f32 v53, v7  }
0x636: {  	v26 =	vld [tilespmem:$0x1CD42]  }
0x637: {  	v28 =	vld [tilespmem:$0x1CDC3];
	v7 =	vadd.f32 v58, v7  }
0x638: {  	v34 =	vld [tilespmem:$0x1CEC5];
	v2 =	vadd.f32 v49, v2  }
0x639: {  	v7 =	vadd.f32 v3, v7;
	v3 =	vld [tilespmem:$0x1F180]  }
0x63a: {  	v37 =	vld [tilespmem:$0x1CFC7];
	v2 =	vadd.f32 v54, v2  }
0x63b: {  	v40 =	vld [tilespmem:$0x1D048]  }
0x63c: {  	v43 =	vld [tilespmem:$0x1D14A];
	v2 =	vadd.f32 v59, v2  }
0x63d: {  	v44 =	vld [tilespmem:$0x1D1CB]  }
0x63e: {  	v3 =	vadd.f32 v3, v2;
	v2 =	vld [tilespmem:$0x1F190]  }
0x63f: {  	v45 =	vld [tilespmem:$0x1D24C]  }
0x640: {  	v46 =	vld [tilespmem:$0x1D2CD]  }
0x641: {  	v61 =	vld [tilespmem:$0x1F1C0]  }
0x642: {  	v48 =	vld [tilespmem:$0x1D34E]  }
0x643: {  	v12 =	vadd.f32 v2, v12;
	v2 =	vld [tilespmem:$0x1F1A0]  }
0x644: {  	v50 =	vld [tilespmem:$0x1CC50]  }
0x645: {  	v62 =	vld [tilespmem:$0x1F1D0]  }
0x646: {  	v53 =	vld [tilespmem:$0x1CD52]  }
0x647: {  	v49 =	vld [tilespmem:$0x1D3CF]  }
0x648: {  	v2 =	vadd.f32 v2, v1;
	v1 =	vld [tilespmem:$0x1F1B0]  }
0x649: {  	v60 =	vld [tilespmem:$0x1F1E0]  }
0x64a: {  	v51 =	vld [tilespmem:$0x1CCD1]  }
0x64b: {  	v55 =	vld [tilespmem:$0x1CE54]  }
0x64c: {  	v58 =	vld [tilespmem:$0x1CF56]  }
0x64d: {  	v54 =	vld [tilespmem:$0x1CDD3];
	v1 =	vadd.f32 v1, v7  }
0x64e: {  	v7 =	vadd.f32 v61, v12;
	v12 =	vadd.f32 v60, v62;
	v60 =	vld [tilespmem:$0x1F1F0]  }
0x64f: {  	v61 =	vld [tilespmem:$0x1F200];
	v62 =	vadd.f32 v23, v19  }
0x650: {  	v57 =	vld [tilespmem:$0x1CED5]  }
0x651: {  	v23 =	vld [tilespmem:$0x1F210];
	v62 =	vadd.f32 v26, v62  }
0x652: {  	v59 =	vld [tilespmem:$0x1CFD7]  }
0x653: {  	v62 =	vadd.f32 v28, v62;
	v28 =	vld [tilespmem:$0x1CC60]  }
0x654: {  	v1 =	vadd.f32 v60, v1;
	v60 =	vld [tilespmem:$0x1D058];
	v61 =	vadd.f32 v61, v12  }
0x655: {  	v12 =	vld [tilespmem:$0x1D0D9]  }
0x656: {  	v19 =	vadd.f32 v23, v61;
	v61 =	vadd.f32 v27, v9;
	v9 =	vld [tilespmem:$0x1D25C]  }
0x657: {  	v27 =	vld [tilespmem:$0x1F220]  }
0x658: {  	v23 =	vadd.f32 v33, v61;
	v61 =	vadd.f32 v38, v4;
	v4 =	vld [tilespmem:$0x1D35E]  }
0x659: {  	v33 =	vld [tilespmem:$0x1F230]  }
0x65a: {  	v38 =	vld [tilespmem:$0x1F240]  }
0x65b: {  	v26 =	vadd.f32 v30, v61;
	v30 =	vld [tilespmem:$0x1CD62]  }
0x65c: {  	v61 =	vld [tilespmem:$0x1F250]  }
0x65d: {  	v23 =	vadd.f32 v35, v23;
	v35 =	vld [tilespmem:$0x1D0E9]  }
0x65e: {  	v19 =	vadd.f32 v27, v19;
	v27 =	vadd.f32 v31, v62;
	v31 =	vld [tilespmem:$0x1CDE3]  }
0x65f: {  	v62 =	vld [tilespmem:$0x1F260]  }
0x660: {  	v23 =	vadd.f32 v24, v23;
	v24 =	vld [tilespmem:$0x1CCE1]  }
0x661: {  	v26 =	vadd.f32 v47, v26;
	v47 =	vld [tilespmem:$0x1F2F0]  }
0x662: {  	v19 =	vadd.f32 v33, v19;
	v33 =	vld [tilespmem:$0x1CF66]  }
0x663: {  	v27 =	vadd.f32 v34, v27;
	v34 =	vld [tilespmem:$0x1D068]  }
0x664: {  	v26 =	vadd.f32 v29, v26;
	v29 =	vld [tilespmem:$0x1CE64]  }
0x665: {  	v23 =	vadd.f32 v41, v23;
	v41 =	vld [tilespmem:$0x1F2B0]  }
0x666: {  	v27 =	vadd.f32 v36, v27;
	v36 =	vld [tilespmem:$0x1F270]  }
0x667: {  	v19 =	vadd.f32 v38, v19;
	v38 =	vld [tilespmem:$0x1F290]  }
0x668: {  	v23 =	vadd.f32 v25, v23;
	v25 =	vld [tilespmem:$0x1CEE5]  }
0x669: {  	v26 =	vadd.f32 v56, v26;
	v56 =	vld [tilespmem:$0x1CCF1]  }
0x66a: {  	v27 =	vadd.f32 v37, v27;
	v37 =	vld [tilespmem:$0x1F280]  }
0x66b: {  	v19 =	vadd.f32 v61, v19;
	v61 =	vld [tilespmem:$0x1F310]  }
0x66c: {  	v23 =	vadd.f32 v32, v23;
	v32 =	vld [tilespmem:$0x1CFE7]  }
0x66d: {  	v27 =	vadd.f32 v40, v27;
	v40 =	vld [tilespmem:$0x1F2A0]  }
0x66e: {  	v19 =	vadd.f32 v62, v19;
	v62 =	vld [tilespmem:$0x1CC80]  }
0x66f: {  	v24 =	vadd.f32 v24, v28;
	v23 =	vadd.f32 v39, v23;
	v39 =	vld [tilespmem:$0x1CC70]  }
0x670: {  	v19 =	vadd.f32 v36, v19;
	v36 =	vld [tilespmem:$0x1D16A]  }
0x671: {  	v24 =	vadd.f32 v30, v24;
	v27 =	vadd.f32 v42, v27;
	v42 =	vld [tilespmem:$0x1F2C0]  }
0x672: {  	v20 =	vadd.f32 v20, v23;
	v23 =	vld [tilespmem:$0x1D1EB]  }
0x673: {  	v24 =	vadd.f32 v31, v24;
	v26 =	vadd.f32 v37, v26;
	v37 =	vld [tilespmem:$0x1D26C]  }
0x674: {  	v19 =	vadd.f32 v38, v19;
	v27 =	vadd.f32 v43, v27;
	v43 =	vld [tilespmem:$0x1F2D0]  }
0x675: {  	v38 =	vld [tilespmem:$0x1D36E];
	v24 =	vadd.f32 v29, v24;
	v26 =	vadd.f32 v52, v26  }
0x676: {  	v15 =	vadd.f32 v15, v20;
	v20 =	vld [tilespmem:$0x1D2ED];
	v19 =	vadd.f32 v40, v19  }
0x677: {  	v27 =	vadd.f32 v44, v27;
	v44 =	vld [tilespmem:$0x1F2E0];
	v24 =	vadd.f32 v25, v24  }
0x678: {  	v52 =	vld [tilespmem:$0x1F300];
	v26 =	vadd.f32 v41, v26;
	v14 =	vadd.f32 v14, v15  }
0x679: {  	v40 =	vld [tilespmem:$0x1D078];
	v19 =	vadd.f32 v42, v19;
	v27 =	vadd.f32 v45, v27  }
0x67a: {  	v45 =	vld [tilespmem:$0x1CD01];
	v24 =	vadd.f32 v33, v24;
	v14 =	vadd.f32 v16, v14  }
0x67b: {  	v16 =	vadd.f32 v56, v39;
	v56 =	vld [tilespmem:$0x1CF05];
	v27 =	vadd.f32 v46, v27  }
0x67c: {  	v26 =	vadd.f32 v43, v26;
	v46 =	vld [tilespmem:$0x1CD72];
	v19 =	vadd.f32 v44, v19  }
0x67d: {  	v13 =	vadd.f32 v13, v14;
	v27 =	vadd.f32 v48, v27;
	v48 =	vld [tilespmem:$0x1CD82]  }
0x67e: {  	v26 =	vadd.f32 v47, v26;
	v47 =	vadd.f32 v51, v50;
	v50 =	vld [tilespmem:$0x1CDF3]  }
0x67f: {  	v51 =	vld [tilespmem:$0x1CE03];
	v19 =	vadd.f32 v52, v19;
	v11 =	vadd.f32 v11, v13  }
0x680: {  	v13 =	vadd.f32 v53, v47;
	v14 =	vadd.f32 v45, v62;
	v52 =	vld [tilespmem:$0x1CE74]  }
0x681: {  	v24 =	vadd.f32 v32, v24;
	v53 =	vld [tilespmem:$0x1CE84];
	v16 =	vadd.f32 v46, v16  }
0x682: {  	v13 =	vadd.f32 v54, v13;
	v54 =	vld [tilespmem:$0x1CEF5];
	v14 =	vadd.f32 v48, v14  }
0x683: {  	v44 =	vld [tilespmem:$0x1F320];
	v26 =	vadd.f32 v61, v26;
	v16 =	vadd.f32 v50, v16  }
0x684: {  	v61 =	vld [tilespmem:$0x1CF76];
	v13 =	vadd.f32 v55, v13;
	v14 =	vadd.f32 v51, v14  }
0x685: {  	v62 =	vld [tilespmem:$0x1CF86];
	v26 =	vadd.f32 v63, v26;
	v16 =	vadd.f32 v52, v16  }
0x686: {  	v63 =	vld [tilespmem:$0x1CFF7];
	v13 =	vadd.f32 v57, v13;
	v14 =	vadd.f32 v53, v14  }
0x687: {  	v39 =	vld [tilespmem:$0x1D007];
	v24 =	vadd.f32 v34, v24;
	v16 =	vadd.f32 v54, v16  }
0x688: {  	v15 =	vld [tilespmem:$0x1D3EF];
	v13 =	vadd.f32 v58, v13;
	v14 =	vadd.f32 v56, v14  }
0x689: {  	v41 =	vld [tilespmem:$0x1D088];
	v27 =	vadd.f32 v49, v27;
	v16 =	vadd.f32 v61, v16  }
0x68a: {  	v42 =	vld [tilespmem:$0x1D0F9];
	v13 =	vadd.f32 v59, v13;
	v14 =	vadd.f32 v62, v14  }
0x68b: {  	v43 =	vld [tilespmem:$0x1D109];
	v19 =	vadd.f32 v44, v19;
	v16 =	vadd.f32 v63, v16  }
0x68c: {  	v44 =	vld [tilespmem:$0x1D17A];
	v13 =	vadd.f32 v60, v13;
	v14 =	vadd.f32 v39, v14  }
0x68d: {  	v24 =	vadd.f32 v35, v24;
	v46 =	vld [tilespmem:$0x1D18A];
	v45 =	vadd.f32 v40, v16  }
0x68e: {  	v47 =	vld [tilespmem:$0x1D1FB];
	v12 =	vadd.f32 v12, v13;
	v14 =	vadd.f32 v41, v14  }
0x68f: {  	[tilespmem:$0x1DE80] =	vst v22;
	v49 =	vld [tilespmem:$0x1D20B];
	v50 =	vadd.f32 v36, v24;
	v48 =	vadd.f32 v42, v45  }
0x690: {  	[tilespmem:$0x1DE90] =	vst v17;
	v51 =	vld [tilespmem:$0x1D27C];
	v8 =	vadd.f32 v8, v12;
	v14 =	vadd.f32 v43, v14  }
0x691: {  	[tilespmem:$0x1DEA0] =	vst v21;
	v17 =	vadd.f32 v23, v50;
	v53 =	vld [tilespmem:$0x1D28C];
	v52 =	vadd.f32 v44, v48  }
0x692: {  	[tilespmem:$0x1DEB0] =	vst v18;
	v54 =	vld [tilespmem:$0x1D2FD];
	v8 =	vadd.f32 v10, v8;
	v14 =	vadd.f32 v46, v14  }
0x693: {  	[tilespmem:$0x1DED0] =	vst v2;
	v2 =	vadd.f32 v37, v17;
	v56 =	vld [tilespmem:$0x1D30D];
	v55 =	vadd.f32 v47, v52  }
0x694: {  	[tilespmem:$0x1DEC0] =	vst v3;
	v57 =	vld [tilespmem:$0x1D37E];
	v3 =	vadd.f32 v9, v8;
	v13 =	vadd.f32 v49, v14  }
0x695: {  	[tilespmem:$0x1DEF0] =	vst v1;
	v59 =	vld [tilespmem:$0x1D38E];
	v1 =	vadd.f32 v20, v2;
	v58 =	vadd.f32 v51, v55  }
0x696: {  	[tilespmem:$0x1DEE0] =	vst v7;
	v2 =	vld [tilespmem:$0x1D3FF];
	v3 =	vadd.f32 v6, v3;
	v60 =	vadd.f32 v53, v13  }
0x697: {  	[tilespmem:$0x1DF20] =	vst v11;
	v62 =	vld [tilespmem:$0x1D40F];
	v1 =	vadd.f32 v38, v1;
	v61 =	vadd.f32 v54, v58  }
0x698: {  	[tilespmem:$0x1DF30] =	vst v27;
	v3 =	vadd.f32 v4, v3;
	v8 =	vadd.f32 v56, v60  }
0x699: {  	[tilespmem:$0x1DF10] =	vst v26;
	v1 =	vadd.f32 v15, v1;
	v4 =	vadd.f32 v57, v61  }
0x69a: {  	[tilespmem:$0x1DF00] =	vst v19;
	v3 =	vadd.f32 v5, v3;
	v63 =	vadd.f32 v59, v8  }
0x69b: {  	[tilespmem:$0x1DF50] =	vst v1;
	v2 =	vadd.f32 v2, v4  }
0x69c: {  	s29 =	sadd.s32 $0x1, s29;
	[tilespmem:$0x1DF40] =	vst v3;
	v1 =	vadd.f32 v62, v63  }
0x69d: {  	p0 =	sne.s32 s29, s7;
	[tilespmem:$0x1DF60] =	vst v2  }
.Ltmp3:
0x69e: {  	[tilespmem:$0x1DF70] =	vst v1;
	(pc) =	sbr.rel @p0 .LBB2_1-.Ltmp3, $4  }
0x69f: {  	[hbm4b:s6+s4] =	stream.linear.scatter [tilespmem:s26], [sflag:$0x5], $0x300, $0x38;
	[tilespmem:$0x1E080] =	vst v63  }
0x6a0: {  	_ =	swait.ge [sflag:s28], $0x300  }
0x6a1: {  	[sflag:s28] =	ssyncset.done $0x0  }
0x6a2: {  	[sflag:s28] =	ssyncadd.s32 $0xFFFFFD00  }
0x6a3: {  	_ =	sfence.sel $0x180000  }
0x6a4: {  	[bflag:$0x0] =	sbarrier.arrive $0xFFFF  }
0x6a5: {  	_ =	strace $0x90000047  }
0x6a6: {  	s0 =	stileid.u32;
	[bflag:$0x2] =	sbarrier.arrive $0xFFFF  }
0x6a7: {  	p0 =	sne.s32 s0, $0x0;
	s0 =	rddreg [dreg:$0x3]  }
0x6a8: {  	s0 =	sadd.s32 @!p0 $0x100000, s0  }
0x6a9: {  	[sflag:s0] =	ssyncadd.tile.s32 @!p0 $0x1;
	_ =	shalt  }
.Lfunc_end2:
_tile_overlayer_lowered:
.L_overlay_start_2:
0x6aa: {  	(tag) =	ssettag $0x2  }
0x6ab: {  	s0 =	rddreg [dreg:$0x0];
	s2 =	stileid.u32  }
0x6ac: {  	s1 =	rddreg [dreg:$0x1];
	p0 =	sne.s32 s2, $0x0  }
0x6ad: {  	s3 =	rddreg [dreg:$0x2];
	[bflag:$0x3] =	sbarrier.arrive $0xFFFF;
	s2 =	simm.s32 @!p0 $0x1C05  }
0x6ae: {  	[timem:s3], [sflag:s2] =	dma.local @!p0 [hbm:s0], s1  }
0x6af: {  	s0 =	simm.s32 @!p0 $0x5  }
0x6b0: {  	_ =	swait.ge @!p0 [sflag:s0], s1  }
0x6b1: {  	s1 =	ssub.s32 @!p0 $0x0, s1;
	[sflag:s0] =	ssyncset.done @!p0 $0x0  }
0x6b2: {  	[sflag:s0] =	ssyncadd.s32 @!p0 s1  }
0x6b3: {  	[bflag:$0x3] =	sbarrier.arrive $0xFFFF  }
0x6b4: {  	_ =	shalt  }

</sc_bundles>
